<compile_context>
chip_gen: v7x
topology: tpu7x:2x2x1
jax: 0.10.2.dev20260603
libtpu: 0.0.44.dev20260713+nightly
codegen_flags: <defaults>
</compile_context>

<pallas_src>
import functools

import jax
import jax.numpy as jnp
from jax import lax
from jax.experimental import pallas as pl
from jax.experimental.pallas import tpu as pltpu
from jax.experimental.pallas import tpu_sc as plsc

N = 10000
E = 320000
H = 128
G = 64
EPS = 1e-5

NC, NS = 2, 16
NW = NC * NS
NP = 10240
K = 128
CH = 80
CH0, CH1 = 40, 120
RPT = NP // NS
EPW = NW * CH * K // NW
BLK = 2048
NB = NP // BLK

@functools.cache
def _mesh():
    return plsc.VectorSubcoreMesh(core_axis_name="c", subcore_axis_name="s",
                                  num_cores=NC, num_subcores=NS)



def _sc_deg_body(dst_hbm, degp_hbm, idx_v, cnt_v, red_v, wb_v, sh):
    c = lax.axis_index("c")
    s = lax.axis_index("s")
    wid = c * NS + s
    row0 = s * RPT
    ones = jnp.ones((16,), jnp.float32)
    zeros = jnp.zeros((16,), jnp.float32)

    def zstep(j, carry):
        cnt_v[pl.ds(j * 16, 16)] = zeros
        return carry

    lax.fori_loop(0, NP // 16, zstep, 0)
    pltpu.sync_copy(dst_hbm.at[pl.ds(wid * EPW, EPW)], idx_v)

    def astep(j, carry):
        idx16 = idx_v[pl.ds(j * 16, 16)]
        plsc.addupdate_scatter(cnt_v, [idx16], ones)
        return carry

    lax.fori_loop(0, EPW // 16, astep, 0)
    pltpu.sync_copy(cnt_v, sh.at[pl.ds(s * NP, NP)])
    plsc.subcore_barrier()
    for t in range(NS):
        pltpu.sync_copy(sh.at[pl.ds(t * NP + row0, RPT)], red_v.at[t])

    def rstep(j, carry):
        acc = red_v[0, pl.ds(j * 16, 16)]
        for t in range(1, NS):
            acc = acc + red_v[t, pl.ds(j * 16, 16)]
        wb_v[pl.ds(j * 16, 16)] = acc
        return carry

    lax.fori_loop(0, RPT // 16, rstep, 0)
    pltpu.sync_copy(wb_v, degp_hbm.at[pl.ds(c * NP + row0, RPT)])


def _DEG(dst1):
    return pl.kernel(
        _sc_deg_body,
        out_type=jax.ShapeDtypeStruct((NC * NP,), jnp.float32),
        mesh=_mesh(),
        compiler_params=pltpu.CompilerParams(needs_layout_passes=False),
        scratch_types=[
            pltpu.VMEM((EPW,), jnp.int32),
            pltpu.VMEM((NP,), jnp.float32),
            pltpu.VMEM((NS, RPT), jnp.float32),
            pltpu.VMEM((RPT,), jnp.float32),
            pltpu.VMEM_SHARED((NS * NP,), jnp.float32),
        ],
    )(dst1)


def _sc_agg_body(y_hbm, src_hbm, dst_hbm, zeros_hbm, accp_hbm, src0_v, src1_v,
                 dst0_v, dst1_v, rows0_v, rows1_v, acc_sh, sem0, sem1):
    c = lax.axis_index("c")
    s = lax.axis_index("s")
    wid = c * NS + s
    row0 = s * RPT
    pltpu.sync_copy(zeros_hbm, rows0_v)
    for k in range(RPT // K):
        pltpu.sync_copy(rows0_v, acc_sh.at[pl.ds(row0 + k * K, K)])
    plsc.subcore_barrier()

    srcs = (src0_v, src1_v)
    dsts = (dst0_v, dst1_v)
    rows = (rows0_v, rows1_v)
    sems = (sem0, sem1)

    mych = lax.select(c == 0, CH0, CH1)
    chunk0 = lax.select(c == 0, s * CH0, NS * CH0 + s * CH1)

    def prep(j, b):
        base = (chunk0 + j) * K
        pltpu.sync_copy(src_hbm.at[pl.ds(base, K)], srcs[b])
        pltpu.sync_copy(dst_hbm.at[pl.ds(base, K)], dsts[b])
        pltpu.async_copy(y_hbm.at[srcs[b]], rows[b], sems[b])

    def drain(b):
        pltpu.make_async_copy(y_hbm.at[srcs[b]], rows[b], sems[b]).wait()
        pltpu.sync_copy(rows[b], acc_sh.at[dsts[b]], add=True)

    prep(0, 0)

    def step(g, carry):
        prep(2 * g + 1, 1)
        drain(0)

        @pl.when(g < mych // 2 - 1)
        def _():
            prep(2 * g + 2, 0)

        drain(1)
        return carry

    lax.fori_loop(0, mych // 2, step, 0)
    plsc.subcore_barrier()
    for k in range(RPT // K):
        pltpu.sync_copy(acc_sh.at[pl.ds(row0 + k * K, K)], rows0_v)
        pltpu.sync_copy(rows0_v, accp_hbm.at[pl.ds(c * NP + row0 + k * K, K)])


def _AGG(y, src1, dst1, zrows):
    return pl.kernel(
        _sc_agg_body,
        out_type=jax.ShapeDtypeStruct((NC * NP, H), jnp.float32),
        mesh=_mesh(),
        scratch_types=[
            pltpu.VMEM((K,), jnp.int32),
            pltpu.VMEM((K,), jnp.int32),
            pltpu.VMEM((K,), jnp.int32),
            pltpu.VMEM((K,), jnp.int32),
            pltpu.VMEM((K, H), jnp.float32),
            pltpu.VMEM((K, H), jnp.float32),
            pltpu.VMEM_SHARED((NP, H), jnp.float32),
            pltpu.SemaphoreType.DMA,
            pltpu.SemaphoreType.DMA,
        ],
    )(y, src1, dst1, zrows)



def _row_mask(i):
    rows = i * BLK + lax.broadcasted_iota(jnp.int32, (BLK, 1), 0)
    return (rows < N).astype(jnp.float32)


def _tc_in_body(x_ref, degp_ref, wi_ref, bi_ref, w1_ref, y_ref, dinv_ref):
    i = pl.program_id(0)
    deg = degp_ref[0] + degp_ref[1] + 1.0
    dinv = lax.rsqrt(deg)
    h0 = jnp.dot(x_ref[...], wi_ref[...],
                 preferred_element_type=jnp.float32) + bi_ref[...]
    xw = jnp.dot(h0, w1_ref[...], preferred_element_type=jnp.float32)
    y_ref[...] = xw * dinv * _row_mask(i)
    dinv_ref[...] = dinv


def _tc_in(xp, degp, w_in, b_in, w1):
    return pl.pallas_call(
        _tc_in_body,
        grid=(NB,),
        in_specs=[
            pl.BlockSpec((BLK, 3), lambda i: (i, 0)),
            pl.BlockSpec((NC, BLK, 1), lambda i: (0, i, 0)),
            pl.BlockSpec((3, H), lambda i: (0, 0)),
            pl.BlockSpec((1, H), lambda i: (0, 0)),
            pl.BlockSpec((H, H), lambda i: (0, 0)),
        ],
        out_specs=[
            pl.BlockSpec((BLK, H), lambda i: (i, 0)),
            pl.BlockSpec((BLK, 1), lambda i: (i, 0)),
        ],
        out_shape=[
            jax.ShapeDtypeStruct((NP, H), jnp.float32),
            jax.ShapeDtypeStruct((NP, 1), jnp.float32),
        ],
    )(xp, degp, w_in, b_in, w1)


def _tc_post_body(accp_ref, y_ref, dinv_ref, b_ref, out_ref, st_ref):
    i = pl.program_id(0)
    acc = accp_ref[0] + accp_ref[1] + y_ref[...]
    out = (acc * dinv_ref[...] + b_ref[...]) * _row_mask(i)
    out_ref[...] = out
    st = jnp.concatenate(
        [jnp.sum(out, 0, keepdims=True), jnp.sum(out * out, 0, keepdims=True)],
        axis=0)

    @pl.when(i == 0)
    def _():
        st_ref[...] = st

    @pl.when(i > 0)
    def _():
        st_ref[...] = st_ref[...] + st


def _tc_post(accp, y, dinv, b):
    return pl.pallas_call(
        _tc_post_body,
        grid=(NB,),
        in_specs=[
            pl.BlockSpec((NC, BLK, H), lambda i: (0, i, 0)),
            pl.BlockSpec((BLK, H), lambda i: (i, 0)),
            pl.BlockSpec((BLK, 1), lambda i: (i, 0)),
            pl.BlockSpec((1, H), lambda i: (0, 0)),
        ],
        out_specs=[
            pl.BlockSpec((BLK, H), lambda i: (i, 0)),
            pl.BlockSpec((2, H), lambda i: (0, 0)),
        ],
        out_shape=[
            jax.ShapeDtypeStruct((NP, H), jnp.float32),
            jax.ShapeDtypeStruct((2, H), jnp.float32),
        ],
    )(accp, y, dinv, b)


def _tc_mid_body(h_ref, st_ref, g_ref, be_ref, w_ref, dinv_ref, y_ref):
    i = pl.program_id(0)
    mu = st_ref[0:1] / N
    var = st_ref[1:2] / N - mu * mu
    sc = g_ref[...] * lax.rsqrt(var + EPS)
    sh = be_ref[...] - mu * sc
    h = jnp.maximum(h_ref[...] * sc + sh, 0.0)
    y = jnp.dot(h, w_ref[...], preferred_element_type=jnp.float32)
    y_ref[...] = y * dinv_ref[...] * _row_mask(i)


def _tc_mid(out1, st, g, be, w2, dinv):
    return pl.pallas_call(
        _tc_mid_body,
        grid=(NB,),
        in_specs=[
            pl.BlockSpec((BLK, H), lambda i: (i, 0)),
            pl.BlockSpec((2, H), lambda i: (0, 0)),
            pl.BlockSpec((1, H), lambda i: (0, 0)),
            pl.BlockSpec((1, H), lambda i: (0, 0)),
            pl.BlockSpec((H, H), lambda i: (0, 0)),
            pl.BlockSpec((BLK, 1), lambda i: (i, 0)),
        ],
        out_specs=pl.BlockSpec((BLK, H), lambda i: (i, 0)),
        out_shape=jax.ShapeDtypeStruct((NP, H), jnp.float32),
    )(out1, st, g, be, w2, dinv)


def _bn_rows(t, gamma, beta):
    mu = jnp.mean(t, 0, keepdims=True)
    var = jnp.mean(t * t, 0, keepdims=True) - mu * mu
    return (t - mu) * lax.rsqrt(var + EPS) * gamma + beta


def _tc_head_body(h_ref, st_ref, g_ref, be_ref, brow_ref, bcol_ref,
                  wl1_ref, bl1_ref, gf1_ref, bef1_ref,
                  wl2_ref, bl2_ref, gf2_ref, bef2_ref,
                  wl3_ref, bl3_ref, o_ref, sum_s, max_s, cnt_s):
    i = pl.program_id(0)
    mu = st_ref[0:1] / N
    var = st_ref[1:2] / N - mu * mu
    sc = g_ref[...] * lax.rsqrt(var + EPS)
    sh = be_ref[...] - mu * sc
    h = jnp.maximum(h_ref[...] * sc + sh, 0.0)

    gid = lax.broadcasted_iota(jnp.int32, (G, 1), 0)
    oht = (brow_ref[...] == gid).astype(jnp.float32)
    psum = jnp.dot(oht, h, preferred_element_type=jnp.float32)
    pcnt = jnp.sum(oht, axis=1, keepdims=True)
    bcol = bcol_ref[...]
    parts = [
        jnp.max(jnp.where(bcol == g, h, -1e30), axis=0, keepdims=True)
        for g in range(G)
    ]
    pmax = jnp.concatenate(parts, axis=0)

    @pl.when(i == 0)
    def _():
        sum_s[...] = psum
        cnt_s[...] = pcnt
        max_s[...] = pmax

    @pl.when(i > 0)
    def _():
        sum_s[...] = sum_s[...] + psum
        cnt_s[...] = cnt_s[...] + pcnt
        max_s[...] = jnp.maximum(max_s[...], pmax)

    @pl.when(i == NB - 1)
    def _():
        cnt = cnt_s[...]
        mean = sum_s[...] / jnp.maximum(cnt, 1.0)
        mx = jnp.where(cnt > 0, max_s[...], 0.0)
        hg = jnp.concatenate([mean, mx], axis=1)
        t = jnp.dot(hg, wl1_ref[...],
                    preferred_element_type=jnp.float32) + bl1_ref[...]
        t = jnp.maximum(_bn_rows(t, gf1_ref[...], bef1_ref[...]), 0.0)
        t = jnp.dot(t, wl2_ref[...],
                    preferred_element_type=jnp.float32) + bl2_ref[...]
        t = jnp.maximum(_bn_rows(t, gf2_ref[...], bef2_ref[...]), 0.0)
        o_ref[...] = jnp.dot(t, wl3_ref[...],
                             preferred_element_type=jnp.float32) + bl3_ref[...]


def _tc_head(out2, st, g, be, brow, bcol, wl1, bl1, gf1, bef1, wl2, bl2, gf2,
             bef2, wl3, bl3):
    full = lambda shape: pl.BlockSpec(shape, lambda i: tuple(0 for _ in shape))
    return pl.pallas_call(
        _tc_head_body,
        grid=(NB,),
        in_specs=[
            pl.BlockSpec((BLK, H), lambda i: (i, 0)),
            full((2, H)),
            full((1, H)),
            full((1, H)),
            pl.BlockSpec((1, BLK), lambda i: (0, i)),
            pl.BlockSpec((BLK, 1), lambda i: (i, 0)),
            full((2 * H, H)),
            full((1, H)),
            full((1, H)),
            full((1, H)),
            full((H, G)),
            full((1, G)),
            full((1, G)),
            full((1, G)),
            full((G, 2)),
            full((1, 2)),
        ],
        out_specs=full((G, 2)),
        out_shape=jax.ShapeDtypeStruct((G, 2), jnp.float32),
        scratch_shapes=[
            pltpu.VMEM((G, H), jnp.float32),
            pltpu.VMEM((G, H), jnp.float32),
            pltpu.VMEM((G, 1), jnp.float32),
        ],
    )(out2, st, g, be, brow, bcol, wl1, bl1, gf1, bef1, wl2, bl2, gf2, bef2,
      wl3, bl3)



def kernel(x, edge_index, batch, W_in, b_in, W1, b1, W2, b2, g1, be1, g2, be2,
           Wl1, bl1, gf1, bef1, Wl2, bl2, gf2, bef2, Wl3, bl3):
    f32 = jnp.float32
    pad_e = NW * CH * K - E
    src1 = jnp.concatenate([edge_index[0], jnp.full((pad_e,), N, jnp.int32)])
    dst1 = jnp.concatenate([edge_index[1], jnp.full((pad_e,), N, jnp.int32)])
    xp = jnp.zeros((NP, 3), f32).at[:N].set(x)
    batchp = jnp.concatenate([batch, jnp.full((NP - N,), G, jnp.int32)])
    brow = batchp.reshape(1, NP)
    bcol = batchp.reshape(NP, 1)
    zrows = jnp.zeros((K, H), f32)
    r = lambda v: v.reshape(1, -1)

    degp = _DEG(dst1).reshape(NC, NP, 1)
    y1, dinv = _tc_in(xp, degp, W_in, r(b_in), W1)
    acc1 = _AGG(y1, src1, dst1, zrows).reshape(NC, NP, H)
    out1, st1 = _tc_post(acc1, y1, dinv, r(b1))
    y2 = _tc_mid(out1, st1, r(g1), r(be1), W2, dinv)
    acc2 = _AGG(y2, src1, dst1, zrows).reshape(NC, NP, H)
    out2, st2 = _tc_post(acc2, y2, dinv, r(b2))
    return _tc_head(out2, st2, r(g2), r(be2), brow, bcol, Wl1, r(bl1), r(gf1),
                    r(bef1), Wl2, r(bl2), r(gf2), r(bef2), Wl3, r(bl3))

# --- scband reference (transcript-rebuilt; emitter-appended) ---
"""Pipeline reference for scband-attention-syntax-gcn-31868657336590 (READ-ONLY COPY).

The authoritative reference and input builder live on the scoring server;
editing this copy changes nothing except your own understanding.
"""

import jax, jax.numpy as jnp
import numpy as np

N = 10000
E = 320000
H = 128
G = 64
EPS = 1e-5

def gcn_conv(x, src, dst, W, b, n):
    xw = x @ W
    loop = jnp.arange(n, dtype=src.dtype)
    s = jnp.concatenate([src, loop])
    d = jnp.concatenate([dst, loop])
    deg = jnp.zeros((n,), dtype=x.dtype).at[d].add(1.0)
    dinv = jax.lax.rsqrt(deg)
    norm = dinv[s] * dinv[d]
    msg = xw[s] * norm[:, None]
    out = jnp.zeros((n, xw.shape[1]), dtype=x.dtype).at[d].add(msg)
    return out + b

def batch_norm(x, gamma, beta):
    mu = jnp.mean(x, axis=0)
    var = jnp.var(x, axis=0)
    return (x - mu) * jax.lax.rsqrt(var + EPS) * gamma + beta

def setup_inputs(seed: int = 0):
    key = jax.random.key(seed)
    ks = jax.random.split(key, 16)
    inp = {}
    inp["x"] = jax.random.normal(ks[0], (N, 3), dtype=jnp.float32)
    inp["edge_index"] = jax.random.randint(ks[1], (2, E), 0, N, dtype=jnp.int32)
    inp["batch"] = jnp.sort(jax.random.randint(ks[2], (N,), 0, G, dtype=jnp.int32))
    def lin(k, fan_in, fan_out):
        lim = 1.0 / np.sqrt(fan_in)
        return jax.random.uniform(k, (fan_in, fan_out), jnp.float32, -lim, lim)
    inp["W_in"] = lin(ks[3], 3, H); inp["b_in"] = jnp.zeros((H,), jnp.float32)
    inp["W1"] = lin(ks[4], H, H); inp["b1"] = jnp.zeros((H,), jnp.float32)
    inp["W2"] = lin(ks[5], H, H); inp["b2"] = jnp.zeros((H,), jnp.float32)
    inp["g1"] = jnp.ones((H,), jnp.float32); inp["be1"] = jnp.zeros((H,), jnp.float32)
    inp["g2"] = jnp.ones((H,), jnp.float32); inp["be2"] = jnp.zeros((H,), jnp.float32)
    inp["Wl1"] = lin(ks[6], 2 * H, H); inp["bl1"] = jnp.zeros((H,), jnp.float32)
    inp["gf1"] = jnp.ones((H,), jnp.float32); inp["bef1"] = jnp.zeros((H,), jnp.float32)
    inp["Wl2"] = lin(ks[7], H, H // 2); inp["bl2"] = jnp.zeros((H // 2,), jnp.float32)
    inp["gf2"] = jnp.ones((H // 2,), jnp.float32); inp["bef2"] = jnp.zeros((H // 2,), jnp.float32)
    inp["Wl3"] = lin(ks[8], H // 2, 2); inp["bl3"] = jnp.zeros((2,), jnp.float32)
    return inp

def reference(x, edge_index, batch, W_in, b_in, W1, b1, W2, b2, g1, be1, g2, be2, Wl1, bl1, gf1, bef1, Wl2, bl2, gf2, bef2, Wl3, bl3):
    src, dst = edge_index[0], edge_index[1]
    h = x @ W_in + b_in
    h = gcn_conv(h, src, dst, W1, b1, N)
    h = jax.nn.relu(batch_norm(h, g1, be1))
    h = gcn_conv(h, src, dst, W2, b2, N)
    h = jax.nn.relu(batch_norm(h, g2, be2))
    ones = jnp.ones((N,), jnp.float32)
    cnt = jax.ops.segment_sum(ones, batch, num_segments=G)
    mean_pool = jax.ops.segment_sum(h, batch, num_segments=G) / jnp.maximum(cnt, 1.0)[:, None]
    max_pool = jax.ops.segment_max(h, batch, num_segments=G)
    max_pool = jnp.where(cnt[:, None] > 0, max_pool, 0.0)
    hg = jnp.concatenate([mean_pool, max_pool], axis=1)
    hg = jax.nn.relu(batch_norm(hg @ Wl1 + bl1, gf1, bef1))
    hg = jax.nn.relu(batch_norm(hg @ Wl2 + bl2, gf2, bef2))
    return hg @ Wl3 + bl3

if __name__ == "__main__":
    import jax
    _d = setup_inputs()
    print(jax.jit(kernel)(*tuple(_d.values())))

</pallas_src>

<mosaic_0001>
#map = affine_map<(d0, d1) -> (0)>
module attributes {stable_mosaic.version = 14 : i64} {
  func.func @_sc_deg_body(%arg0: i32, %arg1: i32, %arg2: memref<327680xi32, #tpu.memory_space<hbm>>, %arg3: memref<20480xf32, #tpu.memory_space<hbm>>, %arg4: memref<10240xi32, #tpu.memory_space<vmem>>, %arg5: memref<10240xf32, #tpu.memory_space<vmem>>, %arg6: memref<16x640xf32, #tpu.memory_space<vmem>>, %arg7: memref<640xf32, #tpu.memory_space<vmem>>, %arg8: memref<163840xf32, #tpu.memory_space<vmem_shared>>) attributes {dimension_semantics = [#tpu.dimension_semantics<core_parallel>, #tpu.dimension_semantics<subcore_parallel>], iteration_bounds = array<i64: 2, 16>, scalar_prefetch = 0 : i64, scratch_operands = 5 : i64, tpu.core_type = #tpu.core_type<sc_vector_subcore>, window_params = [{transform_indices = #map}, {transform_indices = #map}]} {
    %mul3A = arith.constant 16 : i32
    %mul3A_0 = arith.muli %arg0, %mul3A : i32
    %add3A = arith.addi %mul3A_0, %arg1 : i32
    %mul3A_1 = arith.constant 640 : i32
    %mul3A_2 = arith.muli %arg1, %mul3A_1 : i32
    %broadcast_in_dim3A = arith.constant 1.000000e+00 : f32
    %broadcast_in_dim3A_3 = vector.broadcast %broadcast_in_dim3A : f32 to vector<16xf32>
    %broadcast_in_dim3A_4 = arith.constant 0.000000e+00 : f32
    %broadcast_in_dim3A_5 = vector.broadcast %broadcast_in_dim3A_4 : f32 to vector<16xf32>
    %scan3A = arith.constant 0 : i32
    %scan3A_6 = arith.constant 0 : i32
    %scan3A_7 = arith.constant 640 : i32
    %scan3A_8 = arith.addi %scan3A_6, %scan3A_7 : i32
    %scan3A_9 = arith.constant 1 : i32
    scf.for %scan3A_77 = %scan3A_6 to %scan3A_8 step %scan3A_9  : i32 {
      %mul3A_78 = arith.constant 16 : i32
      %mul3A_79 = arith.muli %scan3A_77, %mul3A_78 : i32
      %swap3A = arith.index_cast %mul3A_79 : i32 to index
      %swap3A_80 = tpu.vector_load %arg5[%swap3A] {strides = array<i32>} : memref<10240xf32, #tpu.memory_space<vmem>>, vector<16xf32>,
      tpu.vector_store %arg5[%swap3A], %broadcast_in_dim3A_5 {strides = array<i32>} : memref<10240xf32, #tpu.memory_space<vmem>>, vector<16xf32>,
    }
    %scan3A_10 = arith.constant 640 : i32
    %mul3A_11 = arith.constant 10240 : i32
    %mul3A_12 = arith.muli %add3A, %mul3A_11 : i32
    "tpu.region"() ({
      %run_scoped3A_77 = tpu.sem_alloc : memref<!tpu.dma_semaphore, #tpu.memory_space<semaphore_mem>>
      %dma_start3A = tpu.memref_slice %arg2[%mul3A_12] : memref<327680xi32, #tpu.memory_space<hbm>> -> memref<10240xi32, #tpu.memory_space<hbm>>
      %dma_start3A_78 = tpu.memref_slice %arg2[%mul3A_12] : memref<327680xi32, #tpu.memory_space<hbm>> -> memref<10240xi32, #tpu.memory_space<hbm>>
      tpu.enqueue_dma source(%dma_start3A_78 : memref<10240xi32, #tpu.memory_space<hbm>>) target(%arg4 : memref<10240xi32, #tpu.memory_space<vmem>>) target_semaphore(%run_scoped3A_77 : memref<!tpu.dma_semaphore, #tpu.memory_space<semaphore_mem>>)
      %dma_wait3A = tpu.memref_slice %arg2[%mul3A_12] : memref<327680xi32, #tpu.memory_space<hbm>> -> memref<10240xi32, #tpu.memory_space<hbm>>
      %dma_wait3A_79 = tpu.memref_slice %arg2[%mul3A_12] : memref<327680xi32, #tpu.memory_space<hbm>> -> memref<10240xi32, #tpu.memory_space<hbm>>
      tpu.wait_dma2 semaphore(%run_scoped3A_77 : memref<!tpu.dma_semaphore, #tpu.memory_space<semaphore_mem>>) src(%dma_wait3A_79 : memref<10240xi32, #tpu.memory_space<hbm>>) dst(%arg4 : memref<10240xi32, #tpu.memory_space<vmem>>)
      tpu.yield
    }) : () -> ()
    %scan3A_13 = arith.constant 0 : i32
    %scan3A_14 = arith.constant 0 : i32
    %scan3A_15 = arith.constant 640 : i32
    %scan3A_16 = arith.addi %scan3A_14, %scan3A_15 : i32
    %scan3A_17 = arith.constant 1 : i32
    scf.for %scan3A_77 = %scan3A_14 to %scan3A_16 step %scan3A_17  : i32 {
      %mul3A_78 = arith.constant 16 : i32
      %mul3A_79 = arith.muli %scan3A_77, %mul3A_78 : i32
      %get3A = arith.index_cast %mul3A_79 : i32 to index
      %get3A_80 = tpu.vector_load %arg4[%get3A] {strides = array<i32>} : memref<10240xi32, #tpu.memory_space<vmem>>, vector<16xi32>,
      tpu.vector_store_idx %arg5[%get3A_80], %broadcast_in_dim3A_3 {add = true} : memref<10240xf32, #tpu.memory_space<vmem>>[vector<16xi32>], vector<16xf32>,
    }
    %scan3A_18 = arith.constant 640 : i32
    %mul3A_19 = arith.constant 10240 : i32
    %mul3A_20 = arith.muli %arg1, %mul3A_19 : i32
    "tpu.region"() ({
      %run_scoped3A_77 = tpu.sem_alloc : memref<!tpu.dma_semaphore, #tpu.memory_space<semaphore_mem>>
      %dma_start3A = tpu.memref_slice %arg8[%mul3A_20] : memref<163840xf32, #tpu.memory_space<vmem_shared>> -> memref<10240xf32, #tpu.memory_space<vmem_shared>>
      %dma_start3A_78 = tpu.memref_slice %arg8[%mul3A_20] : memref<163840xf32, #tpu.memory_space<vmem_shared>> -> memref<10240xf32, #tpu.memory_space<vmem_shared>>
      tpu.enqueue_dma source(%arg5 : memref<10240xf32, #tpu.memory_space<vmem>>) target(%dma_start3A_78 : memref<10240xf32, #tpu.memory_space<vmem_shared>>) target_semaphore(%run_scoped3A_77 : memref<!tpu.dma_semaphore, #tpu.memory_space<semaphore_mem>>)
      %dma_wait3A = tpu.memref_slice %arg8[%mul3A_20] : memref<163840xf32, #tpu.memory_space<vmem_shared>> -> memref<10240xf32, #tpu.memory_space<vmem_shared>>
      %dma_wait3A_79 = tpu.memref_slice %arg8[%mul3A_20] : memref<163840xf32, #tpu.memory_space<vmem_shared>> -> memref<10240xf32, #tpu.memory_space<vmem_shared>>
      tpu.wait_dma2 semaphore(%run_scoped3A_77 : memref<!tpu.dma_semaphore, #tpu.memory_space<semaphore_mem>>) src(%arg5 : memref<10240xf32, #tpu.memory_space<vmem>>) dst(%dma_wait3A_79 : memref<10240xf32, #tpu.memory_space<vmem_shared>>)
      tpu.yield
    }) : () -> ()
    %barrier3A = arith.constant 0 : index
    tpu.barrier barrier_id(%barrier3A)
    %add3A_21 = arith.constant 0 : i32
    %add3A_22 = arith.addi %add3A_21, %mul3A_2 : i32
    %run_scoped3A = arith.constant 0 : i32
    "tpu.region"() ({
      %run_scoped3A_77 = tpu.sem_alloc : memref<!tpu.dma_semaphore, #tpu.memory_space<semaphore_mem>>
      %dma_start3A = arith.constant 0 : i32
      %dma_start3A_78 = tpu.memref_slice %arg6[%run_scoped3A, %dma_start3A] : memref<16x640xf32, #tpu.memory_space<vmem>> -> memref<1x640xf32, #tpu.memory_space<vmem>>
      %dma_start3A_79 = tpu.memref_squeeze %dma_start3A_78 : memref<1x640xf32, #tpu.memory_space<vmem>> -> memref<640xf32, #tpu.memory_space<vmem>>
      %dma_start3A_80 = tpu.memref_slice %arg8[%add3A_22] : memref<163840xf32, #tpu.memory_space<vmem_shared>> -> memref<640xf32, #tpu.memory_space<vmem_shared>>
      %dma_start3A_81 = arith.constant 0 : i32
      %dma_start3A_82 = tpu.memref_slice %arg6[%run_scoped3A, %dma_start3A_81] : memref<16x640xf32, #tpu.memory_space<vmem>> -> memref<1x640xf32, #tpu.memory_space<vmem>>
      %dma_start3A_83 = tpu.memref_squeeze %dma_start3A_82 : memref<1x640xf32, #tpu.memory_space<vmem>> -> memref<640xf32, #tpu.memory_space<vmem>>
      %dma_start3A_84 = tpu.memref_slice %arg8[%add3A_22] : memref<163840xf32, #tpu.memory_space<vmem_shared>> -> memref<640xf32, #tpu.memory_space<vmem_shared>>
      tpu.enqueue_dma source(%dma_start3A_84 : memref<640xf32, #tpu.memory_space<vmem_shared>>) target(%dma_start3A_83 : memref<640xf32, #tpu.memory_space<vmem>>) target_semaphore(%run_scoped3A_77 : memref<!tpu.dma_semaphore, #tpu.memory_space<semaphore_mem>>)
      %dma_wait3A = arith.constant 0 : i32
      %dma_wait3A_85 = tpu.memref_slice %arg6[%run_scoped3A, %dma_wait3A] : memref<16x640xf32, #tpu.memory_space<vmem>> -> memref<1x640xf32, #tpu.memory_space<vmem>>
      %dma_wait3A_86 = tpu.memref_squeeze %dma_wait3A_85 : memref<1x640xf32, #tpu.memory_space<vmem>> -> memref<640xf32, #tpu.memory_space<vmem>>
      %dma_wait3A_87 = tpu.memref_slice %arg8[%add3A_22] : memref<163840xf32, #tpu.memory_space<vmem_shared>> -> memref<640xf32, #tpu.memory_space<vmem_shared>>
      %dma_wait3A_88 = arith.constant 0 : i32
      %dma_wait3A_89 = tpu.memref_slice %arg6[%run_scoped3A, %dma_wait3A_88] : memref<16x640xf32, #tpu.memory_space<vmem>> -> memref<1x640xf32, #tpu.memory_space<vmem>>
      %dma_wait3A_90 = tpu.memref_squeeze %dma_wait3A_89 : memref<1x640xf32, #tpu.memory_space<vmem>> -> memref<640xf32, #tpu.memory_space<vmem>>
      %dma_wait3A_91 = tpu.memref_slice %arg8[%add3A_22] : memref<163840xf32, #tpu.memory_space<vmem_shared>> -> memref<640xf32, #tpu.memory_space<vmem_shared>>
      tpu.wait_dma2 semaphore(%run_scoped3A_77 : memref<!tpu.dma_semaphore, #tpu.memory_space<semaphore_mem>>) src(%dma_wait3A_91 : memref<640xf32, #tpu.memory_space<vmem_shared>>) dst(%dma_wait3A_90 : memref<640xf32, #tpu.memory_space<vmem>>)
      tpu.yield
    }) : () -> ()
    %add3A_23 = arith.constant 10240 : i32
    %add3A_24 = arith.addi %add3A_23, %mul3A_2 : i32
    %run_scoped3A_25 = arith.constant 1 : i32
    "tpu.region"() ({
      %run_scoped3A_77 = tpu.sem_alloc : memref<!tpu.dma_semaphore, #tpu.memory_space<semaphore_mem>>
      %dma_start3A = arith.constant 0 : i32
      %dma_start3A_78 = tpu.memref_slice %arg6[%run_scoped3A_25, %dma_start3A] : memref<16x640xf32, #tpu.memory_space<vmem>> -> memref<1x640xf32, #tpu.memory_space<vmem>>
      %dma_start3A_79 = tpu.memref_squeeze %dma_start3A_78 : memref<1x640xf32, #tpu.memory_space<vmem>> -> memref<640xf32, #tpu.memory_space<vmem>>
      %dma_start3A_80 = tpu.memref_slice %arg8[%add3A_24] : memref<163840xf32, #tpu.memory_space<vmem_shared>> -> memref<640xf32, #tpu.memory_space<vmem_shared>>
      %dma_start3A_81 = arith.constant 0 : i32
      %dma_start3A_82 = tpu.memref_slice %arg6[%run_scoped3A_25, %dma_start3A_81] : memref<16x640xf32, #tpu.memory_space<vmem>> -> memref<1x640xf32, #tpu.memory_space<vmem>>
      %dma_start3A_83 = tpu.memref_squeeze %dma_start3A_82 : memref<1x640xf32, #tpu.memory_space<vmem>> -> memref<640xf32, #tpu.memory_space<vmem>>
      %dma_start3A_84 = tpu.memref_slice %arg8[%add3A_24] : memref<163840xf32, #tpu.memory_space<vmem_shared>> -> memref<640xf32, #tpu.memory_space<vmem_shared>>
      tpu.enqueue_dma source(%dma_start3A_84 : memref<640xf32, #tpu.memory_space<vmem_shared>>) target(%dma_start3A_83 : memref<640xf32, #tpu.memory_space<vmem>>) target_semaphore(%run_scoped3A_77 : memref<!tpu.dma_semaphore, #tpu.memory_space<semaphore_mem>>)
      %dma_wait3A = arith.constant 0 : i32
      %dma_wait3A_85 = tpu.memref_slice %arg6[%run_scoped3A_25, %dma_wait3A] : memref<16x640xf32, #tpu.memory_space<vmem>> -> memref<1x640xf32, #tpu.memory_space<vmem>>
      %dma_wait3A_86 = tpu.memref_squeeze %dma_wait3A_85 : memref<1x640xf32, #tpu.memory_space<vmem>> -> memref<640xf32, #tpu.memory_space<vmem>>
      %dma_wait3A_87 = tpu.memref_slice %arg8[%add3A_24] : memref<163840xf32, #tpu.memory_space<vmem_shared>> -> memref<640xf32, #tpu.memory_space<vmem_shared>>
      %dma_wait3A_88 = arith.constant 0 : i32
      %dma_wait3A_89 = tpu.memref_slice %arg6[%run_scoped3A_25, %dma_wait3A_88] : memref<16x640xf32, #tpu.memory_space<vmem>> -> memref<1x640xf32, #tpu.memory_space<vmem>>
      %dma_wait3A_90 = tpu.memref_squeeze %dma_wait3A_89 : memref<1x640xf32, #tpu.memory_space<vmem>> -> memref<640xf32, #tpu.memory_space<vmem>>
      %dma_wait3A_91 = tpu.memref_slice %arg8[%add3A_24] : memref<163840xf32, #tpu.memory_space<vmem_shared>> -> memref<640xf32, #tpu.memory_space<vmem_shared>>
      tpu.wait_dma2 semaphore(%run_scoped3A_77 : memref<!tpu.dma_semaphore, #tpu.memory_space<semaphore_mem>>) src(%dma_wait3A_91 : memref<640xf32, #tpu.memory_space<vmem_shared>>) dst(%dma_wait3A_90 : memref<640xf32, #tpu.memory_space<vmem>>)
      tpu.yield
    }) : () -> ()
    %add3A_26 = arith.constant 20480 : i32
    %add3A_27 = arith.addi %add3A_26, %mul3A_2 : i32
    %run_scoped3A_28 = arith.constant 2 : i32
    "tpu.region"() ({
      %run_scoped3A_77 = tpu.sem_alloc : memref<!tpu.dma_semaphore, #tpu.memory_space<semaphore_mem>>
      %dma_start3A = arith.constant 0 : i32
      %dma_start3A_78 = tpu.memref_slice %arg6[%run_scoped3A_28, %dma_start3A] : memref<16x640xf32, #tpu.memory_space<vmem>> -> memref<1x640xf32, #tpu.memory_space<vmem>>
      %dma_start3A_79 = tpu.memref_squeeze %dma_start3A_78 : memref<1x640xf32, #tpu.memory_space<vmem>> -> memref<640xf32, #tpu.memory_space<vmem>>
      %dma_start3A_80 = tpu.memref_slice %arg8[%add3A_27] : memref<163840xf32, #tpu.memory_space<vmem_shared>> -> memref<640xf32, #tpu.memory_space<vmem_shared>>
      %dma_start3A_81 = arith.constant 0 : i32
      %dma_start3A_82 = tpu.memref_slice %arg6[%run_scoped3A_28, %dma_start3A_81] : memref<16x640xf32, #tpu.memory_space<vmem>> -> memref<1x640xf32, #tpu.memory_space<vmem>>
      %dma_start3A_83 = tpu.memref_squeeze %dma_start3A_82 : memref<1x640xf32, #tpu.memory_space<vmem>> -> memref<640xf32, #tpu.memory_space<vmem>>
      %dma_start3A_84 = tpu.memref_slice %arg8[%add3A_27] : memref<163840xf32, #tpu.memory_space<vmem_shared>> -> memref<640xf32, #tpu.memory_space<vmem_shared>>
      tpu.enqueue_dma source(%dma_start3A_84 : memref<640xf32, #tpu.memory_space<vmem_shared>>) target(%dma_start3A_83 : memref<640xf32, #tpu.memory_space<vmem>>) target_semaphore(%run_scoped3A_77 : memref<!tpu.dma_semaphore, #tpu.memory_space<semaphore_mem>>)
      %dma_wait3A = arith.constant 0 : i32
      %dma_wait3A_85 = tpu.memref_slice %arg6[%run_scoped3A_28, %dma_wait3A] : memref<16x640xf32, #tpu.memory_space<vmem>> -> memref<1x640xf32, #tpu.memory_space<vmem>>
      %dma_wait3A_86 = tpu.memref_squeeze %dma_wait3A_85 : memref<1x640xf32, #tpu.memory_space<vmem>> -> memref<640xf32, #tpu.memory_space<vmem>>
      %dma_wait3A_87 = tpu.memref_slice %arg8[%add3A_27] : memref<163840xf32, #tpu.memory_space<vmem_shared>> -> memref<640xf32, #tpu.memory_space<vmem_shared>>
      %dma_wait3A_88 = arith.constant 0 : i32
      %dma_wait3A_89 = tpu.memref_slice %arg6[%run_scoped3A_28, %dma_wait3A_88] : memref<16x640xf32, #tpu.memory_space<vmem>> -> memref<1x640xf32, #tpu.memory_space<vmem>>
      %dma_wait3A_90 = tpu.memref_squeeze %dma_wait3A_89 : memref<1x640xf32, #tpu.memory_space<vmem>> -> memref<640xf32, #tpu.memory_space<vmem>>
      %dma_wait3A_91 = tpu.memref_slice %arg8[%add3A_27] : memref<163840xf32, #tpu.memory_space<vmem_shared>> -> memref<640xf32, #tpu.memory_space<vmem_shared>>
      tpu.wait_dma2 semaphore(%run_scoped3A_77 : memref<!tpu.dma_semaphore, #tpu.memory_space<semaphore_mem>>) src(%dma_wait3A_91 : memref<640xf32, #tpu.memory_space<vmem_shared>>) dst(%dma_wait3A_90 : memref<640xf32, #tpu.memory_space<vmem>>)
      tpu.yield
    }) : () -> ()
    %add3A_29 = arith.constant 30720 : i32
    %add3A_30 = arith.addi %add3A_29, %mul3A_2 : i32
    %run_scoped3A_31 = arith.constant 3 : i32
    "tpu.region"() ({
      %run_scoped3A_77 = tpu.sem_alloc : memref<!tpu.dma_semaphore, #tpu.memory_space<semaphore_mem>>
      %dma_start3A = arith.constant 0 : i32
      %dma_start3A_78 = tpu.memref_slice %arg6[%run_scoped3A_31, %dma_start3A] : memref<16x640xf32, #tpu.memory_space<vmem>> -> memref<1x640xf32, #tpu.memory_space<vmem>>
      %dma_start3A_79 = tpu.memref_squeeze %dma_start3A_78 : memref<1x640xf32, #tpu.memory_space<vmem>> -> memref<640xf32, #tpu.memory_space<vmem>>
      %dma_start3A_80 = tpu.memref_slice %arg8[%add3A_30] : memref<163840xf32, #tpu.memory_space<vmem_shared>> -> memref<640xf32, #tpu.memory_space<vmem_shared>>
      %dma_start3A_81 = arith.constant 0 : i32
      %dma_start3A_82 = tpu.memref_slice %arg6[%run_scoped3A_31, %dma_start3A_81] : memref<16x640xf32, #tpu.memory_space<vmem>> -> memref<1x640xf32, #tpu.memory_space<vmem>>
      %dma_start3A_83 = tpu.memref_squeeze %dma_start3A_82 : memref<1x640xf32, #tpu.memory_space<vmem>> -> memref<640xf32, #tpu.memory_space<vmem>>
      %dma_start3A_84 = tpu.memref_slice %arg8[%add3A_30] : memref<163840xf32, #tpu.memory_space<vmem_shared>> -> memref<640xf32, #tpu.memory_space<vmem_shared>>
      tpu.enqueue_dma source(%dma_start3A_84 : memref<640xf32, #tpu.memory_space<vmem_shared>>) target(%dma_start3A_83 : memref<640xf32, #tpu.memory_space<vmem>>) target_semaphore(%run_scoped3A_77 : memref<!tpu.dma_semaphore, #tpu.memory_space<semaphore_mem>>)
      %dma_wait3A = arith.constant 0 : i32
      %dma_wait3A_85 = tpu.memref_slice %arg6[%run_scoped3A_31, %dma_wait3A] : memref<16x640xf32, #tpu.memory_space<vmem>> -> memref<1x640xf32, #tpu.memory_space<vmem>>
      %dma_wait3A_86 = tpu.memref_squeeze %dma_wait3A_85 : memref<1x640xf32, #tpu.memory_space<vmem>> -> memref<640xf32, #tpu.memory_space<vmem>>
      %dma_wait3A_87 = tpu.memref_slice %arg8[%add3A_30] : memref<163840xf32, #tpu.memory_space<vmem_shared>> -> memref<640xf32, #tpu.memory_space<vmem_shared>>
      %dma_wait3A_88 = arith.constant 0 : i32
      %dma_wait3A_89 = tpu.memref_slice %arg6[%run_scoped3A_31, %dma_wait3A_88] : memref<16x640xf32, #tpu.memory_space<vmem>> -> memref<1x640xf32, #tpu.memory_space<vmem>>
      %dma_wait3A_90 = tpu.memref_squeeze %dma_wait3A_89 : memref<1x640xf32, #tpu.memory_space<vmem>> -> memref<640xf32, #tpu.memory_space<vmem>>
      %dma_wait3A_91 = tpu.memref_slice %arg8[%add3A_30] : memref<163840xf32, #tpu.memory_space<vmem_shared>> -> memref<640xf32, #tpu.memory_space<vmem_shared>>
      tpu.wait_dma2 semaphore(%run_scoped3A_77 : memref<!tpu.dma_semaphore, #tpu.memory_space<semaphore_mem>>) src(%dma_wait3A_91 : memref<640xf32, #tpu.memory_space<vmem_shared>>) dst(%dma_wait3A_90 : memref<640xf32, #tpu.memory_space<vmem>>)
      tpu.yield
    }) : () -> ()
    %add3A_32 = arith.constant 40960 : i32
    %add3A_33 = arith.addi %add3A_32, %mul3A_2 : i32
    %run_scoped3A_34 = arith.constant 4 : i32
    "tpu.region"() ({
      %run_scoped3A_77 = tpu.sem_alloc : memref<!tpu.dma_semaphore, #tpu.memory_space<semaphore_mem>>
      %dma_start3A = arith.constant 0 : i32
      %dma_start3A_78 = tpu.memref_slice %arg6[%run_scoped3A_34, %dma_start3A] : memref<16x640xf32, #tpu.memory_space<vmem>> -> memref<1x640xf32, #tpu.memory_space<vmem>>
      %dma_start3A_79 = tpu.memref_squeeze %dma_start3A_78 : memref<1x640xf32, #tpu.memory_space<vmem>> -> memref<640xf32, #tpu.memory_space<vmem>>
      %dma_start3A_80 = tpu.memref_slice %arg8[%add3A_33] : memref<163840xf32, #tpu.memory_space<vmem_shared>> -> memref<640xf32, #tpu.memory_space<vmem_shared>>
      %dma_start3A_81 = arith.constant 0 : i32
      %dma_start3A_82 = tpu.memref_slice %arg6[%run_scoped3A_34, %dma_start3A_81] : memref<16x640xf32, #tpu.memory_space<vmem>> -> memref<1x640xf32, #tpu.memory_space<vmem>>
      %dma_start3A_83 = tpu.memref_squeeze %dma_start3A_82 : memref<1x640xf32, #tpu.memory_space<vmem>> -> memref<640xf32, #tpu.memory_space<vmem>>
      %dma_start3A_84 = tpu.memref_slice %arg8[%add3A_33] : memref<163840xf32, #tpu.memory_space<vmem_shared>> -> memref<640xf32, #tpu.memory_space<vmem_shared>>
      tpu.enqueue_dma source(%dma_start3A_84 : memref<640xf32, #tpu.memory_space<vmem_shared>>) target(%dma_start3A_83 : memref<640xf32, #tpu.memory_space<vmem>>) target_semaphore(%run_scoped3A_77 : memref<!tpu.dma_semaphore, #tpu.memory_space<semaphore_mem>>)
      %dma_wait3A = arith.constant 0 : i32
      %dma_wait3A_85 = tpu.memref_slice %arg6[%run_scoped3A_34, %dma_wait3A] : memref<16x640xf32, #tpu.memory_space<vmem>> -> memref<1x640xf32, #tpu.memory_space<vmem>>
      %dma_wait3A_86 = tpu.memref_squeeze %dma_wait3A_85 : memref<1x640xf32, #tpu.memory_space<vmem>> -> memref<640xf32, #tpu.memory_space<vmem>>
      %dma_wait3A_87 = tpu.memref_slice %arg8[%add3A_33] : memref<163840xf32, #tpu.memory_space<vmem_shared>> -> memref<640xf32, #tpu.memory_space<vmem_shared>>
      %dma_wait3A_88 = arith.constant 0 : i32
      %dma_wait3A_89 = tpu.memref_slice %arg6[%run_scoped3A_34, %dma_wait3A_88] : memref<16x640xf32, #tpu.memory_space<vmem>> -> memref<1x640xf32, #tpu.memory_space<vmem>>
      %dma_wait3A_90 = tpu.memref_squeeze %dma_wait3A_89 : memref<1x640xf32, #tpu.memory_space<vmem>> -> memref<640xf32, #tpu.memory_space<vmem>>
      %dma_wait3A_91 = tpu.memref_slice %arg8[%add3A_33] : memref<163840xf32, #tpu.memory_space<vmem_shared>> -> memref<640xf32, #tpu.memory_space<vmem_shared>>
      tpu.wait_dma2 semaphore(%run_scoped3A_77 : memref<!tpu.dma_semaphore, #tpu.memory_space<semaphore_mem>>) src(%dma_wait3A_91 : memref<640xf32, #tpu.memory_space<vmem_shared>>) dst(%dma_wait3A_90 : memref<640xf32, #tpu.memory_space<vmem>>)
      tpu.yield
    }) : () -> ()
    %add3A_35 = arith.constant 51200 : i32
    %add3A_36 = arith.addi %add3A_35, %mul3A_2 : i32
    %run_scoped3A_37 = arith.constant 5 : i32
    "tpu.region"() ({
      %run_scoped3A_77 = tpu.sem_alloc : memref<!tpu.dma_semaphore, #tpu.memory_space<semaphore_mem>>
      %dma_start3A = arith.constant 0 : i32
      %dma_start3A_78 = tpu.memref_slice %arg6[%run_scoped3A_37, %dma_start3A] : memref<16x640xf32, #tpu.memory_space<vmem>> -> memref<1x640xf32, #tpu.memory_space<vmem>>
      %dma_start3A_79 = tpu.memref_squeeze %dma_start3A_78 : memref<1x640xf32, #tpu.memory_space<vmem>> -> memref<640xf32, #tpu.memory_space<vmem>>
      %dma_start3A_80 = tpu.memref_slice %arg8[%add3A_36] : memref<163840xf32, #tpu.memory_space<vmem_shared>> -> memref<640xf32, #tpu.memory_space<vmem_shared>>
      %dma_start3A_81 = arith.constant 0 : i32
      %dma_start3A_82 = tpu.memref_slice %arg6[%run_scoped3A_37, %dma_start3A_81] : memref<16x640xf32, #tpu.memory_space<vmem>> -> memref<1x640xf32, #tpu.memory_space<vmem>>
      %dma_start3A_83 = tpu.memref_squeeze %dma_start3A_82 : memref<1x640xf32, #tpu.memory_space<vmem>> -> memref<640xf32, #tpu.memory_space<vmem>>
      %dma_start3A_84 = tpu.memref_slice %arg8[%add3A_36] : memref<163840xf32, #tpu.memory_space<vmem_shared>> -> memref<640xf32, #tpu.memory_space<vmem_shared>>
      tpu.enqueue_dma source(%dma_start3A_84 : memref<640xf32, #tpu.memory_space<vmem_shared>>) target(%dma_start3A_83 : memref<640xf32, #tpu.memory_space<vmem>>) target_semaphore(%run_scoped3A_77 : memref<!tpu.dma_semaphore, #tpu.memory_space<semaphore_mem>>)
      %dma_wait3A = arith.constant 0 : i32
      %dma_wait3A_85 = tpu.memref_slice %arg6[%run_scoped3A_37, %dma_wait3A] : memref<16x640xf32, #tpu.memory_space<vmem>> -> memref<1x640xf32, #tpu.memory_space<vmem>>
      %dma_wait3A_86 = tpu.memref_squeeze %dma_wait3A_85 : memref<1x640xf32, #tpu.memory_space<vmem>> -> memref<640xf32, #tpu.memory_space<vmem>>
      %dma_wait3A_87 = tpu.memref_slice %arg8[%add3A_36] : memref<163840xf32, #tpu.memory_space<vmem_shared>> -> memref<640xf32, #tpu.memory_space<vmem_shared>>
      %dma_wait3A_88 = arith.constant 0 : i32
      %dma_wait3A_89 = tpu.memref_slice %arg6[%run_scoped3A_37, %dma_wait3A_88] : memref<16x640xf32, #tpu.memory_space<vmem>> -> memref<1x640xf32, #tpu.memory_space<vmem>>
      %dma_wait3A_90 = tpu.memref_squeeze %dma_wait3A_89 : memref<1x640xf32, #tpu.memory_space<vmem>> -> memref<640xf32, #tpu.memory_space<vmem>>
      %dma_wait3A_91 = tpu.memref_slice %arg8[%add3A_36] : memref<163840xf32, #tpu.memory_space<vmem_shared>> -> memref<640xf32, #tpu.memory_space<vmem_shared>>
      tpu.wait_dma2 semaphore(%run_scoped3A_77 : memref<!tpu.dma_semaphore, #tpu.memory_space<semaphore_mem>>) src(%dma_wait3A_91 : memref<640xf32, #tpu.memory_space<vmem_shared>>) dst(%dma_wait3A_90 : memref<640xf32, #tpu.memory_space<vmem>>)
      tpu.yield
    }) : () -> ()
    %add3A_38 = arith.constant 61440 : i32
    %add3A_39 = arith.addi %add3A_38, %mul3A_2 : i32
    %run_scoped3A_40 = arith.constant 6 : i32
    "tpu.region"() ({
      %run_scoped3A_77 = tpu.sem_alloc : memref<!tpu.dma_semaphore, #tpu.memory_space<semaphore_mem>>
      %dma_start3A = arith.constant 0 : i32
      %dma_start3A_78 = tpu.memref_slice %arg6[%run_scoped3A_40, %dma_start3A] : memref<16x640xf32, #tpu.memory_space<vmem>> -> memref<1x640xf32, #tpu.memory_space<vmem>>
      %dma_start3A_79 = tpu.memref_squeeze %dma_start3A_78 : memref<1x640xf32, #tpu.memory_space<vmem>> -> memref<640xf32, #tpu.memory_space<vmem>>
      %dma_start3A_80 = tpu.memref_slice %arg8[%add3A_39] : memref<163840xf32, #tpu.memory_space<vmem_shared>> -> memref<640xf32, #tpu.memory_space<vmem_shared>>
      %dma_start3A_81 = arith.constant 0 : i32
      %dma_start3A_82 = tpu.memref_slice %arg6[%run_scoped3A_40, %dma_start3A_81] : memref<16x640xf32, #tpu.memory_space<vmem>> -> memref<1x640xf32, #tpu.memory_space<vmem>>
      %dma_start3A_83 = tpu.memref_squeeze %dma_start3A_82 : memref<1x640xf32, #tpu.memory_space<vmem>> -> memref<640xf32, #tpu.memory_space<vmem>>
      %dma_start3A_84 = tpu.memref_slice %arg8[%add3A_39] : memref<163840xf32, #tpu.memory_space<vmem_shared>> -> memref<640xf32, #tpu.memory_space<vmem_shared>>
      tpu.enqueue_dma source(%dma_start3A_84 : memref<640xf32, #tpu.memory_space<vmem_shared>>) target(%dma_start3A_83 : memref<640xf32, #tpu.memory_space<vmem>>) target_semaphore(%run_scoped3A_77 : memref<!tpu.dma_semaphore, #tpu.memory_space<semaphore_mem>>)
      %dma_wait3A = arith.constant 0 : i32
      %dma_wait3A_85 = tpu.memref_slice %arg6[%run_scoped3A_40, %dma_wait3A] : memref<16x640xf32, #tpu.memory_space<vmem>> -> memref<1x640xf32, #tpu.memory_space<vmem>>
      %dma_wait3A_86 = tpu.memref_squeeze %dma_wait3A_85 : memref<1x640xf32, #tpu.memory_space<vmem>> -> memref<640xf32, #tpu.memory_space<vmem>>
      %dma_wait3A_87 = tpu.memref_slice %arg8[%add3A_39] : memref<163840xf32, #tpu.memory_space<vmem_shared>> -> memref<640xf32, #tpu.memory_space<vmem_shared>>
      %dma_wait3A_88 = arith.constant 0 : i32
      %dma_wait3A_89 = tpu.memref_slice %arg6[%run_scoped3A_40, %dma_wait3A_88] : memref<16x640xf32, #tpu.memory_space<vmem>> -> memref<1x640xf32, #tpu.memory_space<vmem>>
      %dma_wait3A_90 = tpu.memref_squeeze %dma_wait3A_89 : memref<1x640xf32, #tpu.memory_space<vmem>> -> memref<640xf32, #tpu.memory_space<vmem>>
      %dma_wait3A_91 = tpu.memref_slice %arg8[%add3A_39] : memref<163840xf32, #tpu.memory_space<vmem_shared>> -> memref<640xf32, #tpu.memory_space<vmem_shared>>
      tpu.wait_dma2 semaphore(%run_scoped3A_77 : memref<!tpu.dma_semaphore, #tpu.memory_space<semaphore_mem>>) src(%dma_wait3A_91 : memref<640xf32, #tpu.memory_space<vmem_shared>>) dst(%dma_wait3A_90 : memref<640xf32, #tpu.memory_space<vmem>>)
      tpu.yield
    }) : () -> ()
    %add3A_41 = arith.constant 71680 : i32
    %add3A_42 = arith.addi %add3A_41, %mul3A_2 : i32
    %run_scoped3A_43 = arith.constant 7 : i32
    "tpu.region"() ({
      %run_scoped3A_77 = tpu.sem_alloc : memref<!tpu.dma_semaphore, #tpu.memory_space<semaphore_mem>>
      %dma_start3A = arith.constant 0 : i32
      %dma_start3A_78 = tpu.memref_slice %arg6[%run_scoped3A_43, %dma_start3A] : memref<16x640xf32, #tpu.memory_space<vmem>> -> memref<1x640xf32, #tpu.memory_space<vmem>>
      %dma_start3A_79 = tpu.memref_squeeze %dma_start3A_78 : memref<1x640xf32, #tpu.memory_space<vmem>> -> memref<640xf32, #tpu.memory_space<vmem>>
      %dma_start3A_80 = tpu.memref_slice %arg8[%add3A_42] : memref<163840xf32, #tpu.memory_space<vmem_shared>> -> memref<640xf32, #tpu.memory_space<vmem_shared>>
      %dma_start3A_81 = arith.constant 0 : i32
      %dma_start3A_82 = tpu.memref_slice %arg6[%run_scoped3A_43, %dma_start3A_81] : memref<16x640xf32, #tpu.memory_space<vmem>> -> memref<1x640xf32, #tpu.memory_space<vmem>>
      %dma_start3A_83 = tpu.memref_squeeze %dma_start3A_82 : memref<1x640xf32, #tpu.memory_space<vmem>> -> memref<640xf32, #tpu.memory_space<vmem>>
      %dma_start3A_84 = tpu.memref_slice %arg8[%add3A_42] : memref<163840xf32, #tpu.memory_space<vmem_shared>> -> memref<640xf32, #tpu.memory_space<vmem_shared>>
      tpu.enqueue_dma source(%dma_start3A_84 : memref<640xf32, #tpu.memory_space<vmem_shared>>) target(%dma_start3A_83 : memref<640xf32, #tpu.memory_space<vmem>>) target_semaphore(%run_scoped3A_77 : memref<!tpu.dma_semaphore, #tpu.memory_space<semaphore_mem>>)
      %dma_wait3A = arith.constant 0 : i32
      %dma_wait3A_85 = tpu.memref_slice %arg6[%run_scoped3A_43, %dma_wait3A] : memref<16x640xf32, #tpu.memory_space<vmem>> -> memref<1x640xf32, #tpu.memory_space<vmem>>
      %dma_wait3A_86 = tpu.memref_squeeze %dma_wait3A_85 : memref<1x640xf32, #tpu.memory_space<vmem>> -> memref<640xf32, #tpu.memory_space<vmem>>
      %dma_wait3A_87 = tpu.memref_slice %arg8[%add3A_42] : memref<163840xf32, #tpu.memory_space<vmem_shared>> -> memref<640xf32, #tpu.memory_space<vmem_shared>>
      %dma_wait3A_88 = arith.constant 0 : i32
      %dma_wait3A_89 = tpu.memref_slice %arg6[%run_scoped3A_43, %dma_wait3A_88] : memref<16x640xf32, #tpu.memory_space<vmem>> -> memref<1x640xf32, #tpu.memory_space<vmem>>
      %dma_wait3A_90 = tpu.memref_squeeze %dma_wait3A_89 : memref<1x640xf32, #tpu.memory_space<vmem>> -> memref<640xf32, #tpu.memory_space<vmem>>
      %dma_wait3A_91 = tpu.memref_slice %arg8[%add3A_42] : memref<163840xf32, #tpu.memory_space<vmem_shared>> -> memref<640xf32, #tpu.memory_space<vmem_shared>>
      tpu.wait_dma2 semaphore(%run_scoped3A_77 : memref<!tpu.dma_semaphore, #tpu.memory_space<semaphore_mem>>) src(%dma_wait3A_91 : memref<640xf32, #tpu.memory_space<vmem_shared>>) dst(%dma_wait3A_90 : memref<640xf32, #tpu.memory_space<vmem>>)
      tpu.yield
    }) : () -> ()
    %add3A_44 = arith.constant 81920 : i32
    %add3A_45 = arith.addi %add3A_44, %mul3A_2 : i32
    %run_scoped3A_46 = arith.constant 8 : i32
    "tpu.region"() ({
      %run_scoped3A_77 = tpu.sem_alloc : memref<!tpu.dma_semaphore, #tpu.memory_space<semaphore_mem>>
      %dma_start3A = arith.constant 0 : i32
      %dma_start3A_78 = tpu.memref_slice %arg6[%run_scoped3A_46, %dma_start3A] : memref<16x640xf32, #tpu.memory_space<vmem>> -> memref<1x640xf32, #tpu.memory_space<vmem>>
      %dma_start3A_79 = tpu.memref_squeeze %dma_start3A_78 : memref<1x640xf32, #tpu.memory_space<vmem>> -> memref<640xf32, #tpu.memory_space<vmem>>
      %dma_start3A_80 = tpu.memref_slice %arg8[%add3A_45] : memref<163840xf32, #tpu.memory_space<vmem_shared>> -> memref<640xf32, #tpu.memory_space<vmem_shared>>
      %dma_start3A_81 = arith.constant 0 : i32
      %dma_start3A_82 = tpu.memref_slice %arg6[%run_scoped3A_46, %dma_start3A_81] : memref<16x640xf32, #tpu.memory_space<vmem>> -> memref<1x640xf32, #tpu.memory_space<vmem>>
      %dma_start3A_83 = tpu.memref_squeeze %dma_start3A_82 : memref<1x640xf32, #tpu.memory_space<vmem>> -> memref<640xf32, #tpu.memory_space<vmem>>
      %dma_start3A_84 = tpu.memref_slice %arg8[%add3A_45] : memref<163840xf32, #tpu.memory_space<vmem_shared>> -> memref<640xf32, #tpu.memory_space<vmem_shared>>
      tpu.enqueue_dma source(%dma_start3A_84 : memref<640xf32, #tpu.memory_space<vmem_shared>>) target(%dma_start3A_83 : memref<640xf32, #tpu.memory_space<vmem>>) target_semaphore(%run_scoped3A_77 : memref<!tpu.dma_semaphore, #tpu.memory_space<semaphore_mem>>)
      %dma_wait3A = arith.constant 0 : i32
      %dma_wait3A_85 = tpu.memref_slice %arg6[%run_scoped3A_46, %dma_wait3A] : memref<16x640xf32, #tpu.memory_space<vmem>> -> memref<1x640xf32, #tpu.memory_space<vmem>>
      %dma_wait3A_86 = tpu.memref_squeeze %dma_wait3A_85 : memref<1x640xf32, #tpu.memory_space<vmem>> -> memref<640xf32, #tpu.memory_space<vmem>>
      %dma_wait3A_87 = tpu.memref_slice %arg8[%add3A_45] : memref<163840xf32, #tpu.memory_space<vmem_shared>> -> memref<640xf32, #tpu.memory_space<vmem_shared>>
      %dma_wait3A_88 = arith.constant 0 : i32
      %dma_wait3A_89 = tpu.memref_slice %arg6[%run_scoped3A_46, %dma_wait3A_88] : memref<16x640xf32, #tpu.memory_space<vmem>> -> memref<1x640xf32, #tpu.memory_space<vmem>>
      %dma_wait3A_90 = tpu.memref_squeeze %dma_wait3A_89 : memref<1x640xf32, #tpu.memory_space<vmem>> -> memref<640xf32, #tpu.memory_space<vmem>>
      %dma_wait3A_91 = tpu.memref_slice %arg8[%add3A_45] : memref<163840xf32, #tpu.memory_space<vmem_shared>> -> memref<640xf32, #tpu.memory_space<vmem_shared>>
      tpu.wait_dma2 semaphore(%run_scoped3A_77 : memref<!tpu.dma_semaphore, #tpu.memory_space<semaphore_mem>>) src(%dma_wait3A_91 : memref<640xf32, #tpu.memory_space<vmem_shared>>) dst(%dma_wait3A_90 : memref<640xf32, #tpu.memory_space<vmem>>)
      tpu.yield
    }) : () -> ()
    %add3A_47 = arith.constant 92160 : i32
    %add3A_48 = arith.addi %add3A_47, %mul3A_2 : i32
    %run_scoped3A_49 = arith.constant 9 : i32
    "tpu.region"() ({
      %run_scoped3A_77 = tpu.sem_alloc : memref<!tpu.dma_semaphore, #tpu.memory_space<semaphore_mem>>
      %dma_start3A = arith.constant 0 : i32
      %dma_start3A_78 = tpu.memref_slice %arg6[%run_scoped3A_49, %dma_start3A] : memref<16x640xf32, #tpu.memory_space<vmem>> -> memref<1x640xf32, #tpu.memory_space<vmem>>
      %dma_start3A_79 = tpu.memref_squeeze %dma_start3A_78 : memref<1x640xf32, #tpu.memory_space<vmem>> -> memref<640xf32, #tpu.memory_space<vmem>>
      %dma_start3A_80 = tpu.memref_slice %arg8[%add3A_48] : memref<163840xf32, #tpu.memory_space<vmem_shared>> -> memref<640xf32, #tpu.memory_space<vmem_shared>>
      %dma_start3A_81 = arith.constant 0 : i32
      %dma_start3A_82 = tpu.memref_slice %arg6[%run_scoped3A_49, %dma_start3A_81] : memref<16x640xf32, #tpu.memory_space<vmem>> -> memref<1x640xf32, #tpu.memory_space<vmem>>
      %dma_start3A_83 = tpu.memref_squeeze %dma_start3A_82 : memref<1x640xf32, #tpu.memory_space<vmem>> -> memref<640xf32, #tpu.memory_space<vmem>>
      %dma_start3A_84 = tpu.memref_slice %arg8[%add3A_48] : memref<163840xf32, #tpu.memory_space<vmem_shared>> -> memref<640xf32, #tpu.memory_space<vmem_shared>>
      tpu.enqueue_dma source(%dma_start3A_84 : memref<640xf32, #tpu.memory_space<vmem_shared>>) target(%dma_start3A_83 : memref<640xf32, #tpu.memory_space<vmem>>) target_semaphore(%run_scoped3A_77 : memref<!tpu.dma_semaphore, #tpu.memory_space<semaphore_mem>>)
      %dma_wait3A = arith.constant 0 : i32
      %dma_wait3A_85 = tpu.memref_slice %arg6[%run_scoped3A_49, %dma_wait3A] : memref<16x640xf32, #tpu.memory_space<vmem>> -> memref<1x640xf32, #tpu.memory_space<vmem>>
      %dma_wait3A_86 = tpu.memref_squeeze %dma_wait3A_85 : memref<1x640xf32, #tpu.memory_space<vmem>> -> memref<640xf32, #tpu.memory_space<vmem>>
      %dma_wait3A_87 = tpu.memref_slice %arg8[%add3A_48] : memref<163840xf32, #tpu.memory_space<vmem_shared>> -> memref<640xf32, #tpu.memory_space<vmem_shared>>
      %dma_wait3A_88 = arith.constant 0 : i32
      %dma_wait3A_89 = tpu.memref_slice %arg6[%run_scoped3A_49, %dma_wait3A_88] : memref<16x640xf32, #tpu.memory_space<vmem>> -> memref<1x640xf32, #tpu.memory_space<vmem>>
      %dma_wait3A_90 = tpu.memref_squeeze %dma_wait3A_89 : memref<1x640xf32, #tpu.memory_space<vmem>> -> memref<640xf32, #tpu.memory_space<vmem>>
      %dma_wait3A_91 = tpu.memref_slice %arg8[%add3A_48] : memref<163840xf32, #tpu.memory_space<vmem_shared>> -> memref<640xf32, #tpu.memory_space<vmem_shared>>
      tpu.wait_dma2 semaphore(%run_scoped3A_77 : memref<!tpu.dma_semaphore, #tpu.memory_space<semaphore_mem>>) src(%dma_wait3A_91 : memref<640xf32, #tpu.memory_space<vmem_shared>>) dst(%dma_wait3A_90 : memref<640xf32, #tpu.memory_space<vmem>>)
      tpu.yield
    }) : () -> ()
    %add3A_50 = arith.constant 102400 : i32
    %add3A_51 = arith.addi %add3A_50, %mul3A_2 : i32
    %run_scoped3A_52 = arith.constant 10 : i32
    "tpu.region"() ({
      %run_scoped3A_77 = tpu.sem_alloc : memref<!tpu.dma_semaphore, #tpu.memory_space<semaphore_mem>>
      %dma_start3A = arith.constant 0 : i32
      %dma_start3A_78 = tpu.memref_slice %arg6[%run_scoped3A_52, %dma_start3A] : memref<16x640xf32, #tpu.memory_space<vmem>> -> memref<1x640xf32, #tpu.memory_space<vmem>>
      %dma_start3A_79 = tpu.memref_squeeze %dma_start3A_78 : memref<1x640xf32, #tpu.memory_space<vmem>> -> memref<640xf32, #tpu.memory_space<vmem>>
      %dma_start3A_80 = tpu.memref_slice %arg8[%add3A_51] : memref<163840xf32, #tpu.memory_space<vmem_shared>> -> memref<640xf32, #tpu.memory_space<vmem_shared>>
      %dma_start3A_81 = arith.constant 0 : i32
      %dma_start3A_82 = tpu.memref_slice %arg6[%run_scoped3A_52, %dma_start3A_81] : memref<16x640xf32, #tpu.memory_space<vmem>> -> memref<1x640xf32, #tpu.memory_space<vmem>>
      %dma_start3A_83 = tpu.memref_squeeze %dma_start3A_82 : memref<1x640xf32, #tpu.memory_space<vmem>> -> memref<640xf32, #tpu.memory_space<vmem>>
      %dma_start3A_84 = tpu.memref_slice %arg8[%add3A_51] : memref<163840xf32, #tpu.memory_space<vmem_shared>> -> memref<640xf32, #tpu.memory_space<vmem_shared>>
      tpu.enqueue_dma source(%dma_start3A_84 : memref<640xf32, #tpu.memory_space<vmem_shared>>) target(%dma_start3A_83 : memref<640xf32, #tpu.memory_space<vmem>>) target_semaphore(%run_scoped3A_77 : memref<!tpu.dma_semaphore, #tpu.memory_space<semaphore_mem>>)
      %dma_wait3A = arith.constant 0 : i32
      %dma_wait3A_85 = tpu.memref_slice %arg6[%run_scoped3A_52, %dma_wait3A] : memref<16x640xf32, #tpu.memory_space<vmem>> -> memref<1x640xf32, #tpu.memory_space<vmem>>
      %dma_wait3A_86 = tpu.memref_squeeze %dma_wait3A_85 : memref<1x640xf32, #tpu.memory_space<vmem>> -> memref<640xf32, #tpu.memory_space<vmem>>
      %dma_wait3A_87 = tpu.memref_slice %arg8[%add3A_51] : memref<163840xf32, #tpu.memory_space<vmem_shared>> -> memref<640xf32, #tpu.memory_space<vmem_shared>>
      %dma_wait3A_88 = arith.constant 0 : i32
      %dma_wait3A_89 = tpu.memref_slice %arg6[%run_scoped3A_52, %dma_wait3A_88] : memref<16x640xf32, #tpu.memory_space<vmem>> -> memref<1x640xf32, #tpu.memory_space<vmem>>
      %dma_wait3A_90 = tpu.memref_squeeze %dma_wait3A_89 : memref<1x640xf32, #tpu.memory_space<vmem>> -> memref<640xf32, #tpu.memory_space<vmem>>
      %dma_wait3A_91 = tpu.memref_slice %arg8[%add3A_51] : memref<163840xf32, #tpu.memory_space<vmem_shared>> -> memref<640xf32, #tpu.memory_space<vmem_shared>>
      tpu.wait_dma2 semaphore(%run_scoped3A_77 : memref<!tpu.dma_semaphore, #tpu.memory_space<semaphore_mem>>) src(%dma_wait3A_91 : memref<640xf32, #tpu.memory_space<vmem_shared>>) dst(%dma_wait3A_90 : memref<640xf32, #tpu.memory_space<vmem>>)
      tpu.yield
    }) : () -> ()
    %add3A_53 = arith.constant 112640 : i32
    %add3A_54 = arith.addi %add3A_53, %mul3A_2 : i32
    %run_scoped3A_55 = arith.constant 11 : i32
    "tpu.region"() ({
      %run_scoped3A_77 = tpu.sem_alloc : memref<!tpu.dma_semaphore, #tpu.memory_space<semaphore_mem>>
      %dma_start3A = arith.constant 0 : i32
      %dma_start3A_78 = tpu.memref_slice %arg6[%run_scoped3A_55, %dma_start3A] : memref<16x640xf32, #tpu.memory_space<vmem>> -> memref<1x640xf32, #tpu.memory_space<vmem>>
      %dma_start3A_79 = tpu.memref_squeeze %dma_start3A_78 : memref<1x640xf32, #tpu.memory_space<vmem>> -> memref<640xf32, #tpu.memory_space<vmem>>
      %dma_start3A_80 = tpu.memref_slice %arg8[%add3A_54] : memref<163840xf32, #tpu.memory_space<vmem_shared>> -> memref<640xf32, #tpu.memory_space<vmem_shared>>
      %dma_start3A_81 = arith.constant 0 : i32
      %dma_start3A_82 = tpu.memref_slice %arg6[%run_scoped3A_55, %dma_start3A_81] : memref<16x640xf32, #tpu.memory_space<vmem>> -> memref<1x640xf32, #tpu.memory_space<vmem>>
      %dma_start3A_83 = tpu.memref_squeeze %dma_start3A_82 : memref<1x640xf32, #tpu.memory_space<vmem>> -> memref<640xf32, #tpu.memory_space<vmem>>
      %dma_start3A_84 = tpu.memref_slice %arg8[%add3A_54] : memref<163840xf32, #tpu.memory_space<vmem_shared>> -> memref<640xf32, #tpu.memory_space<vmem_shared>>
      tpu.enqueue_dma source(%dma_start3A_84 : memref<640xf32, #tpu.memory_space<vmem_shared>>) target(%dma_start3A_83 : memref<640xf32, #tpu.memory_space<vmem>>) target_semaphore(%run_scoped3A_77 : memref<!tpu.dma_semaphore, #tpu.memory_space<semaphore_mem>>)
      %dma_wait3A = arith.constant 0 : i32
      %dma_wait3A_85 = tpu.memref_slice %arg6[%run_scoped3A_55, %dma_wait3A] : memref<16x640xf32, #tpu.memory_space<vmem>> -> memref<1x640xf32, #tpu.memory_space<vmem>>
      %dma_wait3A_86 = tpu.memref_squeeze %dma_wait3A_85 : memref<1x640xf32, #tpu.memory_space<vmem>> -> memref<640xf32, #tpu.memory_space<vmem>>
      %dma_wait3A_87 = tpu.memref_slice %arg8[%add3A_54] : memref<163840xf32, #tpu.memory_space<vmem_shared>> -> memref<640xf32, #tpu.memory_space<vmem_shared>>
      %dma_wait3A_88 = arith.constant 0 : i32
      %dma_wait3A_89 = tpu.memref_slice %arg6[%run_scoped3A_55, %dma_wait3A_88] : memref<16x640xf32, #tpu.memory_space<vmem>> -> memref<1x640xf32, #tpu.memory_space<vmem>>
      %dma_wait3A_90 = tpu.memref_squeeze %dma_wait3A_89 : memref<1x640xf32, #tpu.memory_space<vmem>> -> memref<640xf32, #tpu.memory_space<vmem>>
      %dma_wait3A_91 = tpu.memref_slice %arg8[%add3A_54] : memref<163840xf32, #tpu.memory_space<vmem_shared>> -> memref<640xf32, #tpu.memory_space<vmem_shared>>
      tpu.wait_dma2 semaphore(%run_scoped3A_77 : memref<!tpu.dma_semaphore, #tpu.memory_space<semaphore_mem>>) src(%dma_wait3A_91 : memref<640xf32, #tpu.memory_space<vmem_shared>>) dst(%dma_wait3A_90 : memref<640xf32, #tpu.memory_space<vmem>>)
      tpu.yield
    }) : () -> ()
    %add3A_56 = arith.constant 122880 : i32
    %add3A_57 = arith.addi %add3A_56, %mul3A_2 : i32
    %run_scoped3A_58 = arith.constant 12 : i32
    "tpu.region"() ({
      %run_scoped3A_77 = tpu.sem_alloc : memref<!tpu.dma_semaphore, #tpu.memory_space<semaphore_mem>>
      %dma_start3A = arith.constant 0 : i32
      %dma_start3A_78 = tpu.memref_slice %arg6[%run_scoped3A_58, %dma_start3A] : memref<16x640xf32, #tpu.memory_space<vmem>> -> memref<1x640xf32, #tpu.memory_space<vmem>>
      %dma_start3A_79 = tpu.memref_squeeze %dma_start3A_78 : memref<1x640xf32, #tpu.memory_space<vmem>> -> memref<640xf32, #tpu.memory_space<vmem>>
      %dma_start3A_80 = tpu.memref_slice %arg8[%add3A_57] : memref<163840xf32, #tpu.memory_space<vmem_shared>> -> memref<640xf32, #tpu.memory_space<vmem_shared>>
      %dma_start3A_81 = arith.constant 0 : i32
      %dma_start3A_82 = tpu.memref_slice %arg6[%run_scoped3A_58, %dma_start3A_81] : memref<16x640xf32, #tpu.memory_space<vmem>> -> memref<1x640xf32, #tpu.memory_space<vmem>>
      %dma_start3A_83 = tpu.memref_squeeze %dma_start3A_82 : memref<1x640xf32, #tpu.memory_space<vmem>> -> memref<640xf32, #tpu.memory_space<vmem>>
      %dma_start3A_84 = tpu.memref_slice %arg8[%add3A_57] : memref<163840xf32, #tpu.memory_space<vmem_shared>> -> memref<640xf32, #tpu.memory_space<vmem_shared>>
      tpu.enqueue_dma source(%dma_start3A_84 : memref<640xf32, #tpu.memory_space<vmem_shared>>) target(%dma_start3A_83 : memref<640xf32, #tpu.memory_space<vmem>>) target_semaphore(%run_scoped3A_77 : memref<!tpu.dma_semaphore, #tpu.memory_space<semaphore_mem>>)
      %dma_wait3A = arith.constant 0 : i32
      %dma_wait3A_85 = tpu.memref_slice %arg6[%run_scoped3A_58, %dma_wait3A] : memref<16x640xf32, #tpu.memory_space<vmem>> -> memref<1x640xf32, #tpu.memory_space<vmem>>
      %dma_wait3A_86 = tpu.memref_squeeze %dma_wait3A_85 : memref<1x640xf32, #tpu.memory_space<vmem>> -> memref<640xf32, #tpu.memory_space<vmem>>
      %dma_wait3A_87 = tpu.memref_slice %arg8[%add3A_57] : memref<163840xf32, #tpu.memory_space<vmem_shared>> -> memref<640xf32, #tpu.memory_space<vmem_shared>>
      %dma_wait3A_88 = arith.constant 0 : i32
      %dma_wait3A_89 = tpu.memref_slice %arg6[%run_scoped3A_58, %dma_wait3A_88] : memref<16x640xf32, #tpu.memory_space<vmem>> -> memref<1x640xf32, #tpu.memory_space<vmem>>
      %dma_wait3A_90 = tpu.memref_squeeze %dma_wait3A_89 : memref<1x640xf32, #tpu.memory_space<vmem>> -> memref<640xf32, #tpu.memory_space<vmem>>
      %dma_wait3A_91 = tpu.memref_slice %arg8[%add3A_57] : memref<163840xf32, #tpu.memory_space<vmem_shared>> -> memref<640xf32, #tpu.memory_space<vmem_shared>>
      tpu.wait_dma2 semaphore(%run_scoped3A_77 : memref<!tpu.dma_semaphore, #tpu.memory_space<semaphore_mem>>) src(%dma_wait3A_91 : memref<640xf32, #tpu.memory_space<vmem_shared>>) dst(%dma_wait3A_90 : memref<640xf32, #tpu.memory_space<vmem>>)
      tpu.yield
    }) : () -> ()
    %add3A_59 = arith.constant 133120 : i32
    %add3A_60 = arith.addi %add3A_59, %mul3A_2 : i32
    %run_scoped3A_61 = arith.constant 13 : i32
    "tpu.region"() ({
      %run_scoped3A_77 = tpu.sem_alloc : memref<!tpu.dma_semaphore, #tpu.memory_space<semaphore_mem>>
      %dma_start3A = arith.constant 0 : i32
      %dma_start3A_78 = tpu.memref_slice %arg6[%run_scoped3A_61, %dma_start3A] : memref<16x640xf32, #tpu.memory_space<vmem>> -> memref<1x640xf32, #tpu.memory_space<vmem>>
      %dma_start3A_79 = tpu.memref_squeeze %dma_start3A_78 : memref<1x640xf32, #tpu.memory_space<vmem>> -> memref<640xf32, #tpu.memory_space<vmem>>
      %dma_start3A_80 = tpu.memref_slice %arg8[%add3A_60] : memref<163840xf32, #tpu.memory_space<vmem_shared>> -> memref<640xf32, #tpu.memory_space<vmem_shared>>
      %dma_start3A_81 = arith.constant 0 : i32
      %dma_start3A_82 = tpu.memref_slice %arg6[%run_scoped3A_61, %dma_start3A_81] : memref<16x640xf32, #tpu.memory_space<vmem>> -> memref<1x640xf32, #tpu.memory_space<vmem>>
      %dma_start3A_83 = tpu.memref_squeeze %dma_start3A_82 : memref<1x640xf32, #tpu.memory_space<vmem>> -> memref<640xf32, #tpu.memory_space<vmem>>
      %dma_start3A_84 = tpu.memref_slice %arg8[%add3A_60] : memref<163840xf32, #tpu.memory_space<vmem_shared>> -> memref<640xf32, #tpu.memory_space<vmem_shared>>
      tpu.enqueue_dma source(%dma_start3A_84 : memref<640xf32, #tpu.memory_space<vmem_shared>>) target(%dma_start3A_83 : memref<640xf32, #tpu.memory_space<vmem>>) target_semaphore(%run_scoped3A_77 : memref<!tpu.dma_semaphore, #tpu.memory_space<semaphore_mem>>)
      %dma_wait3A = arith.constant 0 : i32
      %dma_wait3A_85 = tpu.memref_slice %arg6[%run_scoped3A_61, %dma_wait3A] : memref<16x640xf32, #tpu.memory_space<vmem>> -> memref<1x640xf32, #tpu.memory_space<vmem>>
      %dma_wait3A_86 = tpu.memref_squeeze %dma_wait3A_85 : memref<1x640xf32, #tpu.memory_space<vmem>> -> memref<640xf32, #tpu.memory_space<vmem>>
      %dma_wait3A_87 = tpu.memref_slice %arg8[%add3A_60] : memref<163840xf32, #tpu.memory_space<vmem_shared>> -> memref<640xf32, #tpu.memory_space<vmem_shared>>
      %dma_wait3A_88 = arith.constant 0 : i32
      %dma_wait3A_89 = tpu.memref_slice %arg6[%run_scoped3A_61, %dma_wait3A_88] : memref<16x640xf32, #tpu.memory_space<vmem>> -> memref<1x640xf32, #tpu.memory_space<vmem>>
      %dma_wait3A_90 = tpu.memref_squeeze %dma_wait3A_89 : memref<1x640xf32, #tpu.memory_space<vmem>> -> memref<640xf32, #tpu.memory_space<vmem>>
      %dma_wait3A_91 = tpu.memref_slice %arg8[%add3A_60] : memref<163840xf32, #tpu.memory_space<vmem_shared>> -> memref<640xf32, #tpu.memory_space<vmem_shared>>
      tpu.wait_dma2 semaphore(%run_scoped3A_77 : memref<!tpu.dma_semaphore, #tpu.memory_space<semaphore_mem>>) src(%dma_wait3A_91 : memref<640xf32, #tpu.memory_space<vmem_shared>>) dst(%dma_wait3A_90 : memref<640xf32, #tpu.memory_space<vmem>>)
      tpu.yield
    }) : () -> ()
    %add3A_62 = arith.constant 143360 : i32
    %add3A_63 = arith.addi %add3A_62, %mul3A_2 : i32
    %run_scoped3A_64 = arith.constant 14 : i32
    "tpu.region"() ({
      %run_scoped3A_77 = tpu.sem_alloc : memref<!tpu.dma_semaphore, #tpu.memory_space<semaphore_mem>>
      %dma_start3A = arith.constant 0 : i32
      %dma_start3A_78 = tpu.memref_slice %arg6[%run_scoped3A_64, %dma_start3A] : memref<16x640xf32, #tpu.memory_space<vmem>> -> memref<1x640xf32, #tpu.memory_space<vmem>>
      %dma_start3A_79 = tpu.memref_squeeze %dma_start3A_78 : memref<1x640xf32, #tpu.memory_space<vmem>> -> memref<640xf32, #tpu.memory_space<vmem>>
      %dma_start3A_80 = tpu.memref_slice %arg8[%add3A_63] : memref<163840xf32, #tpu.memory_space<vmem_shared>> -> memref<640xf32, #tpu.memory_space<vmem_shared>>
      %dma_start3A_81 = arith.constant 0 : i32
      %dma_start3A_82 = tpu.memref_slice %arg6[%run_scoped3A_64, %dma_start3A_81] : memref<16x640xf32, #tpu.memory_space<vmem>> -> memref<1x640xf32, #tpu.memory_space<vmem>>
      %dma_start3A_83 = tpu.memref_squeeze %dma_start3A_82 : memref<1x640xf32, #tpu.memory_space<vmem>> -> memref<640xf32, #tpu.memory_space<vmem>>
      %dma_start3A_84 = tpu.memref_slice %arg8[%add3A_63] : memref<163840xf32, #tpu.memory_space<vmem_shared>> -> memref<640xf32, #tpu.memory_space<vmem_shared>>
      tpu.enqueue_dma source(%dma_start3A_84 : memref<640xf32, #tpu.memory_space<vmem_shared>>) target(%dma_start3A_83 : memref<640xf32, #tpu.memory_space<vmem>>) target_semaphore(%run_scoped3A_77 : memref<!tpu.dma_semaphore, #tpu.memory_space<semaphore_mem>>)
      %dma_wait3A = arith.constant 0 : i32
      %dma_wait3A_85 = tpu.memref_slice %arg6[%run_scoped3A_64, %dma_wait3A] : memref<16x640xf32, #tpu.memory_space<vmem>> -> memref<1x640xf32, #tpu.memory_space<vmem>>
      %dma_wait3A_86 = tpu.memref_squeeze %dma_wait3A_85 : memref<1x640xf32, #tpu.memory_space<vmem>> -> memref<640xf32, #tpu.memory_space<vmem>>
      %dma_wait3A_87 = tpu.memref_slice %arg8[%add3A_63] : memref<163840xf32, #tpu.memory_space<vmem_shared>> -> memref<640xf32, #tpu.memory_space<vmem_shared>>
      %dma_wait3A_88 = arith.constant 0 : i32
      %dma_wait3A_89 = tpu.memref_slice %arg6[%run_scoped3A_64, %dma_wait3A_88] : memref<16x640xf32, #tpu.memory_space<vmem>> -> memref<1x640xf32, #tpu.memory_space<vmem>>
      %dma_wait3A_90 = tpu.memref_squeeze %dma_wait3A_89 : memref<1x640xf32, #tpu.memory_space<vmem>> -> memref<640xf32, #tpu.memory_space<vmem>>
      %dma_wait3A_91 = tpu.memref_slice %arg8[%add3A_63] : memref<163840xf32, #tpu.memory_space<vmem_shared>> -> memref<640xf32, #tpu.memory_space<vmem_shared>>
      tpu.wait_dma2 semaphore(%run_scoped3A_77 : memref<!tpu.dma_semaphore, #tpu.memory_space<semaphore_mem>>) src(%dma_wait3A_91 : memref<640xf32, #tpu.memory_space<vmem_shared>>) dst(%dma_wait3A_90 : memref<640xf32, #tpu.memory_space<vmem>>)
      tpu.yield
    }) : () -> ()
    %add3A_65 = arith.constant 153600 : i32
    %add3A_66 = arith.addi %add3A_65, %mul3A_2 : i32
    %run_scoped3A_67 = arith.constant 15 : i32
    "tpu.region"() ({
      %run_scoped3A_77 = tpu.sem_alloc : memref<!tpu.dma_semaphore, #tpu.memory_space<semaphore_mem>>
      %dma_start3A = arith.constant 0 : i32
      %dma_start3A_78 = tpu.memref_slice %arg6[%run_scoped3A_67, %dma_start3A] : memref<16x640xf32, #tpu.memory_space<vmem>> -> memref<1x640xf32, #tpu.memory_space<vmem>>
      %dma_start3A_79 = tpu.memref_squeeze %dma_start3A_78 : memref<1x640xf32, #tpu.memory_space<vmem>> -> memref<640xf32, #tpu.memory_space<vmem>>
      %dma_start3A_80 = tpu.memref_slice %arg8[%add3A_66] : memref<163840xf32, #tpu.memory_space<vmem_shared>> -> memref<640xf32, #tpu.memory_space<vmem_shared>>
      %dma_start3A_81 = arith.constant 0 : i32
      %dma_start3A_82 = tpu.memref_slice %arg6[%run_scoped3A_67, %dma_start3A_81] : memref<16x640xf32, #tpu.memory_space<vmem>> -> memref<1x640xf32, #tpu.memory_space<vmem>>
      %dma_start3A_83 = tpu.memref_squeeze %dma_start3A_82 : memref<1x640xf32, #tpu.memory_space<vmem>> -> memref<640xf32, #tpu.memory_space<vmem>>
      %dma_start3A_84 = tpu.memref_slice %arg8[%add3A_66] : memref<163840xf32, #tpu.memory_space<vmem_shared>> -> memref<640xf32, #tpu.memory_space<vmem_shared>>
      tpu.enqueue_dma source(%dma_start3A_84 : memref<640xf32, #tpu.memory_space<vmem_shared>>) target(%dma_start3A_83 : memref<640xf32, #tpu.memory_space<vmem>>) target_semaphore(%run_scoped3A_77 : memref<!tpu.dma_semaphore, #tpu.memory_space<semaphore_mem>>)
      %dma_wait3A = arith.constant 0 : i32
      %dma_wait3A_85 = tpu.memref_slice %arg6[%run_scoped3A_67, %dma_wait3A] : memref<16x640xf32, #tpu.memory_space<vmem>> -> memref<1x640xf32, #tpu.memory_space<vmem>>
      %dma_wait3A_86 = tpu.memref_squeeze %dma_wait3A_85 : memref<1x640xf32, #tpu.memory_space<vmem>> -> memref<640xf32, #tpu.memory_space<vmem>>
      %dma_wait3A_87 = tpu.memref_slice %arg8[%add3A_66] : memref<163840xf32, #tpu.memory_space<vmem_shared>> -> memref<640xf32, #tpu.memory_space<vmem_shared>>
      %dma_wait3A_88 = arith.constant 0 : i32
      %dma_wait3A_89 = tpu.memref_slice %arg6[%run_scoped3A_67, %dma_wait3A_88] : memref<16x640xf32, #tpu.memory_space<vmem>> -> memref<1x640xf32, #tpu.memory_space<vmem>>
      %dma_wait3A_90 = tpu.memref_squeeze %dma_wait3A_89 : memref<1x640xf32, #tpu.memory_space<vmem>> -> memref<640xf32, #tpu.memory_space<vmem>>
      %dma_wait3A_91 = tpu.memref_slice %arg8[%add3A_66] : memref<163840xf32, #tpu.memory_space<vmem_shared>> -> memref<640xf32, #tpu.memory_space<vmem_shared>>
      tpu.wait_dma2 semaphore(%run_scoped3A_77 : memref<!tpu.dma_semaphore, #tpu.memory_space<semaphore_mem>>) src(%dma_wait3A_91 : memref<640xf32, #tpu.memory_space<vmem_shared>>) dst(%dma_wait3A_90 : memref<640xf32, #tpu.memory_space<vmem>>)
      tpu.yield
    }) : () -> ()
    %scan3A_68 = arith.constant 0 : i32
    %scan3A_69 = arith.constant 0 : i32
    %scan3A_70 = arith.constant 40 : i32
    %scan3A_71 = arith.addi %scan3A_69, %scan3A_70 : i32
    %scan3A_72 = arith.constant 1 : i32
    scf.for %scan3A_77 = %scan3A_69 to %scan3A_71 step %scan3A_72  : i32 {
      %mul3A_78 = arith.constant 16 : i32
      %mul3A_79 = arith.muli %scan3A_77, %mul3A_78 : i32
      %get3A = arith.constant 0 : i32
      %get3A_80 = arith.index_cast %get3A : i32 to index
      %get3A_81 = arith.index_cast %mul3A_79 : i32 to index
      %get3A_82 = tpu.vector_load %arg6[%get3A_80, %get3A_81] {strides = array<i32>} : memref<16x640xf32, #tpu.memory_space<vmem>>, vector<16xf32>,
      %mul3A_83 = arith.constant 16 : i32
      %mul3A_84 = arith.muli %scan3A_77, %mul3A_83 : i32
      %get3A_85 = arith.constant 1 : i32
      %get3A_86 = arith.index_cast %get3A_85 : i32 to index
      %get3A_87 = arith.index_cast %mul3A_84 : i32 to index
      %get3A_88 = tpu.vector_load %arg6[%get3A_86, %get3A_87] {strides = array<i32>} : memref<16x640xf32, #tpu.memory_space<vmem>>, vector<16xf32>,
      %add3A_89 = arith.addf %get3A_82, %get3A_88 : vector<16xf32>
      %mul3A_90 = arith.constant 16 : i32
      %mul3A_91 = arith.muli %scan3A_77, %mul3A_90 : i32
      %get3A_92 = arith.constant 2 : i32
      %get3A_93 = arith.index_cast %get3A_92 : i32 to index
      %get3A_94 = arith.index_cast %mul3A_91 : i32 to index
      %get3A_95 = tpu.vector_load %arg6[%get3A_93, %get3A_94] {strides = array<i32>} : memref<16x640xf32, #tpu.memory_space<vmem>>, vector<16xf32>,
      %add3A_96 = arith.addf %add3A_89, %get3A_95 : vector<16xf32>
      %mul3A_97 = arith.constant 16 : i32
      %mul3A_98 = arith.muli %scan3A_77, %mul3A_97 : i32
      %get3A_99 = arith.constant 3 : i32
      %get3A_100 = arith.index_cast %get3A_99 : i32 to index
      %get3A_101 = arith.index_cast %mul3A_98 : i32 to index
      %get3A_102 = tpu.vector_load %arg6[%get3A_100, %get3A_101] {strides = array<i32>} : memref<16x640xf32, #tpu.memory_space<vmem>>, vector<16xf32>,
      %add3A_103 = arith.addf %add3A_96, %get3A_102 : vector<16xf32>
      %mul3A_104 = arith.constant 16 : i32
      %mul3A_105 = arith.muli %scan3A_77, %mul3A_104 : i32
      %get3A_106 = arith.constant 4 : i32
      %get3A_107 = arith.index_cast %get3A_106 : i32 to index
      %get3A_108 = arith.index_cast %mul3A_105 : i32 to index
      %get3A_109 = tpu.vector_load %arg6[%get3A_107, %get3A_108] {strides = array<i32>} : memref<16x640xf32, #tpu.memory_space<vmem>>, vector<16xf32>,
      %add3A_110 = arith.addf %add3A_103, %get3A_109 : vector<16xf32>
      %mul3A_111 = arith.constant 16 : i32
      %mul3A_112 = arith.muli %scan3A_77, %mul3A_111 : i32
      %get3A_113 = arith.constant 5 : i32
      %get3A_114 = arith.index_cast %get3A_113 : i32 to index
      %get3A_115 = arith.index_cast %mul3A_112 : i32 to index
      %get3A_116 = tpu.vector_load %arg6[%get3A_114, %get3A_115] {strides = array<i32>} : memref<16x640xf32, #tpu.memory_space<vmem>>, vector<16xf32>,
      %add3A_117 = arith.addf %add3A_110, %get3A_116 : vector<16xf32>
      %mul3A_118 = arith.constant 16 : i32
      %mul3A_119 = arith.muli %scan3A_77, %mul3A_118 : i32
      %get3A_120 = arith.constant 6 : i32
      %get3A_121 = arith.index_cast %get3A_120 : i32 to index
      %get3A_122 = arith.index_cast %mul3A_119 : i32 to index
      %get3A_123 = tpu.vector_load %arg6[%get3A_121, %get3A_122] {strides = array<i32>} : memref<16x640xf32, #tpu.memory_space<vmem>>, vector<16xf32>,
      %add3A_124 = arith.addf %add3A_117, %get3A_123 : vector<16xf32>
      %mul3A_125 = arith.constant 16 : i32
      %mul3A_126 = arith.muli %scan3A_77, %mul3A_125 : i32
      %get3A_127 = arith.constant 7 : i32
      %get3A_128 = arith.index_cast %get3A_127 : i32 to index
      %get3A_129 = arith.index_cast %mul3A_126 : i32 to index
      %get3A_130 = tpu.vector_load %arg6[%get3A_128, %get3A_129] {strides = array<i32>} : memref<16x640xf32, #tpu.memory_space<vmem>>, vector<16xf32>,
      %add3A_131 = arith.addf %add3A_124, %get3A_130 : vector<16xf32>
      %mul3A_132 = arith.constant 16 : i32
      %mul3A_133 = arith.muli %scan3A_77, %mul3A_132 : i32
      %get3A_134 = arith.constant 8 : i32
      %get3A_135 = arith.index_cast %get3A_134 : i32 to index
      %get3A_136 = arith.index_cast %mul3A_133 : i32 to index
      %get3A_137 = tpu.vector_load %arg6[%get3A_135, %get3A_136] {strides = array<i32>} : memref<16x640xf32, #tpu.memory_space<vmem>>, vector<16xf32>,
      %add3A_138 = arith.addf %add3A_131, %get3A_137 : vector<16xf32>
      %mul3A_139 = arith.constant 16 : i32
      %mul3A_140 = arith.muli %scan3A_77, %mul3A_139 : i32
      %get3A_141 = arith.constant 9 : i32
      %get3A_142 = arith.index_cast %get3A_141 : i32 to index
      %get3A_143 = arith.index_cast %mul3A_140 : i32 to index
      %get3A_144 = tpu.vector_load %arg6[%get3A_142, %get3A_143] {strides = array<i32>} : memref<16x640xf32, #tpu.memory_space<vmem>>, vector<16xf32>,
      %add3A_145 = arith.addf %add3A_138, %get3A_144 : vector<16xf32>
      %mul3A_146 = arith.constant 16 : i32
      %mul3A_147 = arith.muli %scan3A_77, %mul3A_146 : i32
      %get3A_148 = arith.constant 10 : i32
      %get3A_149 = arith.index_cast %get3A_148 : i32 to index
      %get3A_150 = arith.index_cast %mul3A_147 : i32 to index
      %get3A_151 = tpu.vector_load %arg6[%get3A_149, %get3A_150] {strides = array<i32>} : memref<16x640xf32, #tpu.memory_space<vmem>>, vector<16xf32>,
      %add3A_152 = arith.addf %add3A_145, %get3A_151 : vector<16xf32>
      %mul3A_153 = arith.constant 16 : i32
      %mul3A_154 = arith.muli %scan3A_77, %mul3A_153 : i32
      %get3A_155 = arith.constant 11 : i32
      %get3A_156 = arith.index_cast %get3A_155 : i32 to index
      %get3A_157 = arith.index_cast %mul3A_154 : i32 to index
      %get3A_158 = tpu.vector_load %arg6[%get3A_156, %get3A_157] {strides = array<i32>} : memref<16x640xf32, #tpu.memory_space<vmem>>, vector<16xf32>,
      %add3A_159 = arith.addf %add3A_152, %get3A_158 : vector<16xf32>
      %mul3A_160 = arith.constant 16 : i32
      %mul3A_161 = arith.muli %scan3A_77, %mul3A_160 : i32
      %get3A_162 = arith.constant 12 : i32
      %get3A_163 = arith.index_cast %get3A_162 : i32 to index
      %get3A_164 = arith.index_cast %mul3A_161 : i32 to index
      %get3A_165 = tpu.vector_load %arg6[%get3A_163, %get3A_164] {strides = array<i32>} : memref<16x640xf32, #tpu.memory_space<vmem>>, vector<16xf32>,
      %add3A_166 = arith.addf %add3A_159, %get3A_165 : vector<16xf32>
      %mul3A_167 = arith.constant 16 : i32
      %mul3A_168 = arith.muli %scan3A_77, %mul3A_167 : i32
      %get3A_169 = arith.constant 13 : i32
      %get3A_170 = arith.index_cast %get3A_169 : i32 to index
      %get3A_171 = arith.index_cast %mul3A_168 : i32 to index
      %get3A_172 = tpu.vector_load %arg6[%get3A_170, %get3A_171] {strides = array<i32>} : memref<16x640xf32, #tpu.memory_space<vmem>>, vector<16xf32>,
      %add3A_173 = arith.addf %add3A_166, %get3A_172 : vector<16xf32>
      %mul3A_174 = arith.constant 16 : i32
      %mul3A_175 = arith.muli %scan3A_77, %mul3A_174 : i32
      %get3A_176 = arith.constant 14 : i32
      %get3A_177 = arith.index_cast %get3A_176 : i32 to index
      %get3A_178 = arith.index_cast %mul3A_175 : i32 to index
      %get3A_179 = tpu.vector_load %arg6[%get3A_177, %get3A_178] {strides = array<i32>} : memref<16x640xf32, #tpu.memory_space<vmem>>, vector<16xf32>,
      %add3A_180 = arith.addf %add3A_173, %get3A_179 : vector<16xf32>
      %mul3A_181 = arith.constant 16 : i32
      %mul3A_182 = arith.muli %scan3A_77, %mul3A_181 : i32
      %get3A_183 = arith.constant 15 : i32
      %get3A_184 = arith.index_cast %get3A_183 : i32 to index
      %get3A_185 = arith.index_cast %mul3A_182 : i32 to index
      %get3A_186 = tpu.vector_load %arg6[%get3A_184, %get3A_185] {strides = array<i32>} : memref<16x640xf32, #tpu.memory_space<vmem>>, vector<16xf32>,
      %add3A_187 = arith.addf %add3A_180, %get3A_186 : vector<16xf32>
      %mul3A_188 = arith.constant 16 : i32
      %mul3A_189 = arith.muli %scan3A_77, %mul3A_188 : i32
      %swap3A = arith.index_cast %mul3A_189 : i32 to index
      %swap3A_190 = tpu.vector_load %arg7[%swap3A] {strides = array<i32>} : memref<640xf32, #tpu.memory_space<vmem>>, vector<16xf32>,
      tpu.vector_store %arg7[%swap3A], %add3A_187 {strides = array<i32>} : memref<640xf32, #tpu.memory_space<vmem>>, vector<16xf32>,
    }
    %scan3A_73 = arith.constant 40 : i32
    %mul3A_74 = arith.constant 10240 : i32
    %mul3A_75 = arith.muli %arg0, %mul3A_74 : i32
    %add3A_76 = arith.addi %mul3A_75, %mul3A_2 : i32
    "tpu.region"() ({
      %run_scoped3A_77 = tpu.sem_alloc : memref<!tpu.dma_semaphore, #tpu.memory_space<semaphore_mem>>
      %dma_start3A = tpu.memref_slice %arg3[%add3A_76] : memref<20480xf32, #tpu.memory_space<hbm>> -> memref<640xf32, #tpu.memory_space<hbm>>
      %dma_start3A_78 = tpu.memref_slice %arg3[%add3A_76] : memref<20480xf32, #tpu.memory_space<hbm>> -> memref<640xf32, #tpu.memory_space<hbm>>
      tpu.enqueue_dma source(%arg7 : memref<640xf32, #tpu.memory_space<vmem>>) target(%dma_start3A_78 : memref<640xf32, #tpu.memory_space<hbm>>) target_semaphore(%run_scoped3A_77 : memref<!tpu.dma_semaphore, #tpu.memory_space<semaphore_mem>>)
      %dma_wait3A = tpu.memref_slice %arg3[%add3A_76] : memref<20480xf32, #tpu.memory_space<hbm>> -> memref<640xf32, #tpu.memory_space<hbm>>
      %dma_wait3A_79 = tpu.memref_slice %arg3[%add3A_76] : memref<20480xf32, #tpu.memory_space<hbm>> -> memref<640xf32, #tpu.memory_space<hbm>>
      tpu.wait_dma2 semaphore(%run_scoped3A_77 : memref<!tpu.dma_semaphore, #tpu.memory_space<semaphore_mem>>) src(%arg7 : memref<640xf32, #tpu.memory_space<vmem>>) dst(%dma_wait3A_79 : memref<640xf32, #tpu.memory_space<hbm>>)
      tpu.yield
    }) : () -> ()
    return
  }
}

#map = affine_map<(d0, d1) -> (0, 0)>
#map1 = affine_map<(d0, d1) -> (0)>
module attributes {stable_mosaic.version = 14 : i64} {
  func.func @_sc_agg_body(%arg0: i32, %arg1: i32, %arg2: memref<10240x128xf32, #tpu.memory_space<hbm>>, %arg3: memref<327680xi32, #tpu.memory_space<hbm>>, %arg4: memref<327680xi32, #tpu.memory_space<hbm>>, %arg5: memref<128x128xf32, #tpu.memory_space<hbm>>, %arg6: memref<20480x128xf32, #tpu.memory_space<hbm>>, %arg7: memref<128xi32, #tpu.memory_space<vmem>>, %arg8: memref<128xi32, #tpu.memory_space<vmem>>, %arg9: memref<128xi32, #tpu.memory_space<vmem>>, %arg10: memref<128xi32, #tpu.memory_space<vmem>>, %arg11: memref<128x128xf32, #tpu.memory_space<vmem>>, %arg12: memref<128x128xf32, #tpu.memory_space<vmem>>, %arg13: memref<10240x128xf32, #tpu.memory_space<vmem_shared>>, %arg14: memref<!tpu.dma_semaphore, #tpu.memory_space<semaphore_mem>>, %arg15: memref<!tpu.dma_semaphore, #tpu.memory_space<semaphore_mem>>) attributes {dimension_semantics = [#tpu.dimension_semantics<core_parallel>, #tpu.dimension_semantics<subcore_parallel>], iteration_bounds = array<i64: 2, 16>, scalar_prefetch = 0 : i64, scratch_operands = 9 : i64, tpu.core_type = #tpu.core_type<sc_vector_subcore>, window_params = [{transform_indices = #map}, {transform_indices = #map1}, {transform_indices = #map1}, {transform_indices = #map}, {transform_indices = #map}]} {
    %mul3A = arith.constant 16 : i32
    %mul3A_0 = arith.muli %arg0, %mul3A : i32
    %add3A = arith.addi %mul3A_0, %arg1 : i32
    %mul3A_1 = arith.constant 640 : i32
    %mul3A_2 = arith.muli %arg1, %mul3A_1 : i32
    "tpu.region"() ({
      %run_scoped3A = tpu.sem_alloc : memref<!tpu.dma_semaphore, #tpu.memory_space<semaphore_mem>>
      tpu.enqueue_dma source(%arg5 : memref<128x128xf32, #tpu.memory_space<hbm>>) target(%arg11 : memref<128x128xf32, #tpu.memory_space<vmem>>) target_semaphore(%run_scoped3A : memref<!tpu.dma_semaphore, #tpu.memory_space<semaphore_mem>>)
      tpu.wait_dma2 semaphore(%run_scoped3A : memref<!tpu.dma_semaphore, #tpu.memory_space<semaphore_mem>>) src(%arg5 : memref<128x128xf32, #tpu.memory_space<hbm>>) dst(%arg11 : memref<128x128xf32, #tpu.memory_space<vmem>>)
      tpu.yield
    }) : () -> ()
    %add3A_3 = arith.constant 0 : i32
    %add3A_4 = arith.addi %mul3A_2, %add3A_3 : i32
    "tpu.region"() ({
      %run_scoped3A = tpu.sem_alloc : memref<!tpu.dma_semaphore, #tpu.memory_space<semaphore_mem>>
      %dma_start3A_93 = arith.constant 0 : i32
      %dma_start3A_94 = tpu.memref_slice %arg13[%add3A_4, %dma_start3A_93] : memref<10240x128xf32, #tpu.memory_space<vmem_shared>> -> memref<128x128xf32, #tpu.memory_space<vmem_shared>>
      %dma_start3A_95 = arith.constant 0 : i32
      %dma_start3A_96 = tpu.memref_slice %arg13[%add3A_4, %dma_start3A_95] : memref<10240x128xf32, #tpu.memory_space<vmem_shared>> -> memref<128x128xf32, #tpu.memory_space<vmem_shared>>
      tpu.enqueue_dma source(%arg11 : memref<128x128xf32, #tpu.memory_space<vmem>>) target(%dma_start3A_96 : memref<128x128xf32, #tpu.memory_space<vmem_shared>>) target_semaphore(%run_scoped3A : memref<!tpu.dma_semaphore, #tpu.memory_space<semaphore_mem>>)
      %dma_wait3A = arith.constant 0 : i32
      %dma_wait3A_97 = tpu.memref_slice %arg13[%add3A_4, %dma_wait3A] : memref<10240x128xf32, #tpu.memory_space<vmem_shared>> -> memref<128x128xf32, #tpu.memory_space<vmem_shared>>
      %dma_wait3A_98 = arith.constant 0 : i32
      %dma_wait3A_99 = tpu.memref_slice %arg13[%add3A_4, %dma_wait3A_98] : memref<10240x128xf32, #tpu.memory_space<vmem_shared>> -> memref<128x128xf32, #tpu.memory_space<vmem_shared>>
      tpu.wait_dma2 semaphore(%run_scoped3A : memref<!tpu.dma_semaphore, #tpu.memory_space<semaphore_mem>>) src(%arg11 : memref<128x128xf32, #tpu.memory_space<vmem>>) dst(%dma_wait3A_99 : memref<128x128xf32, #tpu.memory_space<vmem_shared>>)
      tpu.yield
    }) : () -> ()
    %add3A_5 = arith.constant 128 : i32
    %add3A_6 = arith.addi %mul3A_2, %add3A_5 : i32
    "tpu.region"() ({
      %run_scoped3A = tpu.sem_alloc : memref<!tpu.dma_semaphore, #tpu.memory_space<semaphore_mem>>
      %dma_start3A_93 = arith.constant 0 : i32
      %dma_start3A_94 = tpu.memref_slice %arg13[%add3A_6, %dma_start3A_93] : memref<10240x128xf32, #tpu.memory_space<vmem_shared>> -> memref<128x128xf32, #tpu.memory_space<vmem_shared>>
      %dma_start3A_95 = arith.constant 0 : i32
      %dma_start3A_96 = tpu.memref_slice %arg13[%add3A_6, %dma_start3A_95] : memref<10240x128xf32, #tpu.memory_space<vmem_shared>> -> memref<128x128xf32, #tpu.memory_space<vmem_shared>>
      tpu.enqueue_dma source(%arg11 : memref<128x128xf32, #tpu.memory_space<vmem>>) target(%dma_start3A_96 : memref<128x128xf32, #tpu.memory_space<vmem_shared>>) target_semaphore(%run_scoped3A : memref<!tpu.dma_semaphore, #tpu.memory_space<semaphore_mem>>)
      %dma_wait3A = arith.constant 0 : i32
      %dma_wait3A_97 = tpu.memref_slice %arg13[%add3A_6, %dma_wait3A] : memref<10240x128xf32, #tpu.memory_space<vmem_shared>> -> memref<128x128xf32, #tpu.memory_space<vmem_shared>>
      %dma_wait3A_98 = arith.constant 0 : i32
      %dma_wait3A_99 = tpu.memref_slice %arg13[%add3A_6, %dma_wait3A_98] : memref<10240x128xf32, #tpu.memory_space<vmem_shared>> -> memref<128x128xf32, #tpu.memory_space<vmem_shared>>
      tpu.wait_dma2 semaphore(%run_scoped3A : memref<!tpu.dma_semaphore, #tpu.memory_space<semaphore_mem>>) src(%arg11 : memref<128x128xf32, #tpu.memory_space<vmem>>) dst(%dma_wait3A_99 : memref<128x128xf32, #tpu.memory_space<vmem_shared>>)
      tpu.yield
    }) : () -> ()
    %add3A_7 = arith.constant 256 : i32
    %add3A_8 = arith.addi %mul3A_2, %add3A_7 : i32
    "tpu.region"() ({
      %run_scoped3A = tpu.sem_alloc : memref<!tpu.dma_semaphore, #tpu.memory_space<semaphore_mem>>
      %dma_start3A_93 = arith.constant 0 : i32
      %dma_start3A_94 = tpu.memref_slice %arg13[%add3A_8, %dma_start3A_93] : memref<10240x128xf32, #tpu.memory_space<vmem_shared>> -> memref<128x128xf32, #tpu.memory_space<vmem_shared>>
      %dma_start3A_95 = arith.constant 0 : i32
      %dma_start3A_96 = tpu.memref_slice %arg13[%add3A_8, %dma_start3A_95] : memref<10240x128xf32, #tpu.memory_space<vmem_shared>> -> memref<128x128xf32, #tpu.memory_space<vmem_shared>>
      tpu.enqueue_dma source(%arg11 : memref<128x128xf32, #tpu.memory_space<vmem>>) target(%dma_start3A_96 : memref<128x128xf32, #tpu.memory_space<vmem_shared>>) target_semaphore(%run_scoped3A : memref<!tpu.dma_semaphore, #tpu.memory_space<semaphore_mem>>)
      %dma_wait3A = arith.constant 0 : i32
      %dma_wait3A_97 = tpu.memref_slice %arg13[%add3A_8, %dma_wait3A] : memref<10240x128xf32, #tpu.memory_space<vmem_shared>> -> memref<128x128xf32, #tpu.memory_space<vmem_shared>>
      %dma_wait3A_98 = arith.constant 0 : i32
      %dma_wait3A_99 = tpu.memref_slice %arg13[%add3A_8, %dma_wait3A_98] : memref<10240x128xf32, #tpu.memory_space<vmem_shared>> -> memref<128x128xf32, #tpu.memory_space<vmem_shared>>
      tpu.wait_dma2 semaphore(%run_scoped3A : memref<!tpu.dma_semaphore, #tpu.memory_space<semaphore_mem>>) src(%arg11 : memref<128x128xf32, #tpu.memory_space<vmem>>) dst(%dma_wait3A_99 : memref<128x128xf32, #tpu.memory_space<vmem_shared>>)
      tpu.yield
    }) : () -> ()
    %add3A_9 = arith.constant 384 : i32
    %add3A_10 = arith.addi %mul3A_2, %add3A_9 : i32
    "tpu.region"() ({
      %run_scoped3A = tpu.sem_alloc : memref<!tpu.dma_semaphore, #tpu.memory_space<semaphore_mem>>
      %dma_start3A_93 = arith.constant 0 : i32
      %dma_start3A_94 = tpu.memref_slice %arg13[%add3A_10, %dma_start3A_93] : memref<10240x128xf32, #tpu.memory_space<vmem_shared>> -> memref<128x128xf32, #tpu.memory_space<vmem_shared>>
      %dma_start3A_95 = arith.constant 0 : i32
      %dma_start3A_96 = tpu.memref_slice %arg13[%add3A_10, %dma_start3A_95] : memref<10240x128xf32, #tpu.memory_space<vmem_shared>> -> memref<128x128xf32, #tpu.memory_space<vmem_shared>>
      tpu.enqueue_dma source(%arg11 : memref<128x128xf32, #tpu.memory_space<vmem>>) target(%dma_start3A_96 : memref<128x128xf32, #tpu.memory_space<vmem_shared>>) target_semaphore(%run_scoped3A : memref<!tpu.dma_semaphore, #tpu.memory_space<semaphore_mem>>)
      %dma_wait3A = arith.constant 0 : i32
      %dma_wait3A_97 = tpu.memref_slice %arg13[%add3A_10, %dma_wait3A] : memref<10240x128xf32, #tpu.memory_space<vmem_shared>> -> memref<128x128xf32, #tpu.memory_space<vmem_shared>>
      %dma_wait3A_98 = arith.constant 0 : i32
      %dma_wait3A_99 = tpu.memref_slice %arg13[%add3A_10, %dma_wait3A_98] : memref<10240x128xf32, #tpu.memory_space<vmem_shared>> -> memref<128x128xf32, #tpu.memory_space<vmem_shared>>
      tpu.wait_dma2 semaphore(%run_scoped3A : memref<!tpu.dma_semaphore, #tpu.memory_space<semaphore_mem>>) src(%arg11 : memref<128x128xf32, #tpu.memory_space<vmem>>) dst(%dma_wait3A_99 : memref<128x128xf32, #tpu.memory_space<vmem_shared>>)
      tpu.yield
    }) : () -> ()
    %add3A_11 = arith.constant 512 : i32
    %add3A_12 = arith.addi %mul3A_2, %add3A_11 : i32
    "tpu.region"() ({
      %run_scoped3A = tpu.sem_alloc : memref<!tpu.dma_semaphore, #tpu.memory_space<semaphore_mem>>
      %dma_start3A_93 = arith.constant 0 : i32
      %dma_start3A_94 = tpu.memref_slice %arg13[%add3A_12, %dma_start3A_93] : memref<10240x128xf32, #tpu.memory_space<vmem_shared>> -> memref<128x128xf32, #tpu.memory_space<vmem_shared>>
      %dma_start3A_95 = arith.constant 0 : i32
      %dma_start3A_96 = tpu.memref_slice %arg13[%add3A_12, %dma_start3A_95] : memref<10240x128xf32, #tpu.memory_space<vmem_shared>> -> memref<128x128xf32, #tpu.memory_space<vmem_shared>>
      tpu.enqueue_dma source(%arg11 : memref<128x128xf32, #tpu.memory_space<vmem>>) target(%dma_start3A_96 : memref<128x128xf32, #tpu.memory_space<vmem_shared>>) target_semaphore(%run_scoped3A : memref<!tpu.dma_semaphore, #tpu.memory_space<semaphore_mem>>)
      %dma_wait3A = arith.constant 0 : i32
      %dma_wait3A_97 = tpu.memref_slice %arg13[%add3A_12, %dma_wait3A] : memref<10240x128xf32, #tpu.memory_space<vmem_shared>> -> memref<128x128xf32, #tpu.memory_space<vmem_shared>>
      %dma_wait3A_98 = arith.constant 0 : i32
      %dma_wait3A_99 = tpu.memref_slice %arg13[%add3A_12, %dma_wait3A_98] : memref<10240x128xf32, #tpu.memory_space<vmem_shared>> -> memref<128x128xf32, #tpu.memory_space<vmem_shared>>
      tpu.wait_dma2 semaphore(%run_scoped3A : memref<!tpu.dma_semaphore, #tpu.memory_space<semaphore_mem>>) src(%arg11 : memref<128x128xf32, #tpu.memory_space<vmem>>) dst(%dma_wait3A_99 : memref<128x128xf32, #tpu.memory_space<vmem_shared>>)
      tpu.yield
    }) : () -> ()
    %barrier3A = arith.constant 0 : index
    tpu.barrier barrier_id(%barrier3A)
    %eq3A = arith.constant 0 : i32
    %eq3A_13 = arith.cmpi eq, %arg0, %eq3A : i32
    %select_n3A = arith.constant 120 : i32
    %select_n3A_14 = arith.constant 40 : i32
    %select_n3A_15 = arith.select %eq3A_13, %select_n3A_14, %select_n3A : i32
    %eq3A_16 = arith.constant 0 : i32
    %eq3A_17 = arith.cmpi eq, %arg0, %eq3A_16 : i32
    %mul3A_18 = arith.constant 40 : i32
    %mul3A_19 = arith.muli %arg1, %mul3A_18 : i32
    %mul3A_20 = arith.constant 120 : i32
    %mul3A_21 = arith.muli %arg1, %mul3A_20 : i32
    %add3A_22 = arith.constant 640 : i32
    %add3A_23 = arith.addi %add3A_22, %mul3A_21 : i32
    %select_n3A_24 = arith.select %eq3A_17, %mul3A_19, %add3A_23 : i32
    %add3A_25 = arith.constant 0 : i32
    %add3A_26 = arith.addi %select_n3A_24, %add3A_25 : i32
    %mul3A_27 = arith.constant 128 : i32
    %mul3A_28 = arith.muli %add3A_26, %mul3A_27 : i32
    "tpu.region"() ({
      %run_scoped3A = tpu.sem_alloc : memref<!tpu.dma_semaphore, #tpu.memory_space<semaphore_mem>>
      %dma_start3A_93 = tpu.memref_slice %arg3[%mul3A_28] : memref<327680xi32, #tpu.memory_space<hbm>> -> memref<128xi32, #tpu.memory_space<hbm>>
      %dma_start3A_94 = tpu.memref_slice %arg3[%mul3A_28] : memref<327680xi32, #tpu.memory_space<hbm>> -> memref<128xi32, #tpu.memory_space<hbm>>
      tpu.enqueue_dma source(%dma_start3A_94 : memref<128xi32, #tpu.memory_space<hbm>>) target(%arg7 : memref<128xi32, #tpu.memory_space<vmem>>) target_semaphore(%run_scoped3A : memref<!tpu.dma_semaphore, #tpu.memory_space<semaphore_mem>>)
      %dma_wait3A = tpu.memref_slice %arg3[%mul3A_28] : memref<327680xi32, #tpu.memory_space<hbm>> -> memref<128xi32, #tpu.memory_space<hbm>>
      %dma_wait3A_95 = tpu.memref_slice %arg3[%mul3A_28] : memref<327680xi32, #tpu.memory_space<hbm>> -> memref<128xi32, #tpu.memory_space<hbm>>
      tpu.wait_dma2 semaphore(%run_scoped3A : memref<!tpu.dma_semaphore, #tpu.memory_space<semaphore_mem>>) src(%dma_wait3A_95 : memref<128xi32, #tpu.memory_space<hbm>>) dst(%arg7 : memref<128xi32, #tpu.memory_space<vmem>>)
      tpu.yield
    }) : () -> ()
    "tpu.region"() ({
      %run_scoped3A = tpu.sem_alloc : memref<!tpu.dma_semaphore, #tpu.memory_space<semaphore_mem>>
      %dma_start3A_93 = tpu.memref_slice %arg4[%mul3A_28] : memref<327680xi32, #tpu.memory_space<hbm>> -> memref<128xi32, #tpu.memory_space<hbm>>
      %dma_start3A_94 = tpu.memref_slice %arg4[%mul3A_28] : memref<327680xi32, #tpu.memory_space<hbm>> -> memref<128xi32, #tpu.memory_space<hbm>>
      tpu.enqueue_dma source(%dma_start3A_94 : memref<128xi32, #tpu.memory_space<hbm>>) target(%arg9 : memref<128xi32, #tpu.memory_space<vmem>>) target_semaphore(%run_scoped3A : memref<!tpu.dma_semaphore, #tpu.memory_space<semaphore_mem>>)
      %dma_wait3A = tpu.memref_slice %arg4[%mul3A_28] : memref<327680xi32, #tpu.memory_space<hbm>> -> memref<128xi32, #tpu.memory_space<hbm>>
      %dma_wait3A_95 = tpu.memref_slice %arg4[%mul3A_28] : memref<327680xi32, #tpu.memory_space<hbm>> -> memref<128xi32, #tpu.memory_space<hbm>>
      tpu.wait_dma2 semaphore(%run_scoped3A : memref<!tpu.dma_semaphore, #tpu.memory_space<semaphore_mem>>) src(%dma_wait3A_95 : memref<128xi32, #tpu.memory_space<hbm>>) dst(%arg9 : memref<128xi32, #tpu.memory_space<vmem>>)
      tpu.yield
    }) : () -> ()
    %dma_start3A = arith.constant 0 : i32
    %dma_start3A_29 = arith.constant 0 : i32
    %dma_start3A_30 = tpu.memref_slice %arg2[%dma_start3A, %dma_start3A_29] : memref<10240x128xf32, #tpu.memory_space<hbm>> -> memref<10240x128xf32, #tpu.memory_space<hbm>>
    tpu.enqueue_indirect_dma source(%dma_start3A_30 : memref<10240x128xf32, #tpu.memory_space<hbm>>) target(%arg11 : memref<128x128xf32, #tpu.memory_space<vmem>>) offsets(%arg7 : memref<128xi32, #tpu.memory_space<vmem>>) semaphore(%arg14 : memref<!tpu.dma_semaphore, #tpu.memory_space<semaphore_mem>>)
    %jit3A = arith.constant 2 : i32
    %div3A = arith.divsi %select_n3A_15, %jit3A : i32
    %sign3A = arith.constant 0 : i32
    %sign3A_31 = arith.cmpi sgt, %select_n3A_15, %sign3A : i32
    %sign3A_32 = arith.extui %sign3A_31 : i1 to i32
    %sign3A_33 = arith.constant 0 : i32
    %sign3A_34 = arith.cmpi slt, %select_n3A_15, %sign3A_33 : i32
    %sign3A_35 = arith.extui %sign3A_34 : i1 to i32
    %sign3A_36 = arith.subi %sign3A_32, %sign3A_35 : i32
    %sign3A_37 = arith.constant 0 : i32
    %sign3A_38 = arith.cmpi sgt, %jit3A, %sign3A_37 : i32
    %sign3A_39 = arith.extui %sign3A_38 : i1 to i32
    %sign3A_40 = arith.constant 0 : i32
    %sign3A_41 = arith.cmpi slt, %jit3A, %sign3A_40 : i32
    %sign3A_42 = arith.extui %sign3A_41 : i1 to i32
    %sign3A_43 = arith.subi %sign3A_39, %sign3A_42 : i32
    %ne3A = arith.cmpi ne, %sign3A_36, %sign3A_43 : i32
    %rem3A = arith.remsi %select_n3A_15, %jit3A : i32
    %ne3A_44 = arith.constant 0 : i32
    %ne3A_45 = arith.cmpi ne, %rem3A, %ne3A_44 : i32
    %and3A = arith.andi %ne3A, %ne3A_45 : i1
    %sub3A = arith.constant 1 : i32
    %sub3A_46 = arith.subi %div3A, %sub3A : i32
    %select_n3A_47 = arith.select %and3A, %sub3A_46, %div3A : i32
    %while3A = arith.constant 0 : i32
    %while3A_48 = arith.constant 0 : i32
    %while3A_49 = arith.subi %select_n3A_47, %while3A_48 : i32
    %while3A_50 = arith.addi %while3A_48, %while3A_49 : i32
    %while3A_51 = arith.constant 1 : i32
    %while3A_52 = arith.divsi %while3A_49, %while3A_51 : i32
    %while3A_53 = arith.muli %while3A_52, %while3A_51 : i32
    %while3A_54 = arith.addi %while3A_48, %while3A_53 : i32
    %while3A_55 = arith.constant 1 : i32
    scf.for %while3A_93 = %while3A_48 to %while3A_54 step %while3A_55  : i32 {
      %mul3A_94 = arith.constant 2 : i32
      %mul3A_95 = arith.muli %mul3A_94, %while3A_93 : i32
      %add3A_96 = arith.constant 1 : i32
      %add3A_97 = arith.addi %mul3A_95, %add3A_96 : i32
      %add3A_98 = arith.addi %select_n3A_24, %add3A_97 : i32
      %mul3A_99 = arith.constant 128 : i32
      %mul3A_100 = arith.muli %add3A_98, %mul3A_99 : i32
      "tpu.region"() ({
        %run_scoped3A = tpu.sem_alloc : memref<!tpu.dma_semaphore, #tpu.memory_space<semaphore_mem>>
        %dma_start3A_136 = tpu.memref_slice %arg3[%mul3A_100] : memref<327680xi32, #tpu.memory_space<hbm>> -> memref<128xi32, #tpu.memory_space<hbm>>
        %dma_start3A_137 = tpu.memref_slice %arg3[%mul3A_100] : memref<327680xi32, #tpu.memory_space<hbm>> -> memref<128xi32, #tpu.memory_space<hbm>>
        tpu.enqueue_dma source(%dma_start3A_137 : memref<128xi32, #tpu.memory_space<hbm>>) target(%arg8 : memref<128xi32, #tpu.memory_space<vmem>>) target_semaphore(%run_scoped3A : memref<!tpu.dma_semaphore, #tpu.memory_space<semaphore_mem>>)
        %dma_wait3A_138 = tpu.memref_slice %arg3[%mul3A_100] : memref<327680xi32, #tpu.memory_space<hbm>> -> memref<128xi32, #tpu.memory_space<hbm>>
        %dma_wait3A_139 = tpu.memref_slice %arg3[%mul3A_100] : memref<327680xi32, #tpu.memory_space<hbm>> -> memref<128xi32, #tpu.memory_space<hbm>>
        tpu.wait_dma2 semaphore(%run_scoped3A : memref<!tpu.dma_semaphore, #tpu.memory_space<semaphore_mem>>) src(%dma_wait3A_139 : memref<128xi32, #tpu.memory_space<hbm>>) dst(%arg8 : memref<128xi32, #tpu.memory_space<vmem>>)
        tpu.yield
      }) : () -> ()
      "tpu.region"() ({
        %run_scoped3A = tpu.sem_alloc : memref<!tpu.dma_semaphore, #tpu.memory_space<semaphore_mem>>
        %dma_start3A_136 = tpu.memref_slice %arg4[%mul3A_100] : memref<327680xi32, #tpu.memory_space<hbm>> -> memref<128xi32, #tpu.memory_space<hbm>>
        %dma_start3A_137 = tpu.memref_slice %arg4[%mul3A_100] : memref<327680xi32, #tpu.memory_space<hbm>> -> memref<128xi32, #tpu.memory_space<hbm>>
        tpu.enqueue_dma source(%dma_start3A_137 : memref<128xi32, #tpu.memory_space<hbm>>) target(%arg10 : memref<128xi32, #tpu.memory_space<vmem>>) target_semaphore(%run_scoped3A : memref<!tpu.dma_semaphore, #tpu.memory_space<semaphore_mem>>)
        %dma_wait3A_138 = tpu.memref_slice %arg4[%mul3A_100] : memref<327680xi32, #tpu.memory_space<hbm>> -> memref<128xi32, #tpu.memory_space<hbm>>
        %dma_wait3A_139 = tpu.memref_slice %arg4[%mul3A_100] : memref<327680xi32, #tpu.memory_space<hbm>> -> memref<128xi32, #tpu.memory_space<hbm>>
        tpu.wait_dma2 semaphore(%run_scoped3A : memref<!tpu.dma_semaphore, #tpu.memory_space<semaphore_mem>>) src(%dma_wait3A_139 : memref<128xi32, #tpu.memory_space<hbm>>) dst(%arg10 : memref<128xi32, #tpu.memory_space<vmem>>)
        tpu.yield
      }) : () -> ()
      %dma_start3A_101 = arith.constant 0 : i32
      %dma_start3A_102 = arith.constant 0 : i32
      %dma_start3A_103 = tpu.memref_slice %arg2[%dma_start3A_101, %dma_start3A_102] : memref<10240x128xf32, #tpu.memory_space<hbm>> -> memref<10240x128xf32, #tpu.memory_space<hbm>>
      tpu.enqueue_indirect_dma source(%dma_start3A_103 : memref<10240x128xf32, #tpu.memory_space<hbm>>) target(%arg12 : memref<128x128xf32, #tpu.memory_space<vmem>>) offsets(%arg8 : memref<128xi32, #tpu.memory_space<vmem>>) semaphore(%arg15 : memref<!tpu.dma_semaphore, #tpu.memory_space<semaphore_mem>>)
      %dma_wait3A = arith.constant 0 : i32
      %dma_wait3A_104 = arith.constant 0 : i32
      %dma_wait3A_105 = tpu.memref_slice %arg2[%dma_wait3A, %dma_wait3A_104] : memref<10240x128xf32, #tpu.memory_space<hbm>> -> memref<10240x128xf32, #tpu.memory_space<hbm>>
      tpu.wait_indirect_dma semaphore(%arg14 : memref<!tpu.dma_semaphore, #tpu.memory_space<semaphore_mem>>) src(%dma_wait3A_105 : memref<10240x128xf32, #tpu.memory_space<hbm>>) dst(%arg11 : memref<128x128xf32, #tpu.memory_space<vmem>>)
      "tpu.region"() ({
        %run_scoped3A = tpu.sem_alloc : memref<!tpu.dma_semaphore, #tpu.memory_space<semaphore_mem>>
        %dma_start3A_136 = arith.constant 0 : i32
        %dma_start3A_137 = arith.constant 0 : i32
        %dma_start3A_138 = tpu.memref_slice %arg13[%dma_start3A_136, %dma_start3A_137] : memref<10240x128xf32, #tpu.memory_space<vmem_shared>> -> memref<10240x128xf32, #tpu.memory_space<vmem_shared>>
        tpu.enqueue_indirect_dma source(%arg11 : memref<128x128xf32, #tpu.memory_space<vmem>>) target(%dma_start3A_138 : memref<10240x128xf32, #tpu.memory_space<vmem_shared>>) offsets(%arg9 : memref<128xi32, #tpu.memory_space<vmem>>) semaphore(%run_scoped3A : memref<!tpu.dma_semaphore, #tpu.memory_space<semaphore_mem>>) {add = true}
        %dma_wait3A_139 = arith.constant 0 : i32
        %dma_wait3A_140 = arith.constant 0 : i32
        %dma_wait3A_141 = tpu.memref_slice %arg13[%dma_wait3A_139, %dma_wait3A_140] : memref<10240x128xf32, #tpu.memory_space<vmem_shared>> -> memref<10240x128xf32, #tpu.memory_space<vmem_shared>>
        tpu.wait_indirect_dma semaphore(%run_scoped3A : memref<!tpu.dma_semaphore, #tpu.memory_space<semaphore_mem>>) src(%arg11 : memref<128x128xf32, #tpu.memory_space<vmem>>) dst(%dma_wait3A_141 : memref<10240x128xf32, #tpu.memory_space<vmem_shared>>)
        tpu.yield
      }) : () -> ()
      %jit3A_106 = arith.constant 2 : i32
      %div3A_107 = arith.divsi %select_n3A_15, %jit3A_106 : i32
      %sign3A_108 = arith.constant 0 : i32
      %sign3A_109 = arith.cmpi sgt, %select_n3A_15, %sign3A_108 : i32
      %sign3A_110 = arith.extui %sign3A_109 : i1 to i32
      %sign3A_111 = arith.constant 0 : i32
      %sign3A_112 = arith.cmpi slt, %select_n3A_15, %sign3A_111 : i32
      %sign3A_113 = arith.extui %sign3A_112 : i1 to i32
      %sign3A_114 = arith.subi %sign3A_110, %sign3A_113 : i32
      %sign3A_115 = arith.constant 0 : i32
      %sign3A_116 = arith.cmpi sgt, %jit3A_106, %sign3A_115 : i32
      %sign3A_117 = arith.extui %sign3A_116 : i1 to i32
      %sign3A_118 = arith.constant 0 : i32
      %sign3A_119 = arith.cmpi slt, %jit3A_106, %sign3A_118 : i32
      %sign3A_120 = arith.extui %sign3A_119 : i1 to i32
      %sign3A_121 = arith.subi %sign3A_117, %sign3A_120 : i32
      %ne3A_122 = arith.cmpi ne, %sign3A_114, %sign3A_121 : i32
      %rem3A_123 = arith.remsi %select_n3A_15, %jit3A_106 : i32
      %ne3A_124 = arith.constant 0 : i32
      %ne3A_125 = arith.cmpi ne, %rem3A_123, %ne3A_124 : i32
      %and3A_126 = arith.andi %ne3A_122, %ne3A_125 : i1
      %sub3A_127 = arith.constant 1 : i32
      %sub3A_128 = arith.subi %div3A_107, %sub3A_127 : i32
      %select_n3A_129 = arith.select %and3A_126, %sub3A_128, %div3A_107 : i32
      %sub3A_130 = arith.constant 1 : i32
      %sub3A_131 = arith.subi %select_n3A_129, %sub3A_130 : i32
      %lt3A = arith.cmpi slt, %while3A_93, %sub3A_131 : i32
      %convert_element_type3A = arith.extui %lt3A : i1 to i32
      %cond3A = arith.constant 0 : i32
      %cond3A_132 = arith.cmpi ne, %convert_element_type3A, %cond3A : i32
      scf.if %cond3A_132 {
        %mul3A_136 = arith.constant 2 : i32
        %mul3A_137 = arith.muli %mul3A_136, %while3A_93 : i32
        %add3A_138 = arith.constant 2 : i32
        %add3A_139 = arith.addi %mul3A_137, %add3A_138 : i32
        %add3A_140 = arith.addi %select_n3A_24, %add3A_139 : i32
        %mul3A_141 = arith.constant 128 : i32
        %mul3A_142 = arith.muli %add3A_140, %mul3A_141 : i32
        "tpu.region"() ({
          %run_scoped3A = tpu.sem_alloc : memref<!tpu.dma_semaphore, #tpu.memory_space<semaphore_mem>>
          %dma_start3A_146 = tpu.memref_slice %arg3[%mul3A_142] : memref<327680xi32, #tpu.memory_space<hbm>> -> memref<128xi32, #tpu.memory_space<hbm>>
          %dma_start3A_147 = tpu.memref_slice %arg3[%mul3A_142] : memref<327680xi32, #tpu.memory_space<hbm>> -> memref<128xi32, #tpu.memory_space<hbm>>
          tpu.enqueue_dma source(%dma_start3A_147 : memref<128xi32, #tpu.memory_space<hbm>>) target(%arg7 : memref<128xi32, #tpu.memory_space<vmem>>) target_semaphore(%run_scoped3A : memref<!tpu.dma_semaphore, #tpu.memory_space<semaphore_mem>>)
          %dma_wait3A_148 = tpu.memref_slice %arg3[%mul3A_142] : memref<327680xi32, #tpu.memory_space<hbm>> -> memref<128xi32, #tpu.memory_space<hbm>>
          %dma_wait3A_149 = tpu.memref_slice %arg3[%mul3A_142] : memref<327680xi32, #tpu.memory_space<hbm>> -> memref<128xi32, #tpu.memory_space<hbm>>
          tpu.wait_dma2 semaphore(%run_scoped3A : memref<!tpu.dma_semaphore, #tpu.memory_space<semaphore_mem>>) src(%dma_wait3A_149 : memref<128xi32, #tpu.memory_space<hbm>>) dst(%arg7 : memref<128xi32, #tpu.memory_space<vmem>>)
          tpu.yield
        }) : () -> ()
        "tpu.region"() ({
          %run_scoped3A = tpu.sem_alloc : memref<!tpu.dma_semaphore, #tpu.memory_space<semaphore_mem>>
          %dma_start3A_146 = tpu.memref_slice %arg4[%mul3A_142] : memref<327680xi32, #tpu.memory_space<hbm>> -> memref<128xi32, #tpu.memory_space<hbm>>
          %dma_start3A_147 = tpu.memref_slice %arg4[%mul3A_142] : memref<327680xi32, #tpu.memory_space<hbm>> -> memref<128xi32, #tpu.memory_space<hbm>>
          tpu.enqueue_dma source(%dma_start3A_147 : memref<128xi32, #tpu.memory_space<hbm>>) target(%arg9 : memref<128xi32, #tpu.memory_space<vmem>>) target_semaphore(%run_scoped3A : memref<!tpu.dma_semaphore, #tpu.memory_space<semaphore_mem>>)
          %dma_wait3A_148 = tpu.memref_slice %arg4[%mul3A_142] : memref<327680xi32, #tpu.memory_space<hbm>> -> memref<128xi32, #tpu.memory_space<hbm>>
          %dma_wait3A_149 = tpu.memref_slice %arg4[%mul3A_142] : memref<327680xi32, #tpu.memory_space<hbm>> -> memref<128xi32, #tpu.memory_space<hbm>>
          tpu.wait_dma2 semaphore(%run_scoped3A : memref<!tpu.dma_semaphore, #tpu.memory_space<semaphore_mem>>) src(%dma_wait3A_149 : memref<128xi32, #tpu.memory_space<hbm>>) dst(%arg9 : memref<128xi32, #tpu.memory_space<vmem>>)
          tpu.yield
        }) : () -> ()
        %dma_start3A_143 = arith.constant 0 : i32
        %dma_start3A_144 = arith.constant 0 : i32
        %dma_start3A_145 = tpu.memref_slice %arg2[%dma_start3A_143, %dma_start3A_144] : memref<10240x128xf32, #tpu.memory_space<hbm>> -> memref<10240x128xf32, #tpu.memory_space<hbm>>
        tpu.enqueue_indirect_dma source(%dma_start3A_145 : memref<10240x128xf32, #tpu.memory_space<hbm>>) target(%arg11 : memref<128x128xf32, #tpu.memory_space<vmem>>) offsets(%arg7 : memref<128xi32, #tpu.memory_space<vmem>>) semaphore(%arg14 : memref<!tpu.dma_semaphore, #tpu.memory_space<semaphore_mem>>)
      } else {
      }
      %dma_wait3A_133 = arith.constant 0 : i32
      %dma_wait3A_134 = arith.constant 0 : i32
      %dma_wait3A_135 = tpu.memref_slice %arg2[%dma_wait3A_133, %dma_wait3A_134] : memref<10240x128xf32, #tpu.memory_space<hbm>> -> memref<10240x128xf32, #tpu.memory_space<hbm>>
      tpu.wait_indirect_dma semaphore(%arg15 : memref<!tpu.dma_semaphore, #tpu.memory_space<semaphore_mem>>) src(%dma_wait3A_135 : memref<10240x128xf32, #tpu.memory_space<hbm>>) dst(%arg12 : memref<128x128xf32, #tpu.memory_space<vmem>>)
      "tpu.region"() ({
        %run_scoped3A = tpu.sem_alloc : memref<!tpu.dma_semaphore, #tpu.memory_space<semaphore_mem>>
        %dma_start3A_136 = arith.constant 0 : i32
        %dma_start3A_137 = arith.constant 0 : i32
        %dma_start3A_138 = tpu.memref_slice %arg13[%dma_start3A_136, %dma_start3A_137] : memref<10240x128xf32, #tpu.memory_space<vmem_shared>> -> memref<10240x128xf32, #tpu.memory_space<vmem_shared>>
        tpu.enqueue_indirect_dma source(%arg12 : memref<128x128xf32, #tpu.memory_space<vmem>>) target(%dma_start3A_138 : memref<10240x128xf32, #tpu.memory_space<vmem_shared>>) offsets(%arg10 : memref<128xi32, #tpu.memory_space<vmem>>) semaphore(%run_scoped3A : memref<!tpu.dma_semaphore, #tpu.memory_space<semaphore_mem>>) {add = true}
        %dma_wait3A_139 = arith.constant 0 : i32
        %dma_wait3A_140 = arith.constant 0 : i32
        %dma_wait3A_141 = tpu.memref_slice %arg13[%dma_wait3A_139, %dma_wait3A_140] : memref<10240x128xf32, #tpu.memory_space<vmem_shared>> -> memref<10240x128xf32, #tpu.memory_space<vmem_shared>>
        tpu.wait_indirect_dma semaphore(%run_scoped3A : memref<!tpu.dma_semaphore, #tpu.memory_space<semaphore_mem>>) src(%arg12 : memref<128x128xf32, #tpu.memory_space<vmem>>) dst(%dma_wait3A_141 : memref<10240x128xf32, #tpu.memory_space<vmem_shared>>)
        tpu.yield
      }) : () -> ()
    }
    %while3A_56 = arith.constant 1 : i32
    scf.for %while3A_93 = %while3A_54 to %while3A_50 step %while3A_56  : i32 {
      %mul3A_94 = arith.constant 2 : i32
      %mul3A_95 = arith.muli %mul3A_94, %while3A_93 : i32
      %add3A_96 = arith.constant 1 : i32
      %add3A_97 = arith.addi %mul3A_95, %add3A_96 : i32
      %add3A_98 = arith.addi %select_n3A_24, %add3A_97 : i32
      %mul3A_99 = arith.constant 128 : i32
      %mul3A_100 = arith.muli %add3A_98, %mul3A_99 : i32
      "tpu.region"() ({
        %run_scoped3A = tpu.sem_alloc : memref<!tpu.dma_semaphore, #tpu.memory_space<semaphore_mem>>
        %dma_start3A_136 = tpu.memref_slice %arg3[%mul3A_100] : memref<327680xi32, #tpu.memory_space<hbm>> -> memref<128xi32, #tpu.memory_space<hbm>>
        %dma_start3A_137 = tpu.memref_slice %arg3[%mul3A_100] : memref<327680xi32, #tpu.memory_space<hbm>> -> memref<128xi32, #tpu.memory_space<hbm>>
        tpu.enqueue_dma source(%dma_start3A_137 : memref<128xi32, #tpu.memory_space<hbm>>) target(%arg8 : memref<128xi32, #tpu.memory_space<vmem>>) target_semaphore(%run_scoped3A : memref<!tpu.dma_semaphore, #tpu.memory_space<semaphore_mem>>)
        %dma_wait3A_138 = tpu.memref_slice %arg3[%mul3A_100] : memref<327680xi32, #tpu.memory_space<hbm>> -> memref<128xi32, #tpu.memory_space<hbm>>
        %dma_wait3A_139 = tpu.memref_slice %arg3[%mul3A_100] : memref<327680xi32, #tpu.memory_space<hbm>> -> memref<128xi32, #tpu.memory_space<hbm>>
        tpu.wait_dma2 semaphore(%run_scoped3A : memref<!tpu.dma_semaphore, #tpu.memory_space<semaphore_mem>>) src(%dma_wait3A_139 : memref<128xi32, #tpu.memory_space<hbm>>) dst(%arg8 : memref<128xi32, #tpu.memory_space<vmem>>)
        tpu.yield
      }) : () -> ()
      "tpu.region"() ({
        %run_scoped3A = tpu.sem_alloc : memref<!tpu.dma_semaphore, #tpu.memory_space<semaphore_mem>>
        %dma_start3A_136 = tpu.memref_slice %arg4[%mul3A_100] : memref<327680xi32, #tpu.memory_space<hbm>> -> memref<128xi32, #tpu.memory_space<hbm>>
        %dma_start3A_137 = tpu.memref_slice %arg4[%mul3A_100] : memref<327680xi32, #tpu.memory_space<hbm>> -> memref<128xi32, #tpu.memory_space<hbm>>
        tpu.enqueue_dma source(%dma_start3A_137 : memref<128xi32, #tpu.memory_space<hbm>>) target(%arg10 : memref<128xi32, #tpu.memory_space<vmem>>) target_semaphore(%run_scoped3A : memref<!tpu.dma_semaphore, #tpu.memory_space<semaphore_mem>>)
        %dma_wait3A_138 = tpu.memref_slice %arg4[%mul3A_100] : memref<327680xi32, #tpu.memory_space<hbm>> -> memref<128xi32, #tpu.memory_space<hbm>>
        %dma_wait3A_139 = tpu.memref_slice %arg4[%mul3A_100] : memref<327680xi32, #tpu.memory_space<hbm>> -> memref<128xi32, #tpu.memory_space<hbm>>
        tpu.wait_dma2 semaphore(%run_scoped3A : memref<!tpu.dma_semaphore, #tpu.memory_space<semaphore_mem>>) src(%dma_wait3A_139 : memref<128xi32, #tpu.memory_space<hbm>>) dst(%arg10 : memref<128xi32, #tpu.memory_space<vmem>>)
        tpu.yield
      }) : () -> ()
      %dma_start3A_101 = arith.constant 0 : i32
      %dma_start3A_102 = arith.constant 0 : i32
      %dma_start3A_103 = tpu.memref_slice %arg2[%dma_start3A_101, %dma_start3A_102] : memref<10240x128xf32, #tpu.memory_space<hbm>> -> memref<10240x128xf32, #tpu.memory_space<hbm>>
      tpu.enqueue_indirect_dma source(%dma_start3A_103 : memref<10240x128xf32, #tpu.memory_space<hbm>>) target(%arg12 : memref<128x128xf32, #tpu.memory_space<vmem>>) offsets(%arg8 : memref<128xi32, #tpu.memory_space<vmem>>) semaphore(%arg15 : memref<!tpu.dma_semaphore, #tpu.memory_space<semaphore_mem>>)
      %dma_wait3A = arith.constant 0 : i32
      %dma_wait3A_104 = arith.constant 0 : i32
      %dma_wait3A_105 = tpu.memref_slice %arg2[%dma_wait3A, %dma_wait3A_104] : memref<10240x128xf32, #tpu.memory_space<hbm>> -> memref<10240x128xf32, #tpu.memory_space<hbm>>
      tpu.wait_indirect_dma semaphore(%arg14 : memref<!tpu.dma_semaphore, #tpu.memory_space<semaphore_mem>>) src(%dma_wait3A_105 : memref<10240x128xf32, #tpu.memory_space<hbm>>) dst(%arg11 : memref<128x128xf32, #tpu.memory_space<vmem>>)
      "tpu.region"() ({
        %run_scoped3A = tpu.sem_alloc : memref<!tpu.dma_semaphore, #tpu.memory_space<semaphore_mem>>
        %dma_start3A_136 = arith.constant 0 : i32
        %dma_start3A_137 = arith.constant 0 : i32
        %dma_start3A_138 = tpu.memref_slice %arg13[%dma_start3A_136, %dma_start3A_137] : memref<10240x128xf32, #tpu.memory_space<vmem_shared>> -> memref<10240x128xf32, #tpu.memory_space<vmem_shared>>
        tpu.enqueue_indirect_dma source(%arg11 : memref<128x128xf32, #tpu.memory_space<vmem>>) target(%dma_start3A_138 : memref<10240x128xf32, #tpu.memory_space<vmem_shared>>) offsets(%arg9 : memref<128xi32, #tpu.memory_space<vmem>>) semaphore(%run_scoped3A : memref<!tpu.dma_semaphore, #tpu.memory_space<semaphore_mem>>) {add = true}
        %dma_wait3A_139 = arith.constant 0 : i32
        %dma_wait3A_140 = arith.constant 0 : i32
        %dma_wait3A_141 = tpu.memref_slice %arg13[%dma_wait3A_139, %dma_wait3A_140] : memref<10240x128xf32, #tpu.memory_space<vmem_shared>> -> memref<10240x128xf32, #tpu.memory_space<vmem_shared>>
        tpu.wait_indirect_dma semaphore(%run_scoped3A : memref<!tpu.dma_semaphore, #tpu.memory_space<semaphore_mem>>) src(%arg11 : memref<128x128xf32, #tpu.memory_space<vmem>>) dst(%dma_wait3A_141 : memref<10240x128xf32, #tpu.memory_space<vmem_shared>>)
        tpu.yield
      }) : () -> ()
      %jit3A_106 = arith.constant 2 : i32
      %div3A_107 = arith.divsi %select_n3A_15, %jit3A_106 : i32
      %sign3A_108 = arith.constant 0 : i32
      %sign3A_109 = arith.cmpi sgt, %select_n3A_15, %sign3A_108 : i32
      %sign3A_110 = arith.extui %sign3A_109 : i1 to i32
      %sign3A_111 = arith.constant 0 : i32
      %sign3A_112 = arith.cmpi slt, %select_n3A_15, %sign3A_111 : i32
      %sign3A_113 = arith.extui %sign3A_112 : i1 to i32
      %sign3A_114 = arith.subi %sign3A_110, %sign3A_113 : i32
      %sign3A_115 = arith.constant 0 : i32
      %sign3A_116 = arith.cmpi sgt, %jit3A_106, %sign3A_115 : i32
      %sign3A_117 = arith.extui %sign3A_116 : i1 to i32
      %sign3A_118 = arith.constant 0 : i32
      %sign3A_119 = arith.cmpi slt, %jit3A_106, %sign3A_118 : i32
      %sign3A_120 = arith.extui %sign3A_119 : i1 to i32
      %sign3A_121 = arith.subi %sign3A_117, %sign3A_120 : i32
      %ne3A_122 = arith.cmpi ne, %sign3A_114, %sign3A_121 : i32
      %rem3A_123 = arith.remsi %select_n3A_15, %jit3A_106 : i32
      %ne3A_124 = arith.constant 0 : i32
      %ne3A_125 = arith.cmpi ne, %rem3A_123, %ne3A_124 : i32
      %and3A_126 = arith.andi %ne3A_122, %ne3A_125 : i1
      %sub3A_127 = arith.constant 1 : i32
      %sub3A_128 = arith.subi %div3A_107, %sub3A_127 : i32
      %select_n3A_129 = arith.select %and3A_126, %sub3A_128, %div3A_107 : i32
      %sub3A_130 = arith.constant 1 : i32
      %sub3A_131 = arith.subi %select_n3A_129, %sub3A_130 : i32
      %lt3A = arith.cmpi slt, %while3A_93, %sub3A_131 : i32
      %convert_element_type3A = arith.extui %lt3A : i1 to i32
      %cond3A = arith.constant 0 : i32
      %cond3A_132 = arith.cmpi ne, %convert_element_type3A, %cond3A : i32
      scf.if %cond3A_132 {
        %mul3A_136 = arith.constant 2 : i32
        %mul3A_137 = arith.muli %mul3A_136, %while3A_93 : i32
        %add3A_138 = arith.constant 2 : i32
        %add3A_139 = arith.addi %mul3A_137, %add3A_138 : i32
        %add3A_140 = arith.addi %select_n3A_24, %add3A_139 : i32
        %mul3A_141 = arith.constant 128 : i32
        %mul3A_142 = arith.muli %add3A_140, %mul3A_141 : i32
        "tpu.region"() ({
          %run_scoped3A = tpu.sem_alloc : memref<!tpu.dma_semaphore, #tpu.memory_space<semaphore_mem>>
          %dma_start3A_146 = tpu.memref_slice %arg3[%mul3A_142] : memref<327680xi32, #tpu.memory_space<hbm>> -> memref<128xi32, #tpu.memory_space<hbm>>
          %dma_start3A_147 = tpu.memref_slice %arg3[%mul3A_142] : memref<327680xi32, #tpu.memory_space<hbm>> -> memref<128xi32, #tpu.memory_space<hbm>>
          tpu.enqueue_dma source(%dma_start3A_147 : memref<128xi32, #tpu.memory_space<hbm>>) target(%arg7 : memref<128xi32, #tpu.memory_space<vmem>>) target_semaphore(%run_scoped3A : memref<!tpu.dma_semaphore, #tpu.memory_space<semaphore_mem>>)
          %dma_wait3A_148 = tpu.memref_slice %arg3[%mul3A_142] : memref<327680xi32, #tpu.memory_space<hbm>> -> memref<128xi32, #tpu.memory_space<hbm>>
          %dma_wait3A_149 = tpu.memref_slice %arg3[%mul3A_142] : memref<327680xi32, #tpu.memory_space<hbm>> -> memref<128xi32, #tpu.memory_space<hbm>>
          tpu.wait_dma2 semaphore(%run_scoped3A : memref<!tpu.dma_semaphore, #tpu.memory_space<semaphore_mem>>) src(%dma_wait3A_149 : memref<128xi32, #tpu.memory_space<hbm>>) dst(%arg7 : memref<128xi32, #tpu.memory_space<vmem>>)
          tpu.yield
        }) : () -> ()
        "tpu.region"() ({
          %run_scoped3A = tpu.sem_alloc : memref<!tpu.dma_semaphore, #tpu.memory_space<semaphore_mem>>
          %dma_start3A_146 = tpu.memref_slice %arg4[%mul3A_142] : memref<327680xi32, #tpu.memory_space<hbm>> -> memref<128xi32, #tpu.memory_space<hbm>>
          %dma_start3A_147 = tpu.memref_slice %arg4[%mul3A_142] : memref<327680xi32, #tpu.memory_space<hbm>> -> memref<128xi32, #tpu.memory_space<hbm>>
          tpu.enqueue_dma source(%dma_start3A_147 : memref<128xi32, #tpu.memory_space<hbm>>) target(%arg9 : memref<128xi32, #tpu.memory_space<vmem>>) target_semaphore(%run_scoped3A : memref<!tpu.dma_semaphore, #tpu.memory_space<semaphore_mem>>)
          %dma_wait3A_148 = tpu.memref_slice %arg4[%mul3A_142] : memref<327680xi32, #tpu.memory_space<hbm>> -> memref<128xi32, #tpu.memory_space<hbm>>
          %dma_wait3A_149 = tpu.memref_slice %arg4[%mul3A_142] : memref<327680xi32, #tpu.memory_space<hbm>> -> memref<128xi32, #tpu.memory_space<hbm>>
          tpu.wait_dma2 semaphore(%run_scoped3A : memref<!tpu.dma_semaphore, #tpu.memory_space<semaphore_mem>>) src(%dma_wait3A_149 : memref<128xi32, #tpu.memory_space<hbm>>) dst(%arg9 : memref<128xi32, #tpu.memory_space<vmem>>)
          tpu.yield
        }) : () -> ()
        %dma_start3A_143 = arith.constant 0 : i32
        %dma_start3A_144 = arith.constant 0 : i32
        %dma_start3A_145 = tpu.memref_slice %arg2[%dma_start3A_143, %dma_start3A_144] : memref<10240x128xf32, #tpu.memory_space<hbm>> -> memref<10240x128xf32, #tpu.memory_space<hbm>>
        tpu.enqueue_indirect_dma source(%dma_start3A_145 : memref<10240x128xf32, #tpu.memory_space<hbm>>) target(%arg11 : memref<128x128xf32, #tpu.memory_space<vmem>>) offsets(%arg7 : memref<128xi32, #tpu.memory_space<vmem>>) semaphore(%arg14 : memref<!tpu.dma_semaphore, #tpu.memory_space<semaphore_mem>>)
      } else {
      }
      %dma_wait3A_133 = arith.constant 0 : i32
      %dma_wait3A_134 = arith.constant 0 : i32
      %dma_wait3A_135 = tpu.memref_slice %arg2[%dma_wait3A_133, %dma_wait3A_134] : memref<10240x128xf32, #tpu.memory_space<hbm>> -> memref<10240x128xf32, #tpu.memory_space<hbm>>
      tpu.wait_indirect_dma semaphore(%arg15 : memref<!tpu.dma_semaphore, #tpu.memory_space<semaphore_mem>>) src(%dma_wait3A_135 : memref<10240x128xf32, #tpu.memory_space<hbm>>) dst(%arg12 : memref<128x128xf32, #tpu.memory_space<vmem>>)
      "tpu.region"() ({
        %run_scoped3A = tpu.sem_alloc : memref<!tpu.dma_semaphore, #tpu.memory_space<semaphore_mem>>
        %dma_start3A_136 = arith.constant 0 : i32
        %dma_start3A_137 = arith.constant 0 : i32
        %dma_start3A_138 = tpu.memref_slice %arg13[%dma_start3A_136, %dma_start3A_137] : memref<10240x128xf32, #tpu.memory_space<vmem_shared>> -> memref<10240x128xf32, #tpu.memory_space<vmem_shared>>
        tpu.enqueue_indirect_dma source(%arg12 : memref<128x128xf32, #tpu.memory_space<vmem>>) target(%dma_start3A_138 : memref<10240x128xf32, #tpu.memory_space<vmem_shared>>) offsets(%arg10 : memref<128xi32, #tpu.memory_space<vmem>>) semaphore(%run_scoped3A : memref<!tpu.dma_semaphore, #tpu.memory_space<semaphore_mem>>) {add = true}
        %dma_wait3A_139 = arith.constant 0 : i32
        %dma_wait3A_140 = arith.constant 0 : i32
        %dma_wait3A_141 = tpu.memref_slice %arg13[%dma_wait3A_139, %dma_wait3A_140] : memref<10240x128xf32, #tpu.memory_space<vmem_shared>> -> memref<10240x128xf32, #tpu.memory_space<vmem_shared>>
        tpu.wait_indirect_dma semaphore(%run_scoped3A : memref<!tpu.dma_semaphore, #tpu.memory_space<semaphore_mem>>) src(%arg12 : memref<128x128xf32, #tpu.memory_space<vmem>>) dst(%dma_wait3A_141 : memref<10240x128xf32, #tpu.memory_space<vmem_shared>>)
        tpu.yield
      }) : () -> ()
    }
    %barrier3A_57 = arith.constant 0 : index
    tpu.barrier barrier_id(%barrier3A_57)
    %add3A_58 = arith.constant 0 : i32
    %add3A_59 = arith.addi %mul3A_2, %add3A_58 : i32
    "tpu.region"() ({
      %run_scoped3A = tpu.sem_alloc : memref<!tpu.dma_semaphore, #tpu.memory_space<semaphore_mem>>
      %dma_start3A_93 = arith.constant 0 : i32
      %dma_start3A_94 = tpu.memref_slice %arg13[%add3A_59, %dma_start3A_93] : memref<10240x128xf32, #tpu.memory_space<vmem_shared>> -> memref<128x128xf32, #tpu.memory_space<vmem_shared>>
      %dma_start3A_95 = arith.constant 0 : i32
      %dma_start3A_96 = tpu.memref_slice %arg13[%add3A_59, %dma_start3A_95] : memref<10240x128xf32, #tpu.memory_space<vmem_shared>> -> memref<128x128xf32, #tpu.memory_space<vmem_shared>>
      tpu.enqueue_dma source(%dma_start3A_96 : memref<128x128xf32, #tpu.memory_space<vmem_shared>>) target(%arg11 : memref<128x128xf32, #tpu.memory_space<vmem>>) target_semaphore(%run_scoped3A : memref<!tpu.dma_semaphore, #tpu.memory_space<semaphore_mem>>)
      %dma_wait3A = arith.constant 0 : i32
      %dma_wait3A_97 = tpu.memref_slice %arg13[%add3A_59, %dma_wait3A] : memref<10240x128xf32, #tpu.memory_space<vmem_shared>> -> memref<128x128xf32, #tpu.memory_space<vmem_shared>>
      %dma_wait3A_98 = arith.constant 0 : i32
      %dma_wait3A_99 = tpu.memref_slice %arg13[%add3A_59, %dma_wait3A_98] : memref<10240x128xf32, #tpu.memory_space<vmem_shared>> -> memref<128x128xf32, #tpu.memory_space<vmem_shared>>
      tpu.wait_dma2 semaphore(%run_scoped3A : memref<!tpu.dma_semaphore, #tpu.memory_space<semaphore_mem>>) src(%dma_wait3A_99 : memref<128x128xf32, #tpu.memory_space<vmem_shared>>) dst(%arg11 : memref<128x128xf32, #tpu.memory_space<vmem>>)
      tpu.yield
    }) : () -> ()
    %mul3A_60 = arith.constant 10240 : i32
    %mul3A_61 = arith.muli %arg0, %mul3A_60 : i32
    %add3A_62 = arith.addi %mul3A_61, %mul3A_2 : i32
    %add3A_63 = arith.constant 0 : i32
    %add3A_64 = arith.addi %add3A_62, %add3A_63 : i32
    "tpu.region"() ({
      %run_scoped3A = tpu.sem_alloc : memref<!tpu.dma_semaphore, #tpu.memory_space<semaphore_mem>>
      %dma_start3A_93 = arith.constant 0 : i32
      %dma_start3A_94 = tpu.memref_slice %arg6[%add3A_64, %dma_start3A_93] : memref<20480x128xf32, #tpu.memory_space<hbm>> -> memref<128x128xf32, #tpu.memory_space<hbm>>
      %dma_start3A_95 = arith.constant 0 : i32
      %dma_start3A_96 = tpu.memref_slice %arg6[%add3A_64, %dma_start3A_95] : memref<20480x128xf32, #tpu.memory_space<hbm>> -> memref<128x128xf32, #tpu.memory_space<hbm>>
      tpu.enqueue_dma source(%arg11 : memref<128x128xf32, #tpu.memory_space<vmem>>) target(%dma_start3A_96 : memref<128x128xf32, #tpu.memory_space<hbm>>) target_semaphore(%run_scoped3A : memref<!tpu.dma_semaphore, #tpu.memory_space<semaphore_mem>>)
      %dma_wait3A = arith.constant 0 : i32
      %dma_wait3A_97 = tpu.memref_slice %arg6[%add3A_64, %dma_wait3A] : memref<20480x128xf32, #tpu.memory_space<hbm>> -> memref<128x128xf32, #tpu.memory_space<hbm>>
      %dma_wait3A_98 = arith.constant 0 : i32
      %dma_wait3A_99 = tpu.memref_slice %arg6[%add3A_64, %dma_wait3A_98] : memref<20480x128xf32, #tpu.memory_space<hbm>> -> memref<128x128xf32, #tpu.memory_space<hbm>>
      tpu.wait_dma2 semaphore(%run_scoped3A : memref<!tpu.dma_semaphore, #tpu.memory_space<semaphore_mem>>) src(%arg11 : memref<128x128xf32, #tpu.memory_space<vmem>>) dst(%dma_wait3A_99 : memref<128x128xf32, #tpu.memory_space<hbm>>)
      tpu.yield
    }) : () -> ()
    %add3A_65 = arith.constant 128 : i32
    %add3A_66 = arith.addi %mul3A_2, %add3A_65 : i32
    "tpu.region"() ({
      %run_scoped3A = tpu.sem_alloc : memref<!tpu.dma_semaphore, #tpu.memory_space<semaphore_mem>>
      %dma_start3A_93 = arith.constant 0 : i32
      %dma_start3A_94 = tpu.memref_slice %arg13[%add3A_66, %dma_start3A_93] : memref<10240x128xf32, #tpu.memory_space<vmem_shared>> -> memref<128x128xf32, #tpu.memory_space<vmem_shared>>
      %dma_start3A_95 = arith.constant 0 : i32
      %dma_start3A_96 = tpu.memref_slice %arg13[%add3A_66, %dma_start3A_95] : memref<10240x128xf32, #tpu.memory_space<vmem_shared>> -> memref<128x128xf32, #tpu.memory_space<vmem_shared>>
      tpu.enqueue_dma source(%dma_start3A_96 : memref<128x128xf32, #tpu.memory_space<vmem_shared>>) target(%arg11 : memref<128x128xf32, #tpu.memory_space<vmem>>) target_semaphore(%run_scoped3A : memref<!tpu.dma_semaphore, #tpu.memory_space<semaphore_mem>>)
      %dma_wait3A = arith.constant 0 : i32
      %dma_wait3A_97 = tpu.memref_slice %arg13[%add3A_66, %dma_wait3A] : memref<10240x128xf32, #tpu.memory_space<vmem_shared>> -> memref<128x128xf32, #tpu.memory_space<vmem_shared>>
      %dma_wait3A_98 = arith.constant 0 : i32
      %dma_wait3A_99 = tpu.memref_slice %arg13[%add3A_66, %dma_wait3A_98] : memref<10240x128xf32, #tpu.memory_space<vmem_shared>> -> memref<128x128xf32, #tpu.memory_space<vmem_shared>>
      tpu.wait_dma2 semaphore(%run_scoped3A : memref<!tpu.dma_semaphore, #tpu.memory_space<semaphore_mem>>) src(%dma_wait3A_99 : memref<128x128xf32, #tpu.memory_space<vmem_shared>>) dst(%arg11 : memref<128x128xf32, #tpu.memory_space<vmem>>)
      tpu.yield
    }) : () -> ()
    %mul3A_67 = arith.constant 10240 : i32
    %mul3A_68 = arith.muli %arg0, %mul3A_67 : i32
    %add3A_69 = arith.addi %mul3A_68, %mul3A_2 : i32
    %add3A_70 = arith.constant 128 : i32
    %add3A_71 = arith.addi %add3A_69, %add3A_70 : i32
    "tpu.region"() ({
      %run_scoped3A = tpu.sem_alloc : memref<!tpu.dma_semaphore, #tpu.memory_space<semaphore_mem>>
      %dma_start3A_93 = arith.constant 0 : i32
      %dma_start3A_94 = tpu.memref_slice %arg6[%add3A_71, %dma_start3A_93] : memref<20480x128xf32, #tpu.memory_space<hbm>> -> memref<128x128xf32, #tpu.memory_space<hbm>>
      %dma_start3A_95 = arith.constant 0 : i32
      %dma_start3A_96 = tpu.memref_slice %arg6[%add3A_71, %dma_start3A_95] : memref<20480x128xf32, #tpu.memory_space<hbm>> -> memref<128x128xf32, #tpu.memory_space<hbm>>
      tpu.enqueue_dma source(%arg11 : memref<128x128xf32, #tpu.memory_space<vmem>>) target(%dma_start3A_96 : memref<128x128xf32, #tpu.memory_space<hbm>>) target_semaphore(%run_scoped3A : memref<!tpu.dma_semaphore, #tpu.memory_space<semaphore_mem>>)
      %dma_wait3A = arith.constant 0 : i32
      %dma_wait3A_97 = tpu.memref_slice %arg6[%add3A_71, %dma_wait3A] : memref<20480x128xf32, #tpu.memory_space<hbm>> -> memref<128x128xf32, #tpu.memory_space<hbm>>
      %dma_wait3A_98 = arith.constant 0 : i32
      %dma_wait3A_99 = tpu.memref_slice %arg6[%add3A_71, %dma_wait3A_98] : memref<20480x128xf32, #tpu.memory_space<hbm>> -> memref<128x128xf32, #tpu.memory_space<hbm>>
      tpu.wait_dma2 semaphore(%run_scoped3A : memref<!tpu.dma_semaphore, #tpu.memory_space<semaphore_mem>>) src(%arg11 : memref<128x128xf32, #tpu.memory_space<vmem>>) dst(%dma_wait3A_99 : memref<128x128xf32, #tpu.memory_space<hbm>>)
      tpu.yield
    }) : () -> ()
    %add3A_72 = arith.constant 256 : i32
    %add3A_73 = arith.addi %mul3A_2, %add3A_72 : i32
    "tpu.region"() ({
      %run_scoped3A = tpu.sem_alloc : memref<!tpu.dma_semaphore, #tpu.memory_space<semaphore_mem>>
      %dma_start3A_93 = arith.constant 0 : i32
      %dma_start3A_94 = tpu.memref_slice %arg13[%add3A_73, %dma_start3A_93] : memref<10240x128xf32, #tpu.memory_space<vmem_shared>> -> memref<128x128xf32, #tpu.memory_space<vmem_shared>>
      %dma_start3A_95 = arith.constant 0 : i32
      %dma_start3A_96 = tpu.memref_slice %arg13[%add3A_73, %dma_start3A_95] : memref<10240x128xf32, #tpu.memory_space<vmem_shared>> -> memref<128x128xf32, #tpu.memory_space<vmem_shared>>
      tpu.enqueue_dma source(%dma_start3A_96 : memref<128x128xf32, #tpu.memory_space<vmem_shared>>) target(%arg11 : memref<128x128xf32, #tpu.memory_space<vmem>>) target_semaphore(%run_scoped3A : memref<!tpu.dma_semaphore, #tpu.memory_space<semaphore_mem>>)
      %dma_wait3A = arith.constant 0 : i32
      %dma_wait3A_97 = tpu.memref_slice %arg13[%add3A_73, %dma_wait3A] : memref<10240x128xf32, #tpu.memory_space<vmem_shared>> -> memref<128x128xf32, #tpu.memory_space<vmem_shared>>
      %dma_wait3A_98 = arith.constant 0 : i32
      %dma_wait3A_99 = tpu.memref_slice %arg13[%add3A_73, %dma_wait3A_98] : memref<10240x128xf32, #tpu.memory_space<vmem_shared>> -> memref<128x128xf32, #tpu.memory_space<vmem_shared>>
      tpu.wait_dma2 semaphore(%run_scoped3A : memref<!tpu.dma_semaphore, #tpu.memory_space<semaphore_mem>>) src(%dma_wait3A_99 : memref<128x128xf32, #tpu.memory_space<vmem_shared>>) dst(%arg11 : memref<128x128xf32, #tpu.memory_space<vmem>>)
      tpu.yield
    }) : () -> ()
    %mul3A_74 = arith.constant 10240 : i32
    %mul3A_75 = arith.muli %arg0, %mul3A_74 : i32
    %add3A_76 = arith.addi %mul3A_75, %mul3A_2 : i32
    %add3A_77 = arith.constant 256 : i32
    %add3A_78 = arith.addi %add3A_76, %add3A_77 : i32
    "tpu.region"() ({
      %run_scoped3A = tpu.sem_alloc : memref<!tpu.dma_semaphore, #tpu.memory_space<semaphore_mem>>
      %dma_start3A_93 = arith.constant 0 : i32
      %dma_start3A_94 = tpu.memref_slice %arg6[%add3A_78, %dma_start3A_93] : memref<20480x128xf32, #tpu.memory_space<hbm>> -> memref<128x128xf32, #tpu.memory_space<hbm>>
      %dma_start3A_95 = arith.constant 0 : i32
      %dma_start3A_96 = tpu.memref_slice %arg6[%add3A_78, %dma_start3A_95] : memref<20480x128xf32, #tpu.memory_space<hbm>> -> memref<128x128xf32, #tpu.memory_space<hbm>>
      tpu.enqueue_dma source(%arg11 : memref<128x128xf32, #tpu.memory_space<vmem>>) target(%dma_start3A_96 : memref<128x128xf32, #tpu.memory_space<hbm>>) target_semaphore(%run_scoped3A : memref<!tpu.dma_semaphore, #tpu.memory_space<semaphore_mem>>)
      %dma_wait3A = arith.constant 0 : i32
      %dma_wait3A_97 = tpu.memref_slice %arg6[%add3A_78, %dma_wait3A] : memref<20480x128xf32, #tpu.memory_space<hbm>> -> memref<128x128xf32, #tpu.memory_space<hbm>>
      %dma_wait3A_98 = arith.constant 0 : i32
      %dma_wait3A_99 = tpu.memref_slice %arg6[%add3A_78, %dma_wait3A_98] : memref<20480x128xf32, #tpu.memory_space<hbm>> -> memref<128x128xf32, #tpu.memory_space<hbm>>
      tpu.wait_dma2 semaphore(%run_scoped3A : memref<!tpu.dma_semaphore, #tpu.memory_space<semaphore_mem>>) src(%arg11 : memref<128x128xf32, #tpu.memory_space<vmem>>) dst(%dma_wait3A_99 : memref<128x128xf32, #tpu.memory_space<hbm>>)
      tpu.yield
    }) : () -> ()
    %add3A_79 = arith.constant 384 : i32
    %add3A_80 = arith.addi %mul3A_2, %add3A_79 : i32
    "tpu.region"() ({
      %run_scoped3A = tpu.sem_alloc : memref<!tpu.dma_semaphore, #tpu.memory_space<semaphore_mem>>
      %dma_start3A_93 = arith.constant 0 : i32
      %dma_start3A_94 = tpu.memref_slice %arg13[%add3A_80, %dma_start3A_93] : memref<10240x128xf32, #tpu.memory_space<vmem_shared>> -> memref<128x128xf32, #tpu.memory_space<vmem_shared>>
      %dma_start3A_95 = arith.constant 0 : i32
      %dma_start3A_96 = tpu.memref_slice %arg13[%add3A_80, %dma_start3A_95] : memref<10240x128xf32, #tpu.memory_space<vmem_shared>> -> memref<128x128xf32, #tpu.memory_space<vmem_shared>>
      tpu.enqueue_dma source(%dma_start3A_96 : memref<128x128xf32, #tpu.memory_space<vmem_shared>>) target(%arg11 : memref<128x128xf32, #tpu.memory_space<vmem>>) target_semaphore(%run_scoped3A : memref<!tpu.dma_semaphore, #tpu.memory_space<semaphore_mem>>)
      %dma_wait3A = arith.constant 0 : i32
      %dma_wait3A_97 = tpu.memref_slice %arg13[%add3A_80, %dma_wait3A] : memref<10240x128xf32, #tpu.memory_space<vmem_shared>> -> memref<128x128xf32, #tpu.memory_space<vmem_shared>>
      %dma_wait3A_98 = arith.constant 0 : i32
      %dma_wait3A_99 = tpu.memref_slice %arg13[%add3A_80, %dma_wait3A_98] : memref<10240x128xf32, #tpu.memory_space<vmem_shared>> -> memref<128x128xf32, #tpu.memory_space<vmem_shared>>
      tpu.wait_dma2 semaphore(%run_scoped3A : memref<!tpu.dma_semaphore, #tpu.memory_space<semaphore_mem>>) src(%dma_wait3A_99 : memref<128x128xf32, #tpu.memory_space<vmem_shared>>) dst(%arg11 : memref<128x128xf32, #tpu.memory_space<vmem>>)
      tpu.yield
    }) : () -> ()
    %mul3A_81 = arith.constant 10240 : i32
    %mul3A_82 = arith.muli %arg0, %mul3A_81 : i32
    %add3A_83 = arith.addi %mul3A_82, %mul3A_2 : i32
    %add3A_84 = arith.constant 384 : i32
    %add3A_85 = arith.addi %add3A_83, %add3A_84 : i32
    "tpu.region"() ({
      %run_scoped3A = tpu.sem_alloc : memref<!tpu.dma_semaphore, #tpu.memory_space<semaphore_mem>>
      %dma_start3A_93 = arith.constant 0 : i32
      %dma_start3A_94 = tpu.memref_slice %arg6[%add3A_85, %dma_start3A_93] : memref<20480x128xf32, #tpu.memory_space<hbm>> -> memref<128x128xf32, #tpu.memory_space<hbm>>
      %dma_start3A_95 = arith.constant 0 : i32
      %dma_start3A_96 = tpu.memref_slice %arg6[%add3A_85, %dma_start3A_95] : memref<20480x128xf32, #tpu.memory_space<hbm>> -> memref<128x128xf32, #tpu.memory_space<hbm>>
      tpu.enqueue_dma source(%arg11 : memref<128x128xf32, #tpu.memory_space<vmem>>) target(%dma_start3A_96 : memref<128x128xf32, #tpu.memory_space<hbm>>) target_semaphore(%run_scoped3A : memref<!tpu.dma_semaphore, #tpu.memory_space<semaphore_mem>>)
      %dma_wait3A = arith.constant 0 : i32
      %dma_wait3A_97 = tpu.memref_slice %arg6[%add3A_85, %dma_wait3A] : memref<20480x128xf32, #tpu.memory_space<hbm>> -> memref<128x128xf32, #tpu.memory_space<hbm>>
      %dma_wait3A_98 = arith.constant 0 : i32
      %dma_wait3A_99 = tpu.memref_slice %arg6[%add3A_85, %dma_wait3A_98] : memref<20480x128xf32, #tpu.memory_space<hbm>> -> memref<128x128xf32, #tpu.memory_space<hbm>>
      tpu.wait_dma2 semaphore(%run_scoped3A : memref<!tpu.dma_semaphore, #tpu.memory_space<semaphore_mem>>) src(%arg11 : memref<128x128xf32, #tpu.memory_space<vmem>>) dst(%dma_wait3A_99 : memref<128x128xf32, #tpu.memory_space<hbm>>)
      tpu.yield
    }) : () -> ()
    %add3A_86 = arith.constant 512 : i32
    %add3A_87 = arith.addi %mul3A_2, %add3A_86 : i32
    "tpu.region"() ({
      %run_scoped3A = tpu.sem_alloc : memref<!tpu.dma_semaphore, #tpu.memory_space<semaphore_mem>>
      %dma_start3A_93 = arith.constant 0 : i32
      %dma_start3A_94 = tpu.memref_slice %arg13[%add3A_87, %dma_start3A_93] : memref<10240x128xf32, #tpu.memory_space<vmem_shared>> -> memref<128x128xf32, #tpu.memory_space<vmem_shared>>
      %dma_start3A_95 = arith.constant 0 : i32
      %dma_start3A_96 = tpu.memref_slice %arg13[%add3A_87, %dma_start3A_95] : memref<10240x128xf32, #tpu.memory_space<vmem_shared>> -> memref<128x128xf32, #tpu.memory_space<vmem_shared>>
      tpu.enqueue_dma source(%dma_start3A_96 : memref<128x128xf32, #tpu.memory_space<vmem_shared>>) target(%arg11 : memref<128x128xf32, #tpu.memory_space<vmem>>) target_semaphore(%run_scoped3A : memref<!tpu.dma_semaphore, #tpu.memory_space<semaphore_mem>>)
      %dma_wait3A = arith.constant 0 : i32
      %dma_wait3A_97 = tpu.memref_slice %arg13[%add3A_87, %dma_wait3A] : memref<10240x128xf32, #tpu.memory_space<vmem_shared>> -> memref<128x128xf32, #tpu.memory_space<vmem_shared>>
      %dma_wait3A_98 = arith.constant 0 : i32
      %dma_wait3A_99 = tpu.memref_slice %arg13[%add3A_87, %dma_wait3A_98] : memref<10240x128xf32, #tpu.memory_space<vmem_shared>> -> memref<128x128xf32, #tpu.memory_space<vmem_shared>>
      tpu.wait_dma2 semaphore(%run_scoped3A : memref<!tpu.dma_semaphore, #tpu.memory_space<semaphore_mem>>) src(%dma_wait3A_99 : memref<128x128xf32, #tpu.memory_space<vmem_shared>>) dst(%arg11 : memref<128x128xf32, #tpu.memory_space<vmem>>)
      tpu.yield
    }) : () -> ()
    %mul3A_88 = arith.constant 10240 : i32
    %mul3A_89 = arith.muli %arg0, %mul3A_88 : i32
    %add3A_90 = arith.addi %mul3A_89, %mul3A_2 : i32
    %add3A_91 = arith.constant 512 : i32
    %add3A_92 = arith.addi %add3A_90, %add3A_91 : i32
    "tpu.region"() ({
      %run_scoped3A = tpu.sem_alloc : memref<!tpu.dma_semaphore, #tpu.memory_space<semaphore_mem>>
      %dma_start3A_93 = arith.constant 0 : i32
      %dma_start3A_94 = tpu.memref_slice %arg6[%add3A_92, %dma_start3A_93] : memref<20480x128xf32, #tpu.memory_space<hbm>> -> memref<128x128xf32, #tpu.memory_space<hbm>>
      %dma_start3A_95 = arith.constant 0 : i32
      %dma_start3A_96 = tpu.memref_slice %arg6[%add3A_92, %dma_start3A_95] : memref<20480x128xf32, #tpu.memory_space<hbm>> -> memref<128x128xf32, #tpu.memory_space<hbm>>
      tpu.enqueue_dma source(%arg11 : memref<128x128xf32, #tpu.memory_space<vmem>>) target(%dma_start3A_96 : memref<128x128xf32, #tpu.memory_space<hbm>>) target_semaphore(%run_scoped3A : memref<!tpu.dma_semaphore, #tpu.memory_space<semaphore_mem>>)
      %dma_wait3A = arith.constant 0 : i32
      %dma_wait3A_97 = tpu.memref_slice %arg6[%add3A_92, %dma_wait3A] : memref<20480x128xf32, #tpu.memory_space<hbm>> -> memref<128x128xf32, #tpu.memory_space<hbm>>
      %dma_wait3A_98 = arith.constant 0 : i32
      %dma_wait3A_99 = tpu.memref_slice %arg6[%add3A_92, %dma_wait3A_98] : memref<20480x128xf32, #tpu.memory_space<hbm>> -> memref<128x128xf32, #tpu.memory_space<hbm>>
      tpu.wait_dma2 semaphore(%run_scoped3A : memref<!tpu.dma_semaphore, #tpu.memory_space<semaphore_mem>>) src(%arg11 : memref<128x128xf32, #tpu.memory_space<vmem>>) dst(%dma_wait3A_99 : memref<128x128xf32, #tpu.memory_space<hbm>>)
      tpu.yield
    }) : () -> ()
    return
  }
}

#map = affine_map<(d0, d1) -> (0, 0)>
#map1 = affine_map<(d0, d1) -> (0)>
module attributes {stable_mosaic.version = 14 : i64} {
  func.func @_sc_agg_body(%arg0: i32, %arg1: i32, %arg2: memref<10240x128xf32, #tpu.memory_space<hbm>>, %arg3: memref<327680xi32, #tpu.memory_space<hbm>>, %arg4: memref<327680xi32, #tpu.memory_space<hbm>>, %arg5: memref<128x128xf32, #tpu.memory_space<hbm>>, %arg6: memref<20480x128xf32, #tpu.memory_space<hbm>>, %arg7: memref<128xi32, #tpu.memory_space<vmem>>, %arg8: memref<128xi32, #tpu.memory_space<vmem>>, %arg9: memref<128xi32, #tpu.memory_space<vmem>>, %arg10: memref<128xi32, #tpu.memory_space<vmem>>, %arg11: memref<128x128xf32, #tpu.memory_space<vmem>>, %arg12: memref<128x128xf32, #tpu.memory_space<vmem>>, %arg13: memref<10240x128xf32, #tpu.memory_space<vmem_shared>>, %arg14: memref<!tpu.dma_semaphore, #tpu.memory_space<semaphore_mem>>, %arg15: memref<!tpu.dma_semaphore, #tpu.memory_space<semaphore_mem>>) attributes {dimension_semantics = [#tpu.dimension_semantics<core_parallel>, #tpu.dimension_semantics<subcore_parallel>], iteration_bounds = array<i64: 2, 16>, scalar_prefetch = 0 : i64, scratch_operands = 9 : i64, tpu.core_type = #tpu.core_type<sc_vector_subcore>, window_params = [{transform_indices = #map}, {transform_indices = #map1}, {transform_indices = #map1}, {transform_indices = #map}, {transform_indices = #map}]} {
    %mul3A = arith.constant 16 : i32
    %mul3A_0 = arith.muli %arg0, %mul3A : i32
    %add3A = arith.addi %mul3A_0, %arg1 : i32
    %mul3A_1 = arith.constant 640 : i32
    %mul3A_2 = arith.muli %arg1, %mul3A_1 : i32
    "tpu.region"() ({
      %run_scoped3A = tpu.sem_alloc : memref<!tpu.dma_semaphore, #tpu.memory_space<semaphore_mem>>
      tpu.enqueue_dma source(%arg5 : memref<128x128xf32, #tpu.memory_space<hbm>>) target(%arg11 : memref<128x128xf32, #tpu.memory_space<vmem>>) target_semaphore(%run_scoped3A : memref<!tpu.dma_semaphore, #tpu.memory_space<semaphore_mem>>)
      tpu.wait_dma2 semaphore(%run_scoped3A : memref<!tpu.dma_semaphore, #tpu.memory_space<semaphore_mem>>) src(%arg5 : memref<128x128xf32, #tpu.memory_space<hbm>>) dst(%arg11 : memref<128x128xf32, #tpu.memory_space<vmem>>)
      tpu.yield
    }) : () -> ()
    %add3A_3 = arith.constant 0 : i32
    %add3A_4 = arith.addi %mul3A_2, %add3A_3 : i32
    "tpu.region"() ({
      %run_scoped3A = tpu.sem_alloc : memref<!tpu.dma_semaphore, #tpu.memory_space<semaphore_mem>>
      %dma_start3A_93 = arith.constant 0 : i32
      %dma_start3A_94 = tpu.memref_slice %arg13[%add3A_4, %dma_start3A_93] : memref<10240x128xf32, #tpu.memory_space<vmem_shared>> -> memref<128x128xf32, #tpu.memory_space<vmem_shared>>
      %dma_start3A_95 = arith.constant 0 : i32
      %dma_start3A_96 = tpu.memref_slice %arg13[%add3A_4, %dma_start3A_95] : memref<10240x128xf32, #tpu.memory_space<vmem_shared>> -> memref<128x128xf32, #tpu.memory_space<vmem_shared>>
      tpu.enqueue_dma source(%arg11 : memref<128x128xf32, #tpu.memory_space<vmem>>) target(%dma_start3A_96 : memref<128x128xf32, #tpu.memory_space<vmem_shared>>) target_semaphore(%run_scoped3A : memref<!tpu.dma_semaphore, #tpu.memory_space<semaphore_mem>>)
      %dma_wait3A = arith.constant 0 : i32
      %dma_wait3A_97 = tpu.memref_slice %arg13[%add3A_4, %dma_wait3A] : memref<10240x128xf32, #tpu.memory_space<vmem_shared>> -> memref<128x128xf32, #tpu.memory_space<vmem_shared>>
      %dma_wait3A_98 = arith.constant 0 : i32
      %dma_wait3A_99 = tpu.memref_slice %arg13[%add3A_4, %dma_wait3A_98] : memref<10240x128xf32, #tpu.memory_space<vmem_shared>> -> memref<128x128xf32, #tpu.memory_space<vmem_shared>>
      tpu.wait_dma2 semaphore(%run_scoped3A : memref<!tpu.dma_semaphore, #tpu.memory_space<semaphore_mem>>) src(%arg11 : memref<128x128xf32, #tpu.memory_space<vmem>>) dst(%dma_wait3A_99 : memref<128x128xf32, #tpu.memory_space<vmem_shared>>)
      tpu.yield
    }) : () -> ()
    %add3A_5 = arith.constant 128 : i32
    %add3A_6 = arith.addi %mul3A_2, %add3A_5 : i32
    "tpu.region"() ({
      %run_scoped3A = tpu.sem_alloc : memref<!tpu.dma_semaphore, #tpu.memory_space<semaphore_mem>>
      %dma_start3A_93 = arith.constant 0 : i32
      %dma_start3A_94 = tpu.memref_slice %arg13[%add3A_6, %dma_start3A_93] : memref<10240x128xf32, #tpu.memory_space<vmem_shared>> -> memref<128x128xf32, #tpu.memory_space<vmem_shared>>
      %dma_start3A_95 = arith.constant 0 : i32
      %dma_start3A_96 = tpu.memref_slice %arg13[%add3A_6, %dma_start3A_95] : memref<10240x128xf32, #tpu.memory_space<vmem_shared>> -> memref<128x128xf32, #tpu.memory_space<vmem_shared>>
      tpu.enqueue_dma source(%arg11 : memref<128x128xf32, #tpu.memory_space<vmem>>) target(%dma_start3A_96 : memref<128x128xf32, #tpu.memory_space<vmem_shared>>) target_semaphore(%run_scoped3A : memref<!tpu.dma_semaphore, #tpu.memory_space<semaphore_mem>>)
      %dma_wait3A = arith.constant 0 : i32
      %dma_wait3A_97 = tpu.memref_slice %arg13[%add3A_6, %dma_wait3A] : memref<10240x128xf32, #tpu.memory_space<vmem_shared>> -> memref<128x128xf32, #tpu.memory_space<vmem_shared>>
      %dma_wait3A_98 = arith.constant 0 : i32
      %dma_wait3A_99 = tpu.memref_slice %arg13[%add3A_6, %dma_wait3A_98] : memref<10240x128xf32, #tpu.memory_space<vmem_shared>> -> memref<128x128xf32, #tpu.memory_space<vmem_shared>>
      tpu.wait_dma2 semaphore(%run_scoped3A : memref<!tpu.dma_semaphore, #tpu.memory_space<semaphore_mem>>) src(%arg11 : memref<128x128xf32, #tpu.memory_space<vmem>>) dst(%dma_wait3A_99 : memref<128x128xf32, #tpu.memory_space<vmem_shared>>)
      tpu.yield
    }) : () -> ()
    %add3A_7 = arith.constant 256 : i32
    %add3A_8 = arith.addi %mul3A_2, %add3A_7 : i32
    "tpu.region"() ({
      %run_scoped3A = tpu.sem_alloc : memref<!tpu.dma_semaphore, #tpu.memory_space<semaphore_mem>>
      %dma_start3A_93 = arith.constant 0 : i32
      %dma_start3A_94 = tpu.memref_slice %arg13[%add3A_8, %dma_start3A_93] : memref<10240x128xf32, #tpu.memory_space<vmem_shared>> -> memref<128x128xf32, #tpu.memory_space<vmem_shared>>
      %dma_start3A_95 = arith.constant 0 : i32
      %dma_start3A_96 = tpu.memref_slice %arg13[%add3A_8, %dma_start3A_95] : memref<10240x128xf32, #tpu.memory_space<vmem_shared>> -> memref<128x128xf32, #tpu.memory_space<vmem_shared>>
      tpu.enqueue_dma source(%arg11 : memref<128x128xf32, #tpu.memory_space<vmem>>) target(%dma_start3A_96 : memref<128x128xf32, #tpu.memory_space<vmem_shared>>) target_semaphore(%run_scoped3A : memref<!tpu.dma_semaphore, #tpu.memory_space<semaphore_mem>>)
      %dma_wait3A = arith.constant 0 : i32
      %dma_wait3A_97 = tpu.memref_slice %arg13[%add3A_8, %dma_wait3A] : memref<10240x128xf32, #tpu.memory_space<vmem_shared>> -> memref<128x128xf32, #tpu.memory_space<vmem_shared>>
      %dma_wait3A_98 = arith.constant 0 : i32
      %dma_wait3A_99 = tpu.memref_slice %arg13[%add3A_8, %dma_wait3A_98] : memref<10240x128xf32, #tpu.memory_space<vmem_shared>> -> memref<128x128xf32, #tpu.memory_space<vmem_shared>>
      tpu.wait_dma2 semaphore(%run_scoped3A : memref<!tpu.dma_semaphore, #tpu.memory_space<semaphore_mem>>) src(%arg11 : memref<128x128xf32, #tpu.memory_space<vmem>>) dst(%dma_wait3A_99 : memref<128x128xf32, #tpu.memory_space<vmem_shared>>)
      tpu.yield
    }) : () -> ()
    %add3A_9 = arith.constant 384 : i32
    %add3A_10 = arith.addi %mul3A_2, %add3A_9 : i32
    "tpu.region"() ({
      %run_scoped3A = tpu.sem_alloc : memref<!tpu.dma_semaphore, #tpu.memory_space<semaphore_mem>>
      %dma_start3A_93 = arith.constant 0 : i32
      %dma_start3A_94 = tpu.memref_slice %arg13[%add3A_10, %dma_start3A_93] : memref<10240x128xf32, #tpu.memory_space<vmem_shared>> -> memref<128x128xf32, #tpu.memory_space<vmem_shared>>
      %dma_start3A_95 = arith.constant 0 : i32
      %dma_start3A_96 = tpu.memref_slice %arg13[%add3A_10, %dma_start3A_95] : memref<10240x128xf32, #tpu.memory_space<vmem_shared>> -> memref<128x128xf32, #tpu.memory_space<vmem_shared>>
      tpu.enqueue_dma source(%arg11 : memref<128x128xf32, #tpu.memory_space<vmem>>) target(%dma_start3A_96 : memref<128x128xf32, #tpu.memory_space<vmem_shared>>) target_semaphore(%run_scoped3A : memref<!tpu.dma_semaphore, #tpu.memory_space<semaphore_mem>>)
      %dma_wait3A = arith.constant 0 : i32
      %dma_wait3A_97 = tpu.memref_slice %arg13[%add3A_10, %dma_wait3A] : memref<10240x128xf32, #tpu.memory_space<vmem_shared>> -> memref<128x128xf32, #tpu.memory_space<vmem_shared>>
      %dma_wait3A_98 = arith.constant 0 : i32
      %dma_wait3A_99 = tpu.memref_slice %arg13[%add3A_10, %dma_wait3A_98] : memref<10240x128xf32, #tpu.memory_space<vmem_shared>> -> memref<128x128xf32, #tpu.memory_space<vmem_shared>>
      tpu.wait_dma2 semaphore(%run_scoped3A : memref<!tpu.dma_semaphore, #tpu.memory_space<semaphore_mem>>) src(%arg11 : memref<128x128xf32, #tpu.memory_space<vmem>>) dst(%dma_wait3A_99 : memref<128x128xf32, #tpu.memory_space<vmem_shared>>)
      tpu.yield
    }) : () -> ()
    %add3A_11 = arith.constant 512 : i32
    %add3A_12 = arith.addi %mul3A_2, %add3A_11 : i32
    "tpu.region"() ({
      %run_scoped3A = tpu.sem_alloc : memref<!tpu.dma_semaphore, #tpu.memory_space<semaphore_mem>>
      %dma_start3A_93 = arith.constant 0 : i32
      %dma_start3A_94 = tpu.memref_slice %arg13[%add3A_12, %dma_start3A_93] : memref<10240x128xf32, #tpu.memory_space<vmem_shared>> -> memref<128x128xf32, #tpu.memory_space<vmem_shared>>
      %dma_start3A_95 = arith.constant 0 : i32
      %dma_start3A_96 = tpu.memref_slice %arg13[%add3A_12, %dma_start3A_95] : memref<10240x128xf32, #tpu.memory_space<vmem_shared>> -> memref<128x128xf32, #tpu.memory_space<vmem_shared>>
      tpu.enqueue_dma source(%arg11 : memref<128x128xf32, #tpu.memory_space<vmem>>) target(%dma_start3A_96 : memref<128x128xf32, #tpu.memory_space<vmem_shared>>) target_semaphore(%run_scoped3A : memref<!tpu.dma_semaphore, #tpu.memory_space<semaphore_mem>>)
      %dma_wait3A = arith.constant 0 : i32
      %dma_wait3A_97 = tpu.memref_slice %arg13[%add3A_12, %dma_wait3A] : memref<10240x128xf32, #tpu.memory_space<vmem_shared>> -> memref<128x128xf32, #tpu.memory_space<vmem_shared>>
      %dma_wait3A_98 = arith.constant 0 : i32
      %dma_wait3A_99 = tpu.memref_slice %arg13[%add3A_12, %dma_wait3A_98] : memref<10240x128xf32, #tpu.memory_space<vmem_shared>> -> memref<128x128xf32, #tpu.memory_space<vmem_shared>>
      tpu.wait_dma2 semaphore(%run_scoped3A : memref<!tpu.dma_semaphore, #tpu.memory_space<semaphore_mem>>) src(%arg11 : memref<128x128xf32, #tpu.memory_space<vmem>>) dst(%dma_wait3A_99 : memref<128x128xf32, #tpu.memory_space<vmem_shared>>)
      tpu.yield
    }) : () -> ()
    %barrier3A = arith.constant 0 : index
    tpu.barrier barrier_id(%barrier3A)
    %eq3A = arith.constant 0 : i32
    %eq3A_13 = arith.cmpi eq, %arg0, %eq3A : i32
    %select_n3A = arith.constant 120 : i32
    %select_n3A_14 = arith.constant 40 : i32
    %select_n3A_15 = arith.select %eq3A_13, %select_n3A_14, %select_n3A : i32
    %eq3A_16 = arith.constant 0 : i32
    %eq3A_17 = arith.cmpi eq, %arg0, %eq3A_16 : i32
    %mul3A_18 = arith.constant 40 : i32
    %mul3A_19 = arith.muli %arg1, %mul3A_18 : i32
    %mul3A_20 = arith.constant 120 : i32
    %mul3A_21 = arith.muli %arg1, %mul3A_20 : i32
    %add3A_22 = arith.constant 640 : i32
    %add3A_23 = arith.addi %add3A_22, %mul3A_21 : i32
    %select_n3A_24 = arith.select %eq3A_17, %mul3A_19, %add3A_23 : i32
    %add3A_25 = arith.constant 0 : i32
    %add3A_26 = arith.addi %select_n3A_24, %add3A_25 : i32
    %mul3A_27 = arith.constant 128 : i32
    %mul3A_28 = arith.muli %add3A_26, %mul3A_27 : i32
    "tpu.region"() ({
      %run_scoped3A = tpu.sem_alloc : memref<!tpu.dma_semaphore, #tpu.memory_space<semaphore_mem>>
      %dma_start3A_93 = tpu.memref_slice %arg3[%mul3A_28] : memref<327680xi32, #tpu.memory_space<hbm>> -> memref<128xi32, #tpu.memory_space<hbm>>
      %dma_start3A_94 = tpu.memref_slice %arg3[%mul3A_28] : memref<327680xi32, #tpu.memory_space<hbm>> -> memref<128xi32, #tpu.memory_space<hbm>>
      tpu.enqueue_dma source(%dma_start3A_94 : memref<128xi32, #tpu.memory_space<hbm>>) target(%arg7 : memref<128xi32, #tpu.memory_space<vmem>>) target_semaphore(%run_scoped3A : memref<!tpu.dma_semaphore, #tpu.memory_space<semaphore_mem>>)
      %dma_wait3A = tpu.memref_slice %arg3[%mul3A_28] : memref<327680xi32, #tpu.memory_space<hbm>> -> memref<128xi32, #tpu.memory_space<hbm>>
      %dma_wait3A_95 = tpu.memref_slice %arg3[%mul3A_28] : memref<327680xi32, #tpu.memory_space<hbm>> -> memref<128xi32, #tpu.memory_space<hbm>>
      tpu.wait_dma2 semaphore(%run_scoped3A : memref<!tpu.dma_semaphore, #tpu.memory_space<semaphore_mem>>) src(%dma_wait3A_95 : memref<128xi32, #tpu.memory_space<hbm>>) dst(%arg7 : memref<128xi32, #tpu.memory_space<vmem>>)
      tpu.yield
    }) : () -> ()
    "tpu.region"() ({
      %run_scoped3A = tpu.sem_alloc : memref<!tpu.dma_semaphore, #tpu.memory_space<semaphore_mem>>
      %dma_start3A_93 = tpu.memref_slice %arg4[%mul3A_28] : memref<327680xi32, #tpu.memory_space<hbm>> -> memref<128xi32, #tpu.memory_space<hbm>>
      %dma_start3A_94 = tpu.memref_slice %arg4[%mul3A_28] : memref<327680xi32, #tpu.memory_space<hbm>> -> memref<128xi32, #tpu.memory_space<hbm>>
      tpu.enqueue_dma source(%dma_start3A_94 : memref<128xi32, #tpu.memory_space<hbm>>) target(%arg9 : memref<128xi32, #tpu.memory_space<vmem>>) target_semaphore(%run_scoped3A : memref<!tpu.dma_semaphore, #tpu.memory_space<semaphore_mem>>)
      %dma_wait3A = tpu.memref_slice %arg4[%mul3A_28] : memref<327680xi32, #tpu.memory_space<hbm>> -> memref<128xi32, #tpu.memory_space<hbm>>
      %dma_wait3A_95 = tpu.memref_slice %arg4[%mul3A_28] : memref<327680xi32, #tpu.memory_space<hbm>> -> memref<128xi32, #tpu.memory_space<hbm>>
      tpu.wait_dma2 semaphore(%run_scoped3A : memref<!tpu.dma_semaphore, #tpu.memory_space<semaphore_mem>>) src(%dma_wait3A_95 : memref<128xi32, #tpu.memory_space<hbm>>) dst(%arg9 : memref<128xi32, #tpu.memory_space<vmem>>)
      tpu.yield
    }) : () -> ()
    %dma_start3A = arith.constant 0 : i32
    %dma_start3A_29 = arith.constant 0 : i32
    %dma_start3A_30 = tpu.memref_slice %arg2[%dma_start3A, %dma_start3A_29] : memref<10240x128xf32, #tpu.memory_space<hbm>> -> memref<10240x128xf32, #tpu.memory_space<hbm>>
    tpu.enqueue_indirect_dma source(%dma_start3A_30 : memref<10240x128xf32, #tpu.memory_space<hbm>>) target(%arg11 : memref<128x128xf32, #tpu.memory_space<vmem>>) offsets(%arg7 : memref<128xi32, #tpu.memory_space<vmem>>) semaphore(%arg14 : memref<!tpu.dma_semaphore, #tpu.memory_space<semaphore_mem>>)
    %jit3A = arith.constant 2 : i32
    %div3A = arith.divsi %select_n3A_15, %jit3A : i32
    %sign3A = arith.constant 0 : i32
    %sign3A_31 = arith.cmpi sgt, %select_n3A_15, %sign3A : i32
    %sign3A_32 = arith.extui %sign3A_31 : i1 to i32
    %sign3A_33 = arith.constant 0 : i32
    %sign3A_34 = arith.cmpi slt, %select_n3A_15, %sign3A_33 : i32
    %sign3A_35 = arith.extui %sign3A_34 : i1 to i32
    %sign3A_36 = arith.subi %sign3A_32, %sign3A_35 : i32
    %sign3A_37 = arith.constant 0 : i32
    %sign3A_38 = arith.cmpi sgt, %jit3A, %sign3A_37 : i32
    %sign3A_39 = arith.extui %sign3A_38 : i1 to i32
    %sign3A_40 = arith.constant 0 : i32
    %sign3A_41 = arith.cmpi slt, %jit3A, %sign3A_40 : i32
    %sign3A_42 = arith.extui %sign3A_41 : i1 to i32
    %sign3A_43 = arith.subi %sign3A_39, %sign3A_42 : i32
    %ne3A = arith.cmpi ne, %sign3A_36, %sign3A_43 : i32
    %rem3A = arith.remsi %select_n3A_15, %jit3A : i32
    %ne3A_44 = arith.constant 0 : i32
    %ne3A_45 = arith.cmpi ne, %rem3A, %ne3A_44 : i32
    %and3A = arith.andi %ne3A, %ne3A_45 : i1
    %sub3A = arith.constant 1 : i32
    %sub3A_46 = arith.subi %div3A, %sub3A : i32
    %select_n3A_47 = arith.select %and3A, %sub3A_46, %div3A : i32
    %while3A = arith.constant 0 : i32
    %while3A_48 = arith.constant 0 : i32
    %while3A_49 = arith.subi %select_n3A_47, %while3A_48 : i32
    %while3A_50 = arith.addi %while3A_48, %while3A_49 : i32
    %while3A_51 = arith.constant 1 : i32
    %while3A_52 = arith.divsi %while3A_49, %while3A_51 : i32
    %while3A_53 = arith.muli %while3A_52, %while3A_51 : i32
    %while3A_54 = arith.addi %while3A_48, %while3A_53 : i32
    %while3A_55 = arith.constant 1 : i32
    scf.for %while3A_93 = %while3A_48 to %while3A_54 step %while3A_55  : i32 {
      %mul3A_94 = arith.constant 2 : i32
      %mul3A_95 = arith.muli %mul3A_94, %while3A_93 : i32
      %add3A_96 = arith.constant 1 : i32
      %add3A_97 = arith.addi %mul3A_95, %add3A_96 : i32
      %add3A_98 = arith.addi %select_n3A_24, %add3A_97 : i32
      %mul3A_99 = arith.constant 128 : i32
      %mul3A_100 = arith.muli %add3A_98, %mul3A_99 : i32
      "tpu.region"() ({
        %run_scoped3A = tpu.sem_alloc : memref<!tpu.dma_semaphore, #tpu.memory_space<semaphore_mem>>
        %dma_start3A_136 = tpu.memref_slice %arg3[%mul3A_100] : memref<327680xi32, #tpu.memory_space<hbm>> -> memref<128xi32, #tpu.memory_space<hbm>>
        %dma_start3A_137 = tpu.memref_slice %arg3[%mul3A_100] : memref<327680xi32, #tpu.memory_space<hbm>> -> memref<128xi32, #tpu.memory_space<hbm>>
        tpu.enqueue_dma source(%dma_start3A_137 : memref<128xi32, #tpu.memory_space<hbm>>) target(%arg8 : memref<128xi32, #tpu.memory_space<vmem>>) target_semaphore(%run_scoped3A : memref<!tpu.dma_semaphore, #tpu.memory_space<semaphore_mem>>)
        %dma_wait3A_138 = tpu.memref_slice %arg3[%mul3A_100] : memref<327680xi32, #tpu.memory_space<hbm>> -> memref<128xi32, #tpu.memory_space<hbm>>
        %dma_wait3A_139 = tpu.memref_slice %arg3[%mul3A_100] : memref<327680xi32, #tpu.memory_space<hbm>> -> memref<128xi32, #tpu.memory_space<hbm>>
        tpu.wait_dma2 semaphore(%run_scoped3A : memref<!tpu.dma_semaphore, #tpu.memory_space<semaphore_mem>>) src(%dma_wait3A_139 : memref<128xi32, #tpu.memory_space<hbm>>) dst(%arg8 : memref<128xi32, #tpu.memory_space<vmem>>)
        tpu.yield
      }) : () -> ()
      "tpu.region"() ({
        %run_scoped3A = tpu.sem_alloc : memref<!tpu.dma_semaphore, #tpu.memory_space<semaphore_mem>>
        %dma_start3A_136 = tpu.memref_slice %arg4[%mul3A_100] : memref<327680xi32, #tpu.memory_space<hbm>> -> memref<128xi32, #tpu.memory_space<hbm>>
        %dma_start3A_137 = tpu.memref_slice %arg4[%mul3A_100] : memref<327680xi32, #tpu.memory_space<hbm>> -> memref<128xi32, #tpu.memory_space<hbm>>
        tpu.enqueue_dma source(%dma_start3A_137 : memref<128xi32, #tpu.memory_space<hbm>>) target(%arg10 : memref<128xi32, #tpu.memory_space<vmem>>) target_semaphore(%run_scoped3A : memref<!tpu.dma_semaphore, #tpu.memory_space<semaphore_mem>>)
        %dma_wait3A_138 = tpu.memref_slice %arg4[%mul3A_100] : memref<327680xi32, #tpu.memory_space<hbm>> -> memref<128xi32, #tpu.memory_space<hbm>>
        %dma_wait3A_139 = tpu.memref_slice %arg4[%mul3A_100] : memref<327680xi32, #tpu.memory_space<hbm>> -> memref<128xi32, #tpu.memory_space<hbm>>
        tpu.wait_dma2 semaphore(%run_scoped3A : memref<!tpu.dma_semaphore, #tpu.memory_space<semaphore_mem>>) src(%dma_wait3A_139 : memref<128xi32, #tpu.memory_space<hbm>>) dst(%arg10 : memref<128xi32, #tpu.memory_space<vmem>>)
        tpu.yield
      }) : () -> ()
      %dma_start3A_101 = arith.constant 0 : i32
      %dma_start3A_102 = arith.constant 0 : i32
      %dma_start3A_103 = tpu.memref_slice %arg2[%dma_start3A_101, %dma_start3A_102] : memref<10240x128xf32, #tpu.memory_space<hbm>> -> memref<10240x128xf32, #tpu.memory_space<hbm>>
      tpu.enqueue_indirect_dma source(%dma_start3A_103 : memref<10240x128xf32, #tpu.memory_space<hbm>>) target(%arg12 : memref<128x128xf32, #tpu.memory_space<vmem>>) offsets(%arg8 : memref<128xi32, #tpu.memory_space<vmem>>) semaphore(%arg15 : memref<!tpu.dma_semaphore, #tpu.memory_space<semaphore_mem>>)
      %dma_wait3A = arith.constant 0 : i32
      %dma_wait3A_104 = arith.constant 0 : i32
      %dma_wait3A_105 = tpu.memref_slice %arg2[%dma_wait3A, %dma_wait3A_104] : memref<10240x128xf32, #tpu.memory_space<hbm>> -> memref<10240x128xf32, #tpu.memory_space<hbm>>
      tpu.wait_indirect_dma semaphore(%arg14 : memref<!tpu.dma_semaphore, #tpu.memory_space<semaphore_mem>>) src(%dma_wait3A_105 : memref<10240x128xf32, #tpu.memory_space<hbm>>) dst(%arg11 : memref<128x128xf32, #tpu.memory_space<vmem>>)
      "tpu.region"() ({
        %run_scoped3A = tpu.sem_alloc : memref<!tpu.dma_semaphore, #tpu.memory_space<semaphore_mem>>
        %dma_start3A_136 = arith.constant 0 : i32
        %dma_start3A_137 = arith.constant 0 : i32
        %dma_start3A_138 = tpu.memref_slice %arg13[%dma_start3A_136, %dma_start3A_137] : memref<10240x128xf32, #tpu.memory_space<vmem_shared>> -> memref<10240x128xf32, #tpu.memory_space<vmem_shared>>
        tpu.enqueue_indirect_dma source(%arg11 : memref<128x128xf32, #tpu.memory_space<vmem>>) target(%dma_start3A_138 : memref<10240x128xf32, #tpu.memory_space<vmem_shared>>) offsets(%arg9 : memref<128xi32, #tpu.memory_space<vmem>>) semaphore(%run_scoped3A : memref<!tpu.dma_semaphore, #tpu.memory_space<semaphore_mem>>) {add = true}
        %dma_wait3A_139 = arith.constant 0 : i32
        %dma_wait3A_140 = arith.constant 0 : i32
        %dma_wait3A_141 = tpu.memref_slice %arg13[%dma_wait3A_139, %dma_wait3A_140] : memref<10240x128xf32, #tpu.memory_space<vmem_shared>> -> memref<10240x128xf32, #tpu.memory_space<vmem_shared>>
        tpu.wait_indirect_dma semaphore(%run_scoped3A : memref<!tpu.dma_semaphore, #tpu.memory_space<semaphore_mem>>) src(%arg11 : memref<128x128xf32, #tpu.memory_space<vmem>>) dst(%dma_wait3A_141 : memref<10240x128xf32, #tpu.memory_space<vmem_shared>>)
        tpu.yield
      }) : () -> ()
      %jit3A_106 = arith.constant 2 : i32
      %div3A_107 = arith.divsi %select_n3A_15, %jit3A_106 : i32
      %sign3A_108 = arith.constant 0 : i32
      %sign3A_109 = arith.cmpi sgt, %select_n3A_15, %sign3A_108 : i32
      %sign3A_110 = arith.extui %sign3A_109 : i1 to i32
      %sign3A_111 = arith.constant 0 : i32
      %sign3A_112 = arith.cmpi slt, %select_n3A_15, %sign3A_111 : i32
      %sign3A_113 = arith.extui %sign3A_112 : i1 to i32
      %sign3A_114 = arith.subi %sign3A_110, %sign3A_113 : i32
      %sign3A_115 = arith.constant 0 : i32
      %sign3A_116 = arith.cmpi sgt, %jit3A_106, %sign3A_115 : i32
      %sign3A_117 = arith.extui %sign3A_116 : i1 to i32
      %sign3A_118 = arith.constant 0 : i32
      %sign3A_119 = arith.cmpi slt, %jit3A_106, %sign3A_118 : i32
      %sign3A_120 = arith.extui %sign3A_119 : i1 to i32
      %sign3A_121 = arith.subi %sign3A_117, %sign3A_120 : i32
      %ne3A_122 = arith.cmpi ne, %sign3A_114, %sign3A_121 : i32
      %rem3A_123 = arith.remsi %select_n3A_15, %jit3A_106 : i32
      %ne3A_124 = arith.constant 0 : i32
      %ne3A_125 = arith.cmpi ne, %rem3A_123, %ne3A_124 : i32
      %and3A_126 = arith.andi %ne3A_122, %ne3A_125 : i1
      %sub3A_127 = arith.constant 1 : i32
      %sub3A_128 = arith.subi %div3A_107, %sub3A_127 : i32
      %select_n3A_129 = arith.select %and3A_126, %sub3A_128, %div3A_107 : i32
      %sub3A_130 = arith.constant 1 : i32
      %sub3A_131 = arith.subi %select_n3A_129, %sub3A_130 : i32
      %lt3A = arith.cmpi slt, %while3A_93, %sub3A_131 : i32
      %convert_element_type3A = arith.extui %lt3A : i1 to i32
      %cond3A = arith.constant 0 : i32
      %cond3A_132 = arith.cmpi ne, %convert_element_type3A, %cond3A : i32
      scf.if %cond3A_132 {
        %mul3A_136 = arith.constant 2 : i32
        %mul3A_137 = arith.muli %mul3A_136, %while3A_93 : i32
        %add3A_138 = arith.constant 2 : i32
        %add3A_139 = arith.addi %mul3A_137, %add3A_138 : i32
        %add3A_140 = arith.addi %select_n3A_24, %add3A_139 : i32
        %mul3A_141 = arith.constant 128 : i32
        %mul3A_142 = arith.muli %add3A_140, %mul3A_141 : i32
        "tpu.region"() ({
          %run_scoped3A = tpu.sem_alloc : memref<!tpu.dma_semaphore, #tpu.memory_space<semaphore_mem>>
          %dma_start3A_146 = tpu.memref_slice %arg3[%mul3A_142] : memref<327680xi32, #tpu.memory_space<hbm>> -> memref<128xi32, #tpu.memory_space<hbm>>
          %dma_start3A_147 = tpu.memref_slice %arg3[%mul3A_142] : memref<327680xi32, #tpu.memory_space<hbm>> -> memref<128xi32, #tpu.memory_space<hbm>>
          tpu.enqueue_dma source(%dma_start3A_147 : memref<128xi32, #tpu.memory_space<hbm>>) target(%arg7 : memref<128xi32, #tpu.memory_space<vmem>>) target_semaphore(%run_scoped3A : memref<!tpu.dma_semaphore, #tpu.memory_space<semaphore_mem>>)
          %dma_wait3A_148 = tpu.memref_slice %arg3[%mul3A_142] : memref<327680xi32, #tpu.memory_space<hbm>> -> memref<128xi32, #tpu.memory_space<hbm>>
          %dma_wait3A_149 = tpu.memref_slice %arg3[%mul3A_142] : memref<327680xi32, #tpu.memory_space<hbm>> -> memref<128xi32, #tpu.memory_space<hbm>>
          tpu.wait_dma2 semaphore(%run_scoped3A : memref<!tpu.dma_semaphore, #tpu.memory_space<semaphore_mem>>) src(%dma_wait3A_149 : memref<128xi32, #tpu.memory_space<hbm>>) dst(%arg7 : memref<128xi32, #tpu.memory_space<vmem>>)
          tpu.yield
        }) : () -> ()
        "tpu.region"() ({
          %run_scoped3A = tpu.sem_alloc : memref<!tpu.dma_semaphore, #tpu.memory_space<semaphore_mem>>
          %dma_start3A_146 = tpu.memref_slice %arg4[%mul3A_142] : memref<327680xi32, #tpu.memory_space<hbm>> -> memref<128xi32, #tpu.memory_space<hbm>>
          %dma_start3A_147 = tpu.memref_slice %arg4[%mul3A_142] : memref<327680xi32, #tpu.memory_space<hbm>> -> memref<128xi32, #tpu.memory_space<hbm>>
          tpu.enqueue_dma source(%dma_start3A_147 : memref<128xi32, #tpu.memory_space<hbm>>) target(%arg9 : memref<128xi32, #tpu.memory_space<vmem>>) target_semaphore(%run_scoped3A : memref<!tpu.dma_semaphore, #tpu.memory_space<semaphore_mem>>)
          %dma_wait3A_148 = tpu.memref_slice %arg4[%mul3A_142] : memref<327680xi32, #tpu.memory_space<hbm>> -> memref<128xi32, #tpu.memory_space<hbm>>
          %dma_wait3A_149 = tpu.memref_slice %arg4[%mul3A_142] : memref<327680xi32, #tpu.memory_space<hbm>> -> memref<128xi32, #tpu.memory_space<hbm>>
          tpu.wait_dma2 semaphore(%run_scoped3A : memref<!tpu.dma_semaphore, #tpu.memory_space<semaphore_mem>>) src(%dma_wait3A_149 : memref<128xi32, #tpu.memory_space<hbm>>) dst(%arg9 : memref<128xi32, #tpu.memory_space<vmem>>)
          tpu.yield
        }) : () -> ()
        %dma_start3A_143 = arith.constant 0 : i32
        %dma_start3A_144 = arith.constant 0 : i32
        %dma_start3A_145 = tpu.memref_slice %arg2[%dma_start3A_143, %dma_start3A_144] : memref<10240x128xf32, #tpu.memory_space<hbm>> -> memref<10240x128xf32, #tpu.memory_space<hbm>>
        tpu.enqueue_indirect_dma source(%dma_start3A_145 : memref<10240x128xf32, #tpu.memory_space<hbm>>) target(%arg11 : memref<128x128xf32, #tpu.memory_space<vmem>>) offsets(%arg7 : memref<128xi32, #tpu.memory_space<vmem>>) semaphore(%arg14 : memref<!tpu.dma_semaphore, #tpu.memory_space<semaphore_mem>>)
      } else {
      }
      %dma_wait3A_133 = arith.constant 0 : i32
      %dma_wait3A_134 = arith.constant 0 : i32
      %dma_wait3A_135 = tpu.memref_slice %arg2[%dma_wait3A_133, %dma_wait3A_134] : memref<10240x128xf32, #tpu.memory_space<hbm>> -> memref<10240x128xf32, #tpu.memory_space<hbm>>
      tpu.wait_indirect_dma semaphore(%arg15 : memref<!tpu.dma_semaphore, #tpu.memory_space<semaphore_mem>>) src(%dma_wait3A_135 : memref<10240x128xf32, #tpu.memory_space<hbm>>) dst(%arg12 : memref<128x128xf32, #tpu.memory_space<vmem>>)
      "tpu.region"() ({
        %run_scoped3A = tpu.sem_alloc : memref<!tpu.dma_semaphore, #tpu.memory_space<semaphore_mem>>
        %dma_start3A_136 = arith.constant 0 : i32
        %dma_start3A_137 = arith.constant 0 : i32
        %dma_start3A_138 = tpu.memref_slice %arg13[%dma_start3A_136, %dma_start3A_137] : memref<10240x128xf32, #tpu.memory_space<vmem_shared>> -> memref<10240x128xf32, #tpu.memory_space<vmem_shared>>
        tpu.enqueue_indirect_dma source(%arg12 : memref<128x128xf32, #tpu.memory_space<vmem>>) target(%dma_start3A_138 : memref<10240x128xf32, #tpu.memory_space<vmem_shared>>) offsets(%arg10 : memref<128xi32, #tpu.memory_space<vmem>>) semaphore(%run_scoped3A : memref<!tpu.dma_semaphore, #tpu.memory_space<semaphore_mem>>) {add = true}
        %dma_wait3A_139 = arith.constant 0 : i32
        %dma_wait3A_140 = arith.constant 0 : i32
        %dma_wait3A_141 = tpu.memref_slice %arg13[%dma_wait3A_139, %dma_wait3A_140] : memref<10240x128xf32, #tpu.memory_space<vmem_shared>> -> memref<10240x128xf32, #tpu.memory_space<vmem_shared>>
        tpu.wait_indirect_dma semaphore(%run_scoped3A : memref<!tpu.dma_semaphore, #tpu.memory_space<semaphore_mem>>) src(%arg12 : memref<128x128xf32, #tpu.memory_space<vmem>>) dst(%dma_wait3A_141 : memref<10240x128xf32, #tpu.memory_space<vmem_shared>>)
        tpu.yield
      }) : () -> ()
    }
    %while3A_56 = arith.constant 1 : i32
    scf.for %while3A_93 = %while3A_54 to %while3A_50 step %while3A_56  : i32 {
      %mul3A_94 = arith.constant 2 : i32
      %mul3A_95 = arith.muli %mul3A_94, %while3A_93 : i32
      %add3A_96 = arith.constant 1 : i32
      %add3A_97 = arith.addi %mul3A_95, %add3A_96 : i32
      %add3A_98 = arith.addi %select_n3A_24, %add3A_97 : i32
      %mul3A_99 = arith.constant 128 : i32
      %mul3A_100 = arith.muli %add3A_98, %mul3A_99 : i32
      "tpu.region"() ({
        %run_scoped3A = tpu.sem_alloc : memref<!tpu.dma_semaphore, #tpu.memory_space<semaphore_mem>>
        %dma_start3A_136 = tpu.memref_slice %arg3[%mul3A_100] : memref<327680xi32, #tpu.memory_space<hbm>> -> memref<128xi32, #tpu.memory_space<hbm>>
        %dma_start3A_137 = tpu.memref_slice %arg3[%mul3A_100] : memref<327680xi32, #tpu.memory_space<hbm>> -> memref<128xi32, #tpu.memory_space<hbm>>
        tpu.enqueue_dma source(%dma_start3A_137 : memref<128xi32, #tpu.memory_space<hbm>>) target(%arg8 : memref<128xi32, #tpu.memory_space<vmem>>) target_semaphore(%run_scoped3A : memref<!tpu.dma_semaphore, #tpu.memory_space<semaphore_mem>>)
        %dma_wait3A_138 = tpu.memref_slice %arg3[%mul3A_100] : memref<327680xi32, #tpu.memory_space<hbm>> -> memref<128xi32, #tpu.memory_space<hbm>>
        %dma_wait3A_139 = tpu.memref_slice %arg3[%mul3A_100] : memref<327680xi32, #tpu.memory_space<hbm>> -> memref<128xi32, #tpu.memory_space<hbm>>
        tpu.wait_dma2 semaphore(%run_scoped3A : memref<!tpu.dma_semaphore, #tpu.memory_space<semaphore_mem>>) src(%dma_wait3A_139 : memref<128xi32, #tpu.memory_space<hbm>>) dst(%arg8 : memref<128xi32, #tpu.memory_space<vmem>>)
        tpu.yield
      }) : () -> ()
      "tpu.region"() ({
        %run_scoped3A = tpu.sem_alloc : memref<!tpu.dma_semaphore, #tpu.memory_space<semaphore_mem>>
        %dma_start3A_136 = tpu.memref_slice %arg4[%mul3A_100] : memref<327680xi32, #tpu.memory_space<hbm>> -> memref<128xi32, #tpu.memory_space<hbm>>
        %dma_start3A_137 = tpu.memref_slice %arg4[%mul3A_100] : memref<327680xi32, #tpu.memory_space<hbm>> -> memref<128xi32, #tpu.memory_space<hbm>>
        tpu.enqueue_dma source(%dma_start3A_137 : memref<128xi32, #tpu.memory_space<hbm>>) target(%arg10 : memref<128xi32, #tpu.memory_space<vmem>>) target_semaphore(%run_scoped3A : memref<!tpu.dma_semaphore, #tpu.memory_space<semaphore_mem>>)
        %dma_wait3A_138 = tpu.memref_slice %arg4[%mul3A_100] : memref<327680xi32, #tpu.memory_space<hbm>> -> memref<128xi32, #tpu.memory_space<hbm>>
        %dma_wait3A_139 = tpu.memref_slice %arg4[%mul3A_100] : memref<327680xi32, #tpu.memory_space<hbm>> -> memref<128xi32, #tpu.memory_space<hbm>>
        tpu.wait_dma2 semaphore(%run_scoped3A : memref<!tpu.dma_semaphore, #tpu.memory_space<semaphore_mem>>) src(%dma_wait3A_139 : memref<128xi32, #tpu.memory_space<hbm>>) dst(%arg10 : memref<128xi32, #tpu.memory_space<vmem>>)
        tpu.yield
      }) : () -> ()
      %dma_start3A_101 = arith.constant 0 : i32
      %dma_start3A_102 = arith.constant 0 : i32
      %dma_start3A_103 = tpu.memref_slice %arg2[%dma_start3A_101, %dma_start3A_102] : memref<10240x128xf32, #tpu.memory_space<hbm>> -> memref<10240x128xf32, #tpu.memory_space<hbm>>
      tpu.enqueue_indirect_dma source(%dma_start3A_103 : memref<10240x128xf32, #tpu.memory_space<hbm>>) target(%arg12 : memref<128x128xf32, #tpu.memory_space<vmem>>) offsets(%arg8 : memref<128xi32, #tpu.memory_space<vmem>>) semaphore(%arg15 : memref<!tpu.dma_semaphore, #tpu.memory_space<semaphore_mem>>)
      %dma_wait3A = arith.constant 0 : i32
      %dma_wait3A_104 = arith.constant 0 : i32
      %dma_wait3A_105 = tpu.memref_slice %arg2[%dma_wait3A, %dma_wait3A_104] : memref<10240x128xf32, #tpu.memory_space<hbm>> -> memref<10240x128xf32, #tpu.memory_space<hbm>>
      tpu.wait_indirect_dma semaphore(%arg14 : memref<!tpu.dma_semaphore, #tpu.memory_space<semaphore_mem>>) src(%dma_wait3A_105 : memref<10240x128xf32, #tpu.memory_space<hbm>>) dst(%arg11 : memref<128x128xf32, #tpu.memory_space<vmem>>)
      "tpu.region"() ({
        %run_scoped3A = tpu.sem_alloc : memref<!tpu.dma_semaphore, #tpu.memory_space<semaphore_mem>>
        %dma_start3A_136 = arith.constant 0 : i32
        %dma_start3A_137 = arith.constant 0 : i32
        %dma_start3A_138 = tpu.memref_slice %arg13[%dma_start3A_136, %dma_start3A_137] : memref<10240x128xf32, #tpu.memory_space<vmem_shared>> -> memref<10240x128xf32, #tpu.memory_space<vmem_shared>>
        tpu.enqueue_indirect_dma source(%arg11 : memref<128x128xf32, #tpu.memory_space<vmem>>) target(%dma_start3A_138 : memref<10240x128xf32, #tpu.memory_space<vmem_shared>>) offsets(%arg9 : memref<128xi32, #tpu.memory_space<vmem>>) semaphore(%run_scoped3A : memref<!tpu.dma_semaphore, #tpu.memory_space<semaphore_mem>>) {add = true}
        %dma_wait3A_139 = arith.constant 0 : i32
        %dma_wait3A_140 = arith.constant 0 : i32
        %dma_wait3A_141 = tpu.memref_slice %arg13[%dma_wait3A_139, %dma_wait3A_140] : memref<10240x128xf32, #tpu.memory_space<vmem_shared>> -> memref<10240x128xf32, #tpu.memory_space<vmem_shared>>
        tpu.wait_indirect_dma semaphore(%run_scoped3A : memref<!tpu.dma_semaphore, #tpu.memory_space<semaphore_mem>>) src(%arg11 : memref<128x128xf32, #tpu.memory_space<vmem>>) dst(%dma_wait3A_141 : memref<10240x128xf32, #tpu.memory_space<vmem_shared>>)
        tpu.yield
      }) : () -> ()
      %jit3A_106 = arith.constant 2 : i32
      %div3A_107 = arith.divsi %select_n3A_15, %jit3A_106 : i32
      %sign3A_108 = arith.constant 0 : i32
      %sign3A_109 = arith.cmpi sgt, %select_n3A_15, %sign3A_108 : i32
      %sign3A_110 = arith.extui %sign3A_109 : i1 to i32
      %sign3A_111 = arith.constant 0 : i32
      %sign3A_112 = arith.cmpi slt, %select_n3A_15, %sign3A_111 : i32
      %sign3A_113 = arith.extui %sign3A_112 : i1 to i32
      %sign3A_114 = arith.subi %sign3A_110, %sign3A_113 : i32
      %sign3A_115 = arith.constant 0 : i32
      %sign3A_116 = arith.cmpi sgt, %jit3A_106, %sign3A_115 : i32
      %sign3A_117 = arith.extui %sign3A_116 : i1 to i32
      %sign3A_118 = arith.constant 0 : i32
      %sign3A_119 = arith.cmpi slt, %jit3A_106, %sign3A_118 : i32
      %sign3A_120 = arith.extui %sign3A_119 : i1 to i32
      %sign3A_121 = arith.subi %sign3A_117, %sign3A_120 : i32
      %ne3A_122 = arith.cmpi ne, %sign3A_114, %sign3A_121 : i32
      %rem3A_123 = arith.remsi %select_n3A_15, %jit3A_106 : i32
      %ne3A_124 = arith.constant 0 : i32
      %ne3A_125 = arith.cmpi ne, %rem3A_123, %ne3A_124 : i32
      %and3A_126 = arith.andi %ne3A_122, %ne3A_125 : i1
      %sub3A_127 = arith.constant 1 : i32
      %sub3A_128 = arith.subi %div3A_107, %sub3A_127 : i32
      %select_n3A_129 = arith.select %and3A_126, %sub3A_128, %div3A_107 : i32
      %sub3A_130 = arith.constant 1 : i32
      %sub3A_131 = arith.subi %select_n3A_129, %sub3A_130 : i32
      %lt3A = arith.cmpi slt, %while3A_93, %sub3A_131 : i32
      %convert_element_type3A = arith.extui %lt3A : i1 to i32
      %cond3A = arith.constant 0 : i32
      %cond3A_132 = arith.cmpi ne, %convert_element_type3A, %cond3A : i32
      scf.if %cond3A_132 {
        %mul3A_136 = arith.constant 2 : i32
        %mul3A_137 = arith.muli %mul3A_136, %while3A_93 : i32
        %add3A_138 = arith.constant 2 : i32
        %add3A_139 = arith.addi %mul3A_137, %add3A_138 : i32
        %add3A_140 = arith.addi %select_n3A_24, %add3A_139 : i32
        %mul3A_141 = arith.constant 128 : i32
        %mul3A_142 = arith.muli %add3A_140, %mul3A_141 : i32
        "tpu.region"() ({
          %run_scoped3A = tpu.sem_alloc : memref<!tpu.dma_semaphore, #tpu.memory_space<semaphore_mem>>
          %dma_start3A_146 = tpu.memref_slice %arg3[%mul3A_142] : memref<327680xi32, #tpu.memory_space<hbm>> -> memref<128xi32, #tpu.memory_space<hbm>>
          %dma_start3A_147 = tpu.memref_slice %arg3[%mul3A_142] : memref<327680xi32, #tpu.memory_space<hbm>> -> memref<128xi32, #tpu.memory_space<hbm>>
          tpu.enqueue_dma source(%dma_start3A_147 : memref<128xi32, #tpu.memory_space<hbm>>) target(%arg7 : memref<128xi32, #tpu.memory_space<vmem>>) target_semaphore(%run_scoped3A : memref<!tpu.dma_semaphore, #tpu.memory_space<semaphore_mem>>)
          %dma_wait3A_148 = tpu.memref_slice %arg3[%mul3A_142] : memref<327680xi32, #tpu.memory_space<hbm>> -> memref<128xi32, #tpu.memory_space<hbm>>
          %dma_wait3A_149 = tpu.memref_slice %arg3[%mul3A_142] : memref<327680xi32, #tpu.memory_space<hbm>> -> memref<128xi32, #tpu.memory_space<hbm>>
          tpu.wait_dma2 semaphore(%run_scoped3A : memref<!tpu.dma_semaphore, #tpu.memory_space<semaphore_mem>>) src(%dma_wait3A_149 : memref<128xi32, #tpu.memory_space<hbm>>) dst(%arg7 : memref<128xi32, #tpu.memory_space<vmem>>)
          tpu.yield
        }) : () -> ()
        "tpu.region"() ({
          %run_scoped3A = tpu.sem_alloc : memref<!tpu.dma_semaphore, #tpu.memory_space<semaphore_mem>>
          %dma_start3A_146 = tpu.memref_slice %arg4[%mul3A_142] : memref<327680xi32, #tpu.memory_space<hbm>> -> memref<128xi32, #tpu.memory_space<hbm>>
          %dma_start3A_147 = tpu.memref_slice %arg4[%mul3A_142] : memref<327680xi32, #tpu.memory_space<hbm>> -> memref<128xi32, #tpu.memory_space<hbm>>
          tpu.enqueue_dma source(%dma_start3A_147 : memref<128xi32, #tpu.memory_space<hbm>>) target(%arg9 : memref<128xi32, #tpu.memory_space<vmem>>) target_semaphore(%run_scoped3A : memref<!tpu.dma_semaphore, #tpu.memory_space<semaphore_mem>>)
          %dma_wait3A_148 = tpu.memref_slice %arg4[%mul3A_142] : memref<327680xi32, #tpu.memory_space<hbm>> -> memref<128xi32, #tpu.memory_space<hbm>>
          %dma_wait3A_149 = tpu.memref_slice %arg4[%mul3A_142] : memref<327680xi32, #tpu.memory_space<hbm>> -> memref<128xi32, #tpu.memory_space<hbm>>
          tpu.wait_dma2 semaphore(%run_scoped3A : memref<!tpu.dma_semaphore, #tpu.memory_space<semaphore_mem>>) src(%dma_wait3A_149 : memref<128xi32, #tpu.memory_space<hbm>>) dst(%arg9 : memref<128xi32, #tpu.memory_space<vmem>>)
          tpu.yield
        }) : () -> ()
        %dma_start3A_143 = arith.constant 0 : i32
        %dma_start3A_144 = arith.constant 0 : i32
        %dma_start3A_145 = tpu.memref_slice %arg2[%dma_start3A_143, %dma_start3A_144] : memref<10240x128xf32, #tpu.memory_space<hbm>> -> memref<10240x128xf32, #tpu.memory_space<hbm>>
        tpu.enqueue_indirect_dma source(%dma_start3A_145 : memref<10240x128xf32, #tpu.memory_space<hbm>>) target(%arg11 : memref<128x128xf32, #tpu.memory_space<vmem>>) offsets(%arg7 : memref<128xi32, #tpu.memory_space<vmem>>) semaphore(%arg14 : memref<!tpu.dma_semaphore, #tpu.memory_space<semaphore_mem>>)
      } else {
      }
      %dma_wait3A_133 = arith.constant 0 : i32
      %dma_wait3A_134 = arith.constant 0 : i32
      %dma_wait3A_135 = tpu.memref_slice %arg2[%dma_wait3A_133, %dma_wait3A_134] : memref<10240x128xf32, #tpu.memory_space<hbm>> -> memref<10240x128xf32, #tpu.memory_space<hbm>>
      tpu.wait_indirect_dma semaphore(%arg15 : memref<!tpu.dma_semaphore, #tpu.memory_space<semaphore_mem>>) src(%dma_wait3A_135 : memref<10240x128xf32, #tpu.memory_space<hbm>>) dst(%arg12 : memref<128x128xf32, #tpu.memory_space<vmem>>)
      "tpu.region"() ({
        %run_scoped3A = tpu.sem_alloc : memref<!tpu.dma_semaphore, #tpu.memory_space<semaphore_mem>>
        %dma_start3A_136 = arith.constant 0 : i32
        %dma_start3A_137 = arith.constant 0 : i32
        %dma_start3A_138 = tpu.memref_slice %arg13[%dma_start3A_136, %dma_start3A_137] : memref<10240x128xf32, #tpu.memory_space<vmem_shared>> -> memref<10240x128xf32, #tpu.memory_space<vmem_shared>>
        tpu.enqueue_indirect_dma source(%arg12 : memref<128x128xf32, #tpu.memory_space<vmem>>) target(%dma_start3A_138 : memref<10240x128xf32, #tpu.memory_space<vmem_shared>>) offsets(%arg10 : memref<128xi32, #tpu.memory_space<vmem>>) semaphore(%run_scoped3A : memref<!tpu.dma_semaphore, #tpu.memory_space<semaphore_mem>>) {add = true}
        %dma_wait3A_139 = arith.constant 0 : i32
        %dma_wait3A_140 = arith.constant 0 : i32
        %dma_wait3A_141 = tpu.memref_slice %arg13[%dma_wait3A_139, %dma_wait3A_140] : memref<10240x128xf32, #tpu.memory_space<vmem_shared>> -> memref<10240x128xf32, #tpu.memory_space<vmem_shared>>
        tpu.wait_indirect_dma semaphore(%run_scoped3A : memref<!tpu.dma_semaphore, #tpu.memory_space<semaphore_mem>>) src(%arg12 : memref<128x128xf32, #tpu.memory_space<vmem>>) dst(%dma_wait3A_141 : memref<10240x128xf32, #tpu.memory_space<vmem_shared>>)
        tpu.yield
      }) : () -> ()
    }
    %barrier3A_57 = arith.constant 0 : index
    tpu.barrier barrier_id(%barrier3A_57)
    %add3A_58 = arith.constant 0 : i32
    %add3A_59 = arith.addi %mul3A_2, %add3A_58 : i32
    "tpu.region"() ({
      %run_scoped3A = tpu.sem_alloc : memref<!tpu.dma_semaphore, #tpu.memory_space<semaphore_mem>>
      %dma_start3A_93 = arith.constant 0 : i32
      %dma_start3A_94 = tpu.memref_slice %arg13[%add3A_59, %dma_start3A_93] : memref<10240x128xf32, #tpu.memory_space<vmem_shared>> -> memref<128x128xf32, #tpu.memory_space<vmem_shared>>
      %dma_start3A_95 = arith.constant 0 : i32
      %dma_start3A_96 = tpu.memref_slice %arg13[%add3A_59, %dma_start3A_95] : memref<10240x128xf32, #tpu.memory_space<vmem_shared>> -> memref<128x128xf32, #tpu.memory_space<vmem_shared>>
      tpu.enqueue_dma source(%dma_start3A_96 : memref<128x128xf32, #tpu.memory_space<vmem_shared>>) target(%arg11 : memref<128x128xf32, #tpu.memory_space<vmem>>) target_semaphore(%run_scoped3A : memref<!tpu.dma_semaphore, #tpu.memory_space<semaphore_mem>>)
      %dma_wait3A = arith.constant 0 : i32
      %dma_wait3A_97 = tpu.memref_slice %arg13[%add3A_59, %dma_wait3A] : memref<10240x128xf32, #tpu.memory_space<vmem_shared>> -> memref<128x128xf32, #tpu.memory_space<vmem_shared>>
      %dma_wait3A_98 = arith.constant 0 : i32
      %dma_wait3A_99 = tpu.memref_slice %arg13[%add3A_59, %dma_wait3A_98] : memref<10240x128xf32, #tpu.memory_space<vmem_shared>> -> memref<128x128xf32, #tpu.memory_space<vmem_shared>>
      tpu.wait_dma2 semaphore(%run_scoped3A : memref<!tpu.dma_semaphore, #tpu.memory_space<semaphore_mem>>) src(%dma_wait3A_99 : memref<128x128xf32, #tpu.memory_space<vmem_shared>>) dst(%arg11 : memref<128x128xf32, #tpu.memory_space<vmem>>)
      tpu.yield
    }) : () -> ()
    %mul3A_60 = arith.constant 10240 : i32
    %mul3A_61 = arith.muli %arg0, %mul3A_60 : i32
    %add3A_62 = arith.addi %mul3A_61, %mul3A_2 : i32
    %add3A_63 = arith.constant 0 : i32
    %add3A_64 = arith.addi %add3A_62, %add3A_63 : i32
    "tpu.region"() ({
      %run_scoped3A = tpu.sem_alloc : memref<!tpu.dma_semaphore, #tpu.memory_space<semaphore_mem>>
      %dma_start3A_93 = arith.constant 0 : i32
      %dma_start3A_94 = tpu.memref_slice %arg6[%add3A_64, %dma_start3A_93] : memref<20480x128xf32, #tpu.memory_space<hbm>> -> memref<128x128xf32, #tpu.memory_space<hbm>>
      %dma_start3A_95 = arith.constant 0 : i32
      %dma_start3A_96 = tpu.memref_slice %arg6[%add3A_64, %dma_start3A_95] : memref<20480x128xf32, #tpu.memory_space<hbm>> -> memref<128x128xf32, #tpu.memory_space<hbm>>
      tpu.enqueue_dma source(%arg11 : memref<128x128xf32, #tpu.memory_space<vmem>>) target(%dma_start3A_96 : memref<128x128xf32, #tpu.memory_space<hbm>>) target_semaphore(%run_scoped3A : memref<!tpu.dma_semaphore, #tpu.memory_space<semaphore_mem>>)
      %dma_wait3A = arith.constant 0 : i32
      %dma_wait3A_97 = tpu.memref_slice %arg6[%add3A_64, %dma_wait3A] : memref<20480x128xf32, #tpu.memory_space<hbm>> -> memref<128x128xf32, #tpu.memory_space<hbm>>
      %dma_wait3A_98 = arith.constant 0 : i32
      %dma_wait3A_99 = tpu.memref_slice %arg6[%add3A_64, %dma_wait3A_98] : memref<20480x128xf32, #tpu.memory_space<hbm>> -> memref<128x128xf32, #tpu.memory_space<hbm>>
      tpu.wait_dma2 semaphore(%run_scoped3A : memref<!tpu.dma_semaphore, #tpu.memory_space<semaphore_mem>>) src(%arg11 : memref<128x128xf32, #tpu.memory_space<vmem>>) dst(%dma_wait3A_99 : memref<128x128xf32, #tpu.memory_space<hbm>>)
      tpu.yield
    }) : () -> ()
    %add3A_65 = arith.constant 128 : i32
    %add3A_66 = arith.addi %mul3A_2, %add3A_65 : i32
    "tpu.region"() ({
      %run_scoped3A = tpu.sem_alloc : memref<!tpu.dma_semaphore, #tpu.memory_space<semaphore_mem>>
      %dma_start3A_93 = arith.constant 0 : i32
      %dma_start3A_94 = tpu.memref_slice %arg13[%add3A_66, %dma_start3A_93] : memref<10240x128xf32, #tpu.memory_space<vmem_shared>> -> memref<128x128xf32, #tpu.memory_space<vmem_shared>>
      %dma_start3A_95 = arith.constant 0 : i32
      %dma_start3A_96 = tpu.memref_slice %arg13[%add3A_66, %dma_start3A_95] : memref<10240x128xf32, #tpu.memory_space<vmem_shared>> -> memref<128x128xf32, #tpu.memory_space<vmem_shared>>
      tpu.enqueue_dma source(%dma_start3A_96 : memref<128x128xf32, #tpu.memory_space<vmem_shared>>) target(%arg11 : memref<128x128xf32, #tpu.memory_space<vmem>>) target_semaphore(%run_scoped3A : memref<!tpu.dma_semaphore, #tpu.memory_space<semaphore_mem>>)
      %dma_wait3A = arith.constant 0 : i32
      %dma_wait3A_97 = tpu.memref_slice %arg13[%add3A_66, %dma_wait3A] : memref<10240x128xf32, #tpu.memory_space<vmem_shared>> -> memref<128x128xf32, #tpu.memory_space<vmem_shared>>
      %dma_wait3A_98 = arith.constant 0 : i32
      %dma_wait3A_99 = tpu.memref_slice %arg13[%add3A_66, %dma_wait3A_98] : memref<10240x128xf32, #tpu.memory_space<vmem_shared>> -> memref<128x128xf32, #tpu.memory_space<vmem_shared>>
      tpu.wait_dma2 semaphore(%run_scoped3A : memref<!tpu.dma_semaphore, #tpu.memory_space<semaphore_mem>>) src(%dma_wait3A_99 : memref<128x128xf32, #tpu.memory_space<vmem_shared>>) dst(%arg11 : memref<128x128xf32, #tpu.memory_space<vmem>>)
      tpu.yield
    }) : () -> ()
    %mul3A_67 = arith.constant 10240 : i32
    %mul3A_68 = arith.muli %arg0, %mul3A_67 : i32
    %add3A_69 = arith.addi %mul3A_68, %mul3A_2 : i32
    %add3A_70 = arith.constant 128 : i32
    %add3A_71 = arith.addi %add3A_69, %add3A_70 : i32
    "tpu.region"() ({
      %run_scoped3A = tpu.sem_alloc : memref<!tpu.dma_semaphore, #tpu.memory_space<semaphore_mem>>
      %dma_start3A_93 = arith.constant 0 : i32
      %dma_start3A_94 = tpu.memref_slice %arg6[%add3A_71, %dma_start3A_93] : memref<20480x128xf32, #tpu.memory_space<hbm>> -> memref<128x128xf32, #tpu.memory_space<hbm>>
      %dma_start3A_95 = arith.constant 0 : i32
      %dma_start3A_96 = tpu.memref_slice %arg6[%add3A_71, %dma_start3A_95] : memref<20480x128xf32, #tpu.memory_space<hbm>> -> memref<128x128xf32, #tpu.memory_space<hbm>>
      tpu.enqueue_dma source(%arg11 : memref<128x128xf32, #tpu.memory_space<vmem>>) target(%dma_start3A_96 : memref<128x128xf32, #tpu.memory_space<hbm>>) target_semaphore(%run_scoped3A : memref<!tpu.dma_semaphore, #tpu.memory_space<semaphore_mem>>)
      %dma_wait3A = arith.constant 0 : i32
      %dma_wait3A_97 = tpu.memref_slice %arg6[%add3A_71, %dma_wait3A] : memref<20480x128xf32, #tpu.memory_space<hbm>> -> memref<128x128xf32, #tpu.memory_space<hbm>>
      %dma_wait3A_98 = arith.constant 0 : i32
      %dma_wait3A_99 = tpu.memref_slice %arg6[%add3A_71, %dma_wait3A_98] : memref<20480x128xf32, #tpu.memory_space<hbm>> -> memref<128x128xf32, #tpu.memory_space<hbm>>
      tpu.wait_dma2 semaphore(%run_scoped3A : memref<!tpu.dma_semaphore, #tpu.memory_space<semaphore_mem>>) src(%arg11 : memref<128x128xf32, #tpu.memory_space<vmem>>) dst(%dma_wait3A_99 : memref<128x128xf32, #tpu.memory_space<hbm>>)
      tpu.yield
    }) : () -> ()
    %add3A_72 = arith.constant 256 : i32
    %add3A_73 = arith.addi %mul3A_2, %add3A_72 : i32
    "tpu.region"() ({
      %run_scoped3A = tpu.sem_alloc : memref<!tpu.dma_semaphore, #tpu.memory_space<semaphore_mem>>
      %dma_start3A_93 = arith.constant 0 : i32
      %dma_start3A_94 = tpu.memref_slice %arg13[%add3A_73, %dma_start3A_93] : memref<10240x128xf32, #tpu.memory_space<vmem_shared>> -> memref<128x128xf32, #tpu.memory_space<vmem_shared>>
      %dma_start3A_95 = arith.constant 0 : i32
      %dma_start3A_96 = tpu.memref_slice %arg13[%add3A_73, %dma_start3A_95] : memref<10240x128xf32, #tpu.memory_space<vmem_shared>> -> memref<128x128xf32, #tpu.memory_space<vmem_shared>>
      tpu.enqueue_dma source(%dma_start3A_96 : memref<128x128xf32, #tpu.memory_space<vmem_shared>>) target(%arg11 : memref<128x128xf32, #tpu.memory_space<vmem>>) target_semaphore(%run_scoped3A : memref<!tpu.dma_semaphore, #tpu.memory_space<semaphore_mem>>)
      %dma_wait3A = arith.constant 0 : i32
      %dma_wait3A_97 = tpu.memref_slice %arg13[%add3A_73, %dma_wait3A] : memref<10240x128xf32, #tpu.memory_space<vmem_shared>> -> memref<128x128xf32, #tpu.memory_space<vmem_shared>>
      %dma_wait3A_98 = arith.constant 0 : i32
      %dma_wait3A_99 = tpu.memref_slice %arg13[%add3A_73, %dma_wait3A_98] : memref<10240x128xf32, #tpu.memory_space<vmem_shared>> -> memref<128x128xf32, #tpu.memory_space<vmem_shared>>
      tpu.wait_dma2 semaphore(%run_scoped3A : memref<!tpu.dma_semaphore, #tpu.memory_space<semaphore_mem>>) src(%dma_wait3A_99 : memref<128x128xf32, #tpu.memory_space<vmem_shared>>) dst(%arg11 : memref<128x128xf32, #tpu.memory_space<vmem>>)
      tpu.yield
    }) : () -> ()
    %mul3A_74 = arith.constant 10240 : i32
    %mul3A_75 = arith.muli %arg0, %mul3A_74 : i32
    %add3A_76 = arith.addi %mul3A_75, %mul3A_2 : i32
    %add3A_77 = arith.constant 256 : i32
    %add3A_78 = arith.addi %add3A_76, %add3A_77 : i32
    "tpu.region"() ({
      %run_scoped3A = tpu.sem_alloc : memref<!tpu.dma_semaphore, #tpu.memory_space<semaphore_mem>>
      %dma_start3A_93 = arith.constant 0 : i32
      %dma_start3A_94 = tpu.memref_slice %arg6[%add3A_78, %dma_start3A_93] : memref<20480x128xf32, #tpu.memory_space<hbm>> -> memref<128x128xf32, #tpu.memory_space<hbm>>
      %dma_start3A_95 = arith.constant 0 : i32
      %dma_start3A_96 = tpu.memref_slice %arg6[%add3A_78, %dma_start3A_95] : memref<20480x128xf32, #tpu.memory_space<hbm>> -> memref<128x128xf32, #tpu.memory_space<hbm>>
      tpu.enqueue_dma source(%arg11 : memref<128x128xf32, #tpu.memory_space<vmem>>) target(%dma_start3A_96 : memref<128x128xf32, #tpu.memory_space<hbm>>) target_semaphore(%run_scoped3A : memref<!tpu.dma_semaphore, #tpu.memory_space<semaphore_mem>>)
      %dma_wait3A = arith.constant 0 : i32
      %dma_wait3A_97 = tpu.memref_slice %arg6[%add3A_78, %dma_wait3A] : memref<20480x128xf32, #tpu.memory_space<hbm>> -> memref<128x128xf32, #tpu.memory_space<hbm>>
      %dma_wait3A_98 = arith.constant 0 : i32
      %dma_wait3A_99 = tpu.memref_slice %arg6[%add3A_78, %dma_wait3A_98] : memref<20480x128xf32, #tpu.memory_space<hbm>> -> memref<128x128xf32, #tpu.memory_space<hbm>>
      tpu.wait_dma2 semaphore(%run_scoped3A : memref<!tpu.dma_semaphore, #tpu.memory_space<semaphore_mem>>) src(%arg11 : memref<128x128xf32, #tpu.memory_space<vmem>>) dst(%dma_wait3A_99 : memref<128x128xf32, #tpu.memory_space<hbm>>)
      tpu.yield
    }) : () -> ()
    %add3A_79 = arith.constant 384 : i32
    %add3A_80 = arith.addi %mul3A_2, %add3A_79 : i32
    "tpu.region"() ({
      %run_scoped3A = tpu.sem_alloc : memref<!tpu.dma_semaphore, #tpu.memory_space<semaphore_mem>>
      %dma_start3A_93 = arith.constant 0 : i32
      %dma_start3A_94 = tpu.memref_slice %arg13[%add3A_80, %dma_start3A_93] : memref<10240x128xf32, #tpu.memory_space<vmem_shared>> -> memref<128x128xf32, #tpu.memory_space<vmem_shared>>
      %dma_start3A_95 = arith.constant 0 : i32
      %dma_start3A_96 = tpu.memref_slice %arg13[%add3A_80, %dma_start3A_95] : memref<10240x128xf32, #tpu.memory_space<vmem_shared>> -> memref<128x128xf32, #tpu.memory_space<vmem_shared>>
      tpu.enqueue_dma source(%dma_start3A_96 : memref<128x128xf32, #tpu.memory_space<vmem_shared>>) target(%arg11 : memref<128x128xf32, #tpu.memory_space<vmem>>) target_semaphore(%run_scoped3A : memref<!tpu.dma_semaphore, #tpu.memory_space<semaphore_mem>>)
      %dma_wait3A = arith.constant 0 : i32
      %dma_wait3A_97 = tpu.memref_slice %arg13[%add3A_80, %dma_wait3A] : memref<10240x128xf32, #tpu.memory_space<vmem_shared>> -> memref<128x128xf32, #tpu.memory_space<vmem_shared>>
      %dma_wait3A_98 = arith.constant 0 : i32
      %dma_wait3A_99 = tpu.memref_slice %arg13[%add3A_80, %dma_wait3A_98] : memref<10240x128xf32, #tpu.memory_space<vmem_shared>> -> memref<128x128xf32, #tpu.memory_space<vmem_shared>>
      tpu.wait_dma2 semaphore(%run_scoped3A : memref<!tpu.dma_semaphore, #tpu.memory_space<semaphore_mem>>) src(%dma_wait3A_99 : memref<128x128xf32, #tpu.memory_space<vmem_shared>>) dst(%arg11 : memref<128x128xf32, #tpu.memory_space<vmem>>)
      tpu.yield
    }) : () -> ()
    %mul3A_81 = arith.constant 10240 : i32
    %mul3A_82 = arith.muli %arg0, %mul3A_81 : i32
    %add3A_83 = arith.addi %mul3A_82, %mul3A_2 : i32
    %add3A_84 = arith.constant 384 : i32
    %add3A_85 = arith.addi %add3A_83, %add3A_84 : i32
    "tpu.region"() ({
      %run_scoped3A = tpu.sem_alloc : memref<!tpu.dma_semaphore, #tpu.memory_space<semaphore_mem>>
      %dma_start3A_93 = arith.constant 0 : i32
      %dma_start3A_94 = tpu.memref_slice %arg6[%add3A_85, %dma_start3A_93] : memref<20480x128xf32, #tpu.memory_space<hbm>> -> memref<128x128xf32, #tpu.memory_space<hbm>>
      %dma_start3A_95 = arith.constant 0 : i32
      %dma_start3A_96 = tpu.memref_slice %arg6[%add3A_85, %dma_start3A_95] : memref<20480x128xf32, #tpu.memory_space<hbm>> -> memref<128x128xf32, #tpu.memory_space<hbm>>
      tpu.enqueue_dma source(%arg11 : memref<128x128xf32, #tpu.memory_space<vmem>>) target(%dma_start3A_96 : memref<128x128xf32, #tpu.memory_space<hbm>>) target_semaphore(%run_scoped3A : memref<!tpu.dma_semaphore, #tpu.memory_space<semaphore_mem>>)
      %dma_wait3A = arith.constant 0 : i32
      %dma_wait3A_97 = tpu.memref_slice %arg6[%add3A_85, %dma_wait3A] : memref<20480x128xf32, #tpu.memory_space<hbm>> -> memref<128x128xf32, #tpu.memory_space<hbm>>
      %dma_wait3A_98 = arith.constant 0 : i32
      %dma_wait3A_99 = tpu.memref_slice %arg6[%add3A_85, %dma_wait3A_98] : memref<20480x128xf32, #tpu.memory_space<hbm>> -> memref<128x128xf32, #tpu.memory_space<hbm>>
      tpu.wait_dma2 semaphore(%run_scoped3A : memref<!tpu.dma_semaphore, #tpu.memory_space<semaphore_mem>>) src(%arg11 : memref<128x128xf32, #tpu.memory_space<vmem>>) dst(%dma_wait3A_99 : memref<128x128xf32, #tpu.memory_space<hbm>>)
      tpu.yield
    }) : () -> ()
    %add3A_86 = arith.constant 512 : i32
    %add3A_87 = arith.addi %mul3A_2, %add3A_86 : i32
    "tpu.region"() ({
      %run_scoped3A = tpu.sem_alloc : memref<!tpu.dma_semaphore, #tpu.memory_space<semaphore_mem>>
      %dma_start3A_93 = arith.constant 0 : i32
      %dma_start3A_94 = tpu.memref_slice %arg13[%add3A_87, %dma_start3A_93] : memref<10240x128xf32, #tpu.memory_space<vmem_shared>> -> memref<128x128xf32, #tpu.memory_space<vmem_shared>>
      %dma_start3A_95 = arith.constant 0 : i32
      %dma_start3A_96 = tpu.memref_slice %arg13[%add3A_87, %dma_start3A_95] : memref<10240x128xf32, #tpu.memory_space<vmem_shared>> -> memref<128x128xf32, #tpu.memory_space<vmem_shared>>
      tpu.enqueue_dma source(%dma_start3A_96 : memref<128x128xf32, #tpu.memory_space<vmem_shared>>) target(%arg11 : memref<128x128xf32, #tpu.memory_space<vmem>>) target_semaphore(%run_scoped3A : memref<!tpu.dma_semaphore, #tpu.memory_space<semaphore_mem>>)
      %dma_wait3A = arith.constant 0 : i32
      %dma_wait3A_97 = tpu.memref_slice %arg13[%add3A_87, %dma_wait3A] : memref<10240x128xf32, #tpu.memory_space<vmem_shared>> -> memref<128x128xf32, #tpu.memory_space<vmem_shared>>
      %dma_wait3A_98 = arith.constant 0 : i32
      %dma_wait3A_99 = tpu.memref_slice %arg13[%add3A_87, %dma_wait3A_98] : memref<10240x128xf32, #tpu.memory_space<vmem_shared>> -> memref<128x128xf32, #tpu.memory_space<vmem_shared>>
      tpu.wait_dma2 semaphore(%run_scoped3A : memref<!tpu.dma_semaphore, #tpu.memory_space<semaphore_mem>>) src(%dma_wait3A_99 : memref<128x128xf32, #tpu.memory_space<vmem_shared>>) dst(%arg11 : memref<128x128xf32, #tpu.memory_space<vmem>>)
      tpu.yield
    }) : () -> ()
    %mul3A_88 = arith.constant 10240 : i32
    %mul3A_89 = arith.muli %arg0, %mul3A_88 : i32
    %add3A_90 = arith.addi %mul3A_89, %mul3A_2 : i32
    %add3A_91 = arith.constant 512 : i32
    %add3A_92 = arith.addi %add3A_90, %add3A_91 : i32
    "tpu.region"() ({
      %run_scoped3A = tpu.sem_alloc : memref<!tpu.dma_semaphore, #tpu.memory_space<semaphore_mem>>
      %dma_start3A_93 = arith.constant 0 : i32
      %dma_start3A_94 = tpu.memref_slice %arg6[%add3A_92, %dma_start3A_93] : memref<20480x128xf32, #tpu.memory_space<hbm>> -> memref<128x128xf32, #tpu.memory_space<hbm>>
      %dma_start3A_95 = arith.constant 0 : i32
      %dma_start3A_96 = tpu.memref_slice %arg6[%add3A_92, %dma_start3A_95] : memref<20480x128xf32, #tpu.memory_space<hbm>> -> memref<128x128xf32, #tpu.memory_space<hbm>>
      tpu.enqueue_dma source(%arg11 : memref<128x128xf32, #tpu.memory_space<vmem>>) target(%dma_start3A_96 : memref<128x128xf32, #tpu.memory_space<hbm>>) target_semaphore(%run_scoped3A : memref<!tpu.dma_semaphore, #tpu.memory_space<semaphore_mem>>)
      %dma_wait3A = arith.constant 0 : i32
      %dma_wait3A_97 = tpu.memref_slice %arg6[%add3A_92, %dma_wait3A] : memref<20480x128xf32, #tpu.memory_space<hbm>> -> memref<128x128xf32, #tpu.memory_space<hbm>>
      %dma_wait3A_98 = arith.constant 0 : i32
      %dma_wait3A_99 = tpu.memref_slice %arg6[%add3A_92, %dma_wait3A_98] : memref<20480x128xf32, #tpu.memory_space<hbm>> -> memref<128x128xf32, #tpu.memory_space<hbm>>
      tpu.wait_dma2 semaphore(%run_scoped3A : memref<!tpu.dma_semaphore, #tpu.memory_space<semaphore_mem>>) src(%arg11 : memref<128x128xf32, #tpu.memory_space<vmem>>) dst(%dma_wait3A_99 : memref<128x128xf32, #tpu.memory_space<hbm>>)
      tpu.yield
    }) : () -> ()
    return
  }
}

module attributes {stable_mosaic.version = 14 : i64} {
  func.func @_tc_in_body(%arg0: i32, %arg1: memref<2048x3xf32, #tpu.memory_space<vmem>>, %arg2: memref<2x2048x1xf32, #tpu.memory_space<vmem>>, %arg3: memref<3x128xf32, #tpu.memory_space<vmem>>, %arg4: memref<1x128xf32, #tpu.memory_space<vmem>>, %arg5: memref<128x128xf32, #tpu.memory_space<vmem>>, %arg6: memref<2048x128xf32, #tpu.memory_space<vmem>>, %arg7: memref<2048x1xf32, #tpu.memory_space<vmem>>) attributes {dimension_semantics = [#tpu.dimension_semantics<arbitrary>], iteration_bounds = array<i64: 5>, scalar_prefetch = 0 : i64, scratch_operands = 0 : i64, tpu.core_type = #tpu.core_type<tc>, window_params = [{transform_indices = @transform_0, window_bounds = array<i64: 2048, 3>}, {transform_indices = @transform_1, window_bounds = array<i64: 2, 2048, 1>}, {pipeline_mode = #tpu.pipeline_mode<synchronous>, transform_indices = @transform_2, window_bounds = array<i64: 3, 128>}, {pipeline_mode = #tpu.pipeline_mode<synchronous>, transform_indices = @transform_3, window_bounds = array<i64: 1, 128>}, {pipeline_mode = #tpu.pipeline_mode<synchronous>, transform_indices = @transform_4, window_bounds = array<i64: 128, 128>}, {transform_indices = @transform_5, window_bounds = array<i64: 2048, 128>}, {transform_indices = @transform_6, window_bounds = array<i64: 2048, 1>}]} {
    %get3A = arith.constant 0 : index
    %get3A_0 = arith.constant 0 : index
    %get3A_1 = arith.constant 0 : index
    %get3A_2 = vector.load %arg2[%get3A, %get3A_0, %get3A_1] : memref<2x2048x1xf32, #tpu.memory_space<vmem>>, vector<1x2048x1xf32>
    %get3A_3 = vector.shape_cast %get3A_2 : vector<1x2048x1xf32> to vector<2048x1xf32>
    %get3A_4 = arith.constant 1 : index
    %get3A_5 = arith.constant 0 : index
    %get3A_6 = arith.constant 0 : index
    %get3A_7 = vector.load %arg2[%get3A_4, %get3A_5, %get3A_6] : memref<2x2048x1xf32, #tpu.memory_space<vmem>>, vector<1x2048x1xf32>
    %get3A_8 = vector.shape_cast %get3A_7 : vector<1x2048x1xf32> to vector<2048x1xf32>
    %add3A = arith.addf %get3A_3, %get3A_8 : vector<2048x1xf32>
    %add3A_9 = arith.constant 1.000000e+00 : f32
    %add3A_10 = vector.broadcast %add3A_9 : f32 to vector<2048x1xf32>
    %add3A_11 = arith.addf %add3A, %add3A_10 : vector<2048x1xf32>
    %rsqrt3A = math.rsqrt %add3A_11 : vector<2048x1xf32>
    %get3A_12 = arith.constant 0 : index
    %get3A_13 = arith.constant 0 : index
    %get3A_14 = vector.load %arg1[%get3A_12, %get3A_13] : memref<2048x3xf32, #tpu.memory_space<vmem>>, vector<2048x3xf32>
    %get3A_15 = arith.constant 0 : index
    %get3A_16 = arith.constant 0 : index
    %get3A_17 = vector.load %arg3[%get3A_15, %get3A_16] : memref<3x128xf32, #tpu.memory_space<vmem>>, vector<3x128xf32>
    %dot_general3A = arith.constant dense<0.000000e+00> : vector<2048x128xf32>
    %dot_general3A_18 = tpu.matmul %get3A_14, %get3A_17, %dot_general3A {dimension_numbers = #tpu.dot_dimension_numbers<[1], [0], [0], [1], [0, 0, 1, 1], [], []>, transpose_lhs_hint = false} : vector<2048x3xf32>, vector<3x128xf32>, vector<2048x128xf32> -> vector<2048x128xf32>
    %get3A_19 = arith.constant 0 : index
    %get3A_20 = arith.constant 0 : index
    %get3A_21 = vector.load %arg4[%get3A_19, %get3A_20] : memref<1x128xf32, #tpu.memory_space<vmem>>, vector<1x128xf32>
    %add3A_22 = vector.broadcast %get3A_21 : vector<1x128xf32> to vector<2048x128xf32>
    %add3A_23 = arith.addf %dot_general3A_18, %add3A_22 : vector<2048x128xf32>
    %get3A_24 = arith.constant 0 : index
    %get3A_25 = arith.constant 0 : index
    %get3A_26 = vector.load %arg5[%get3A_24, %get3A_25] : memref<128x128xf32, #tpu.memory_space<vmem>>, vector<128x128xf32>
    %dot_general3A_27 = arith.constant dense<0.000000e+00> : vector<2048x128xf32>
    %dot_general3A_28 = tpu.matmul %add3A_23, %get3A_26, %dot_general3A_27 {dimension_numbers = #tpu.dot_dimension_numbers<[1], [0], [0], [1], [0, 0, 1, 1], [], []>, transpose_lhs_hint = false} : vector<2048x128xf32>, vector<128x128xf32>, vector<2048x128xf32> -> vector<2048x128xf32>
    %mul3A = vector.broadcast %rsqrt3A : vector<2048x1xf32> to vector<2048x128xf32>
    %mul3A_29 = arith.mulf %dot_general3A_28, %mul3A : vector<2048x128xf32>
    %mul3A_30 = arith.constant 2048 : i32
    %mul3A_31 = arith.muli %arg0, %mul3A_30 : i32
    %iota3A = tpu.iota {dimensions = array<i32: 0>} : vector<2048x1xi32>
    %add3A_32 = vector.broadcast %mul3A_31 : i32 to vector<2048x1xi32>
    %add3A_33 = arith.addi %add3A_32, %iota3A : vector<2048x1xi32>
    %lt3A = arith.constant 10000 : i32
    %lt3A_34 = vector.broadcast %lt3A : i32 to vector<2048x1xi32>
    %lt3A_35 = arith.cmpi slt, %add3A_33, %lt3A_34 : vector<2048x1xi32>
    %convert_element_type3A = arith.extui %lt3A_35 : vector<2048x1xi1> to vector<2048x1xi32>
    %convert_element_type3A_36 = arith.sitofp %convert_element_type3A : vector<2048x1xi32> to vector<2048x1xf32>
    %mul3A_37 = vector.broadcast %convert_element_type3A_36 : vector<2048x1xf32> to vector<2048x128xf32>
    %mul3A_38 = arith.mulf %mul3A_29, %mul3A_37 : vector<2048x128xf32>
    %swap3A = arith.constant 0 : index
    %swap3A_39 = arith.constant 0 : index
    %swap3A_40 = vector.load %arg6[%swap3A, %swap3A_39] : memref<2048x128xf32, #tpu.memory_space<vmem>>, vector<2048x128xf32>
    tpu.vector_store %arg6[%swap3A, %swap3A_39], %mul3A_38 {strides = array<i32>} : memref<2048x128xf32, #tpu.memory_space<vmem>>, vector<2048x128xf32>,
    %swap3A_41 = arith.constant 0 : index
    %swap3A_42 = arith.constant 0 : index
    %swap3A_43 = vector.load %arg7[%swap3A_41, %swap3A_42] : memref<2048x1xf32, #tpu.memory_space<vmem>>, vector<2048x1xf32>
    tpu.vector_store %arg7[%swap3A_41, %swap3A_42], %rsqrt3A {strides = array<i32>} : memref<2048x1xf32, #tpu.memory_space<vmem>>, vector<2048x1xf32>,
    return
  }
  func.func @transform_0(%arg0: i32) -> (i32, i32) {
    %c0_i32 = arith.constant 0 : i32
    %c0_i32_0 = arith.constant 0 : i32
    return %arg0, %c0_i32 : i32, i32
  }
  func.func @transform_1(%arg0: i32) -> (i32, i32, i32) {
    %c0_i32 = arith.constant 0 : i32
    %c0_i32_0 = arith.constant 0 : i32
    %c0_i32_1 = arith.constant 0 : i32
    return %c0_i32, %arg0, %c0_i32_0 : i32, i32, i32
  }
  func.func @transform_2(%arg0: i32) -> (i32, i32) {
    %c0_i32 = arith.constant 0 : i32
    %c0_i32_0 = arith.constant 0 : i32
    %c0_i32_1 = arith.constant 0 : i32
    return %c0_i32, %c0_i32_0 : i32, i32
  }
  func.func @transform_3(%arg0: i32) -> (i32, i32) {
    %c0_i32 = arith.constant 0 : i32
    %c0_i32_0 = arith.constant 0 : i32
    %c0_i32_1 = arith.constant 0 : i32
    return %c0_i32, %c0_i32_0 : i32, i32
  }
  func.func @transform_4(%arg0: i32) -> (i32, i32) {
    %c0_i32 = arith.constant 0 : i32
    %c0_i32_0 = arith.constant 0 : i32
    %c0_i32_1 = arith.constant 0 : i32
    return %c0_i32, %c0_i32_0 : i32, i32
  }
  func.func @transform_5(%arg0: i32) -> (i32, i32) {
    %c0_i32 = arith.constant 0 : i32
    %c0_i32_0 = arith.constant 0 : i32
    return %arg0, %c0_i32 : i32, i32
  }
  func.func @transform_6(%arg0: i32) -> (i32, i32) {
    %c0_i32 = arith.constant 0 : i32
    %c0_i32_0 = arith.constant 0 : i32
    return %arg0, %c0_i32 : i32, i32
  }
}

module attributes {stable_mosaic.version = 14 : i64} {
  func.func @_tc_post_body(%arg0: i32, %arg1: memref<2x2048x128xf32, #tpu.memory_space<vmem>>, %arg2: memref<2048x128xf32, #tpu.memory_space<vmem>>, %arg3: memref<2048x1xf32, #tpu.memory_space<vmem>>, %arg4: memref<1x128xf32, #tpu.memory_space<vmem>>, %arg5: memref<2048x128xf32, #tpu.memory_space<vmem>>, %arg6: memref<2x128xf32, #tpu.memory_space<vmem>>) attributes {dimension_semantics = [#tpu.dimension_semantics<arbitrary>], iteration_bounds = array<i64: 5>, scalar_prefetch = 0 : i64, scratch_operands = 0 : i64, tpu.core_type = #tpu.core_type<tc>, window_params = [{transform_indices = @transform_0, window_bounds = array<i64: 2, 2048, 128>}, {transform_indices = @transform_1, window_bounds = array<i64: 2048, 128>}, {transform_indices = @transform_2, window_bounds = array<i64: 2048, 1>}, {pipeline_mode = #tpu.pipeline_mode<synchronous>, transform_indices = @transform_3, window_bounds = array<i64: 1, 128>}, {transform_indices = @transform_4, window_bounds = array<i64: 2048, 128>}, {pipeline_mode = #tpu.pipeline_mode<synchronous>, transform_indices = @transform_5, window_bounds = array<i64: 2, 128>}]} {
    %get3A = arith.constant 0 : index
    %get3A_0 = arith.constant 0 : index
    %get3A_1 = arith.constant 0 : index
    %get3A_2 = vector.load %arg1[%get3A, %get3A_0, %get3A_1] : memref<2x2048x128xf32, #tpu.memory_space<vmem>>, vector<1x2048x128xf32>
    %get3A_3 = vector.shape_cast %get3A_2 : vector<1x2048x128xf32> to vector<2048x128xf32>
    %get3A_4 = arith.constant 1 : index
    %get3A_5 = arith.constant 0 : index
    %get3A_6 = arith.constant 0 : index
    %get3A_7 = vector.load %arg1[%get3A_4, %get3A_5, %get3A_6] : memref<2x2048x128xf32, #tpu.memory_space<vmem>>, vector<1x2048x128xf32>
    %get3A_8 = vector.shape_cast %get3A_7 : vector<1x2048x128xf32> to vector<2048x128xf32>
    %add3A = arith.addf %get3A_3, %get3A_8 : vector<2048x128xf32>
    %get3A_9 = arith.constant 0 : index
    %get3A_10 = arith.constant 0 : index
    %get3A_11 = vector.load %arg2[%get3A_9, %get3A_10] : memref<2048x128xf32, #tpu.memory_space<vmem>>, vector<2048x128xf32>
    %add3A_12 = arith.addf %add3A, %get3A_11 : vector<2048x128xf32>
    %get3A_13 = arith.constant 0 : index
    %get3A_14 = arith.constant 0 : index
    %get3A_15 = vector.load %arg3[%get3A_13, %get3A_14] : memref<2048x1xf32, #tpu.memory_space<vmem>>, vector<2048x1xf32>
    %mul3A = vector.broadcast %get3A_15 : vector<2048x1xf32> to vector<2048x128xf32>
    %mul3A_16 = arith.mulf %add3A_12, %mul3A : vector<2048x128xf32>
    %get3A_17 = arith.constant 0 : index
    %get3A_18 = arith.constant 0 : index
    %get3A_19 = vector.load %arg4[%get3A_17, %get3A_18] : memref<1x128xf32, #tpu.memory_space<vmem>>, vector<1x128xf32>
    %add3A_20 = vector.broadcast %get3A_19 : vector<1x128xf32> to vector<2048x128xf32>
    %add3A_21 = arith.addf %mul3A_16, %add3A_20 : vector<2048x128xf32>
    %mul3A_22 = arith.constant 2048 : i32
    %mul3A_23 = arith.muli %arg0, %mul3A_22 : i32
    %iota3A = tpu.iota {dimensions = array<i32: 0>} : vector<2048x1xi32>
    %add3A_24 = vector.broadcast %mul3A_23 : i32 to vector<2048x1xi32>
    %add3A_25 = arith.addi %add3A_24, %iota3A : vector<2048x1xi32>
    %lt3A = arith.constant 10000 : i32
    %lt3A_26 = vector.broadcast %lt3A : i32 to vector<2048x1xi32>
    %lt3A_27 = arith.cmpi slt, %add3A_25, %lt3A_26 : vector<2048x1xi32>
    %convert_element_type3A = arith.extui %lt3A_27 : vector<2048x1xi1> to vector<2048x1xi32>
    %convert_element_type3A_28 = arith.sitofp %convert_element_type3A : vector<2048x1xi32> to vector<2048x1xf32>
    %mul3A_29 = vector.broadcast %convert_element_type3A_28 : vector<2048x1xf32> to vector<2048x128xf32>
    %mul3A_30 = arith.mulf %add3A_21, %mul3A_29 : vector<2048x128xf32>
    %swap3A = arith.constant 0 : index
    %swap3A_31 = arith.constant 0 : index
    %swap3A_32 = vector.load %arg5[%swap3A, %swap3A_31] : memref<2048x128xf32, #tpu.memory_space<vmem>>, vector<2048x128xf32>
    tpu.vector_store %arg5[%swap3A, %swap3A_31], %mul3A_30 {strides = array<i32>} : memref<2048x128xf32, #tpu.memory_space<vmem>>, vector<2048x128xf32>,
    %reduce_sum3A = arith.constant dense<0.000000e+00> : vector<128xf32>
    %reduce_sum3A_33 = vector.multi_reduction <add>, %mul3A_30, %reduce_sum3A [0] : vector<2048x128xf32> to vector<128xf32>
    %broadcast_in_dim3A = vector.shape_cast %reduce_sum3A_33 : vector<128xf32> to vector<1x128xf32>
    %mul3A_34 = arith.mulf %mul3A_30, %mul3A_30 : vector<2048x128xf32>
    %reduce_sum3A_35 = arith.constant dense<0.000000e+00> : vector<128xf32>
    %reduce_sum3A_36 = vector.multi_reduction <add>, %mul3A_34, %reduce_sum3A_35 [0] : vector<2048x128xf32> to vector<128xf32>
    %broadcast_in_dim3A_37 = vector.shape_cast %reduce_sum3A_36 : vector<128xf32> to vector<1x128xf32>
    %concatenate3A = tpu.concatenate %broadcast_in_dim3A, %broadcast_in_dim3A_37 in 0 : vector<1x128xf32>, vector<1x128xf32> -> vector<2x128xf32>
    %eq3A = arith.constant 0 : i32
    %eq3A_38 = arith.cmpi eq, %arg0, %eq3A : i32
    %convert_element_type3A_39 = arith.extui %eq3A_38 : i1 to i32
    %cond3A = arith.constant 0 : i32
    %cond3A_40 = arith.cmpi ne, %convert_element_type3A_39, %cond3A : i32
    scf.if %cond3A_40 {
      %swap3A_45 = arith.constant 0 : index
      %swap3A_46 = arith.constant 0 : index
      %swap3A_47 = vector.load %arg6[%swap3A_45, %swap3A_46] : memref<2x128xf32, #tpu.memory_space<vmem>>, vector<2x128xf32>
      tpu.vector_store %arg6[%swap3A_45, %swap3A_46], %concatenate3A {strides = array<i32>} : memref<2x128xf32, #tpu.memory_space<vmem>>, vector<2x128xf32>,
    } else {
    }
    %gt3A = arith.constant 0 : i32
    %gt3A_41 = arith.cmpi sgt, %arg0, %gt3A : i32
    %convert_element_type3A_42 = arith.extui %gt3A_41 : i1 to i32
    %cond3A_43 = arith.constant 0 : i32
    %cond3A_44 = arith.cmpi ne, %convert_element_type3A_42, %cond3A_43 : i32
    scf.if %cond3A_44 {
      %get3A_45 = arith.constant 0 : index
      %get3A_46 = arith.constant 0 : index
      %get3A_47 = vector.load %arg6[%get3A_45, %get3A_46] : memref<2x128xf32, #tpu.memory_space<vmem>>, vector<2x128xf32>
      %add3A_48 = arith.addf %get3A_47, %concatenate3A : vector<2x128xf32>
      %swap3A_49 = arith.constant 0 : index
      %swap3A_50 = arith.constant 0 : index
      %swap3A_51 = vector.load %arg6[%swap3A_49, %swap3A_50] : memref<2x128xf32, #tpu.memory_space<vmem>>, vector<2x128xf32>
      tpu.vector_store %arg6[%swap3A_49, %swap3A_50], %add3A_48 {strides = array<i32>} : memref<2x128xf32, #tpu.memory_space<vmem>>, vector<2x128xf32>,
    } else {
    }
    return
  }
  func.func @transform_0(%arg0: i32) -> (i32, i32, i32) {
    %c0_i32 = arith.constant 0 : i32
    %c0_i32_0 = arith.constant 0 : i32
    %c0_i32_1 = arith.constant 0 : i32
    return %c0_i32, %arg0, %c0_i32_0 : i32, i32, i32
  }
  func.func @transform_1(%arg0: i32) -> (i32, i32) {
    %c0_i32 = arith.constant 0 : i32
    %c0_i32_0 = arith.constant 0 : i32
    return %arg0, %c0_i32 : i32, i32
  }
  func.func @transform_2(%arg0: i32) -> (i32, i32) {
    %c0_i32 = arith.constant 0 : i32
    %c0_i32_0 = arith.constant 0 : i32
    return %arg0, %c0_i32 : i32, i32
  }
  func.func @transform_3(%arg0: i32) -> (i32, i32) {
    %c0_i32 = arith.constant 0 : i32
    %c0_i32_0 = arith.constant 0 : i32
    %c0_i32_1 = arith.constant 0 : i32
    return %c0_i32, %c0_i32_0 : i32, i32
  }
  func.func @transform_4(%arg0: i32) -> (i32, i32) {
    %c0_i32 = arith.constant 0 : i32
    %c0_i32_0 = arith.constant 0 : i32
    return %arg0, %c0_i32 : i32, i32
  }
  func.func @transform_5(%arg0: i32) -> (i32, i32) {
    %c0_i32 = arith.constant 0 : i32
    %c0_i32_0 = arith.constant 0 : i32
    %c0_i32_1 = arith.constant 0 : i32
    return %c0_i32, %c0_i32_0 : i32, i32
  }
}

module attributes {stable_mosaic.version = 14 : i64} {
  func.func @_tc_mid_body(%arg0: i32, %arg1: memref<2048x128xf32, #tpu.memory_space<vmem>>, %arg2: memref<2x128xf32, #tpu.memory_space<vmem>>, %arg3: memref<1x128xf32, #tpu.memory_space<vmem>>, %arg4: memref<1x128xf32, #tpu.memory_space<vmem>>, %arg5: memref<128x128xf32, #tpu.memory_space<vmem>>, %arg6: memref<2048x1xf32, #tpu.memory_space<vmem>>, %arg7: memref<2048x128xf32, #tpu.memory_space<vmem>>) attributes {dimension_semantics = [#tpu.dimension_semantics<arbitrary>], iteration_bounds = array<i64: 5>, scalar_prefetch = 0 : i64, scratch_operands = 0 : i64, tpu.core_type = #tpu.core_type<tc>, window_params = [{transform_indices = @transform_0, window_bounds = array<i64: 2048, 128>}, {pipeline_mode = #tpu.pipeline_mode<synchronous>, transform_indices = @transform_1, window_bounds = array<i64: 2, 128>}, {pipeline_mode = #tpu.pipeline_mode<synchronous>, transform_indices = @transform_2, window_bounds = array<i64: 1, 128>}, {pipeline_mode = #tpu.pipeline_mode<synchronous>, transform_indices = @transform_3, window_bounds = array<i64: 1, 128>}, {pipeline_mode = #tpu.pipeline_mode<synchronous>, transform_indices = @transform_4, window_bounds = array<i64: 128, 128>}, {transform_indices = @transform_5, window_bounds = array<i64: 2048, 1>}, {transform_indices = @transform_6, window_bounds = array<i64: 2048, 128>}]} {
    %get3A = arith.constant 0 : index
    %get3A_0 = arith.constant 0 : index
    %get3A_1 = vector.load %arg2[%get3A, %get3A_0] : memref<2x128xf32, #tpu.memory_space<vmem>>, vector<1x128xf32>
    %div3A = arith.constant 1.000000e+04 : f32
    %div3A_2 = vector.broadcast %div3A : f32 to vector<1x128xf32>
    %div3A_3 = arith.divf %get3A_1, %div3A_2 : vector<1x128xf32>
    %get3A_4 = arith.constant 1 : index
    %get3A_5 = arith.constant 0 : index
    %get3A_6 = vector.load %arg2[%get3A_4, %get3A_5] : memref<2x128xf32, #tpu.memory_space<vmem>>, vector<1x128xf32>
    %div3A_7 = arith.constant 1.000000e+04 : f32
    %div3A_8 = vector.broadcast %div3A_7 : f32 to vector<1x128xf32>
    %div3A_9 = arith.divf %get3A_6, %div3A_8 : vector<1x128xf32>
    %mul3A = arith.mulf %div3A_3, %div3A_3 : vector<1x128xf32>
    %sub3A = arith.subf %div3A_9, %mul3A : vector<1x128xf32>
    %get3A_10 = arith.constant 0 : index
    %get3A_11 = arith.constant 0 : index
    %get3A_12 = vector.load %arg3[%get3A_10, %get3A_11] : memref<1x128xf32, #tpu.memory_space<vmem>>, vector<1x128xf32>
    %add3A = arith.constant 9.99999974E-6 : f32
    %add3A_13 = vector.broadcast %add3A : f32 to vector<1x128xf32>
    %add3A_14 = arith.addf %sub3A, %add3A_13 : vector<1x128xf32>
    %rsqrt3A = math.rsqrt %add3A_14 : vector<1x128xf32>
    %mul3A_15 = arith.mulf %get3A_12, %rsqrt3A : vector<1x128xf32>
    %get3A_16 = arith.constant 0 : index
    %get3A_17 = arith.constant 0 : index
    %get3A_18 = vector.load %arg4[%get3A_16, %get3A_17] : memref<1x128xf32, #tpu.memory_space<vmem>>, vector<1x128xf32>
    %mul3A_19 = arith.mulf %div3A_3, %mul3A_15 : vector<1x128xf32>
    %sub3A_20 = arith.subf %get3A_18, %mul3A_19 : vector<1x128xf32>
    %get3A_21 = arith.constant 0 : index
    %get3A_22 = arith.constant 0 : index
    %get3A_23 = vector.load %arg1[%get3A_21, %get3A_22] : memref<2048x128xf32, #tpu.memory_space<vmem>>, vector<2048x128xf32>
    %mul3A_24 = vector.broadcast %mul3A_15 : vector<1x128xf32> to vector<2048x128xf32>
    %mul3A_25 = arith.mulf %get3A_23, %mul3A_24 : vector<2048x128xf32>
    %add3A_26 = vector.broadcast %sub3A_20 : vector<1x128xf32> to vector<2048x128xf32>
    %add3A_27 = arith.addf %mul3A_25, %add3A_26 : vector<2048x128xf32>
    %max3A = arith.constant 0.000000e+00 : f32
    %max3A_28 = vector.broadcast %max3A : f32 to vector<2048x128xf32>
    %max3A_29 = arith.maximumf %add3A_27, %max3A_28 : vector<2048x128xf32>
    %get3A_30 = arith.constant 0 : index
    %get3A_31 = arith.constant 0 : index
    %get3A_32 = vector.load %arg5[%get3A_30, %get3A_31] : memref<128x128xf32, #tpu.memory_space<vmem>>, vector<128x128xf32>
    %dot_general3A = arith.constant dense<0.000000e+00> : vector<2048x128xf32>
    %dot_general3A_33 = tpu.matmul %max3A_29, %get3A_32, %dot_general3A {dimension_numbers = #tpu.dot_dimension_numbers<[1], [0], [0], [1], [0, 0, 1, 1], [], []>, transpose_lhs_hint = false} : vector<2048x128xf32>, vector<128x128xf32>, vector<2048x128xf32> -> vector<2048x128xf32>
    %get3A_34 = arith.constant 0 : index
    %get3A_35 = arith.constant 0 : index
    %get3A_36 = vector.load %arg6[%get3A_34, %get3A_35] : memref<2048x1xf32, #tpu.memory_space<vmem>>, vector<2048x1xf32>
    %mul3A_37 = vector.broadcast %get3A_36 : vector<2048x1xf32> to vector<2048x128xf32>
    %mul3A_38 = arith.mulf %dot_general3A_33, %mul3A_37 : vector<2048x128xf32>
    %mul3A_39 = arith.constant 2048 : i32
    %mul3A_40 = arith.muli %arg0, %mul3A_39 : i32
    %iota3A = tpu.iota {dimensions = array<i32: 0>} : vector<2048x1xi32>
    %add3A_41 = vector.broadcast %mul3A_40 : i32 to vector<2048x1xi32>
    %add3A_42 = arith.addi %add3A_41, %iota3A : vector<2048x1xi32>
    %lt3A = arith.constant 10000 : i32
    %lt3A_43 = vector.broadcast %lt3A : i32 to vector<2048x1xi32>
    %lt3A_44 = arith.cmpi slt, %add3A_42, %lt3A_43 : vector<2048x1xi32>
    %convert_element_type3A = arith.extui %lt3A_44 : vector<2048x1xi1> to vector<2048x1xi32>
    %convert_element_type3A_45 = arith.sitofp %convert_element_type3A : vector<2048x1xi32> to vector<2048x1xf32>
    %mul3A_46 = vector.broadcast %convert_element_type3A_45 : vector<2048x1xf32> to vector<2048x128xf32>
    %mul3A_47 = arith.mulf %mul3A_38, %mul3A_46 : vector<2048x128xf32>
    %swap3A = arith.constant 0 : index
    %swap3A_48 = arith.constant 0 : index
    %swap3A_49 = vector.load %arg7[%swap3A, %swap3A_48] : memref<2048x128xf32, #tpu.memory_space<vmem>>, vector<2048x128xf32>
    tpu.vector_store %arg7[%swap3A, %swap3A_48], %mul3A_47 {strides = array<i32>} : memref<2048x128xf32, #tpu.memory_space<vmem>>, vector<2048x128xf32>,
    return
  }
  func.func @transform_0(%arg0: i32) -> (i32, i32) {
    %c0_i32 = arith.constant 0 : i32
    %c0_i32_0 = arith.constant 0 : i32
    return %arg0, %c0_i32 : i32, i32
  }
  func.func @transform_1(%arg0: i32) -> (i32, i32) {
    %c0_i32 = arith.constant 0 : i32
    %c0_i32_0 = arith.constant 0 : i32
    %c0_i32_1 = arith.constant 0 : i32
    return %c0_i32, %c0_i32_0 : i32, i32
  }
  func.func @transform_2(%arg0: i32) -> (i32, i32) {
    %c0_i32 = arith.constant 0 : i32
    %c0_i32_0 = arith.constant 0 : i32
    %c0_i32_1 = arith.constant 0 : i32
    return %c0_i32, %c0_i32_0 : i32, i32
  }
  func.func @transform_3(%arg0: i32) -> (i32, i32) {
    %c0_i32 = arith.constant 0 : i32
    %c0_i32_0 = arith.constant 0 : i32
    %c0_i32_1 = arith.constant 0 : i32
    return %c0_i32, %c0_i32_0 : i32, i32
  }
  func.func @transform_4(%arg0: i32) -> (i32, i32) {
    %c0_i32 = arith.constant 0 : i32
    %c0_i32_0 = arith.constant 0 : i32
    %c0_i32_1 = arith.constant 0 : i32
    return %c0_i32, %c0_i32_0 : i32, i32
  }
  func.func @transform_5(%arg0: i32) -> (i32, i32) {
    %c0_i32 = arith.constant 0 : i32
    %c0_i32_0 = arith.constant 0 : i32
    return %arg0, %c0_i32 : i32, i32
  }
  func.func @transform_6(%arg0: i32) -> (i32, i32) {
    %c0_i32 = arith.constant 0 : i32
    %c0_i32_0 = arith.constant 0 : i32
    return %arg0, %c0_i32 : i32, i32
  }
}

module attributes {stable_mosaic.version = 14 : i64} {
  func.func @_tc_head_body(%arg0: i32, %arg1: memref<2048x128xf32, #tpu.memory_space<vmem>>, %arg2: memref<2x128xf32, #tpu.memory_space<vmem>>, %arg3: memref<1x128xf32, #tpu.memory_space<vmem>>, %arg4: memref<1x128xf32, #tpu.memory_space<vmem>>, %arg5: memref<1x2048xi32, #tpu.memory_space<vmem>>, %arg6: memref<2048x1xi32, #tpu.memory_space<vmem>>, %arg7: memref<256x128xf32, #tpu.memory_space<vmem>>, %arg8: memref<1x128xf32, #tpu.memory_space<vmem>>, %arg9: memref<1x128xf32, #tpu.memory_space<vmem>>, %arg10: memref<1x128xf32, #tpu.memory_space<vmem>>, %arg11: memref<128x64xf32, #tpu.memory_space<vmem>>, %arg12: memref<1x64xf32, #tpu.memory_space<vmem>>, %arg13: memref<1x64xf32, #tpu.memory_space<vmem>>, %arg14: memref<1x64xf32, #tpu.memory_space<vmem>>, %arg15: memref<64x2xf32, #tpu.memory_space<vmem>>, %arg16: memref<1x2xf32, #tpu.memory_space<vmem>>, %arg17: memref<64x2xf32, #tpu.memory_space<vmem>>, %arg18: memref<64x128xf32, #tpu.memory_space<vmem>>, %arg19: memref<64x128xf32, #tpu.memory_space<vmem>>, %arg20: memref<64x1xf32, #tpu.memory_space<vmem>>) attributes {dimension_semantics = [#tpu.dimension_semantics<arbitrary>], iteration_bounds = array<i64: 5>, scalar_prefetch = 0 : i64, scratch_operands = 3 : i64, tpu.core_type = #tpu.core_type<tc>, window_params = [{transform_indices = @transform_0, window_bounds = array<i64: 2048, 128>}, {pipeline_mode = #tpu.pipeline_mode<synchronous>, transform_indices = @transform_1, window_bounds = array<i64: 2, 128>}, {pipeline_mode = #tpu.pipeline_mode<synchronous>, transform_indices = @transform_2, window_bounds = array<i64: 1, 128>}, {pipeline_mode = #tpu.pipeline_mode<synchronous>, transform_indices = @transform_3, window_bounds = array<i64: 1, 128>}, {transform_indices = @transform_4, window_bounds = array<i64: 1, 2048>}, {transform_indices = @transform_5, window_bounds = array<i64: 2048, 1>}, {pipeline_mode = #tpu.pipeline_mode<synchronous>, transform_indices = @transform_6, window_bounds = array<i64: 256, 128>}, {pipeline_mode = #tpu.pipeline_mode<synchronous>, transform_indices = @transform_7, window_bounds = array<i64: 1, 128>}, {pipeline_mode = #tpu.pipeline_mode<synchronous>, transform_indices = @transform_8, window_bounds = array<i64: 1, 128>}, {pipeline_mode = #tpu.pipeline_mode<synchronous>, transform_indices = @transform_9, window_bounds = array<i64: 1, 128>}, {pipeline_mode = #tpu.pipeline_mode<synchronous>, transform_indices = @transform_10, window_bounds = array<i64: 128, 64>}, {pipeline_mode = #tpu.pipeline_mode<synchronous>, transform_indices = @transform_11, window_bounds = array<i64: 1, 64>}, {pipeline_mode = #tpu.pipeline_mode<synchronous>, transform_indices = @transform_12, window_bounds = array<i64: 1, 64>}, {pipeline_mode = #tpu.pipeline_mode<synchronous>, transform_indices = @transform_13, window_bounds = array<i64: 1, 64>}, {pipeline_mode = #tpu.pipeline_mode<synchronous>, transform_indices = @transform_14, window_bounds = array<i64: 64, 2>}, {pipeline_mode = #tpu.pipeline_mode<synchronous>, transform_indices = @transform_15, window_bounds = array<i64: 1, 2>}, {pipeline_mode = #tpu.pipeline_mode<synchronous>, transform_indices = @transform_16, window_bounds = array<i64: 64, 2>}]} {
    %get3A = arith.constant 0 : index
    %get3A_0 = arith.constant 0 : index
    %get3A_1 = vector.load %arg2[%get3A, %get3A_0] : memref<2x128xf32, #tpu.memory_space<vmem>>, vector<1x128xf32>
    %div3A = arith.constant 1.000000e+04 : f32
    %div3A_2 = vector.broadcast %div3A : f32 to vector<1x128xf32>
    %div3A_3 = arith.divf %get3A_1, %div3A_2 : vector<1x128xf32>
    %get3A_4 = arith.constant 1 : index
    %get3A_5 = arith.constant 0 : index
    %get3A_6 = vector.load %arg2[%get3A_4, %get3A_5] : memref<2x128xf32, #tpu.memory_space<vmem>>, vector<1x128xf32>
    %div3A_7 = arith.constant 1.000000e+04 : f32
    %div3A_8 = vector.broadcast %div3A_7 : f32 to vector<1x128xf32>
    %div3A_9 = arith.divf %get3A_6, %div3A_8 : vector<1x128xf32>
    %mul3A = arith.mulf %div3A_3, %div3A_3 : vector<1x128xf32>
    %sub3A = arith.subf %div3A_9, %mul3A : vector<1x128xf32>
    %get3A_10 = arith.constant 0 : index
    %get3A_11 = arith.constant 0 : index
    %get3A_12 = vector.load %arg3[%get3A_10, %get3A_11] : memref<1x128xf32, #tpu.memory_space<vmem>>, vector<1x128xf32>
    %add3A = arith.constant 9.99999974E-6 : f32
    %add3A_13 = vector.broadcast %add3A : f32 to vector<1x128xf32>
    %add3A_14 = arith.addf %sub3A, %add3A_13 : vector<1x128xf32>
    %rsqrt3A = math.rsqrt %add3A_14 : vector<1x128xf32>
    %mul3A_15 = arith.mulf %get3A_12, %rsqrt3A : vector<1x128xf32>
    %get3A_16 = arith.constant 0 : index
    %get3A_17 = arith.constant 0 : index
    %get3A_18 = vector.load %arg4[%get3A_16, %get3A_17] : memref<1x128xf32, #tpu.memory_space<vmem>>, vector<1x128xf32>
    %mul3A_19 = arith.mulf %div3A_3, %mul3A_15 : vector<1x128xf32>
    %sub3A_20 = arith.subf %get3A_18, %mul3A_19 : vector<1x128xf32>
    %get3A_21 = arith.constant 0 : index
    %get3A_22 = arith.constant 0 : index
    %get3A_23 = vector.load %arg1[%get3A_21, %get3A_22] : memref<2048x128xf32, #tpu.memory_space<vmem>>, vector<2048x128xf32>
    %mul3A_24 = vector.broadcast %mul3A_15 : vector<1x128xf32> to vector<2048x128xf32>
    %mul3A_25 = arith.mulf %get3A_23, %mul3A_24 : vector<2048x128xf32>
    %add3A_26 = vector.broadcast %sub3A_20 : vector<1x128xf32> to vector<2048x128xf32>
    %add3A_27 = arith.addf %mul3A_25, %add3A_26 : vector<2048x128xf32>
    %max3A = arith.constant 0.000000e+00 : f32
    %max3A_28 = vector.broadcast %max3A : f32 to vector<2048x128xf32>
    %max3A_29 = arith.maximumf %add3A_27, %max3A_28 : vector<2048x128xf32>
    %iota3A = tpu.iota {dimensions = array<i32: 0>} : vector<64x1xi32>
    %get3A_30 = arith.constant 0 : index
    %get3A_31 = arith.constant 0 : index
    %get3A_32 = vector.load %arg5[%get3A_30, %get3A_31] : memref<1x2048xi32, #tpu.memory_space<vmem>>, vector<1x2048xi32>
    %eq3A = vector.broadcast %get3A_32 : vector<1x2048xi32> to vector<64x2048xi32>
    %eq3A_33 = vector.broadcast %iota3A : vector<64x1xi32> to vector<64x2048xi32>
    %eq3A_34 = arith.cmpi eq, %eq3A, %eq3A_33 : vector<64x2048xi32>
    %convert_element_type3A = arith.extui %eq3A_34 : vector<64x2048xi1> to vector<64x2048xi32>
    %convert_element_type3A_35 = arith.sitofp %convert_element_type3A : vector<64x2048xi32> to vector<64x2048xf32>
    %dot_general3A = arith.constant dense<0.000000e+00> : vector<64x128xf32>
    %dot_general3A_36 = tpu.matmul %convert_element_type3A_35, %max3A_29, %dot_general3A {dimension_numbers = #tpu.dot_dimension_numbers<[1], [0], [0], [1], [0, 0, 1, 1], [], []>, transpose_lhs_hint = false} : vector<64x2048xf32>, vector<2048x128xf32>, vector<64x128xf32> -> vector<64x128xf32>
    %reduce_sum3A = arith.constant dense<0.000000e+00> : vector<64xf32>
    %reduce_sum3A_37 = vector.multi_reduction <add>, %convert_element_type3A_35, %reduce_sum3A [1] : vector<64x2048xf32> to vector<64xf32>
    %broadcast_in_dim3A = vector.shape_cast %reduce_sum3A_37 : vector<64xf32> to vector<64x1xf32>
    %get3A_38 = arith.constant 0 : index
    %get3A_39 = arith.constant 0 : index
    %get3A_40 = vector.load %arg6[%get3A_38, %get3A_39] : memref<2048x1xi32, #tpu.memory_space<vmem>>, vector<2048x1xi32>
    %eq3A_41 = arith.constant 0 : i32
    %eq3A_42 = vector.broadcast %eq3A_41 : i32 to vector<2048x1xi32>
    %eq3A_43 = arith.cmpi eq, %get3A_40, %eq3A_42 : vector<2048x1xi32>
    %jit3A = arith.constant -1.000000e+30 : f32
    %broadcast_in_dim3A_44 = vector.shape_cast %eq3A_43 : vector<2048x1xi1> to vector<2048x1xi1>
    %broadcast_in_dim3A_45 = vector.broadcast %broadcast_in_dim3A_44 : vector<2048x1xi1> to vector<2048x128xi1>
    %broadcast_in_dim3A_46 = vector.broadcast %jit3A : f32 to vector<2048x128xf32>
    %select_n3A = arith.select %broadcast_in_dim3A_45, %max3A_29, %broadcast_in_dim3A_46 : vector<2048x128xi1>, vector<2048x128xf32>
    %reduce_max3A = arith.constant dense<0xFF800000> : vector<128xf32>
    %reduce_max3A_47 = vector.multi_reduction <maximumf>, %select_n3A, %reduce_max3A [0] : vector<2048x128xf32> to vector<128xf32>
    %broadcast_in_dim3A_48 = vector.shape_cast %reduce_max3A_47 : vector<128xf32> to vector<1x128xf32>
    %eq3A_49 = arith.constant 1 : i32
    %eq3A_50 = vector.broadcast %eq3A_49 : i32 to vector<2048x1xi32>
    %eq3A_51 = arith.cmpi eq, %get3A_40, %eq3A_50 : vector<2048x1xi32>
    %jit3A_52 = arith.constant -1.000000e+30 : f32
    %broadcast_in_dim3A_53 = vector.shape_cast %eq3A_51 : vector<2048x1xi1> to vector<2048x1xi1>
    %broadcast_in_dim3A_54 = vector.broadcast %broadcast_in_dim3A_53 : vector<2048x1xi1> to vector<2048x128xi1>
    %broadcast_in_dim3A_55 = vector.broadcast %jit3A_52 : f32 to vector<2048x128xf32>
    %select_n3A_56 = arith.select %broadcast_in_dim3A_54, %max3A_29, %broadcast_in_dim3A_55 : vector<2048x128xi1>, vector<2048x128xf32>
    %reduce_max3A_57 = arith.constant dense<0xFF800000> : vector<128xf32>
    %reduce_max3A_58 = vector.multi_reduction <maximumf>, %select_n3A_56, %reduce_max3A_57 [0] : vector<2048x128xf32> to vector<128xf32>
    %broadcast_in_dim3A_59 = vector.shape_cast %reduce_max3A_58 : vector<128xf32> to vector<1x128xf32>
    %eq3A_60 = arith.constant 2 : i32
    %eq3A_61 = vector.broadcast %eq3A_60 : i32 to vector<2048x1xi32>
    %eq3A_62 = arith.cmpi eq, %get3A_40, %eq3A_61 : vector<2048x1xi32>
    %jit3A_63 = arith.constant -1.000000e+30 : f32
    %broadcast_in_dim3A_64 = vector.shape_cast %eq3A_62 : vector<2048x1xi1> to vector<2048x1xi1>
    %broadcast_in_dim3A_65 = vector.broadcast %broadcast_in_dim3A_64 : vector<2048x1xi1> to vector<2048x128xi1>
    %broadcast_in_dim3A_66 = vector.broadcast %jit3A_63 : f32 to vector<2048x128xf32>
    %select_n3A_67 = arith.select %broadcast_in_dim3A_65, %max3A_29, %broadcast_in_dim3A_66 : vector<2048x128xi1>, vector<2048x128xf32>
    %reduce_max3A_68 = arith.constant dense<0xFF800000> : vector<128xf32>
    %reduce_max3A_69 = vector.multi_reduction <maximumf>, %select_n3A_67, %reduce_max3A_68 [0] : vector<2048x128xf32> to vector<128xf32>
    %broadcast_in_dim3A_70 = vector.shape_cast %reduce_max3A_69 : vector<128xf32> to vector<1x128xf32>
    %eq3A_71 = arith.constant 3 : i32
    %eq3A_72 = vector.broadcast %eq3A_71 : i32 to vector<2048x1xi32>
    %eq3A_73 = arith.cmpi eq, %get3A_40, %eq3A_72 : vector<2048x1xi32>
    %jit3A_74 = arith.constant -1.000000e+30 : f32
    %broadcast_in_dim3A_75 = vector.shape_cast %eq3A_73 : vector<2048x1xi1> to vector<2048x1xi1>
    %broadcast_in_dim3A_76 = vector.broadcast %broadcast_in_dim3A_75 : vector<2048x1xi1> to vector<2048x128xi1>
    %broadcast_in_dim3A_77 = vector.broadcast %jit3A_74 : f32 to vector<2048x128xf32>
    %select_n3A_78 = arith.select %broadcast_in_dim3A_76, %max3A_29, %broadcast_in_dim3A_77 : vector<2048x128xi1>, vector<2048x128xf32>
    %reduce_max3A_79 = arith.constant dense<0xFF800000> : vector<128xf32>
    %reduce_max3A_80 = vector.multi_reduction <maximumf>, %select_n3A_78, %reduce_max3A_79 [0] : vector<2048x128xf32> to vector<128xf32>
    %broadcast_in_dim3A_81 = vector.shape_cast %reduce_max3A_80 : vector<128xf32> to vector<1x128xf32>
    %eq3A_82 = arith.constant 4 : i32
    %eq3A_83 = vector.broadcast %eq3A_82 : i32 to vector<2048x1xi32>
    %eq3A_84 = arith.cmpi eq, %get3A_40, %eq3A_83 : vector<2048x1xi32>
    %jit3A_85 = arith.constant -1.000000e+30 : f32
    %broadcast_in_dim3A_86 = vector.shape_cast %eq3A_84 : vector<2048x1xi1> to vector<2048x1xi1>
    %broadcast_in_dim3A_87 = vector.broadcast %broadcast_in_dim3A_86 : vector<2048x1xi1> to vector<2048x128xi1>
    %broadcast_in_dim3A_88 = vector.broadcast %jit3A_85 : f32 to vector<2048x128xf32>
    %select_n3A_89 = arith.select %broadcast_in_dim3A_87, %max3A_29, %broadcast_in_dim3A_88 : vector<2048x128xi1>, vector<2048x128xf32>
    %reduce_max3A_90 = arith.constant dense<0xFF800000> : vector<128xf32>
    %reduce_max3A_91 = vector.multi_reduction <maximumf>, %select_n3A_89, %reduce_max3A_90 [0] : vector<2048x128xf32> to vector<128xf32>
    %broadcast_in_dim3A_92 = vector.shape_cast %reduce_max3A_91 : vector<128xf32> to vector<1x128xf32>
    %eq3A_93 = arith.constant 5 : i32
    %eq3A_94 = vector.broadcast %eq3A_93 : i32 to vector<2048x1xi32>
    %eq3A_95 = arith.cmpi eq, %get3A_40, %eq3A_94 : vector<2048x1xi32>
    %jit3A_96 = arith.constant -1.000000e+30 : f32
    %broadcast_in_dim3A_97 = vector.shape_cast %eq3A_95 : vector<2048x1xi1> to vector<2048x1xi1>
    %broadcast_in_dim3A_98 = vector.broadcast %broadcast_in_dim3A_97 : vector<2048x1xi1> to vector<2048x128xi1>
    %broadcast_in_dim3A_99 = vector.broadcast %jit3A_96 : f32 to vector<2048x128xf32>
    %select_n3A_100 = arith.select %broadcast_in_dim3A_98, %max3A_29, %broadcast_in_dim3A_99 : vector<2048x128xi1>, vector<2048x128xf32>
    %reduce_max3A_101 = arith.constant dense<0xFF800000> : vector<128xf32>
    %reduce_max3A_102 = vector.multi_reduction <maximumf>, %select_n3A_100, %reduce_max3A_101 [0] : vector<2048x128xf32> to vector<128xf32>
    %broadcast_in_dim3A_103 = vector.shape_cast %reduce_max3A_102 : vector<128xf32> to vector<1x128xf32>
    %eq3A_104 = arith.constant 6 : i32
    %eq3A_105 = vector.broadcast %eq3A_104 : i32 to vector<2048x1xi32>
    %eq3A_106 = arith.cmpi eq, %get3A_40, %eq3A_105 : vector<2048x1xi32>
    %jit3A_107 = arith.constant -1.000000e+30 : f32
    %broadcast_in_dim3A_108 = vector.shape_cast %eq3A_106 : vector<2048x1xi1> to vector<2048x1xi1>
    %broadcast_in_dim3A_109 = vector.broadcast %broadcast_in_dim3A_108 : vector<2048x1xi1> to vector<2048x128xi1>
    %broadcast_in_dim3A_110 = vector.broadcast %jit3A_107 : f32 to vector<2048x128xf32>
    %select_n3A_111 = arith.select %broadcast_in_dim3A_109, %max3A_29, %broadcast_in_dim3A_110 : vector<2048x128xi1>, vector<2048x128xf32>
    %reduce_max3A_112 = arith.constant dense<0xFF800000> : vector<128xf32>
    %reduce_max3A_113 = vector.multi_reduction <maximumf>, %select_n3A_111, %reduce_max3A_112 [0] : vector<2048x128xf32> to vector<128xf32>
    %broadcast_in_dim3A_114 = vector.shape_cast %reduce_max3A_113 : vector<128xf32> to vector<1x128xf32>
    %eq3A_115 = arith.constant 7 : i32
    %eq3A_116 = vector.broadcast %eq3A_115 : i32 to vector<2048x1xi32>
    %eq3A_117 = arith.cmpi eq, %get3A_40, %eq3A_116 : vector<2048x1xi32>
    %jit3A_118 = arith.constant -1.000000e+30 : f32
    %broadcast_in_dim3A_119 = vector.shape_cast %eq3A_117 : vector<2048x1xi1> to vector<2048x1xi1>
    %broadcast_in_dim3A_120 = vector.broadcast %broadcast_in_dim3A_119 : vector<2048x1xi1> to vector<2048x128xi1>
    %broadcast_in_dim3A_121 = vector.broadcast %jit3A_118 : f32 to vector<2048x128xf32>
    %select_n3A_122 = arith.select %broadcast_in_dim3A_120, %max3A_29, %broadcast_in_dim3A_121 : vector<2048x128xi1>, vector<2048x128xf32>
    %reduce_max3A_123 = arith.constant dense<0xFF800000> : vector<128xf32>
    %reduce_max3A_124 = vector.multi_reduction <maximumf>, %select_n3A_122, %reduce_max3A_123 [0] : vector<2048x128xf32> to vector<128xf32>
    %broadcast_in_dim3A_125 = vector.shape_cast %reduce_max3A_124 : vector<128xf32> to vector<1x128xf32>
    %eq3A_126 = arith.constant 8 : i32
    %eq3A_127 = vector.broadcast %eq3A_126 : i32 to vector<2048x1xi32>
    %eq3A_128 = arith.cmpi eq, %get3A_40, %eq3A_127 : vector<2048x1xi32>
    %jit3A_129 = arith.constant -1.000000e+30 : f32
    %broadcast_in_dim3A_130 = vector.shape_cast %eq3A_128 : vector<2048x1xi1> to vector<2048x1xi1>
    %broadcast_in_dim3A_131 = vector.broadcast %broadcast_in_dim3A_130 : vector<2048x1xi1> to vector<2048x128xi1>
    %broadcast_in_dim3A_132 = vector.broadcast %jit3A_129 : f32 to vector<2048x128xf32>
    %select_n3A_133 = arith.select %broadcast_in_dim3A_131, %max3A_29, %broadcast_in_dim3A_132 : vector<2048x128xi1>, vector<2048x128xf32>
    %reduce_max3A_134 = arith.constant dense<0xFF800000> : vector<128xf32>
    %reduce_max3A_135 = vector.multi_reduction <maximumf>, %select_n3A_133, %reduce_max3A_134 [0] : vector<2048x128xf32> to vector<128xf32>
    %broadcast_in_dim3A_136 = vector.shape_cast %reduce_max3A_135 : vector<128xf32> to vector<1x128xf32>
    %eq3A_137 = arith.constant 9 : i32
    %eq3A_138 = vector.broadcast %eq3A_137 : i32 to vector<2048x1xi32>
    %eq3A_139 = arith.cmpi eq, %get3A_40, %eq3A_138 : vector<2048x1xi32>
    %jit3A_140 = arith.constant -1.000000e+30 : f32
    %broadcast_in_dim3A_141 = vector.shape_cast %eq3A_139 : vector<2048x1xi1> to vector<2048x1xi1>
    %broadcast_in_dim3A_142 = vector.broadcast %broadcast_in_dim3A_141 : vector<2048x1xi1> to vector<2048x128xi1>
    %broadcast_in_dim3A_143 = vector.broadcast %jit3A_140 : f32 to vector<2048x128xf32>
    %select_n3A_144 = arith.select %broadcast_in_dim3A_142, %max3A_29, %broadcast_in_dim3A_143 : vector<2048x128xi1>, vector<2048x128xf32>
    %reduce_max3A_145 = arith.constant dense<0xFF800000> : vector<128xf32>
    %reduce_max3A_146 = vector.multi_reduction <maximumf>, %select_n3A_144, %reduce_max3A_145 [0] : vector<2048x128xf32> to vector<128xf32>
    %broadcast_in_dim3A_147 = vector.shape_cast %reduce_max3A_146 : vector<128xf32> to vector<1x128xf32>
    %eq3A_148 = arith.constant 10 : i32
    %eq3A_149 = vector.broadcast %eq3A_148 : i32 to vector<2048x1xi32>
    %eq3A_150 = arith.cmpi eq, %get3A_40, %eq3A_149 : vector<2048x1xi32>
    %jit3A_151 = arith.constant -1.000000e+30 : f32
    %broadcast_in_dim3A_152 = vector.shape_cast %eq3A_150 : vector<2048x1xi1> to vector<2048x1xi1>
    %broadcast_in_dim3A_153 = vector.broadcast %broadcast_in_dim3A_152 : vector<2048x1xi1> to vector<2048x128xi1>
    %broadcast_in_dim3A_154 = vector.broadcast %jit3A_151 : f32 to vector<2048x128xf32>
    %select_n3A_155 = arith.select %broadcast_in_dim3A_153, %max3A_29, %broadcast_in_dim3A_154 : vector<2048x128xi1>, vector<2048x128xf32>
    %reduce_max3A_156 = arith.constant dense<0xFF800000> : vector<128xf32>
    %reduce_max3A_157 = vector.multi_reduction <maximumf>, %select_n3A_155, %reduce_max3A_156 [0] : vector<2048x128xf32> to vector<128xf32>
    %broadcast_in_dim3A_158 = vector.shape_cast %reduce_max3A_157 : vector<128xf32> to vector<1x128xf32>
    %eq3A_159 = arith.constant 11 : i32
    %eq3A_160 = vector.broadcast %eq3A_159 : i32 to vector<2048x1xi32>
    %eq3A_161 = arith.cmpi eq, %get3A_40, %eq3A_160 : vector<2048x1xi32>
    %jit3A_162 = arith.constant -1.000000e+30 : f32
    %broadcast_in_dim3A_163 = vector.shape_cast %eq3A_161 : vector<2048x1xi1> to vector<2048x1xi1>
    %broadcast_in_dim3A_164 = vector.broadcast %broadcast_in_dim3A_163 : vector<2048x1xi1> to vector<2048x128xi1>
    %broadcast_in_dim3A_165 = vector.broadcast %jit3A_162 : f32 to vector<2048x128xf32>
    %select_n3A_166 = arith.select %broadcast_in_dim3A_164, %max3A_29, %broadcast_in_dim3A_165 : vector<2048x128xi1>, vector<2048x128xf32>
    %reduce_max3A_167 = arith.constant dense<0xFF800000> : vector<128xf32>
    %reduce_max3A_168 = vector.multi_reduction <maximumf>, %select_n3A_166, %reduce_max3A_167 [0] : vector<2048x128xf32> to vector<128xf32>
    %broadcast_in_dim3A_169 = vector.shape_cast %reduce_max3A_168 : vector<128xf32> to vector<1x128xf32>
    %eq3A_170 = arith.constant 12 : i32
    %eq3A_171 = vector.broadcast %eq3A_170 : i32 to vector<2048x1xi32>
    %eq3A_172 = arith.cmpi eq, %get3A_40, %eq3A_171 : vector<2048x1xi32>
    %jit3A_173 = arith.constant -1.000000e+30 : f32
    %broadcast_in_dim3A_174 = vector.shape_cast %eq3A_172 : vector<2048x1xi1> to vector<2048x1xi1>
    %broadcast_in_dim3A_175 = vector.broadcast %broadcast_in_dim3A_174 : vector<2048x1xi1> to vector<2048x128xi1>
    %broadcast_in_dim3A_176 = vector.broadcast %jit3A_173 : f32 to vector<2048x128xf32>
    %select_n3A_177 = arith.select %broadcast_in_dim3A_175, %max3A_29, %broadcast_in_dim3A_176 : vector<2048x128xi1>, vector<2048x128xf32>
    %reduce_max3A_178 = arith.constant dense<0xFF800000> : vector<128xf32>
    %reduce_max3A_179 = vector.multi_reduction <maximumf>, %select_n3A_177, %reduce_max3A_178 [0] : vector<2048x128xf32> to vector<128xf32>
    %broadcast_in_dim3A_180 = vector.shape_cast %reduce_max3A_179 : vector<128xf32> to vector<1x128xf32>
    %eq3A_181 = arith.constant 13 : i32
    %eq3A_182 = vector.broadcast %eq3A_181 : i32 to vector<2048x1xi32>
    %eq3A_183 = arith.cmpi eq, %get3A_40, %eq3A_182 : vector<2048x1xi32>
    %jit3A_184 = arith.constant -1.000000e+30 : f32
    %broadcast_in_dim3A_185 = vector.shape_cast %eq3A_183 : vector<2048x1xi1> to vector<2048x1xi1>
    %broadcast_in_dim3A_186 = vector.broadcast %broadcast_in_dim3A_185 : vector<2048x1xi1> to vector<2048x128xi1>
    %broadcast_in_dim3A_187 = vector.broadcast %jit3A_184 : f32 to vector<2048x128xf32>
    %select_n3A_188 = arith.select %broadcast_in_dim3A_186, %max3A_29, %broadcast_in_dim3A_187 : vector<2048x128xi1>, vector<2048x128xf32>
    %reduce_max3A_189 = arith.constant dense<0xFF800000> : vector<128xf32>
    %reduce_max3A_190 = vector.multi_reduction <maximumf>, %select_n3A_188, %reduce_max3A_189 [0] : vector<2048x128xf32> to vector<128xf32>
    %broadcast_in_dim3A_191 = vector.shape_cast %reduce_max3A_190 : vector<128xf32> to vector<1x128xf32>
    %eq3A_192 = arith.constant 14 : i32
    %eq3A_193 = vector.broadcast %eq3A_192 : i32 to vector<2048x1xi32>
    %eq3A_194 = arith.cmpi eq, %get3A_40, %eq3A_193 : vector<2048x1xi32>
    %jit3A_195 = arith.constant -1.000000e+30 : f32
    %broadcast_in_dim3A_196 = vector.shape_cast %eq3A_194 : vector<2048x1xi1> to vector<2048x1xi1>
    %broadcast_in_dim3A_197 = vector.broadcast %broadcast_in_dim3A_196 : vector<2048x1xi1> to vector<2048x128xi1>
    %broadcast_in_dim3A_198 = vector.broadcast %jit3A_195 : f32 to vector<2048x128xf32>
    %select_n3A_199 = arith.select %broadcast_in_dim3A_197, %max3A_29, %broadcast_in_dim3A_198 : vector<2048x128xi1>, vector<2048x128xf32>
    %reduce_max3A_200 = arith.constant dense<0xFF800000> : vector<128xf32>
    %reduce_max3A_201 = vector.multi_reduction <maximumf>, %select_n3A_199, %reduce_max3A_200 [0] : vector<2048x128xf32> to vector<128xf32>
    %broadcast_in_dim3A_202 = vector.shape_cast %reduce_max3A_201 : vector<128xf32> to vector<1x128xf32>
    %eq3A_203 = arith.constant 15 : i32
    %eq3A_204 = vector.broadcast %eq3A_203 : i32 to vector<2048x1xi32>
    %eq3A_205 = arith.cmpi eq, %get3A_40, %eq3A_204 : vector<2048x1xi32>
    %jit3A_206 = arith.constant -1.000000e+30 : f32
    %broadcast_in_dim3A_207 = vector.shape_cast %eq3A_205 : vector<2048x1xi1> to vector<2048x1xi1>
    %broadcast_in_dim3A_208 = vector.broadcast %broadcast_in_dim3A_207 : vector<2048x1xi1> to vector<2048x128xi1>
    %broadcast_in_dim3A_209 = vector.broadcast %jit3A_206 : f32 to vector<2048x128xf32>
    %select_n3A_210 = arith.select %broadcast_in_dim3A_208, %max3A_29, %broadcast_in_dim3A_209 : vector<2048x128xi1>, vector<2048x128xf32>
    %reduce_max3A_211 = arith.constant dense<0xFF800000> : vector<128xf32>
    %reduce_max3A_212 = vector.multi_reduction <maximumf>, %select_n3A_210, %reduce_max3A_211 [0] : vector<2048x128xf32> to vector<128xf32>
    %broadcast_in_dim3A_213 = vector.shape_cast %reduce_max3A_212 : vector<128xf32> to vector<1x128xf32>
    %eq3A_214 = arith.constant 16 : i32
    %eq3A_215 = vector.broadcast %eq3A_214 : i32 to vector<2048x1xi32>
    %eq3A_216 = arith.cmpi eq, %get3A_40, %eq3A_215 : vector<2048x1xi32>
    %jit3A_217 = arith.constant -1.000000e+30 : f32
    %broadcast_in_dim3A_218 = vector.shape_cast %eq3A_216 : vector<2048x1xi1> to vector<2048x1xi1>
    %broadcast_in_dim3A_219 = vector.broadcast %broadcast_in_dim3A_218 : vector<2048x1xi1> to vector<2048x128xi1>
    %broadcast_in_dim3A_220 = vector.broadcast %jit3A_217 : f32 to vector<2048x128xf32>
    %select_n3A_221 = arith.select %broadcast_in_dim3A_219, %max3A_29, %broadcast_in_dim3A_220 : vector<2048x128xi1>, vector<2048x128xf32>
    %reduce_max3A_222 = arith.constant dense<0xFF800000> : vector<128xf32>
    %reduce_max3A_223 = vector.multi_reduction <maximumf>, %select_n3A_221, %reduce_max3A_222 [0] : vector<2048x128xf32> to vector<128xf32>
    %broadcast_in_dim3A_224 = vector.shape_cast %reduce_max3A_223 : vector<128xf32> to vector<1x128xf32>
    %eq3A_225 = arith.constant 17 : i32
    %eq3A_226 = vector.broadcast %eq3A_225 : i32 to vector<2048x1xi32>
    %eq3A_227 = arith.cmpi eq, %get3A_40, %eq3A_226 : vector<2048x1xi32>
    %jit3A_228 = arith.constant -1.000000e+30 : f32
    %broadcast_in_dim3A_229 = vector.shape_cast %eq3A_227 : vector<2048x1xi1> to vector<2048x1xi1>
    %broadcast_in_dim3A_230 = vector.broadcast %broadcast_in_dim3A_229 : vector<2048x1xi1> to vector<2048x128xi1>
    %broadcast_in_dim3A_231 = vector.broadcast %jit3A_228 : f32 to vector<2048x128xf32>
    %select_n3A_232 = arith.select %broadcast_in_dim3A_230, %max3A_29, %broadcast_in_dim3A_231 : vector<2048x128xi1>, vector<2048x128xf32>
    %reduce_max3A_233 = arith.constant dense<0xFF800000> : vector<128xf32>
    %reduce_max3A_234 = vector.multi_reduction <maximumf>, %select_n3A_232, %reduce_max3A_233 [0] : vector<2048x128xf32> to vector<128xf32>
    %broadcast_in_dim3A_235 = vector.shape_cast %reduce_max3A_234 : vector<128xf32> to vector<1x128xf32>
    %eq3A_236 = arith.constant 18 : i32
    %eq3A_237 = vector.broadcast %eq3A_236 : i32 to vector<2048x1xi32>
    %eq3A_238 = arith.cmpi eq, %get3A_40, %eq3A_237 : vector<2048x1xi32>
    %jit3A_239 = arith.constant -1.000000e+30 : f32
    %broadcast_in_dim3A_240 = vector.shape_cast %eq3A_238 : vector<2048x1xi1> to vector<2048x1xi1>
    %broadcast_in_dim3A_241 = vector.broadcast %broadcast_in_dim3A_240 : vector<2048x1xi1> to vector<2048x128xi1>
    %broadcast_in_dim3A_242 = vector.broadcast %jit3A_239 : f32 to vector<2048x128xf32>
    %select_n3A_243 = arith.select %broadcast_in_dim3A_241, %max3A_29, %broadcast_in_dim3A_242 : vector<2048x128xi1>, vector<2048x128xf32>
    %reduce_max3A_244 = arith.constant dense<0xFF800000> : vector<128xf32>
    %reduce_max3A_245 = vector.multi_reduction <maximumf>, %select_n3A_243, %reduce_max3A_244 [0] : vector<2048x128xf32> to vector<128xf32>
    %broadcast_in_dim3A_246 = vector.shape_cast %reduce_max3A_245 : vector<128xf32> to vector<1x128xf32>
    %eq3A_247 = arith.constant 19 : i32
    %eq3A_248 = vector.broadcast %eq3A_247 : i32 to vector<2048x1xi32>
    %eq3A_249 = arith.cmpi eq, %get3A_40, %eq3A_248 : vector<2048x1xi32>
    %jit3A_250 = arith.constant -1.000000e+30 : f32
    %broadcast_in_dim3A_251 = vector.shape_cast %eq3A_249 : vector<2048x1xi1> to vector<2048x1xi1>
    %broadcast_in_dim3A_252 = vector.broadcast %broadcast_in_dim3A_251 : vector<2048x1xi1> to vector<2048x128xi1>
    %broadcast_in_dim3A_253 = vector.broadcast %jit3A_250 : f32 to vector<2048x128xf32>
    %select_n3A_254 = arith.select %broadcast_in_dim3A_252, %max3A_29, %broadcast_in_dim3A_253 : vector<2048x128xi1>, vector<2048x128xf32>
    %reduce_max3A_255 = arith.constant dense<0xFF800000> : vector<128xf32>
    %reduce_max3A_256 = vector.multi_reduction <maximumf>, %select_n3A_254, %reduce_max3A_255 [0] : vector<2048x128xf32> to vector<128xf32>
    %broadcast_in_dim3A_257 = vector.shape_cast %reduce_max3A_256 : vector<128xf32> to vector<1x128xf32>
    %eq3A_258 = arith.constant 20 : i32
    %eq3A_259 = vector.broadcast %eq3A_258 : i32 to vector<2048x1xi32>
    %eq3A_260 = arith.cmpi eq, %get3A_40, %eq3A_259 : vector<2048x1xi32>
    %jit3A_261 = arith.constant -1.000000e+30 : f32
    %broadcast_in_dim3A_262 = vector.shape_cast %eq3A_260 : vector<2048x1xi1> to vector<2048x1xi1>
    %broadcast_in_dim3A_263 = vector.broadcast %broadcast_in_dim3A_262 : vector<2048x1xi1> to vector<2048x128xi1>
    %broadcast_in_dim3A_264 = vector.broadcast %jit3A_261 : f32 to vector<2048x128xf32>
    %select_n3A_265 = arith.select %broadcast_in_dim3A_263, %max3A_29, %broadcast_in_dim3A_264 : vector<2048x128xi1>, vector<2048x128xf32>
    %reduce_max3A_266 = arith.constant dense<0xFF800000> : vector<128xf32>
    %reduce_max3A_267 = vector.multi_reduction <maximumf>, %select_n3A_265, %reduce_max3A_266 [0] : vector<2048x128xf32> to vector<128xf32>
    %broadcast_in_dim3A_268 = vector.shape_cast %reduce_max3A_267 : vector<128xf32> to vector<1x128xf32>
    %eq3A_269 = arith.constant 21 : i32
    %eq3A_270 = vector.broadcast %eq3A_269 : i32 to vector<2048x1xi32>
    %eq3A_271 = arith.cmpi eq, %get3A_40, %eq3A_270 : vector<2048x1xi32>
    %jit3A_272 = arith.constant -1.000000e+30 : f32
    %broadcast_in_dim3A_273 = vector.shape_cast %eq3A_271 : vector<2048x1xi1> to vector<2048x1xi1>
    %broadcast_in_dim3A_274 = vector.broadcast %broadcast_in_dim3A_273 : vector<2048x1xi1> to vector<2048x128xi1>
    %broadcast_in_dim3A_275 = vector.broadcast %jit3A_272 : f32 to vector<2048x128xf32>
    %select_n3A_276 = arith.select %broadcast_in_dim3A_274, %max3A_29, %broadcast_in_dim3A_275 : vector<2048x128xi1>, vector<2048x128xf32>
    %reduce_max3A_277 = arith.constant dense<0xFF800000> : vector<128xf32>
    %reduce_max3A_278 = vector.multi_reduction <maximumf>, %select_n3A_276, %reduce_max3A_277 [0] : vector<2048x128xf32> to vector<128xf32>
    %broadcast_in_dim3A_279 = vector.shape_cast %reduce_max3A_278 : vector<128xf32> to vector<1x128xf32>
    %eq3A_280 = arith.constant 22 : i32
    %eq3A_281 = vector.broadcast %eq3A_280 : i32 to vector<2048x1xi32>
    %eq3A_282 = arith.cmpi eq, %get3A_40, %eq3A_281 : vector<2048x1xi32>
    %jit3A_283 = arith.constant -1.000000e+30 : f32
    %broadcast_in_dim3A_284 = vector.shape_cast %eq3A_282 : vector<2048x1xi1> to vector<2048x1xi1>
    %broadcast_in_dim3A_285 = vector.broadcast %broadcast_in_dim3A_284 : vector<2048x1xi1> to vector<2048x128xi1>
    %broadcast_in_dim3A_286 = vector.broadcast %jit3A_283 : f32 to vector<2048x128xf32>
    %select_n3A_287 = arith.select %broadcast_in_dim3A_285, %max3A_29, %broadcast_in_dim3A_286 : vector<2048x128xi1>, vector<2048x128xf32>
    %reduce_max3A_288 = arith.constant dense<0xFF800000> : vector<128xf32>
    %reduce_max3A_289 = vector.multi_reduction <maximumf>, %select_n3A_287, %reduce_max3A_288 [0] : vector<2048x128xf32> to vector<128xf32>
    %broadcast_in_dim3A_290 = vector.shape_cast %reduce_max3A_289 : vector<128xf32> to vector<1x128xf32>
    %eq3A_291 = arith.constant 23 : i32
    %eq3A_292 = vector.broadcast %eq3A_291 : i32 to vector<2048x1xi32>
    %eq3A_293 = arith.cmpi eq, %get3A_40, %eq3A_292 : vector<2048x1xi32>
    %jit3A_294 = arith.constant -1.000000e+30 : f32
    %broadcast_in_dim3A_295 = vector.shape_cast %eq3A_293 : vector<2048x1xi1> to vector<2048x1xi1>
    %broadcast_in_dim3A_296 = vector.broadcast %broadcast_in_dim3A_295 : vector<2048x1xi1> to vector<2048x128xi1>
    %broadcast_in_dim3A_297 = vector.broadcast %jit3A_294 : f32 to vector<2048x128xf32>
    %select_n3A_298 = arith.select %broadcast_in_dim3A_296, %max3A_29, %broadcast_in_dim3A_297 : vector<2048x128xi1>, vector<2048x128xf32>
    %reduce_max3A_299 = arith.constant dense<0xFF800000> : vector<128xf32>
    %reduce_max3A_300 = vector.multi_reduction <maximumf>, %select_n3A_298, %reduce_max3A_299 [0] : vector<2048x128xf32> to vector<128xf32>
    %broadcast_in_dim3A_301 = vector.shape_cast %reduce_max3A_300 : vector<128xf32> to vector<1x128xf32>
    %eq3A_302 = arith.constant 24 : i32
    %eq3A_303 = vector.broadcast %eq3A_302 : i32 to vector<2048x1xi32>
    %eq3A_304 = arith.cmpi eq, %get3A_40, %eq3A_303 : vector<2048x1xi32>
    %jit3A_305 = arith.constant -1.000000e+30 : f32
    %broadcast_in_dim3A_306 = vector.shape_cast %eq3A_304 : vector<2048x1xi1> to vector<2048x1xi1>
    %broadcast_in_dim3A_307 = vector.broadcast %broadcast_in_dim3A_306 : vector<2048x1xi1> to vector<2048x128xi1>
    %broadcast_in_dim3A_308 = vector.broadcast %jit3A_305 : f32 to vector<2048x128xf32>
    %select_n3A_309 = arith.select %broadcast_in_dim3A_307, %max3A_29, %broadcast_in_dim3A_308 : vector<2048x128xi1>, vector<2048x128xf32>
    %reduce_max3A_310 = arith.constant dense<0xFF800000> : vector<128xf32>
    %reduce_max3A_311 = vector.multi_reduction <maximumf>, %select_n3A_309, %reduce_max3A_310 [0] : vector<2048x128xf32> to vector<128xf32>
    %broadcast_in_dim3A_312 = vector.shape_cast %reduce_max3A_311 : vector<128xf32> to vector<1x128xf32>
    %eq3A_313 = arith.constant 25 : i32
    %eq3A_314 = vector.broadcast %eq3A_313 : i32 to vector<2048x1xi32>
    %eq3A_315 = arith.cmpi eq, %get3A_40, %eq3A_314 : vector<2048x1xi32>
    %jit3A_316 = arith.constant -1.000000e+30 : f32
    %broadcast_in_dim3A_317 = vector.shape_cast %eq3A_315 : vector<2048x1xi1> to vector<2048x1xi1>
    %broadcast_in_dim3A_318 = vector.broadcast %broadcast_in_dim3A_317 : vector<2048x1xi1> to vector<2048x128xi1>
    %broadcast_in_dim3A_319 = vector.broadcast %jit3A_316 : f32 to vector<2048x128xf32>
    %select_n3A_320 = arith.select %broadcast_in_dim3A_318, %max3A_29, %broadcast_in_dim3A_319 : vector<2048x128xi1>, vector<2048x128xf32>
    %reduce_max3A_321 = arith.constant dense<0xFF800000> : vector<128xf32>
    %reduce_max3A_322 = vector.multi_reduction <maximumf>, %select_n3A_320, %reduce_max3A_321 [0] : vector<2048x128xf32> to vector<128xf32>
    %broadcast_in_dim3A_323 = vector.shape_cast %reduce_max3A_322 : vector<128xf32> to vector<1x128xf32>
    %eq3A_324 = arith.constant 26 : i32
    %eq3A_325 = vector.broadcast %eq3A_324 : i32 to vector<2048x1xi32>
    %eq3A_326 = arith.cmpi eq, %get3A_40, %eq3A_325 : vector<2048x1xi32>
    %jit3A_327 = arith.constant -1.000000e+30 : f32
    %broadcast_in_dim3A_328 = vector.shape_cast %eq3A_326 : vector<2048x1xi1> to vector<2048x1xi1>
    %broadcast_in_dim3A_329 = vector.broadcast %broadcast_in_dim3A_328 : vector<2048x1xi1> to vector<2048x128xi1>
    %broadcast_in_dim3A_330 = vector.broadcast %jit3A_327 : f32 to vector<2048x128xf32>
    %select_n3A_331 = arith.select %broadcast_in_dim3A_329, %max3A_29, %broadcast_in_dim3A_330 : vector<2048x128xi1>, vector<2048x128xf32>
    %reduce_max3A_332 = arith.constant dense<0xFF800000> : vector<128xf32>
    %reduce_max3A_333 = vector.multi_reduction <maximumf>, %select_n3A_331, %reduce_max3A_332 [0] : vector<2048x128xf32> to vector<128xf32>
    %broadcast_in_dim3A_334 = vector.shape_cast %reduce_max3A_333 : vector<128xf32> to vector<1x128xf32>
    %eq3A_335 = arith.constant 27 : i32
    %eq3A_336 = vector.broadcast %eq3A_335 : i32 to vector<2048x1xi32>
    %eq3A_337 = arith.cmpi eq, %get3A_40, %eq3A_336 : vector<2048x1xi32>
    %jit3A_338 = arith.constant -1.000000e+30 : f32
    %broadcast_in_dim3A_339 = vector.shape_cast %eq3A_337 : vector<2048x1xi1> to vector<2048x1xi1>
    %broadcast_in_dim3A_340 = vector.broadcast %broadcast_in_dim3A_339 : vector<2048x1xi1> to vector<2048x128xi1>
    %broadcast_in_dim3A_341 = vector.broadcast %jit3A_338 : f32 to vector<2048x128xf32>
    %select_n3A_342 = arith.select %broadcast_in_dim3A_340, %max3A_29, %broadcast_in_dim3A_341 : vector<2048x128xi1>, vector<2048x128xf32>
    %reduce_max3A_343 = arith.constant dense<0xFF800000> : vector<128xf32>
    %reduce_max3A_344 = vector.multi_reduction <maximumf>, %select_n3A_342, %reduce_max3A_343 [0] : vector<2048x128xf32> to vector<128xf32>
    %broadcast_in_dim3A_345 = vector.shape_cast %reduce_max3A_344 : vector<128xf32> to vector<1x128xf32>
    %eq3A_346 = arith.constant 28 : i32
    %eq3A_347 = vector.broadcast %eq3A_346 : i32 to vector<2048x1xi32>
    %eq3A_348 = arith.cmpi eq, %get3A_40, %eq3A_347 : vector<2048x1xi32>
    %jit3A_349 = arith.constant -1.000000e+30 : f32
    %broadcast_in_dim3A_350 = vector.shape_cast %eq3A_348 : vector<2048x1xi1> to vector<2048x1xi1>
    %broadcast_in_dim3A_351 = vector.broadcast %broadcast_in_dim3A_350 : vector<2048x1xi1> to vector<2048x128xi1>
    %broadcast_in_dim3A_352 = vector.broadcast %jit3A_349 : f32 to vector<2048x128xf32>
    %select_n3A_353 = arith.select %broadcast_in_dim3A_351, %max3A_29, %broadcast_in_dim3A_352 : vector<2048x128xi1>, vector<2048x128xf32>
    %reduce_max3A_354 = arith.constant dense<0xFF800000> : vector<128xf32>
    %reduce_max3A_355 = vector.multi_reduction <maximumf>, %select_n3A_353, %reduce_max3A_354 [0] : vector<2048x128xf32> to vector<128xf32>
    %broadcast_in_dim3A_356 = vector.shape_cast %reduce_max3A_355 : vector<128xf32> to vector<1x128xf32>
    %eq3A_357 = arith.constant 29 : i32
    %eq3A_358 = vector.broadcast %eq3A_357 : i32 to vector<2048x1xi32>
    %eq3A_359 = arith.cmpi eq, %get3A_40, %eq3A_358 : vector<2048x1xi32>
    %jit3A_360 = arith.constant -1.000000e+30 : f32
    %broadcast_in_dim3A_361 = vector.shape_cast %eq3A_359 : vector<2048x1xi1> to vector<2048x1xi1>
    %broadcast_in_dim3A_362 = vector.broadcast %broadcast_in_dim3A_361 : vector<2048x1xi1> to vector<2048x128xi1>
    %broadcast_in_dim3A_363 = vector.broadcast %jit3A_360 : f32 to vector<2048x128xf32>
    %select_n3A_364 = arith.select %broadcast_in_dim3A_362, %max3A_29, %broadcast_in_dim3A_363 : vector<2048x128xi1>, vector<2048x128xf32>
    %reduce_max3A_365 = arith.constant dense<0xFF800000> : vector<128xf32>
    %reduce_max3A_366 = vector.multi_reduction <maximumf>, %select_n3A_364, %reduce_max3A_365 [0] : vector<2048x128xf32> to vector<128xf32>
    %broadcast_in_dim3A_367 = vector.shape_cast %reduce_max3A_366 : vector<128xf32> to vector<1x128xf32>
    %eq3A_368 = arith.constant 30 : i32
    %eq3A_369 = vector.broadcast %eq3A_368 : i32 to vector<2048x1xi32>
    %eq3A_370 = arith.cmpi eq, %get3A_40, %eq3A_369 : vector<2048x1xi32>
    %jit3A_371 = arith.constant -1.000000e+30 : f32
    %broadcast_in_dim3A_372 = vector.shape_cast %eq3A_370 : vector<2048x1xi1> to vector<2048x1xi1>
    %broadcast_in_dim3A_373 = vector.broadcast %broadcast_in_dim3A_372 : vector<2048x1xi1> to vector<2048x128xi1>
    %broadcast_in_dim3A_374 = vector.broadcast %jit3A_371 : f32 to vector<2048x128xf32>
    %select_n3A_375 = arith.select %broadcast_in_dim3A_373, %max3A_29, %broadcast_in_dim3A_374 : vector<2048x128xi1>, vector<2048x128xf32>
    %reduce_max3A_376 = arith.constant dense<0xFF800000> : vector<128xf32>
    %reduce_max3A_377 = vector.multi_reduction <maximumf>, %select_n3A_375, %reduce_max3A_376 [0] : vector<2048x128xf32> to vector<128xf32>
    %broadcast_in_dim3A_378 = vector.shape_cast %reduce_max3A_377 : vector<128xf32> to vector<1x128xf32>
    %eq3A_379 = arith.constant 31 : i32
    %eq3A_380 = vector.broadcast %eq3A_379 : i32 to vector<2048x1xi32>
    %eq3A_381 = arith.cmpi eq, %get3A_40, %eq3A_380 : vector<2048x1xi32>
    %jit3A_382 = arith.constant -1.000000e+30 : f32
    %broadcast_in_dim3A_383 = vector.shape_cast %eq3A_381 : vector<2048x1xi1> to vector<2048x1xi1>
    %broadcast_in_dim3A_384 = vector.broadcast %broadcast_in_dim3A_383 : vector<2048x1xi1> to vector<2048x128xi1>
    %broadcast_in_dim3A_385 = vector.broadcast %jit3A_382 : f32 to vector<2048x128xf32>
    %select_n3A_386 = arith.select %broadcast_in_dim3A_384, %max3A_29, %broadcast_in_dim3A_385 : vector<2048x128xi1>, vector<2048x128xf32>
    %reduce_max3A_387 = arith.constant dense<0xFF800000> : vector<128xf32>
    %reduce_max3A_388 = vector.multi_reduction <maximumf>, %select_n3A_386, %reduce_max3A_387 [0] : vector<2048x128xf32> to vector<128xf32>
    %broadcast_in_dim3A_389 = vector.shape_cast %reduce_max3A_388 : vector<128xf32> to vector<1x128xf32>
    %eq3A_390 = arith.constant 32 : i32
    %eq3A_391 = vector.broadcast %eq3A_390 : i32 to vector<2048x1xi32>
    %eq3A_392 = arith.cmpi eq, %get3A_40, %eq3A_391 : vector<2048x1xi32>
    %jit3A_393 = arith.constant -1.000000e+30 : f32
    %broadcast_in_dim3A_394 = vector.shape_cast %eq3A_392 : vector<2048x1xi1> to vector<2048x1xi1>
    %broadcast_in_dim3A_395 = vector.broadcast %broadcast_in_dim3A_394 : vector<2048x1xi1> to vector<2048x128xi1>
    %broadcast_in_dim3A_396 = vector.broadcast %jit3A_393 : f32 to vector<2048x128xf32>
    %select_n3A_397 = arith.select %broadcast_in_dim3A_395, %max3A_29, %broadcast_in_dim3A_396 : vector<2048x128xi1>, vector<2048x128xf32>
    %reduce_max3A_398 = arith.constant dense<0xFF800000> : vector<128xf32>
    %reduce_max3A_399 = vector.multi_reduction <maximumf>, %select_n3A_397, %reduce_max3A_398 [0] : vector<2048x128xf32> to vector<128xf32>
    %broadcast_in_dim3A_400 = vector.shape_cast %reduce_max3A_399 : vector<128xf32> to vector<1x128xf32>
    %eq3A_401 = arith.constant 33 : i32
    %eq3A_402 = vector.broadcast %eq3A_401 : i32 to vector<2048x1xi32>
    %eq3A_403 = arith.cmpi eq, %get3A_40, %eq3A_402 : vector<2048x1xi32>
    %jit3A_404 = arith.constant -1.000000e+30 : f32
    %broadcast_in_dim3A_405 = vector.shape_cast %eq3A_403 : vector<2048x1xi1> to vector<2048x1xi1>
    %broadcast_in_dim3A_406 = vector.broadcast %broadcast_in_dim3A_405 : vector<2048x1xi1> to vector<2048x128xi1>
    %broadcast_in_dim3A_407 = vector.broadcast %jit3A_404 : f32 to vector<2048x128xf32>
    %select_n3A_408 = arith.select %broadcast_in_dim3A_406, %max3A_29, %broadcast_in_dim3A_407 : vector<2048x128xi1>, vector<2048x128xf32>
    %reduce_max3A_409 = arith.constant dense<0xFF800000> : vector<128xf32>
    %reduce_max3A_410 = vector.multi_reduction <maximumf>, %select_n3A_408, %reduce_max3A_409 [0] : vector<2048x128xf32> to vector<128xf32>
    %broadcast_in_dim3A_411 = vector.shape_cast %reduce_max3A_410 : vector<128xf32> to vector<1x128xf32>
    %eq3A_412 = arith.constant 34 : i32
    %eq3A_413 = vector.broadcast %eq3A_412 : i32 to vector<2048x1xi32>
    %eq3A_414 = arith.cmpi eq, %get3A_40, %eq3A_413 : vector<2048x1xi32>
    %jit3A_415 = arith.constant -1.000000e+30 : f32
    %broadcast_in_dim3A_416 = vector.shape_cast %eq3A_414 : vector<2048x1xi1> to vector<2048x1xi1>
    %broadcast_in_dim3A_417 = vector.broadcast %broadcast_in_dim3A_416 : vector<2048x1xi1> to vector<2048x128xi1>
    %broadcast_in_dim3A_418 = vector.broadcast %jit3A_415 : f32 to vector<2048x128xf32>
    %select_n3A_419 = arith.select %broadcast_in_dim3A_417, %max3A_29, %broadcast_in_dim3A_418 : vector<2048x128xi1>, vector<2048x128xf32>
    %reduce_max3A_420 = arith.constant dense<0xFF800000> : vector<128xf32>
    %reduce_max3A_421 = vector.multi_reduction <maximumf>, %select_n3A_419, %reduce_max3A_420 [0] : vector<2048x128xf32> to vector<128xf32>
    %broadcast_in_dim3A_422 = vector.shape_cast %reduce_max3A_421 : vector<128xf32> to vector<1x128xf32>
    %eq3A_423 = arith.constant 35 : i32
    %eq3A_424 = vector.broadcast %eq3A_423 : i32 to vector<2048x1xi32>
    %eq3A_425 = arith.cmpi eq, %get3A_40, %eq3A_424 : vector<2048x1xi32>
    %jit3A_426 = arith.constant -1.000000e+30 : f32
    %broadcast_in_dim3A_427 = vector.shape_cast %eq3A_425 : vector<2048x1xi1> to vector<2048x1xi1>
    %broadcast_in_dim3A_428 = vector.broadcast %broadcast_in_dim3A_427 : vector<2048x1xi1> to vector<2048x128xi1>
    %broadcast_in_dim3A_429 = vector.broadcast %jit3A_426 : f32 to vector<2048x128xf32>
    %select_n3A_430 = arith.select %broadcast_in_dim3A_428, %max3A_29, %broadcast_in_dim3A_429 : vector<2048x128xi1>, vector<2048x128xf32>
    %reduce_max3A_431 = arith.constant dense<0xFF800000> : vector<128xf32>
    %reduce_max3A_432 = vector.multi_reduction <maximumf>, %select_n3A_430, %reduce_max3A_431 [0] : vector<2048x128xf32> to vector<128xf32>
    %broadcast_in_dim3A_433 = vector.shape_cast %reduce_max3A_432 : vector<128xf32> to vector<1x128xf32>
    %eq3A_434 = arith.constant 36 : i32
    %eq3A_435 = vector.broadcast %eq3A_434 : i32 to vector<2048x1xi32>
    %eq3A_436 = arith.cmpi eq, %get3A_40, %eq3A_435 : vector<2048x1xi32>
    %jit3A_437 = arith.constant -1.000000e+30 : f32
    %broadcast_in_dim3A_438 = vector.shape_cast %eq3A_436 : vector<2048x1xi1> to vector<2048x1xi1>
    %broadcast_in_dim3A_439 = vector.broadcast %broadcast_in_dim3A_438 : vector<2048x1xi1> to vector<2048x128xi1>
    %broadcast_in_dim3A_440 = vector.broadcast %jit3A_437 : f32 to vector<2048x128xf32>
    %select_n3A_441 = arith.select %broadcast_in_dim3A_439, %max3A_29, %broadcast_in_dim3A_440 : vector<2048x128xi1>, vector<2048x128xf32>
    %reduce_max3A_442 = arith.constant dense<0xFF800000> : vector<128xf32>
    %reduce_max3A_443 = vector.multi_reduction <maximumf>, %select_n3A_441, %reduce_max3A_442 [0] : vector<2048x128xf32> to vector<128xf32>
    %broadcast_in_dim3A_444 = vector.shape_cast %reduce_max3A_443 : vector<128xf32> to vector<1x128xf32>
    %eq3A_445 = arith.constant 37 : i32
    %eq3A_446 = vector.broadcast %eq3A_445 : i32 to vector<2048x1xi32>
    %eq3A_447 = arith.cmpi eq, %get3A_40, %eq3A_446 : vector<2048x1xi32>
    %jit3A_448 = arith.constant -1.000000e+30 : f32
    %broadcast_in_dim3A_449 = vector.shape_cast %eq3A_447 : vector<2048x1xi1> to vector<2048x1xi1>
    %broadcast_in_dim3A_450 = vector.broadcast %broadcast_in_dim3A_449 : vector<2048x1xi1> to vector<2048x128xi1>
    %broadcast_in_dim3A_451 = vector.broadcast %jit3A_448 : f32 to vector<2048x128xf32>
    %select_n3A_452 = arith.select %broadcast_in_dim3A_450, %max3A_29, %broadcast_in_dim3A_451 : vector<2048x128xi1>, vector<2048x128xf32>
    %reduce_max3A_453 = arith.constant dense<0xFF800000> : vector<128xf32>
    %reduce_max3A_454 = vector.multi_reduction <maximumf>, %select_n3A_452, %reduce_max3A_453 [0] : vector<2048x128xf32> to vector<128xf32>
    %broadcast_in_dim3A_455 = vector.shape_cast %reduce_max3A_454 : vector<128xf32> to vector<1x128xf32>
    %eq3A_456 = arith.constant 38 : i32
    %eq3A_457 = vector.broadcast %eq3A_456 : i32 to vector<2048x1xi32>
    %eq3A_458 = arith.cmpi eq, %get3A_40, %eq3A_457 : vector<2048x1xi32>
    %jit3A_459 = arith.constant -1.000000e+30 : f32
    %broadcast_in_dim3A_460 = vector.shape_cast %eq3A_458 : vector<2048x1xi1> to vector<2048x1xi1>
    %broadcast_in_dim3A_461 = vector.broadcast %broadcast_in_dim3A_460 : vector<2048x1xi1> to vector<2048x128xi1>
    %broadcast_in_dim3A_462 = vector.broadcast %jit3A_459 : f32 to vector<2048x128xf32>
    %select_n3A_463 = arith.select %broadcast_in_dim3A_461, %max3A_29, %broadcast_in_dim3A_462 : vector<2048x128xi1>, vector<2048x128xf32>
    %reduce_max3A_464 = arith.constant dense<0xFF800000> : vector<128xf32>
    %reduce_max3A_465 = vector.multi_reduction <maximumf>, %select_n3A_463, %reduce_max3A_464 [0] : vector<2048x128xf32> to vector<128xf32>
    %broadcast_in_dim3A_466 = vector.shape_cast %reduce_max3A_465 : vector<128xf32> to vector<1x128xf32>
    %eq3A_467 = arith.constant 39 : i32
    %eq3A_468 = vector.broadcast %eq3A_467 : i32 to vector<2048x1xi32>
    %eq3A_469 = arith.cmpi eq, %get3A_40, %eq3A_468 : vector<2048x1xi32>
    %jit3A_470 = arith.constant -1.000000e+30 : f32
    %broadcast_in_dim3A_471 = vector.shape_cast %eq3A_469 : vector<2048x1xi1> to vector<2048x1xi1>
    %broadcast_in_dim3A_472 = vector.broadcast %broadcast_in_dim3A_471 : vector<2048x1xi1> to vector<2048x128xi1>
    %broadcast_in_dim3A_473 = vector.broadcast %jit3A_470 : f32 to vector<2048x128xf32>
    %select_n3A_474 = arith.select %broadcast_in_dim3A_472, %max3A_29, %broadcast_in_dim3A_473 : vector<2048x128xi1>, vector<2048x128xf32>
    %reduce_max3A_475 = arith.constant dense<0xFF800000> : vector<128xf32>
    %reduce_max3A_476 = vector.multi_reduction <maximumf>, %select_n3A_474, %reduce_max3A_475 [0] : vector<2048x128xf32> to vector<128xf32>
    %broadcast_in_dim3A_477 = vector.shape_cast %reduce_max3A_476 : vector<128xf32> to vector<1x128xf32>
    %eq3A_478 = arith.constant 40 : i32
    %eq3A_479 = vector.broadcast %eq3A_478 : i32 to vector<2048x1xi32>
    %eq3A_480 = arith.cmpi eq, %get3A_40, %eq3A_479 : vector<2048x1xi32>
    %jit3A_481 = arith.constant -1.000000e+30 : f32
    %broadcast_in_dim3A_482 = vector.shape_cast %eq3A_480 : vector<2048x1xi1> to vector<2048x1xi1>
    %broadcast_in_dim3A_483 = vector.broadcast %broadcast_in_dim3A_482 : vector<2048x1xi1> to vector<2048x128xi1>
    %broadcast_in_dim3A_484 = vector.broadcast %jit3A_481 : f32 to vector<2048x128xf32>
    %select_n3A_485 = arith.select %broadcast_in_dim3A_483, %max3A_29, %broadcast_in_dim3A_484 : vector<2048x128xi1>, vector<2048x128xf32>
    %reduce_max3A_486 = arith.constant dense<0xFF800000> : vector<128xf32>
    %reduce_max3A_487 = vector.multi_reduction <maximumf>, %select_n3A_485, %reduce_max3A_486 [0] : vector<2048x128xf32> to vector<128xf32>
    %broadcast_in_dim3A_488 = vector.shape_cast %reduce_max3A_487 : vector<128xf32> to vector<1x128xf32>
    %eq3A_489 = arith.constant 41 : i32
    %eq3A_490 = vector.broadcast %eq3A_489 : i32 to vector<2048x1xi32>
    %eq3A_491 = arith.cmpi eq, %get3A_40, %eq3A_490 : vector<2048x1xi32>
    %jit3A_492 = arith.constant -1.000000e+30 : f32
    %broadcast_in_dim3A_493 = vector.shape_cast %eq3A_491 : vector<2048x1xi1> to vector<2048x1xi1>
    %broadcast_in_dim3A_494 = vector.broadcast %broadcast_in_dim3A_493 : vector<2048x1xi1> to vector<2048x128xi1>
    %broadcast_in_dim3A_495 = vector.broadcast %jit3A_492 : f32 to vector<2048x128xf32>
    %select_n3A_496 = arith.select %broadcast_in_dim3A_494, %max3A_29, %broadcast_in_dim3A_495 : vector<2048x128xi1>, vector<2048x128xf32>
    %reduce_max3A_497 = arith.constant dense<0xFF800000> : vector<128xf32>
    %reduce_max3A_498 = vector.multi_reduction <maximumf>, %select_n3A_496, %reduce_max3A_497 [0] : vector<2048x128xf32> to vector<128xf32>
    %broadcast_in_dim3A_499 = vector.shape_cast %reduce_max3A_498 : vector<128xf32> to vector<1x128xf32>
    %eq3A_500 = arith.constant 42 : i32
    %eq3A_501 = vector.broadcast %eq3A_500 : i32 to vector<2048x1xi32>
    %eq3A_502 = arith.cmpi eq, %get3A_40, %eq3A_501 : vector<2048x1xi32>
    %jit3A_503 = arith.constant -1.000000e+30 : f32
    %broadcast_in_dim3A_504 = vector.shape_cast %eq3A_502 : vector<2048x1xi1> to vector<2048x1xi1>
    %broadcast_in_dim3A_505 = vector.broadcast %broadcast_in_dim3A_504 : vector<2048x1xi1> to vector<2048x128xi1>
    %broadcast_in_dim3A_506 = vector.broadcast %jit3A_503 : f32 to vector<2048x128xf32>
    %select_n3A_507 = arith.select %broadcast_in_dim3A_505, %max3A_29, %broadcast_in_dim3A_506 : vector<2048x128xi1>, vector<2048x128xf32>
    %reduce_max3A_508 = arith.constant dense<0xFF800000> : vector<128xf32>
    %reduce_max3A_509 = vector.multi_reduction <maximumf>, %select_n3A_507, %reduce_max3A_508 [0] : vector<2048x128xf32> to vector<128xf32>
    %broadcast_in_dim3A_510 = vector.shape_cast %reduce_max3A_509 : vector<128xf32> to vector<1x128xf32>
    %eq3A_511 = arith.constant 43 : i32
    %eq3A_512 = vector.broadcast %eq3A_511 : i32 to vector<2048x1xi32>
    %eq3A_513 = arith.cmpi eq, %get3A_40, %eq3A_512 : vector<2048x1xi32>
    %jit3A_514 = arith.constant -1.000000e+30 : f32
    %broadcast_in_dim3A_515 = vector.shape_cast %eq3A_513 : vector<2048x1xi1> to vector<2048x1xi1>
    %broadcast_in_dim3A_516 = vector.broadcast %broadcast_in_dim3A_515 : vector<2048x1xi1> to vector<2048x128xi1>
    %broadcast_in_dim3A_517 = vector.broadcast %jit3A_514 : f32 to vector<2048x128xf32>
    %select_n3A_518 = arith.select %broadcast_in_dim3A_516, %max3A_29, %broadcast_in_dim3A_517 : vector<2048x128xi1>, vector<2048x128xf32>
    %reduce_max3A_519 = arith.constant dense<0xFF800000> : vector<128xf32>
    %reduce_max3A_520 = vector.multi_reduction <maximumf>, %select_n3A_518, %reduce_max3A_519 [0] : vector<2048x128xf32> to vector<128xf32>
    %broadcast_in_dim3A_521 = vector.shape_cast %reduce_max3A_520 : vector<128xf32> to vector<1x128xf32>
    %eq3A_522 = arith.constant 44 : i32
    %eq3A_523 = vector.broadcast %eq3A_522 : i32 to vector<2048x1xi32>
    %eq3A_524 = arith.cmpi eq, %get3A_40, %eq3A_523 : vector<2048x1xi32>
    %jit3A_525 = arith.constant -1.000000e+30 : f32
    %broadcast_in_dim3A_526 = vector.shape_cast %eq3A_524 : vector<2048x1xi1> to vector<2048x1xi1>
    %broadcast_in_dim3A_527 = vector.broadcast %broadcast_in_dim3A_526 : vector<2048x1xi1> to vector<2048x128xi1>
    %broadcast_in_dim3A_528 = vector.broadcast %jit3A_525 : f32 to vector<2048x128xf32>
    %select_n3A_529 = arith.select %broadcast_in_dim3A_527, %max3A_29, %broadcast_in_dim3A_528 : vector<2048x128xi1>, vector<2048x128xf32>
    %reduce_max3A_530 = arith.constant dense<0xFF800000> : vector<128xf32>
    %reduce_max3A_531 = vector.multi_reduction <maximumf>, %select_n3A_529, %reduce_max3A_530 [0] : vector<2048x128xf32> to vector<128xf32>
    %broadcast_in_dim3A_532 = vector.shape_cast %reduce_max3A_531 : vector<128xf32> to vector<1x128xf32>
    %eq3A_533 = arith.constant 45 : i32
    %eq3A_534 = vector.broadcast %eq3A_533 : i32 to vector<2048x1xi32>
    %eq3A_535 = arith.cmpi eq, %get3A_40, %eq3A_534 : vector<2048x1xi32>
    %jit3A_536 = arith.constant -1.000000e+30 : f32
    %broadcast_in_dim3A_537 = vector.shape_cast %eq3A_535 : vector<2048x1xi1> to vector<2048x1xi1>
    %broadcast_in_dim3A_538 = vector.broadcast %broadcast_in_dim3A_537 : vector<2048x1xi1> to vector<2048x128xi1>
    %broadcast_in_dim3A_539 = vector.broadcast %jit3A_536 : f32 to vector<2048x128xf32>
    %select_n3A_540 = arith.select %broadcast_in_dim3A_538, %max3A_29, %broadcast_in_dim3A_539 : vector<2048x128xi1>, vector<2048x128xf32>
    %reduce_max3A_541 = arith.constant dense<0xFF800000> : vector<128xf32>
    %reduce_max3A_542 = vector.multi_reduction <maximumf>, %select_n3A_540, %reduce_max3A_541 [0] : vector<2048x128xf32> to vector<128xf32>
    %broadcast_in_dim3A_543 = vector.shape_cast %reduce_max3A_542 : vector<128xf32> to vector<1x128xf32>
    %eq3A_544 = arith.constant 46 : i32
    %eq3A_545 = vector.broadcast %eq3A_544 : i32 to vector<2048x1xi32>
    %eq3A_546 = arith.cmpi eq, %get3A_40, %eq3A_545 : vector<2048x1xi32>
    %jit3A_547 = arith.constant -1.000000e+30 : f32
    %broadcast_in_dim3A_548 = vector.shape_cast %eq3A_546 : vector<2048x1xi1> to vector<2048x1xi1>
    %broadcast_in_dim3A_549 = vector.broadcast %broadcast_in_dim3A_548 : vector<2048x1xi1> to vector<2048x128xi1>
    %broadcast_in_dim3A_550 = vector.broadcast %jit3A_547 : f32 to vector<2048x128xf32>
    %select_n3A_551 = arith.select %broadcast_in_dim3A_549, %max3A_29, %broadcast_in_dim3A_550 : vector<2048x128xi1>, vector<2048x128xf32>
    %reduce_max3A_552 = arith.constant dense<0xFF800000> : vector<128xf32>
    %reduce_max3A_553 = vector.multi_reduction <maximumf>, %select_n3A_551, %reduce_max3A_552 [0] : vector<2048x128xf32> to vector<128xf32>
    %broadcast_in_dim3A_554 = vector.shape_cast %reduce_max3A_553 : vector<128xf32> to vector<1x128xf32>
    %eq3A_555 = arith.constant 47 : i32
    %eq3A_556 = vector.broadcast %eq3A_555 : i32 to vector<2048x1xi32>
    %eq3A_557 = arith.cmpi eq, %get3A_40, %eq3A_556 : vector<2048x1xi32>
    %jit3A_558 = arith.constant -1.000000e+30 : f32
    %broadcast_in_dim3A_559 = vector.shape_cast %eq3A_557 : vector<2048x1xi1> to vector<2048x1xi1>
    %broadcast_in_dim3A_560 = vector.broadcast %broadcast_in_dim3A_559 : vector<2048x1xi1> to vector<2048x128xi1>
    %broadcast_in_dim3A_561 = vector.broadcast %jit3A_558 : f32 to vector<2048x128xf32>
    %select_n3A_562 = arith.select %broadcast_in_dim3A_560, %max3A_29, %broadcast_in_dim3A_561 : vector<2048x128xi1>, vector<2048x128xf32>
    %reduce_max3A_563 = arith.constant dense<0xFF800000> : vector<128xf32>
    %reduce_max3A_564 = vector.multi_reduction <maximumf>, %select_n3A_562, %reduce_max3A_563 [0] : vector<2048x128xf32> to vector<128xf32>
    %broadcast_in_dim3A_565 = vector.shape_cast %reduce_max3A_564 : vector<128xf32> to vector<1x128xf32>
    %eq3A_566 = arith.constant 48 : i32
    %eq3A_567 = vector.broadcast %eq3A_566 : i32 to vector<2048x1xi32>
    %eq3A_568 = arith.cmpi eq, %get3A_40, %eq3A_567 : vector<2048x1xi32>
    %jit3A_569 = arith.constant -1.000000e+30 : f32
    %broadcast_in_dim3A_570 = vector.shape_cast %eq3A_568 : vector<2048x1xi1> to vector<2048x1xi1>
    %broadcast_in_dim3A_571 = vector.broadcast %broadcast_in_dim3A_570 : vector<2048x1xi1> to vector<2048x128xi1>
    %broadcast_in_dim3A_572 = vector.broadcast %jit3A_569 : f32 to vector<2048x128xf32>
    %select_n3A_573 = arith.select %broadcast_in_dim3A_571, %max3A_29, %broadcast_in_dim3A_572 : vector<2048x128xi1>, vector<2048x128xf32>
    %reduce_max3A_574 = arith.constant dense<0xFF800000> : vector<128xf32>
    %reduce_max3A_575 = vector.multi_reduction <maximumf>, %select_n3A_573, %reduce_max3A_574 [0] : vector<2048x128xf32> to vector<128xf32>
    %broadcast_in_dim3A_576 = vector.shape_cast %reduce_max3A_575 : vector<128xf32> to vector<1x128xf32>
    %eq3A_577 = arith.constant 49 : i32
    %eq3A_578 = vector.broadcast %eq3A_577 : i32 to vector<2048x1xi32>
    %eq3A_579 = arith.cmpi eq, %get3A_40, %eq3A_578 : vector<2048x1xi32>
    %jit3A_580 = arith.constant -1.000000e+30 : f32
    %broadcast_in_dim3A_581 = vector.shape_cast %eq3A_579 : vector<2048x1xi1> to vector<2048x1xi1>
    %broadcast_in_dim3A_582 = vector.broadcast %broadcast_in_dim3A_581 : vector<2048x1xi1> to vector<2048x128xi1>
    %broadcast_in_dim3A_583 = vector.broadcast %jit3A_580 : f32 to vector<2048x128xf32>
    %select_n3A_584 = arith.select %broadcast_in_dim3A_582, %max3A_29, %broadcast_in_dim3A_583 : vector<2048x128xi1>, vector<2048x128xf32>
    %reduce_max3A_585 = arith.constant dense<0xFF800000> : vector<128xf32>
    %reduce_max3A_586 = vector.multi_reduction <maximumf>, %select_n3A_584, %reduce_max3A_585 [0] : vector<2048x128xf32> to vector<128xf32>
    %broadcast_in_dim3A_587 = vector.shape_cast %reduce_max3A_586 : vector<128xf32> to vector<1x128xf32>
    %eq3A_588 = arith.constant 50 : i32
    %eq3A_589 = vector.broadcast %eq3A_588 : i32 to vector<2048x1xi32>
    %eq3A_590 = arith.cmpi eq, %get3A_40, %eq3A_589 : vector<2048x1xi32>
    %jit3A_591 = arith.constant -1.000000e+30 : f32
    %broadcast_in_dim3A_592 = vector.shape_cast %eq3A_590 : vector<2048x1xi1> to vector<2048x1xi1>
    %broadcast_in_dim3A_593 = vector.broadcast %broadcast_in_dim3A_592 : vector<2048x1xi1> to vector<2048x128xi1>
    %broadcast_in_dim3A_594 = vector.broadcast %jit3A_591 : f32 to vector<2048x128xf32>
    %select_n3A_595 = arith.select %broadcast_in_dim3A_593, %max3A_29, %broadcast_in_dim3A_594 : vector<2048x128xi1>, vector<2048x128xf32>
    %reduce_max3A_596 = arith.constant dense<0xFF800000> : vector<128xf32>
    %reduce_max3A_597 = vector.multi_reduction <maximumf>, %select_n3A_595, %reduce_max3A_596 [0] : vector<2048x128xf32> to vector<128xf32>
    %broadcast_in_dim3A_598 = vector.shape_cast %reduce_max3A_597 : vector<128xf32> to vector<1x128xf32>
    %eq3A_599 = arith.constant 51 : i32
    %eq3A_600 = vector.broadcast %eq3A_599 : i32 to vector<2048x1xi32>
    %eq3A_601 = arith.cmpi eq, %get3A_40, %eq3A_600 : vector<2048x1xi32>
    %jit3A_602 = arith.constant -1.000000e+30 : f32
    %broadcast_in_dim3A_603 = vector.shape_cast %eq3A_601 : vector<2048x1xi1> to vector<2048x1xi1>
    %broadcast_in_dim3A_604 = vector.broadcast %broadcast_in_dim3A_603 : vector<2048x1xi1> to vector<2048x128xi1>
    %broadcast_in_dim3A_605 = vector.broadcast %jit3A_602 : f32 to vector<2048x128xf32>
    %select_n3A_606 = arith.select %broadcast_in_dim3A_604, %max3A_29, %broadcast_in_dim3A_605 : vector<2048x128xi1>, vector<2048x128xf32>
    %reduce_max3A_607 = arith.constant dense<0xFF800000> : vector<128xf32>
    %reduce_max3A_608 = vector.multi_reduction <maximumf>, %select_n3A_606, %reduce_max3A_607 [0] : vector<2048x128xf32> to vector<128xf32>
    %broadcast_in_dim3A_609 = vector.shape_cast %reduce_max3A_608 : vector<128xf32> to vector<1x128xf32>
    %eq3A_610 = arith.constant 52 : i32
    %eq3A_611 = vector.broadcast %eq3A_610 : i32 to vector<2048x1xi32>
    %eq3A_612 = arith.cmpi eq, %get3A_40, %eq3A_611 : vector<2048x1xi32>
    %jit3A_613 = arith.constant -1.000000e+30 : f32
    %broadcast_in_dim3A_614 = vector.shape_cast %eq3A_612 : vector<2048x1xi1> to vector<2048x1xi1>
    %broadcast_in_dim3A_615 = vector.broadcast %broadcast_in_dim3A_614 : vector<2048x1xi1> to vector<2048x128xi1>
    %broadcast_in_dim3A_616 = vector.broadcast %jit3A_613 : f32 to vector<2048x128xf32>
    %select_n3A_617 = arith.select %broadcast_in_dim3A_615, %max3A_29, %broadcast_in_dim3A_616 : vector<2048x128xi1>, vector<2048x128xf32>
    %reduce_max3A_618 = arith.constant dense<0xFF800000> : vector<128xf32>
    %reduce_max3A_619 = vector.multi_reduction <maximumf>, %select_n3A_617, %reduce_max3A_618 [0] : vector<2048x128xf32> to vector<128xf32>
    %broadcast_in_dim3A_620 = vector.shape_cast %reduce_max3A_619 : vector<128xf32> to vector<1x128xf32>
    %eq3A_621 = arith.constant 53 : i32
    %eq3A_622 = vector.broadcast %eq3A_621 : i32 to vector<2048x1xi32>
    %eq3A_623 = arith.cmpi eq, %get3A_40, %eq3A_622 : vector<2048x1xi32>
    %jit3A_624 = arith.constant -1.000000e+30 : f32
    %broadcast_in_dim3A_625 = vector.shape_cast %eq3A_623 : vector<2048x1xi1> to vector<2048x1xi1>
    %broadcast_in_dim3A_626 = vector.broadcast %broadcast_in_dim3A_625 : vector<2048x1xi1> to vector<2048x128xi1>
    %broadcast_in_dim3A_627 = vector.broadcast %jit3A_624 : f32 to vector<2048x128xf32>
    %select_n3A_628 = arith.select %broadcast_in_dim3A_626, %max3A_29, %broadcast_in_dim3A_627 : vector<2048x128xi1>, vector<2048x128xf32>
    %reduce_max3A_629 = arith.constant dense<0xFF800000> : vector<128xf32>
    %reduce_max3A_630 = vector.multi_reduction <maximumf>, %select_n3A_628, %reduce_max3A_629 [0] : vector<2048x128xf32> to vector<128xf32>
    %broadcast_in_dim3A_631 = vector.shape_cast %reduce_max3A_630 : vector<128xf32> to vector<1x128xf32>
    %eq3A_632 = arith.constant 54 : i32
    %eq3A_633 = vector.broadcast %eq3A_632 : i32 to vector<2048x1xi32>
    %eq3A_634 = arith.cmpi eq, %get3A_40, %eq3A_633 : vector<2048x1xi32>
    %jit3A_635 = arith.constant -1.000000e+30 : f32
    %broadcast_in_dim3A_636 = vector.shape_cast %eq3A_634 : vector<2048x1xi1> to vector<2048x1xi1>
    %broadcast_in_dim3A_637 = vector.broadcast %broadcast_in_dim3A_636 : vector<2048x1xi1> to vector<2048x128xi1>
    %broadcast_in_dim3A_638 = vector.broadcast %jit3A_635 : f32 to vector<2048x128xf32>
    %select_n3A_639 = arith.select %broadcast_in_dim3A_637, %max3A_29, %broadcast_in_dim3A_638 : vector<2048x128xi1>, vector<2048x128xf32>
    %reduce_max3A_640 = arith.constant dense<0xFF800000> : vector<128xf32>
    %reduce_max3A_641 = vector.multi_reduction <maximumf>, %select_n3A_639, %reduce_max3A_640 [0] : vector<2048x128xf32> to vector<128xf32>
    %broadcast_in_dim3A_642 = vector.shape_cast %reduce_max3A_641 : vector<128xf32> to vector<1x128xf32>
    %eq3A_643 = arith.constant 55 : i32
    %eq3A_644 = vector.broadcast %eq3A_643 : i32 to vector<2048x1xi32>
    %eq3A_645 = arith.cmpi eq, %get3A_40, %eq3A_644 : vector<2048x1xi32>
    %jit3A_646 = arith.constant -1.000000e+30 : f32
    %broadcast_in_dim3A_647 = vector.shape_cast %eq3A_645 : vector<2048x1xi1> to vector<2048x1xi1>
    %broadcast_in_dim3A_648 = vector.broadcast %broadcast_in_dim3A_647 : vector<2048x1xi1> to vector<2048x128xi1>
    %broadcast_in_dim3A_649 = vector.broadcast %jit3A_646 : f32 to vector<2048x128xf32>
    %select_n3A_650 = arith.select %broadcast_in_dim3A_648, %max3A_29, %broadcast_in_dim3A_649 : vector<2048x128xi1>, vector<2048x128xf32>
    %reduce_max3A_651 = arith.constant dense<0xFF800000> : vector<128xf32>
    %reduce_max3A_652 = vector.multi_reduction <maximumf>, %select_n3A_650, %reduce_max3A_651 [0] : vector<2048x128xf32> to vector<128xf32>
    %broadcast_in_dim3A_653 = vector.shape_cast %reduce_max3A_652 : vector<128xf32> to vector<1x128xf32>
    %eq3A_654 = arith.constant 56 : i32
    %eq3A_655 = vector.broadcast %eq3A_654 : i32 to vector<2048x1xi32>
    %eq3A_656 = arith.cmpi eq, %get3A_40, %eq3A_655 : vector<2048x1xi32>
    %jit3A_657 = arith.constant -1.000000e+30 : f32
    %broadcast_in_dim3A_658 = vector.shape_cast %eq3A_656 : vector<2048x1xi1> to vector<2048x1xi1>
    %broadcast_in_dim3A_659 = vector.broadcast %broadcast_in_dim3A_658 : vector<2048x1xi1> to vector<2048x128xi1>
    %broadcast_in_dim3A_660 = vector.broadcast %jit3A_657 : f32 to vector<2048x128xf32>
    %select_n3A_661 = arith.select %broadcast_in_dim3A_659, %max3A_29, %broadcast_in_dim3A_660 : vector<2048x128xi1>, vector<2048x128xf32>
    %reduce_max3A_662 = arith.constant dense<0xFF800000> : vector<128xf32>
    %reduce_max3A_663 = vector.multi_reduction <maximumf>, %select_n3A_661, %reduce_max3A_662 [0] : vector<2048x128xf32> to vector<128xf32>
    %broadcast_in_dim3A_664 = vector.shape_cast %reduce_max3A_663 : vector<128xf32> to vector<1x128xf32>
    %eq3A_665 = arith.constant 57 : i32
    %eq3A_666 = vector.broadcast %eq3A_665 : i32 to vector<2048x1xi32>
    %eq3A_667 = arith.cmpi eq, %get3A_40, %eq3A_666 : vector<2048x1xi32>
    %jit3A_668 = arith.constant -1.000000e+30 : f32
    %broadcast_in_dim3A_669 = vector.shape_cast %eq3A_667 : vector<2048x1xi1> to vector<2048x1xi1>
    %broadcast_in_dim3A_670 = vector.broadcast %broadcast_in_dim3A_669 : vector<2048x1xi1> to vector<2048x128xi1>
    %broadcast_in_dim3A_671 = vector.broadcast %jit3A_668 : f32 to vector<2048x128xf32>
    %select_n3A_672 = arith.select %broadcast_in_dim3A_670, %max3A_29, %broadcast_in_dim3A_671 : vector<2048x128xi1>, vector<2048x128xf32>
    %reduce_max3A_673 = arith.constant dense<0xFF800000> : vector<128xf32>
    %reduce_max3A_674 = vector.multi_reduction <maximumf>, %select_n3A_672, %reduce_max3A_673 [0] : vector<2048x128xf32> to vector<128xf32>
    %broadcast_in_dim3A_675 = vector.shape_cast %reduce_max3A_674 : vector<128xf32> to vector<1x128xf32>
    %eq3A_676 = arith.constant 58 : i32
    %eq3A_677 = vector.broadcast %eq3A_676 : i32 to vector<2048x1xi32>
    %eq3A_678 = arith.cmpi eq, %get3A_40, %eq3A_677 : vector<2048x1xi32>
    %jit3A_679 = arith.constant -1.000000e+30 : f32
    %broadcast_in_dim3A_680 = vector.shape_cast %eq3A_678 : vector<2048x1xi1> to vector<2048x1xi1>
    %broadcast_in_dim3A_681 = vector.broadcast %broadcast_in_dim3A_680 : vector<2048x1xi1> to vector<2048x128xi1>
    %broadcast_in_dim3A_682 = vector.broadcast %jit3A_679 : f32 to vector<2048x128xf32>
    %select_n3A_683 = arith.select %broadcast_in_dim3A_681, %max3A_29, %broadcast_in_dim3A_682 : vector<2048x128xi1>, vector<2048x128xf32>
    %reduce_max3A_684 = arith.constant dense<0xFF800000> : vector<128xf32>
    %reduce_max3A_685 = vector.multi_reduction <maximumf>, %select_n3A_683, %reduce_max3A_684 [0] : vector<2048x128xf32> to vector<128xf32>
    %broadcast_in_dim3A_686 = vector.shape_cast %reduce_max3A_685 : vector<128xf32> to vector<1x128xf32>
    %eq3A_687 = arith.constant 59 : i32
    %eq3A_688 = vector.broadcast %eq3A_687 : i32 to vector<2048x1xi32>
    %eq3A_689 = arith.cmpi eq, %get3A_40, %eq3A_688 : vector<2048x1xi32>
    %jit3A_690 = arith.constant -1.000000e+30 : f32
    %broadcast_in_dim3A_691 = vector.shape_cast %eq3A_689 : vector<2048x1xi1> to vector<2048x1xi1>
    %broadcast_in_dim3A_692 = vector.broadcast %broadcast_in_dim3A_691 : vector<2048x1xi1> to vector<2048x128xi1>
    %broadcast_in_dim3A_693 = vector.broadcast %jit3A_690 : f32 to vector<2048x128xf32>
    %select_n3A_694 = arith.select %broadcast_in_dim3A_692, %max3A_29, %broadcast_in_dim3A_693 : vector<2048x128xi1>, vector<2048x128xf32>
    %reduce_max3A_695 = arith.constant dense<0xFF800000> : vector<128xf32>
    %reduce_max3A_696 = vector.multi_reduction <maximumf>, %select_n3A_694, %reduce_max3A_695 [0] : vector<2048x128xf32> to vector<128xf32>
    %broadcast_in_dim3A_697 = vector.shape_cast %reduce_max3A_696 : vector<128xf32> to vector<1x128xf32>
    %eq3A_698 = arith.constant 60 : i32
    %eq3A_699 = vector.broadcast %eq3A_698 : i32 to vector<2048x1xi32>
    %eq3A_700 = arith.cmpi eq, %get3A_40, %eq3A_699 : vector<2048x1xi32>
    %jit3A_701 = arith.constant -1.000000e+30 : f32
    %broadcast_in_dim3A_702 = vector.shape_cast %eq3A_700 : vector<2048x1xi1> to vector<2048x1xi1>
    %broadcast_in_dim3A_703 = vector.broadcast %broadcast_in_dim3A_702 : vector<2048x1xi1> to vector<2048x128xi1>
    %broadcast_in_dim3A_704 = vector.broadcast %jit3A_701 : f32 to vector<2048x128xf32>
    %select_n3A_705 = arith.select %broadcast_in_dim3A_703, %max3A_29, %broadcast_in_dim3A_704 : vector<2048x128xi1>, vector<2048x128xf32>
    %reduce_max3A_706 = arith.constant dense<0xFF800000> : vector<128xf32>
    %reduce_max3A_707 = vector.multi_reduction <maximumf>, %select_n3A_705, %reduce_max3A_706 [0] : vector<2048x128xf32> to vector<128xf32>
    %broadcast_in_dim3A_708 = vector.shape_cast %reduce_max3A_707 : vector<128xf32> to vector<1x128xf32>
    %eq3A_709 = arith.constant 61 : i32
    %eq3A_710 = vector.broadcast %eq3A_709 : i32 to vector<2048x1xi32>
    %eq3A_711 = arith.cmpi eq, %get3A_40, %eq3A_710 : vector<2048x1xi32>
    %jit3A_712 = arith.constant -1.000000e+30 : f32
    %broadcast_in_dim3A_713 = vector.shape_cast %eq3A_711 : vector<2048x1xi1> to vector<2048x1xi1>
    %broadcast_in_dim3A_714 = vector.broadcast %broadcast_in_dim3A_713 : vector<2048x1xi1> to vector<2048x128xi1>
    %broadcast_in_dim3A_715 = vector.broadcast %jit3A_712 : f32 to vector<2048x128xf32>
    %select_n3A_716 = arith.select %broadcast_in_dim3A_714, %max3A_29, %broadcast_in_dim3A_715 : vector<2048x128xi1>, vector<2048x128xf32>
    %reduce_max3A_717 = arith.constant dense<0xFF800000> : vector<128xf32>
    %reduce_max3A_718 = vector.multi_reduction <maximumf>, %select_n3A_716, %reduce_max3A_717 [0] : vector<2048x128xf32> to vector<128xf32>
    %broadcast_in_dim3A_719 = vector.shape_cast %reduce_max3A_718 : vector<128xf32> to vector<1x128xf32>
    %eq3A_720 = arith.constant 62 : i32
    %eq3A_721 = vector.broadcast %eq3A_720 : i32 to vector<2048x1xi32>
    %eq3A_722 = arith.cmpi eq, %get3A_40, %eq3A_721 : vector<2048x1xi32>
    %jit3A_723 = arith.constant -1.000000e+30 : f32
    %broadcast_in_dim3A_724 = vector.shape_cast %eq3A_722 : vector<2048x1xi1> to vector<2048x1xi1>
    %broadcast_in_dim3A_725 = vector.broadcast %broadcast_in_dim3A_724 : vector<2048x1xi1> to vector<2048x128xi1>
    %broadcast_in_dim3A_726 = vector.broadcast %jit3A_723 : f32 to vector<2048x128xf32>
    %select_n3A_727 = arith.select %broadcast_in_dim3A_725, %max3A_29, %broadcast_in_dim3A_726 : vector<2048x128xi1>, vector<2048x128xf32>
    %reduce_max3A_728 = arith.constant dense<0xFF800000> : vector<128xf32>
    %reduce_max3A_729 = vector.multi_reduction <maximumf>, %select_n3A_727, %reduce_max3A_728 [0] : vector<2048x128xf32> to vector<128xf32>
    %broadcast_in_dim3A_730 = vector.shape_cast %reduce_max3A_729 : vector<128xf32> to vector<1x128xf32>
    %eq3A_731 = arith.constant 63 : i32
    %eq3A_732 = vector.broadcast %eq3A_731 : i32 to vector<2048x1xi32>
    %eq3A_733 = arith.cmpi eq, %get3A_40, %eq3A_732 : vector<2048x1xi32>
    %jit3A_734 = arith.constant -1.000000e+30 : f32
    %broadcast_in_dim3A_735 = vector.shape_cast %eq3A_733 : vector<2048x1xi1> to vector<2048x1xi1>
    %broadcast_in_dim3A_736 = vector.broadcast %broadcast_in_dim3A_735 : vector<2048x1xi1> to vector<2048x128xi1>
    %broadcast_in_dim3A_737 = vector.broadcast %jit3A_734 : f32 to vector<2048x128xf32>
    %select_n3A_738 = arith.select %broadcast_in_dim3A_736, %max3A_29, %broadcast_in_dim3A_737 : vector<2048x128xi1>, vector<2048x128xf32>
    %reduce_max3A_739 = arith.constant dense<0xFF800000> : vector<128xf32>
    %reduce_max3A_740 = vector.multi_reduction <maximumf>, %select_n3A_738, %reduce_max3A_739 [0] : vector<2048x128xf32> to vector<128xf32>
    %broadcast_in_dim3A_741 = vector.shape_cast %reduce_max3A_740 : vector<128xf32> to vector<1x128xf32>
    %concatenate3A = tpu.concatenate %broadcast_in_dim3A_48, %broadcast_in_dim3A_59, %broadcast_in_dim3A_70, %broadcast_in_dim3A_81, %broadcast_in_dim3A_92, %broadcast_in_dim3A_103, %broadcast_in_dim3A_114, %broadcast_in_dim3A_125, %broadcast_in_dim3A_136, %broadcast_in_dim3A_147, %broadcast_in_dim3A_158, %broadcast_in_dim3A_169, %broadcast_in_dim3A_180, %broadcast_in_dim3A_191, %broadcast_in_dim3A_202, %broadcast_in_dim3A_213, %broadcast_in_dim3A_224, %broadcast_in_dim3A_235, %broadcast_in_dim3A_246, %broadcast_in_dim3A_257, %broadcast_in_dim3A_268, %broadcast_in_dim3A_279, %broadcast_in_dim3A_290, %broadcast_in_dim3A_301, %broadcast_in_dim3A_312, %broadcast_in_dim3A_323, %broadcast_in_dim3A_334, %broadcast_in_dim3A_345, %broadcast_in_dim3A_356, %broadcast_in_dim3A_367, %broadcast_in_dim3A_378, %broadcast_in_dim3A_389, %broadcast_in_dim3A_400, %broadcast_in_dim3A_411, %broadcast_in_dim3A_422, %broadcast_in_dim3A_433, %broadcast_in_dim3A_444, %broadcast_in_dim3A_455, %broadcast_in_dim3A_466, %broadcast_in_dim3A_477, %broadcast_in_dim3A_488, %broadcast_in_dim3A_499, %broadcast_in_dim3A_510, %broadcast_in_dim3A_521, %broadcast_in_dim3A_532, %broadcast_in_dim3A_543, %broadcast_in_dim3A_554, %broadcast_in_dim3A_565, %broadcast_in_dim3A_576, %broadcast_in_dim3A_587, %broadcast_in_dim3A_598, %broadcast_in_dim3A_609, %broadcast_in_dim3A_620, %broadcast_in_dim3A_631, %broadcast_in_dim3A_642, %broadcast_in_dim3A_653, %broadcast_in_dim3A_664, %broadcast_in_dim3A_675, %broadcast_in_dim3A_686, %broadcast_in_dim3A_697, %broadcast_in_dim3A_708, %broadcast_in_dim3A_719, %broadcast_in_dim3A_730, %broadcast_in_dim3A_741 in 0 : vector<1x128xf32>, vector<1x128xf32>, vector<1x128xf32>, vector<1x128xf32>, vector<1x128xf32>, vector<1x128xf32>, vector<1x128xf32>, vector<1x128xf32>, vector<1x128xf32>, vector<1x128xf32>, vector<1x128xf32>, vector<1x128xf32>, vector<1x128xf32>, vector<1x128xf32>, vector<1x128xf32>, vector<1x128xf32>, vector<1x128xf32>, vector<1x128xf32>, vector<1x128xf32>, vector<1x128xf32>, vector<1x128xf32>, vector<1x128xf32>, vector<1x128xf32>, vector<1x128xf32>, vector<1x128xf32>, vector<1x128xf32>, vector<1x128xf32>, vector<1x128xf32>, vector<1x128xf32>, vector<1x128xf32>, vector<1x128xf32>, vector<1x128xf32>, vector<1x128xf32>, vector<1x128xf32>, vector<1x128xf32>, vector<1x128xf32>, vector<1x128xf32>, vector<1x128xf32>, vector<1x128xf32>, vector<1x128xf32>, vector<1x128xf32>, vector<1x128xf32>, vector<1x128xf32>, vector<1x128xf32>, vector<1x128xf32>, vector<1x128xf32>, vector<1x128xf32>, vector<1x128xf32>, vector<1x128xf32>, vector<1x128xf32>, vector<1x128xf32>, vector<1x128xf32>, vector<1x128xf32>, vector<1x128xf32>, vector<1x128xf32>, vector<1x128xf32>, vector<1x128xf32>, vector<1x128xf32>, vector<1x128xf32>, vector<1x128xf32>, vector<1x128xf32>, vector<1x128xf32>, vector<1x128xf32>, vector<1x128xf32> -> vector<64x128xf32>
    %eq3A_742 = arith.constant 0 : i32
    %eq3A_743 = arith.cmpi eq, %arg0, %eq3A_742 : i32
    %convert_element_type3A_744 = arith.extui %eq3A_743 : i1 to i32
    %cond3A = arith.constant 0 : i32
    %cond3A_745 = arith.cmpi ne, %convert_element_type3A_744, %cond3A : i32
    scf.if %cond3A_745 {
      %swap3A = arith.constant 0 : index
      %swap3A_755 = arith.constant 0 : index
      %swap3A_756 = vector.load %arg18[%swap3A, %swap3A_755] : memref<64x128xf32, #tpu.memory_space<vmem>>, vector<64x128xf32>
      tpu.vector_store %arg18[%swap3A, %swap3A_755], %dot_general3A_36 {strides = array<i32>} : memref<64x128xf32, #tpu.memory_space<vmem>>, vector<64x128xf32>,
      %swap3A_757 = arith.constant 0 : index
      %swap3A_758 = arith.constant 0 : index
      %swap3A_759 = vector.load %arg20[%swap3A_757, %swap3A_758] : memref<64x1xf32, #tpu.memory_space<vmem>>, vector<64x1xf32>
      tpu.vector_store %arg20[%swap3A_757, %swap3A_758], %broadcast_in_dim3A {strides = array<i32>} : memref<64x1xf32, #tpu.memory_space<vmem>>, vector<64x1xf32>,
      %swap3A_760 = arith.constant 0 : index
      %swap3A_761 = arith.constant 0 : index
      %swap3A_762 = vector.load %arg19[%swap3A_760, %swap3A_761] : memref<64x128xf32, #tpu.memory_space<vmem>>, vector<64x128xf32>
      tpu.vector_store %arg19[%swap3A_760, %swap3A_761], %concatenate3A {strides = array<i32>} : memref<64x128xf32, #tpu.memory_space<vmem>>, vector<64x128xf32>,
    } else {
    }
    %gt3A = arith.constant 0 : i32
    %gt3A_746 = arith.cmpi sgt, %arg0, %gt3A : i32
    %convert_element_type3A_747 = arith.extui %gt3A_746 : i1 to i32
    %cond3A_748 = arith.constant 0 : i32
    %cond3A_749 = arith.cmpi ne, %convert_element_type3A_747, %cond3A_748 : i32
    scf.if %cond3A_749 {
      %get3A_755 = arith.constant 0 : index
      %get3A_756 = arith.constant 0 : index
      %get3A_757 = vector.load %arg18[%get3A_755, %get3A_756] : memref<64x128xf32, #tpu.memory_space<vmem>>, vector<64x128xf32>
      %add3A_758 = arith.addf %get3A_757, %dot_general3A_36 : vector<64x128xf32>
      %swap3A = arith.constant 0 : index
      %swap3A_759 = arith.constant 0 : index
      %swap3A_760 = vector.load %arg18[%swap3A, %swap3A_759] : memref<64x128xf32, #tpu.memory_space<vmem>>, vector<64x128xf32>
      tpu.vector_store %arg18[%swap3A, %swap3A_759], %add3A_758 {strides = array<i32>} : memref<64x128xf32, #tpu.memory_space<vmem>>, vector<64x128xf32>,
      %get3A_761 = arith.constant 0 : index
      %get3A_762 = arith.constant 0 : index
      %get3A_763 = vector.load %arg20[%get3A_761, %get3A_762] : memref<64x1xf32, #tpu.memory_space<vmem>>, vector<64x1xf32>
      %add3A_764 = arith.addf %get3A_763, %broadcast_in_dim3A : vector<64x1xf32>
      %swap3A_765 = arith.constant 0 : index
      %swap3A_766 = arith.constant 0 : index
      %swap3A_767 = vector.load %arg20[%swap3A_765, %swap3A_766] : memref<64x1xf32, #tpu.memory_space<vmem>>, vector<64x1xf32>
      tpu.vector_store %arg20[%swap3A_765, %swap3A_766], %add3A_764 {strides = array<i32>} : memref<64x1xf32, #tpu.memory_space<vmem>>, vector<64x1xf32>,
      %get3A_768 = arith.constant 0 : index
      %get3A_769 = arith.constant 0 : index
      %get3A_770 = vector.load %arg19[%get3A_768, %get3A_769] : memref<64x128xf32, #tpu.memory_space<vmem>>, vector<64x128xf32>
      %max3A_771 = arith.maximumf %get3A_770, %concatenate3A : vector<64x128xf32>
      %swap3A_772 = arith.constant 0 : index
      %swap3A_773 = arith.constant 0 : index
      %swap3A_774 = vector.load %arg19[%swap3A_772, %swap3A_773] : memref<64x128xf32, #tpu.memory_space<vmem>>, vector<64x128xf32>
      tpu.vector_store %arg19[%swap3A_772, %swap3A_773], %max3A_771 {strides = array<i32>} : memref<64x128xf32, #tpu.memory_space<vmem>>, vector<64x128xf32>,
    } else {
    }
    %eq3A_750 = arith.constant 4 : i32
    %eq3A_751 = arith.cmpi eq, %arg0, %eq3A_750 : i32
    %convert_element_type3A_752 = arith.extui %eq3A_751 : i1 to i32
    %cond3A_753 = arith.constant 0 : i32
    %cond3A_754 = arith.cmpi ne, %convert_element_type3A_752, %cond3A_753 : i32
    scf.if %cond3A_754 {
      %get3A_755 = arith.constant 0 : index
      %get3A_756 = arith.constant 0 : index
      %get3A_757 = vector.load %arg20[%get3A_755, %get3A_756] : memref<64x1xf32, #tpu.memory_space<vmem>>, vector<64x1xf32>
      %get3A_758 = arith.constant 0 : index
      %get3A_759 = arith.constant 0 : index
      %get3A_760 = vector.load %arg18[%get3A_758, %get3A_759] : memref<64x128xf32, #tpu.memory_space<vmem>>, vector<64x128xf32>
      %max3A_761 = arith.constant 1.000000e+00 : f32
      %max3A_762 = vector.broadcast %max3A_761 : f32 to vector<64x1xf32>
      %max3A_763 = arith.maximumf %get3A_757, %max3A_762 : vector<64x1xf32>
      %div3A_764 = vector.broadcast %max3A_763 : vector<64x1xf32> to vector<64x128xf32>
      %div3A_765 = arith.divf %get3A_760, %div3A_764 : vector<64x128xf32>
      %gt3A_766 = arith.constant 0.000000e+00 : f32
      %gt3A_767 = vector.broadcast %gt3A_766 : f32 to vector<64x1xf32>
      %gt3A_768 = arith.cmpf ogt, %get3A_757, %gt3A_767 : vector<64x1xf32>
      %get3A_769 = arith.constant 0 : index
      %get3A_770 = arith.constant 0 : index
      %get3A_771 = vector.load %arg19[%get3A_769, %get3A_770] : memref<64x128xf32, #tpu.memory_space<vmem>>, vector<64x128xf32>
      %jit3A_772 = arith.constant 0.000000e+00 : f32
      %broadcast_in_dim3A_773 = vector.shape_cast %gt3A_768 : vector<64x1xi1> to vector<64x1xi1>
      %broadcast_in_dim3A_774 = vector.broadcast %broadcast_in_dim3A_773 : vector<64x1xi1> to vector<64x128xi1>
      %broadcast_in_dim3A_775 = vector.broadcast %jit3A_772 : f32 to vector<64x128xf32>
      %select_n3A_776 = arith.select %broadcast_in_dim3A_774, %get3A_771, %broadcast_in_dim3A_775 : vector<64x128xi1>, vector<64x128xf32>
      %concatenate3A_777 = tpu.concatenate %div3A_765, %select_n3A_776 in 1 : vector<64x128xf32>, vector<64x128xf32> -> vector<64x256xf32>
      %get3A_778 = arith.constant 0 : index
      %get3A_779 = arith.constant 0 : index
      %get3A_780 = vector.load %arg7[%get3A_778, %get3A_779] : memref<256x128xf32, #tpu.memory_space<vmem>>, vector<256x128xf32>
      %dot_general3A_781 = arith.constant dense<0.000000e+00> : vector<64x128xf32>
      %dot_general3A_782 = tpu.matmul %concatenate3A_777, %get3A_780, %dot_general3A_781 {dimension_numbers = #tpu.dot_dimension_numbers<[1], [0], [0], [1], [0, 0, 1, 1], [], []>, transpose_lhs_hint = false} : vector<64x256xf32>, vector<256x128xf32>, vector<64x128xf32> -> vector<64x128xf32>
      %get3A_783 = arith.constant 0 : index
      %get3A_784 = arith.constant 0 : index
      %get3A_785 = vector.load %arg8[%get3A_783, %get3A_784] : memref<1x128xf32, #tpu.memory_space<vmem>>, vector<1x128xf32>
      %add3A_786 = vector.broadcast %get3A_785 : vector<1x128xf32> to vector<64x128xf32>
      %add3A_787 = arith.addf %dot_general3A_782, %add3A_786 : vector<64x128xf32>
      %get3A_788 = arith.constant 0 : index
      %get3A_789 = arith.constant 0 : index
      %get3A_790 = vector.load %arg9[%get3A_788, %get3A_789] : memref<1x128xf32, #tpu.memory_space<vmem>>, vector<1x128xf32>
      %get3A_791 = arith.constant 0 : index
      %get3A_792 = arith.constant 0 : index
      %get3A_793 = vector.load %arg10[%get3A_791, %get3A_792] : memref<1x128xf32, #tpu.memory_space<vmem>>, vector<1x128xf32>
      %reduce_sum3A_794 = arith.constant dense<0.000000e+00> : vector<128xf32>
      %reduce_sum3A_795 = vector.multi_reduction <add>, %add3A_787, %reduce_sum3A_794 [0] : vector<64x128xf32> to vector<128xf32>
      %broadcast_in_dim3A_796 = vector.shape_cast %reduce_sum3A_795 : vector<128xf32> to vector<1x128xf32>
      %div3A_797 = arith.constant 6.400000e+01 : f32
      %div3A_798 = vector.broadcast %div3A_797 : f32 to vector<1x128xf32>
      %div3A_799 = arith.divf %broadcast_in_dim3A_796, %div3A_798 : vector<1x128xf32>
      %mul3A_800 = arith.mulf %add3A_787, %add3A_787 : vector<64x128xf32>
      %reduce_sum3A_801 = arith.constant dense<0.000000e+00> : vector<128xf32>
      %reduce_sum3A_802 = vector.multi_reduction <add>, %mul3A_800, %reduce_sum3A_801 [0] : vector<64x128xf32> to vector<128xf32>
      %broadcast_in_dim3A_803 = vector.shape_cast %reduce_sum3A_802 : vector<128xf32> to vector<1x128xf32>
      %div3A_804 = arith.constant 6.400000e+01 : f32
      %div3A_805 = vector.broadcast %div3A_804 : f32 to vector<1x128xf32>
      %div3A_806 = arith.divf %broadcast_in_dim3A_803, %div3A_805 : vector<1x128xf32>
      %mul3A_807 = arith.mulf %div3A_799, %div3A_799 : vector<1x128xf32>
      %sub3A_808 = arith.subf %div3A_806, %mul3A_807 : vector<1x128xf32>
      %sub3A_809 = vector.broadcast %div3A_799 : vector<1x128xf32> to vector<64x128xf32>
      %sub3A_810 = arith.subf %add3A_787, %sub3A_809 : vector<64x128xf32>
      %add3A_811 = arith.constant 9.99999974E-6 : f32
      %add3A_812 = vector.broadcast %add3A_811 : f32 to vector<1x128xf32>
      %add3A_813 = arith.addf %sub3A_808, %add3A_812 : vector<1x128xf32>
      %rsqrt3A_814 = math.rsqrt %add3A_813 : vector<1x128xf32>
      %mul3A_815 = vector.broadcast %rsqrt3A_814 : vector<1x128xf32> to vector<64x128xf32>
      %mul3A_816 = arith.mulf %sub3A_810, %mul3A_815 : vector<64x128xf32>
      %mul3A_817 = vector.broadcast %get3A_790 : vector<1x128xf32> to vector<64x128xf32>
      %mul3A_818 = arith.mulf %mul3A_816, %mul3A_817 : vector<64x128xf32>
      %add3A_819 = vector.broadcast %get3A_793 : vector<1x128xf32> to vector<64x128xf32>
      %add3A_820 = arith.addf %mul3A_818, %add3A_819 : vector<64x128xf32>
      %max3A_821 = arith.constant 0.000000e+00 : f32
      %max3A_822 = vector.broadcast %max3A_821 : f32 to vector<64x128xf32>
      %max3A_823 = arith.maximumf %add3A_820, %max3A_822 : vector<64x128xf32>
      %get3A_824 = arith.constant 0 : index
      %get3A_825 = arith.constant 0 : index
      %get3A_826 = vector.load %arg11[%get3A_824, %get3A_825] : memref<128x64xf32, #tpu.memory_space<vmem>>, vector<128x64xf32>
      %dot_general3A_827 = arith.constant dense<0.000000e+00> : vector<64x64xf32>
      %dot_general3A_828 = tpu.matmul %max3A_823, %get3A_826, %dot_general3A_827 {dimension_numbers = #tpu.dot_dimension_numbers<[1], [0], [0], [1], [0, 0, 1, 1], [], []>, transpose_lhs_hint = false} : vector<64x128xf32>, vector<128x64xf32>, vector<64x64xf32> -> vector<64x64xf32>
      %get3A_829 = arith.constant 0 : index
      %get3A_830 = arith.constant 0 : index
      %get3A_831 = vector.load %arg12[%get3A_829, %get3A_830] : memref<1x64xf32, #tpu.memory_space<vmem>>, vector<1x64xf32>
      %add3A_832 = vector.broadcast %get3A_831 : vector<1x64xf32> to vector<64x64xf32>
      %add3A_833 = arith.addf %dot_general3A_828, %add3A_832 : vector<64x64xf32>
      %get3A_834 = arith.constant 0 : index
      %get3A_835 = arith.constant 0 : index
      %get3A_836 = vector.load %arg13[%get3A_834, %get3A_835] : memref<1x64xf32, #tpu.memory_space<vmem>>, vector<1x64xf32>
      %get3A_837 = arith.constant 0 : index
      %get3A_838 = arith.constant 0 : index
      %get3A_839 = vector.load %arg14[%get3A_837, %get3A_838] : memref<1x64xf32, #tpu.memory_space<vmem>>, vector<1x64xf32>
      %reduce_sum3A_840 = arith.constant dense<0.000000e+00> : vector<64xf32>
      %reduce_sum3A_841 = vector.multi_reduction <add>, %add3A_833, %reduce_sum3A_840 [0] : vector<64x64xf32> to vector<64xf32>
      %broadcast_in_dim3A_842 = vector.shape_cast %reduce_sum3A_841 : vector<64xf32> to vector<1x64xf32>
      %div3A_843 = arith.constant 6.400000e+01 : f32
      %div3A_844 = vector.broadcast %div3A_843 : f32 to vector<1x64xf32>
      %div3A_845 = arith.divf %broadcast_in_dim3A_842, %div3A_844 : vector<1x64xf32>
      %mul3A_846 = arith.mulf %add3A_833, %add3A_833 : vector<64x64xf32>
      %reduce_sum3A_847 = arith.constant dense<0.000000e+00> : vector<64xf32>
      %reduce_sum3A_848 = vector.multi_reduction <add>, %mul3A_846, %reduce_sum3A_847 [0] : vector<64x64xf32> to vector<64xf32>
      %broadcast_in_dim3A_849 = vector.shape_cast %reduce_sum3A_848 : vector<64xf32> to vector<1x64xf32>
      %div3A_850 = arith.constant 6.400000e+01 : f32
      %div3A_851 = vector.broadcast %div3A_850 : f32 to vector<1x64xf32>
      %div3A_852 = arith.divf %broadcast_in_dim3A_849, %div3A_851 : vector<1x64xf32>
      %mul3A_853 = arith.mulf %div3A_845, %div3A_845 : vector<1x64xf32>
      %sub3A_854 = arith.subf %div3A_852, %mul3A_853 : vector<1x64xf32>
      %sub3A_855 = vector.broadcast %div3A_845 : vector<1x64xf32> to vector<64x64xf32>
      %sub3A_856 = arith.subf %add3A_833, %sub3A_855 : vector<64x64xf32>
      %add3A_857 = arith.constant 9.99999974E-6 : f32
      %add3A_858 = vector.broadcast %add3A_857 : f32 to vector<1x64xf32>
      %add3A_859 = arith.addf %sub3A_854, %add3A_858 : vector<1x64xf32>
      %rsqrt3A_860 = math.rsqrt %add3A_859 : vector<1x64xf32>
      %mul3A_861 = vector.broadcast %rsqrt3A_860 : vector<1x64xf32> to vector<64x64xf32>
      %mul3A_862 = arith.mulf %sub3A_856, %mul3A_861 : vector<64x64xf32>
      %mul3A_863 = vector.broadcast %get3A_836 : vector<1x64xf32> to vector<64x64xf32>
      %mul3A_864 = arith.mulf %mul3A_862, %mul3A_863 : vector<64x64xf32>
      %add3A_865 = vector.broadcast %get3A_839 : vector<1x64xf32> to vector<64x64xf32>
      %add3A_866 = arith.addf %mul3A_864, %add3A_865 : vector<64x64xf32>
      %max3A_867 = arith.constant 0.000000e+00 : f32
      %max3A_868 = vector.broadcast %max3A_867 : f32 to vector<64x64xf32>
      %max3A_869 = arith.maximumf %add3A_866, %max3A_868 : vector<64x64xf32>
      %get3A_870 = arith.constant 0 : index
      %get3A_871 = arith.constant 0 : index
      %get3A_872 = vector.load %arg15[%get3A_870, %get3A_871] : memref<64x2xf32, #tpu.memory_space<vmem>>, vector<64x2xf32>
      %dot_general3A_873 = arith.constant dense<0.000000e+00> : vector<64x2xf32>
      %dot_general3A_874 = tpu.matmul %max3A_869, %get3A_872, %dot_general3A_873 {dimension_numbers = #tpu.dot_dimension_numbers<[1], [0], [0], [1], [0, 0, 1, 1], [], []>, transpose_lhs_hint = false} : vector<64x64xf32>, vector<64x2xf32>, vector<64x2xf32> -> vector<64x2xf32>
      %get3A_875 = arith.constant 0 : index
      %get3A_876 = arith.constant 0 : index
      %get3A_877 = vector.load %arg16[%get3A_875, %get3A_876] : memref<1x2xf32, #tpu.memory_space<vmem>>, vector<1x2xf32>
      %add3A_878 = vector.broadcast %get3A_877 : vector<1x2xf32> to vector<64x2xf32>
      %add3A_879 = arith.addf %dot_general3A_874, %add3A_878 : vector<64x2xf32>
      %swap3A = arith.constant 0 : index
      %swap3A_880 = arith.constant 0 : index
      %swap3A_881 = vector.load %arg17[%swap3A, %swap3A_880] : memref<64x2xf32, #tpu.memory_space<vmem>>, vector<64x2xf32>
      tpu.vector_store %arg17[%swap3A, %swap3A_880], %add3A_879 {strides = array<i32>} : memref<64x2xf32, #tpu.memory_space<vmem>>, vector<64x2xf32>,
    } else {
    }
    return
  }
  func.func @transform_0(%arg0: i32) -> (i32, i32) {
    %c0_i32 = arith.constant 0 : i32
    %c0_i32_0 = arith.constant 0 : i32
    return %arg0, %c0_i32 : i32, i32
  }
  func.func @transform_1(%arg0: i32) -> (i32, i32) {
    %c0_i32 = arith.constant 0 : i32
    %c0_i32_0 = arith.constant 0 : i32
    %c0_i32_1 = arith.constant 0 : i32
    return %c0_i32, %c0_i32_0 : i32, i32
  }
  func.func @transform_2(%arg0: i32) -> (i32, i32) {
    %c0_i32 = arith.constant 0 : i32
    %c0_i32_0 = arith.constant 0 : i32
    %c0_i32_1 = arith.constant 0 : i32
    return %c0_i32, %c0_i32_0 : i32, i32
  }
  func.func @transform_3(%arg0: i32) -> (i32, i32) {
    %c0_i32 = arith.constant 0 : i32
    %c0_i32_0 = arith.constant 0 : i32
    %c0_i32_1 = arith.constant 0 : i32
    return %c0_i32, %c0_i32_0 : i32, i32
  }
  func.func @transform_4(%arg0: i32) -> (i32, i32) {
    %c0_i32 = arith.constant 0 : i32
    %c0_i32_0 = arith.constant 0 : i32
    return %c0_i32, %arg0 : i32, i32
  }
  func.func @transform_5(%arg0: i32) -> (i32, i32) {
    %c0_i32 = arith.constant 0 : i32
    %c0_i32_0 = arith.constant 0 : i32
    return %arg0, %c0_i32 : i32, i32
  }
  func.func @transform_6(%arg0: i32) -> (i32, i32) {
    %c0_i32 = arith.constant 0 : i32
    %c0_i32_0 = arith.constant 0 : i32
    %c0_i32_1 = arith.constant 0 : i32
    return %c0_i32, %c0_i32_0 : i32, i32
  }
  func.func @transform_7(%arg0: i32) -> (i32, i32) {
    %c0_i32 = arith.constant 0 : i32
    %c0_i32_0 = arith.constant 0 : i32
    %c0_i32_1 = arith.constant 0 : i32
    return %c0_i32, %c0_i32_0 : i32, i32
  }
  func.func @transform_8(%arg0: i32) -> (i32, i32) {
    %c0_i32 = arith.constant 0 : i32
    %c0_i32_0 = arith.constant 0 : i32
    %c0_i32_1 = arith.constant 0 : i32
    return %c0_i32, %c0_i32_0 : i32, i32
  }
  func.func @transform_9(%arg0: i32) -> (i32, i32) {
    %c0_i32 = arith.constant 0 : i32
    %c0_i32_0 = arith.constant 0 : i32
    %c0_i32_1 = arith.constant 0 : i32
    return %c0_i32, %c0_i32_0 : i32, i32
  }
  func.func @transform_10(%arg0: i32) -> (i32, i32) {
    %c0_i32 = arith.constant 0 : i32
    %c0_i32_0 = arith.constant 0 : i32
    %c0_i32_1 = arith.constant 0 : i32
    return %c0_i32, %c0_i32_0 : i32, i32
  }
  func.func @transform_11(%arg0: i32) -> (i32, i32) {
    %c0_i32 = arith.constant 0 : i32
    %c0_i32_0 = arith.constant 0 : i32
    %c0_i32_1 = arith.constant 0 : i32
    return %c0_i32, %c0_i32_0 : i32, i32
  }
  func.func @transform_12(%arg0: i32) -> (i32, i32) {
    %c0_i32 = arith.constant 0 : i32
    %c0_i32_0 = arith.constant 0 : i32
    %c0_i32_1 = arith.constant 0 : i32
    return %c0_i32, %c0_i32_0 : i32, i32
  }
  func.func @transform_13(%arg0: i32) -> (i32, i32) {
    %c0_i32 = arith.constant 0 : i32
    %c0_i32_0 = arith.constant 0 : i32
    %c0_i32_1 = arith.constant 0 : i32
    return %c0_i32, %c0_i32_0 : i32, i32
  }
  func.func @transform_14(%arg0: i32) -> (i32, i32) {
    %c0_i32 = arith.constant 0 : i32
    %c0_i32_0 = arith.constant 0 : i32
    %c0_i32_1 = arith.constant 0 : i32
    return %c0_i32, %c0_i32_0 : i32, i32
  }
  func.func @transform_15(%arg0: i32) -> (i32, i32) {
    %c0_i32 = arith.constant 0 : i32
    %c0_i32_0 = arith.constant 0 : i32
    %c0_i32_1 = arith.constant 0 : i32
    return %c0_i32, %c0_i32_0 : i32, i32
  }
  func.func @transform_16(%arg0: i32) -> (i32, i32) {
    %c0_i32 = arith.constant 0 : i32
    %c0_i32_0 = arith.constant 0 : i32
    %c0_i32_1 = arith.constant 0 : i32
    return %c0_i32, %c0_i32_0 : i32, i32
  }
}

</mosaic_0001>

<sc_bundles>
// kernel: kernel.10.cloned.1.call-start
scs
__scs_entry_jumppad:
0x0: {  	(pc) =	sbr.rel $0x88, $3  }
0x1: {  	(tag) =	ssettag $0x0;
	lr =	simm.s32 $0x1  }
0x2: {  	[smem:$0x3F8A] =	sst lr;
	_ =	strace $0xD0000000  }
0x3: {  	_ = 	snop  }
0x4: {  	_ = 	snop  }
0x5: {  	_ = 	snop  }
0x6: {  	_ = 	snop  }
0x7: {  	_ = 	snop  }
__scs_overlays_trampoline_lowered:
0x8: {  	[smem:$0x3F99] =	sst s0  }
0x9: {  	[smem:$0x3F9A] =	sst s1  }
0xa: {  	[smem:$0x3F9B] =	sst s2  }
0xb: {  	[smem:$0x3F9C] =	sst s3  }
0xc: {  	[smem:$0x3F9D] =	sst s4  }
0xd: {  	[smem:$0x3F9E] =	sst s5  }
0xe: {  	[smem:$0x3F9F] =	sst s6  }
0xf: {  	[smem:$0x3FA0] =	sst s7  }
0x10: {  	[smem:$0x3FA1] =	sst s8  }
0x11: {  	[smem:$0x3FA2] =	sst s9;
	s0 =	simm.s32 @!p0 $0x0  }
0x12: {  	s1 =	sld [smem:$0x3F88];
	s0 =	simm.s32 @p0 $0x1  }
0x13: {  	[smem:$0x3FA3] =	sst s0;
	s0 =	simm.s32 @!p1 $0x0  }
0x14: {  	s2 =	sld [smem:$0x3F87];
	s0 =	simm.s32 @p1 $0x1  }
0x15: {  	[smem:$0x3FA4] =	sst s0;
	s0 =	simm.s32 @!p2 $0x0  }
0x16: {  	s3 =	sld [smem:$0x3FDB];
	s0 =	simm.s32 @p2 $0x1  }
0x17: {  	s4 =	simm.s32 $0x1BF5;
	[smem:$0x3FA6] =	sst s0  }
0x18: {  	s0 =	sld [smem:$0x3F89];
	_ =	swait.ge [sflag:s4], $0x0  }
0x19: {  	s7 =	sld [smem:$0x3F8A]  }
0x1a: {  	s8 =	sadd.s32 $0xFFFFE003, lr  }
0x1b: {  	s9 =	sadd.s32 $0xFFFFFEF7, lr;
	s5 =	simm.s32 $0xFFFFFFFF;
	p2 =	slt.u32 s8, $0xFFFFF086  }
0x1c: {  	p1 =	slt.u32 s9, $0xF7A;
	s5 =	simm.s32 @!p2 $0x0  }
0x1d: {  	s5 =	simm.s32 @p1 $0x1;
	p0 =	seq.s32 s7, s2  }
0x1e: {  	s7 =	smul.u32 @!p0 $0xF7A, s2;
	p2 =	seq.s32 @!p0 s5, $0x0  }
0x1f: {  	s9 =	smul.u32 $0xF7A, s1;
	s8 =	simm.s32 @!p0 $0x1BF5;
	p2 =	por !p2, p0  }
0x20: {  	[sflag:s8] =	ssyncset.s32 @!p0 $0xFFFFF086;
	s6 =	sadd.s32 @!p0 s3, s7;
	s7 =	simm.s32 @!p0 $0x108  }
0x21: {  	s3 =	sadd.s32 s3, s9;
	s6 =	sadd.s32 @!p0 $0x88, s6;
	s7 =	simm.s32 @p2 $0x1082  }
0x22: {  	[simem:s7], [sflag:s8] =	dma.local @!p0 [hbm:s6], $0xF7A  }
0x23: {  	s9 =	sor.u32 $0xD0000000, s2;
	s6 =	simm.s32 $0x108;
	_ =	swait.ge @!p0 [sflag:s8], $0x0  }
0x24: {  	s3 =	sadd.s32 $0x88, s3;
	s6 =	simm.s32 @!p1 $0x1082;
	[sflag:s4] =	ssyncset.s32 $0xFFFFF086  }
0x25: {  	[simem:s6], [sflag:s4] =	dma.local [hbm:s3], $0xF7A  }
0x26: {  	[smem:$0x3F8A] =	sst s1;
	(tag) =	ssettag s2;
	_ =	strace s9  }
0x27: {  	s1 =	sld [smem:$0x3F9A]  }
0x28: {  	s2 =	sld [smem:$0x3F9B]  }
0x29: {  	s4 =	sld [smem:$0x3F9D]  }
0x2a: {  	p0 =	seq.s32 s5, $0x0;
	s5 =	sld [smem:$0x3F9E]  }
0x2b: {  	s6 =	sld [smem:$0x3F9F]  }
0x2c: {  	s7 =	sld [smem:$0x3FA0]  }
0x2d: {  	s3 =	simm.s32 $0x108;
	s8 =	sld [smem:$0x3FA1]  }
0x2e: {  	s3 =	simm.s32 @!p0 $0x1082;
	s9 =	sld [smem:$0x3FA2]  }
0x2f: {  	lr =	sadd.s32 s0, s3;
	s0 =	sld [smem:$0x3F99]  }
0x30: {  	s3 =	sld [smem:$0x3F9C]  }
0x31: {  	[smem:$0x3FA5] =	sst s10  }
0x32: {  	s10 =	sld [smem:$0x3FA3];
	_ =	sdelay $0x3  }
0x33: {  	p0 =	seq.s32 s10, $0x1;
	s10 =	sld [smem:$0x3FA5];
	_ =	sdelay $0x3  }
0x34: {  	[smem:$0x3FA5] =	sst s10  }
0x35: {  	s10 =	sld [smem:$0x3FA4];
	_ =	sdelay $0x3  }
0x36: {  	p1 =	seq.s32 s10, $0x1;
	s10 =	sld [smem:$0x3FA5];
	_ =	sdelay $0x3  }
0x37: {  	[smem:$0x3FA5] =	sst s10  }
0x38: {  	s10 =	sld [smem:$0x3FA6]  }
0x39: {  	_ = 	snop;
	(pc) =	sbr.ind lr, $3  }
0x3a: {  	_ = 	snop  }
0x3b: {  	_ = 	snop  }
0x3c: {  	p2 =	seq.s32 s10, $0x1;
	s10 =	sld [smem:$0x3FA5]  }
0x3d: {  	_ =	shalt  }
0x3e: {  	_ =	shalt  }
0x3f: {  	_ =	shalt  }
0x40: {  	_ =	shalt  }
0x41: {  	_ =	shalt  }
0x42: {  	_ =	shalt  }
0x43: {  	_ =	shalt  }
0x44: {  	_ =	shalt  }
0x45: {  	_ =	shalt  }
0x46: {  	_ =	shalt  }
0x47: {  	_ =	shalt  }
0x48: {  	_ =	shalt  }
0x49: {  	_ =	shalt  }
0x4a: {  	_ =	shalt  }
0x4b: {  	_ =	shalt  }
0x4c: {  	_ =	shalt  }
0x4d: {  	_ =	shalt  }
0x4e: {  	_ =	shalt  }
0x4f: {  	_ =	shalt  }
0x50: {  	_ =	shalt  }
0x51: {  	_ =	shalt  }
0x52: {  	_ =	shalt  }
0x53: {  	_ =	shalt  }
0x54: {  	_ =	shalt  }
0x55: {  	_ =	shalt  }
0x56: {  	_ =	shalt  }
0x57: {  	_ =	shalt  }
0x58: {  	_ =	shalt  }
0x59: {  	_ =	shalt  }
0x5a: {  	_ =	shalt  }
0x5b: {  	_ =	shalt  }
0x5c: {  	_ =	shalt  }
0x5d: {  	_ =	shalt  }
0x5e: {  	_ =	shalt  }
0x5f: {  	_ =	shalt  }
0x60: {  	_ =	shalt  }
0x61: {  	_ =	shalt  }
0x62: {  	_ =	shalt  }
0x63: {  	_ =	shalt  }
0x64: {  	_ =	shalt  }
0x65: {  	_ =	shalt  }
0x66: {  	_ =	shalt  }
0x67: {  	_ =	shalt  }
0x68: {  	_ =	shalt  }
0x69: {  	_ =	shalt  }
0x6a: {  	_ =	shalt  }
0x6b: {  	_ =	shalt  }
0x6c: {  	_ =	shalt  }
0x6d: {  	_ =	shalt  }
0x6e: {  	_ =	shalt  }
0x6f: {  	_ =	shalt  }
0x70: {  	_ =	shalt  }
0x71: {  	_ =	shalt  }
0x72: {  	_ =	shalt  }
0x73: {  	_ =	shalt  }
0x74: {  	_ =	shalt  }
0x75: {  	_ =	shalt  }
0x76: {  	_ =	shalt  }
0x77: {  	_ =	shalt  }
0x78: {  	_ =	shalt  }
0x79: {  	_ =	shalt  }
0x7a: {  	_ =	shalt  }
0x7b: {  	_ =	shalt  }
0x7c: {  	_ =	shalt  }
0x7d: {  	_ =	shalt  }
0x7e: {  	_ =	shalt  }
0x7f: {  	_ =	shalt  }
0x80: {  	_ =	shalt  }
0x81: {  	_ =	shalt  }
0x82: {  	_ =	shalt  }
0x83: {  	_ =	shalt  }
0x84: {  	_ =	shalt  }
0x85: {  	_ =	shalt  }
0x86: {  	_ =	shalt  }
0x87: {  	_ =	shalt  }
.Lfunc_end0:
.L_simem_size_0:
called_computation_lowered:
.L_overlay_start_0:
0x88: {  	s2 =	sld [smem:$0x3FD9]  }
0x89: {  	s3 =	sld [smem:$0x3FFE];
	_ =	sdelay $0x1  }
0x8a: {  	s1 =	srdreg.scid  }
0x8b: {  	s0 =	sand.u32 $0x1, s1  }
0x8c: {  	s16 =	sshll.u32 s0, $0xA;
	s2 =	sadd.s32 s3, s2  }
0x8d: {  	s2 =	sadd.s32 s2, s16  }
0x8e: {  	[smem:$0x3FB1] =	sst s2  }
0x8f: {  	_ = 	snop  }
0x90: {  	(tm) =	ssettm $0x1  }
0x91: {  	s17 =	sld [smem:$0x3FFB];
	_ =	sdelay $0x3  }
0x92: {  	_ =	strace s17  }
0x93: {  	s2 =	sld [smem:$0x3FFC];
	_ =	sdelay $0x3  }
0x94: {  	_ =	strace s2  }
0x95: {  	s2 =	sld [smem:$0x3FFD];
	_ =	sdelay $0x3  }
0x96: {  	_ =	strace s2  }
0x97: {  	_ =	strace $0x8FFFFFFF  }
0x98: {  	s18 =	sld [smem:$0x3FDB];
	_ =	sdelay $0x1  }
0x99: {  	s19 =	simm.s32 $_scs_section_size  }
0x9a: {  	s4 =	simm.s32 $_size__tile_overlayer_lowered;
	s5 =	simm.s32 $_tile_overlayer_lowered  }
0x9b: {  	s22 =	simm.s32 $0x1BFF;
	s21 =	sshll.u32 s5, $0x1;
	s2 =	sadd.s32 s19, s18  }
0x9c: {  	s6 =	simm.s32 $0x0;
	s20 =	sshll.u32 s4, $0x1;
	s4 =	sadd.s32 s21, s2  }
0x9d: {  	[timem:s6], [sflag:s22] =	dma.local [hbm:s4], s20  }
0x9e: {  	_ =	swait.ge [sflag:s22], s20  }
0x9f: {  	s3 =	ssub.s32 $0x0, s20;
	[sflag:s22] =	ssyncset.done $0x0  }
0xa0: {  	[sflag:s22] =	ssyncadd.s32 s3;
	_ =	sdelay $0x1  }
0xa1: {  	s23 =	simm.s32 $0x1B8B  }
0xa2: {  	_ =	swait.ge [sflag:s23], $0x1  }
0xa3: {  	[sflag:s23] =	ssyncset.done $0x0  }
0xa4: {  	s25 =	simm.s32 $0x1B8E;
	s24 =	sld [smem:$0x3FFE];
	[sflag:s23] =	ssyncadd.s32 $0xFFFFFFFF  }
0xa5: {  	s26 =	simm.s32 $execute0_lowered;
	[smem:$0x3FD2] =	sst s25  }
0xa6: {  	s4 =	sshll.u32 s26, $0x1;
	_ =	strace $0x80000046;
	[dreg:$0x1] =	wrdreg $0xFFFFFFFF  }
0xa7: {  	s28 =	simm.s32 $_size_execute0_lowered;
	s2 =	sadd.s32 s2, s4;
	[dreg:$0x0] =	wrdreg $0x0  }
0xa8: {  	s4 =	sshll.u32 s28, $0x1;
	[dreg:$0x2] =	wrdreg s2  }
0xa9: {  	[dreg:$0x3] =	wrdreg s4  }
0xaa: {  	[dreg:$0x4] =	wrdreg $0xC0  }
0xab: {  	_ =	task [dreg:s6], $0x5FFFF  }
0xac: {  	[dreg:$0x1] =	wrdreg $0xFFFFFFFF  }
0xad: {  	[dreg:$0x0] =	wrdreg $0x60  }
0xae: {  	[dreg:$0x2] =	wrdreg s24  }
0xaf: {  	[dreg:$0x3] =	wrdreg $0x7A800  }
0xb0: {  	[dreg:$0x4] =	wrdreg $0x9  }
0xb1: {  	_ =	task.clear_ibuf [dreg:s6], $0x5FFFF;
	_ =	strace $0x90000046  }
0xb2: {  	s29 =	simm.s32 $0x9;
	_ =	strace $0x80000048  }
0xb3: {  	_ =	swait.ge [sflag:s29], $0x1  }
0xb4: {  	[sflag:s29] =	ssyncadd.s32 $0xFFFFFFFF  }
0xb5: {  	_ =	strace $0x90000048  }
0xb6: {  	_ =	sfence  }
0xb7: {  	s30 =	sld [smem:$0x0];
	_ =	sdelay $0x2  }
0xb8: {  	s31 =	sshll.u32 s1, $0xD;
	s1 =	sshrl.u32 s1, $0x2  }
0xb9: {  	s3 =	sand.u32 $0x4000, s31;
	s1 =	sadd.s32 s1, s30  }
0xba: {  	s0 =	sor.u32 s3, s0;
	s1 =	sshll.u32 s1, $0x11  }
0xbb: {  	s0 =	sor.u32 s1, s0  }
0xbc: {  	s0 =	sadd.s32 $0x8F2B, s0  }
0xbd: {  	[sflag:s0] =	ssyncadd.remote.s32 $0x1  }
0xbe: {  	_ =	sfence.sel $0xFFFF  }
0xbf: {  	[dreg:$0x0] =	wrdreg $0xFFFFFFFF;
	(pc) =	sbr.abs _section_cstart, $3  }
0xc0: {  	[dreg:$0x1] =	wrdreg $0xFFFFFFFF  }
0xc1: {  	_ =	task.clear_ibuf [dreg:s6], $0x2FFFF;
	_ =	strace $0x9FFFFFFF  }
0xc2: {  	(tm) =	ssettm $0x7FFFFFFF  }
0xc3: {  	_ =	shalt  }
tec
execute0_lowered:
.L_overlay_start_1:
0x0: {  	(tag) =	ssettag $0x1  }
0x1: {  	s0 =	rddreg [dreg:$0x0]  }
0x2: {  	s1 =	rddreg [dreg:$0x1]  }
0x3: {  	s2 =	srdreg.scid;
	s6 =	stileid.u32  }
0x4: {  	s5 =	simm.s32 $0x0;
	s2 =	sand.u32 $0x1, s2;
	s4 =	smul.u32 $0x280, s6  }
0x5: {  	[smem:$0x7FF] =	sst s5;
	s3 =	sshll.u32 s2, $0x4;
	s18 =	smul.u32 $0x2800, s2  }
0x6: {  	s2 =	ssub.s32 $0x2, s2;
	s3 =	sor.u32 s6, s3;
	s6 =	smul.u32 $0xA000, s6  }
0x7: {  	s7 =	sshrl.u32 s2, $0x1;
	s3 =	smul.u32 $0x500, s3;
	s5 =	sadd.s32 s4, s18  }
0x8: {  	_ =	strace $0x80000047;
	s2 =	ssub.s32 s2, s7;
	s5 =	sshrl.u32 s5, $0x3  }
0x9: {  	s19 =	sshrl.u32 s6, $0x2;
	s11 =	smax.u32 s2, $0x1;
	s3 =	sadd.s32 s3, s0  }
0xa: {  	s0 =	sadd.s32 s5, s0;
	s20 =	sadd.s32 s19, s1;
	[dreg:$0x15] =	wrdreg s11  }
0xb: {  	s5 =	sadd.s32 s4, s1;
	s3 =	sadd.s32 $0x3E00, s3;
	[dreg:$0x4] =	wrdreg s20  }
0xc: {  	s1 =	sadd.s32 $0x2800, s5;
	[dreg:$0x3] =	wrdreg s3  }
0xd: {  	s21 =	sadd.s32 $0x5000, s5;
	[dreg:$0x5] =	wrdreg s1  }
0xe: {  	s22 =	sadd.s32 $0x7800, s5;
	[dreg:$0x6] =	wrdreg s21  }
0xf: {  	s23 =	sadd.s32 $0xA000, s5;
	[dreg:$0x7] =	wrdreg s22  }
0x10: {  	s24 =	sadd.s32 $0xC800, s5;
	[dreg:$0x8] =	wrdreg s23  }
0x11: {  	s25 =	sadd.s32 $0xF000, s5;
	[dreg:$0x9] =	wrdreg s24  }
0x12: {  	s26 =	sadd.s32 $0x11800, s5;
	[dreg:$0xa] =	wrdreg s25  }
0x13: {  	s31 =	sadd.s32 $0x14000, s5;
	[dreg:$0xb] =	wrdreg s26  }
0x14: {  	s4 =	sadd.s32 $0x19000, s5;
	[dreg:$0xc] =	wrdreg s31  }
0x15: {  	s6 =	sadd.s32 $0x1B800, s5;
	[dreg:$0xe] =	wrdreg s4  }
0x16: {  	s7 =	sadd.s32 $0x1E000, s5;
	[dreg:$0xf] =	wrdreg s6  }
0x17: {  	s8 =	sadd.s32 $0x20800, s5;
	[dreg:$0x10] =	wrdreg s7  }
0x18: {  	s9 =	sadd.s32 $0x23000, s5;
	[dreg:$0x11] =	wrdreg s8  }
0x19: {  	s10 =	sadd.s32 $0x25800, s5;
	[dreg:$0x12] =	wrdreg s9  }
0x1a: {  	s0 =	sadd.s32 $0xDE00, s0;
	[dreg:$0x13] =	wrdreg s10  }
0x1b: {  	s12 =	sadd.s32 $0x80, s5;
	[dreg:$0x14] =	wrdreg s0  }
0x1c: {  	s13 =	sadd.s32 $0x100, s5;
	[dreg:$0x16] =	wrdreg s12  }
0x1d: {  	s14 =	sadd.s32 $0x180, s5;
	[dreg:$0x17] =	wrdreg s13  }
0x1e: {  	s15 =	sadd.s32 $0x200, s5;
	[dreg:$0x18] =	wrdreg s14  }
0x1f: {  	s16 =	sadd.s32 $0x2880, s5;
	[dreg:$0x19] =	wrdreg s15  }
0x20: {  	s17 =	sadd.s32 $0x2900, s5;
	[dreg:$0x1a] =	wrdreg s16  }
0x21: {  	s18 =	sadd.s32 $0x2980, s5;
	[dreg:$0x1b] =	wrdreg s17  }
0x22: {  	s19 =	sadd.s32 $0x2A00, s5;
	[dreg:$0x1c] =	wrdreg s18  }
0x23: {  	s20 =	sadd.s32 $0x5080, s5;
	[dreg:$0x1d] =	wrdreg s19  }
0x24: {  	s2 =	sadd.s32 $0xA100, s5;
	[dreg:$0x1e] =	wrdreg s20  }
0x25: {  	s11 =	sadd.s32 $0xF100, s5;
	[smem:$0x7E5] =	sst s2  }
0x26: {  	s3 =	sadd.s32 $0x16800, s5;
	[smem:$0x7ED] =	sst s11  }
0x27: {  	s21 =	sadd.s32 $0x5100, s5;
	[dreg:$0xd] =	wrdreg s3  }
0x28: {  	s22 =	sadd.s32 $0x5180, s5;
	[dreg:$0x1f] =	wrdreg s21  }
0x29: {  	s23 =	sadd.s32 $0x5200, s5;
	[smem:$0x7DE] =	sst s22  }
0x2a: {  	s24 =	sadd.s32 $0x7880, s5;
	[smem:$0x7DF] =	sst s23  }
0x2b: {  	s25 =	sadd.s32 $0x7900, s5;
	[smem:$0x7E0] =	sst s24  }
0x2c: {  	s26 =	sadd.s32 $0x7980, s5;
	[smem:$0x7E1] =	sst s25  }
0x2d: {  	s31 =	sadd.s32 $0x7A00, s5;
	[smem:$0x7E2] =	sst s26  }
0x2e: {  	s1 =	sadd.s32 $0xA080, s5;
	[smem:$0x7E3] =	sst s31  }
0x2f: {  	s4 =	sadd.s32 $0xA200, s5;
	[smem:$0x7E4] =	sst s1  }
0x30: {  	s6 =	sadd.s32 $0xC880, s5;
	[smem:$0x7E7] =	sst s4  }
0x31: {  	s7 =	sadd.s32 $0xC900, s5;
	[smem:$0x7E8] =	sst s6  }
0x32: {  	s8 =	sadd.s32 $0xC980, s5;
	[smem:$0x7E9] =	sst s7  }
0x33: {  	s9 =	sadd.s32 $0xCA00, s5;
	[smem:$0x7EA] =	sst s8  }
0x34: {  	s10 =	sadd.s32 $0xF080, s5;
	[smem:$0x7EB] =	sst s9  }
0x35: {  	s12 =	sadd.s32 $0xF180, s5;
	[smem:$0x7EC] =	sst s10  }
0x36: {  	s13 =	sadd.s32 $0xF200, s5;
	[smem:$0x7EE] =	sst s12  }
0x37: {  	s14 =	sadd.s32 $0x11880, s5;
	[smem:$0x7EF] =	sst s13  }
0x38: {  	s15 =	sadd.s32 $0x11900, s5;
	[smem:$0x7F0] =	sst s14  }
0x39: {  	s16 =	sadd.s32 $0x11980, s5;
	[smem:$0x7F1] =	sst s15  }
0x3a: {  	s17 =	sadd.s32 $0x11A00, s5;
	[smem:$0x7F2] =	sst s16  }
0x3b: {  	s28 =	simm.s32 $0x1;
	s18 =	sadd.s32 $0x14080, s5;
	[smem:$0x7F3] =	sst s17  }
0x3c: {  	s29 =	simm.s32 $0x2800;
	s19 =	sadd.s32 $0x14100, s5;
	[smem:$0x7F4] =	sst s18  }
0x3d: {  	s30 =	simm.s32 $0x0;
	s20 =	sadd.s32 $0x14180, s5;
	[smem:$0x7F5] =	sst s19  }
0x3e: {  	s11 =	sadd.s32 $0x1E080, s5;
	s3 =	sadd.s32 $0xA180, s5;
	[smem:$0x7F6] =	sst s20  }
0x3f: {  	s21 =	sadd.s32 $0x14200, s5;
	s22 =	sadd.s32 $0x16880, s5;
	s23 =	sadd.s32 $0x16900, s5  }
0x40: {  	s24 =	sadd.s32 $0x16980, s5;
	s25 =	sadd.s32 $0x16A00, s5;
	s26 =	sadd.s32 $0x19080, s5  }
0x41: {  	s31 =	sadd.s32 $0x19100, s5;
	s4 =	sadd.s32 $0x19180, s5;
	[smem:$0x7E6] =	sst s3  }
0x42: {  	s6 =	sadd.s32 $0x19200, s5;
	s7 =	sadd.s32 $0x1B880, s5;
	[smem:$0x7F7] =	sst s21  }
0x43: {  	s8 =	sadd.s32 $0x1B900, s5;
	s9 =	sadd.s32 $0x1B980, s5;
	[smem:$0x7F8] =	sst s22  }
0x44: {  	s10 =	sadd.s32 $0x1BA00, s5;
	s12 =	sadd.s32 $0x1E100, s5;
	[smem:$0x7F9] =	sst s23  }
0x45: {  	s13 =	sadd.s32 $0x1E180, s5;
	s14 =	sadd.s32 $0x1E200, s5;
	[smem:$0x7FA] =	sst s24  }
0x46: {  	s15 =	sadd.s32 $0x20880, s5;
	s16 =	sadd.s32 $0x20900, s5;
	[smem:$0x7FB] =	sst s25  }
0x47: {  	s17 =	sadd.s32 $0x20980, s5;
	s18 =	sadd.s32 $0x20A00, s5;
	[smem:$0x7FC] =	sst s26  }
0x48: {  	s19 =	sadd.s32 $0x23080, s5;
	s20 =	sadd.s32 $0x23100, s5;
	[smem:$0x7FD] =	sst s31  }
0x49: {  	s21 =	sadd.s32 $0x23180, s5;
	s22 =	sadd.s32 $0x23200, s5;
	s23 =	sadd.s32 $0x25880, s5  }
0x4a: {  	v0 =	vimm.f32 $0.0e+00;
	v1 =	vimm.f32 $1.000000000e+00;
	s24 =	sadd.s32 $0x25900, s5;
	s25 =	sadd.s32 $0x25980, s5;
	s26 =	sadd.s32 $0x25A00, s5  }
.LBB2_1:
0x4b: {  	s0 =	simm.s32 $0x40;
	s1 =	simm.s32 $0x0  }
.LBB2_2:
0x4c: {  	p0 =	sne.s32 s0, $0x9FC0;
	[tilespmem:s1+$0x2800] =	vst v0;
	s1 =	smov.u32 s0;
	s0 =	sadd.s32 $0x40, s0  }
.Ltmp0:
0x4d: {  	(pc) =	sbr.rel @p0 .LBB2_2-.Ltmp0, $2  }
0x4e: {  	_ =	sdelay $0x2  }
0x4f: {  	s1 =	sshra.s32 s1, $0x2  }
0x50: {  	[tilespmem:s1+$0x2800] =	vst v0;
	s0 =	simm.s32 $0x0;
	s31 =	rddreg [dreg:$0x3]  }
0x51: {  	[tilespmem:s0], [sflag:$0x1] =	stream.linear.gather [hbm4b:s31+s0], $0x2800, $0x38;
	[tilespmem:$0xA280] =	vst v63  }
0x52: {  	_ =	swait.ge [sflag:s28], $0x2800  }
0x53: {  	[sflag:s28] =	ssyncset.done $0x0  }
0x54: {  	s1 =	simm.s32 $0x0;
	s0 =	simm.s32 $0x40;
	[sflag:s28] =	ssyncadd.s32 $0xFFFFD800  }
.LBB2_4:
0x55: {  	p0 =	sne.s32 s0, $0x9FC0;
	v2 =	vld [tilespmem:s1+$0x0];
	_ =	sdelay $0x3  }
.Ltmp1:
0x56: {  	(pc) =	sbr.rel @p0 .LBB2_4-.Ltmp1, $2  }
0x57: {  	_ =	sdelay $0x2  }
0x58: {  	s1 =	sshra.s32 s0, $0x2;
	s0 =	sadd.s32 $0x40, s0;
	[tilespmem:v2+s29+$0x0] =	vst.idx.add.f32.msk $0xffff, v1  }
0x59: {  	v2 =	vld [tilespmem:s1+$0x0];
	_ =	sdelay $0x7  }
0x5a: {  	s0 =	rddreg [dreg:$0x4];
	[tilespmem:v2+s29+$0x0] =	vst.idx.add.f32.msk $0xffff, v1  }
0x5b: {  	[spmem:s0] =	stream.linear.scatter [tilespmem:s29], [sflag:$0x1], $0x2800, $0x38;
	[tilespmem:$0xA280] =	vst v63  }
0x5c: {  	_ =	swait.ge [sflag:s28], $0x2800  }
0x5d: {  	[sflag:s28] =	ssyncset.done $0x0  }
0x5e: {  	[sflag:s28] =	ssyncadd.s32 $0xFFFFD800  }
0x5f: {  	s1 =	simm.s32 $0x5000;
	[bflag:$0x0] =	sbarrier.arrive $0xFFFF  }
0x60: {  	[tilespmem:s1], [sflag:$0x1] =	stream.linear.gather [spmem:s5], $0x80, $0x38;
	[tilespmem:$0xA280] =	vst v63  }
0x61: {  	s3 =	simm.s32 $0x5400;
	s2 =	rddreg [dreg:$0x16]  }
0x62: {  	[tilespmem:s3], [sflag:$0x1] =	stream.linear.gather [spmem:s2], $0x80, $0x38;
	[tilespmem:$0xA280] =	vst v63  }
0x63: {  	s2 =	rddreg [dreg:$0x17];
	s3 =	simm.s32 $0x5800  }
0x64: {  	[tilespmem:s3], [sflag:$0x1] =	stream.linear.gather [spmem:s2], $0x80, $0x38;
	[tilespmem:$0xA280] =	vst v63  }
0x65: {  	s2 =	rddreg [dreg:$0x18];
	s3 =	simm.s32 $0x5C00  }
0x66: {  	[tilespmem:s3], [sflag:$0x1] =	stream.linear.gather [spmem:s2], $0x80, $0x38;
	[tilespmem:$0xA280] =	vst v63  }
0x67: {  	s2 =	rddreg [dreg:$0x19];
	s3 =	simm.s32 $0x6000  }
0x68: {  	[tilespmem:s3], [sflag:$0x1] =	stream.linear.gather [spmem:s2], $0x80, $0x38;
	[tilespmem:$0xA280] =	vst v63  }
0x69: {  	_ =	swait.ge [sflag:s28], $0x280  }
0x6a: {  	[sflag:s28] =	ssyncset.done $0x0  }
0x6b: {  	s3 =	simm.s32 $0x5080;
	s2 =	rddreg [dreg:$0x5];
	[sflag:s28] =	ssyncadd.s32 $0xFFFFFD80  }
0x6c: {  	[tilespmem:s3], [sflag:$0x1] =	stream.linear.gather [spmem:s2], $0x80, $0x38;
	[tilespmem:$0xA280] =	vst v63  }
0x6d: {  	s2 =	rddreg [dreg:$0x1a];
	s3 =	simm.s32 $0x5480  }
0x6e: {  	[tilespmem:s3], [sflag:$0x1] =	stream.linear.gather [spmem:s2], $0x80, $0x38;
	[tilespmem:$0xA280] =	vst v63  }
0x6f: {  	s2 =	rddreg [dreg:$0x1b];
	s3 =	simm.s32 $0x5880  }
0x70: {  	[tilespmem:s3], [sflag:$0x1] =	stream.linear.gather [spmem:s2], $0x80, $0x38;
	[tilespmem:$0xA280] =	vst v63  }
0x71: {  	s2 =	rddreg [dreg:$0x1c];
	s3 =	simm.s32 $0x5C80  }
0x72: {  	[tilespmem:s3], [sflag:$0x1] =	stream.linear.gather [spmem:s2], $0x80, $0x38;
	[tilespmem:$0xA280] =	vst v63  }
0x73: {  	s2 =	rddreg [dreg:$0x1d];
	s3 =	simm.s32 $0x6080  }
0x74: {  	[tilespmem:s3], [sflag:$0x1] =	stream.linear.gather [spmem:s2], $0x80, $0x38;
	[tilespmem:$0xA280] =	vst v63  }
0x75: {  	_ =	swait.ge [sflag:s28], $0x280  }
0x76: {  	[sflag:s28] =	ssyncset.done $0x0  }
0x77: {  	s3 =	simm.s32 $0x5100;
	s2 =	rddreg [dreg:$0x6];
	[sflag:s28] =	ssyncadd.s32 $0xFFFFFD80  }
0x78: {  	[tilespmem:s3], [sflag:$0x1] =	stream.linear.gather [spmem:s2], $0x80, $0x38;
	[tilespmem:$0xA280] =	vst v63  }
0x79: {  	s2 =	rddreg [dreg:$0x1e];
	s3 =	simm.s32 $0x5500  }
0x7a: {  	[tilespmem:s3], [sflag:$0x1] =	stream.linear.gather [spmem:s2], $0x80, $0x38;
	[tilespmem:$0xA280] =	vst v63  }
0x7b: {  	s2 =	rddreg [dreg:$0x1f];
	s3 =	simm.s32 $0x5900  }
0x7c: {  	[tilespmem:s3], [sflag:$0x1] =	stream.linear.gather [spmem:s2], $0x80, $0x38;
	[tilespmem:$0xA280] =	vst v63  }
0x7d: {  	s2 =	sld [smem:$0x7DE];
	_ =	sdelay $0x1  }
0x7e: {  	s3 =	simm.s32 $0x5D00  }
0x7f: {  	[tilespmem:s3], [sflag:$0x1] =	stream.linear.gather [spmem:s2], $0x80, $0x38;
	[tilespmem:$0xA280] =	vst v63  }
0x80: {  	s2 =	sld [smem:$0x7DF];
	_ =	sdelay $0x1  }
0x81: {  	s3 =	simm.s32 $0x6100  }
0x82: {  	[tilespmem:s3], [sflag:$0x1] =	stream.linear.gather [spmem:s2], $0x80, $0x38;
	[tilespmem:$0xA280] =	vst v63  }
0x83: {  	_ =	swait.ge [sflag:s28], $0x280  }
0x84: {  	[sflag:s28] =	ssyncset.done $0x0  }
0x85: {  	s3 =	simm.s32 $0x5180;
	s2 =	rddreg [dreg:$0x7];
	[sflag:s28] =	ssyncadd.s32 $0xFFFFFD80  }
0x86: {  	[tilespmem:s3], [sflag:$0x1] =	stream.linear.gather [spmem:s2], $0x80, $0x38;
	[tilespmem:$0xA280] =	vst v63  }
0x87: {  	s2 =	sld [smem:$0x7E0];
	_ =	sdelay $0x1  }
0x88: {  	s3 =	simm.s32 $0x5580  }
0x89: {  	[tilespmem:s3], [sflag:$0x1] =	stream.linear.gather [spmem:s2], $0x80, $0x38;
	[tilespmem:$0xA280] =	vst v63  }
0x8a: {  	s2 =	sld [smem:$0x7E1];
	_ =	sdelay $0x1  }
0x8b: {  	s3 =	simm.s32 $0x5980  }
0x8c: {  	[tilespmem:s3], [sflag:$0x1] =	stream.linear.gather [spmem:s2], $0x80, $0x38;
	[tilespmem:$0xA280] =	vst v63  }
0x8d: {  	s2 =	sld [smem:$0x7E2];
	_ =	sdelay $0x1  }
0x8e: {  	s3 =	simm.s32 $0x5D80  }
0x8f: {  	[tilespmem:s3], [sflag:$0x1] =	stream.linear.gather [spmem:s2], $0x80, $0x38;
	[tilespmem:$0xA280] =	vst v63  }
0x90: {  	s2 =	sld [smem:$0x7E3];
	_ =	sdelay $0x1  }
0x91: {  	s3 =	simm.s32 $0x6180  }
0x92: {  	[tilespmem:s3], [sflag:$0x1] =	stream.linear.gather [spmem:s2], $0x80, $0x38;
	[tilespmem:$0xA280] =	vst v63  }
0x93: {  	_ =	swait.ge [sflag:s28], $0x280  }
0x94: {  	[sflag:s28] =	ssyncset.done $0x0  }
0x95: {  	s3 =	simm.s32 $0x5200;
	s2 =	rddreg [dreg:$0x8];
	[sflag:s28] =	ssyncadd.s32 $0xFFFFFD80  }
0x96: {  	[tilespmem:s3], [sflag:$0x1] =	stream.linear.gather [spmem:s2], $0x80, $0x38;
	[tilespmem:$0xA280] =	vst v63  }
0x97: {  	s2 =	sld [smem:$0x7E4];
	_ =	sdelay $0x1  }
0x98: {  	s3 =	simm.s32 $0x5600  }
0x99: {  	[tilespmem:s3], [sflag:$0x1] =	stream.linear.gather [spmem:s2], $0x80, $0x38;
	[tilespmem:$0xA280] =	vst v63  }
0x9a: {  	s2 =	sld [smem:$0x7E5];
	_ =	sdelay $0x1  }
0x9b: {  	s3 =	simm.s32 $0x5A00  }
0x9c: {  	[tilespmem:s3], [sflag:$0x1] =	stream.linear.gather [spmem:s2], $0x80, $0x38;
	[tilespmem:$0xA280] =	vst v63  }
0x9d: {  	s2 =	sld [smem:$0x7E6];
	_ =	sdelay $0x1  }
0x9e: {  	s3 =	simm.s32 $0x5E00  }
0x9f: {  	[tilespmem:s3], [sflag:$0x1] =	stream.linear.gather [spmem:s2], $0x80, $0x38;
	[tilespmem:$0xA280] =	vst v63  }
0xa0: {  	s2 =	sld [smem:$0x7E7];
	_ =	sdelay $0x1  }
0xa1: {  	s3 =	simm.s32 $0x6200  }
0xa2: {  	[tilespmem:s3], [sflag:$0x1] =	stream.linear.gather [spmem:s2], $0x80, $0x38;
	[tilespmem:$0xA280] =	vst v63  }
0xa3: {  	_ =	swait.ge [sflag:s28], $0x280  }
0xa4: {  	[sflag:s28] =	ssyncset.done $0x0  }
0xa5: {  	s3 =	simm.s32 $0x5280;
	s2 =	rddreg [dreg:$0x9];
	[sflag:s28] =	ssyncadd.s32 $0xFFFFFD80  }
0xa6: {  	[tilespmem:s3], [sflag:$0x1] =	stream.linear.gather [spmem:s2], $0x80, $0x38;
	[tilespmem:$0xA280] =	vst v63  }
0xa7: {  	s2 =	sld [smem:$0x7E8];
	_ =	sdelay $0x1  }
0xa8: {  	s3 =	simm.s32 $0x5680  }
0xa9: {  	[tilespmem:s3], [sflag:$0x1] =	stream.linear.gather [spmem:s2], $0x80, $0x38;
	[tilespmem:$0xA280] =	vst v63  }
0xaa: {  	s2 =	sld [smem:$0x7E9];
	_ =	sdelay $0x1  }
0xab: {  	s3 =	simm.s32 $0x5A80  }
0xac: {  	[tilespmem:s3], [sflag:$0x1] =	stream.linear.gather [spmem:s2], $0x80, $0x38;
	[tilespmem:$0xA280] =	vst v63  }
0xad: {  	s2 =	sld [smem:$0x7EA];
	_ =	sdelay $0x1  }
0xae: {  	s3 =	simm.s32 $0x5E80  }
0xaf: {  	[tilespmem:s3], [sflag:$0x1] =	stream.linear.gather [spmem:s2], $0x80, $0x38;
	[tilespmem:$0xA280] =	vst v63  }
0xb0: {  	s2 =	sld [smem:$0x7EB];
	_ =	sdelay $0x1  }
0xb1: {  	s3 =	simm.s32 $0x6280  }
0xb2: {  	[tilespmem:s3], [sflag:$0x1] =	stream.linear.gather [spmem:s2], $0x80, $0x38;
	[tilespmem:$0xA280] =	vst v63  }
0xb3: {  	_ =	swait.ge [sflag:s28], $0x280  }
0xb4: {  	[sflag:s28] =	ssyncset.done $0x0  }
0xb5: {  	s3 =	simm.s32 $0x5300;
	s2 =	rddreg [dreg:$0xa];
	[sflag:s28] =	ssyncadd.s32 $0xFFFFFD80  }
0xb6: {  	[tilespmem:s3], [sflag:$0x1] =	stream.linear.gather [spmem:s2], $0x80, $0x38;
	[tilespmem:$0xA280] =	vst v63  }
0xb7: {  	s2 =	sld [smem:$0x7EC];
	_ =	sdelay $0x1  }
0xb8: {  	s3 =	simm.s32 $0x5700  }
0xb9: {  	[tilespmem:s3], [sflag:$0x1] =	stream.linear.gather [spmem:s2], $0x80, $0x38;
	[tilespmem:$0xA280] =	vst v63  }
0xba: {  	s2 =	sld [smem:$0x7ED];
	_ =	sdelay $0x1  }
0xbb: {  	s3 =	simm.s32 $0x5B00  }
0xbc: {  	[tilespmem:s3], [sflag:$0x1] =	stream.linear.gather [spmem:s2], $0x80, $0x38;
	[tilespmem:$0xA280] =	vst v63  }
0xbd: {  	s2 =	sld [smem:$0x7EE];
	_ =	sdelay $0x1  }
0xbe: {  	s3 =	simm.s32 $0x5F00  }
0xbf: {  	[tilespmem:s3], [sflag:$0x1] =	stream.linear.gather [spmem:s2], $0x80, $0x38;
	[tilespmem:$0xA280] =	vst v63  }
0xc0: {  	s2 =	sld [smem:$0x7EF];
	_ =	sdelay $0x1  }
0xc1: {  	s3 =	simm.s32 $0x6300  }
0xc2: {  	[tilespmem:s3], [sflag:$0x1] =	stream.linear.gather [spmem:s2], $0x80, $0x38;
	[tilespmem:$0xA280] =	vst v63  }
0xc3: {  	_ =	swait.ge [sflag:s28], $0x280  }
0xc4: {  	[sflag:s28] =	ssyncset.done $0x0  }
0xc5: {  	s3 =	simm.s32 $0x5380;
	s2 =	rddreg [dreg:$0xb];
	[sflag:s28] =	ssyncadd.s32 $0xFFFFFD80  }
0xc6: {  	[tilespmem:s3], [sflag:$0x1] =	stream.linear.gather [spmem:s2], $0x80, $0x38;
	[tilespmem:$0xA280] =	vst v63  }
0xc7: {  	s2 =	sld [smem:$0x7F0];
	_ =	sdelay $0x1  }
0xc8: {  	s3 =	simm.s32 $0x5780  }
0xc9: {  	[tilespmem:s3], [sflag:$0x1] =	stream.linear.gather [spmem:s2], $0x80, $0x38;
	[tilespmem:$0xA280] =	vst v63  }
0xca: {  	s2 =	sld [smem:$0x7F1];
	_ =	sdelay $0x1  }
0xcb: {  	s3 =	simm.s32 $0x5B80  }
0xcc: {  	[tilespmem:s3], [sflag:$0x1] =	stream.linear.gather [spmem:s2], $0x80, $0x38;
	[tilespmem:$0xA280] =	vst v63  }
0xcd: {  	s2 =	sld [smem:$0x7F2];
	_ =	sdelay $0x1  }
0xce: {  	s3 =	simm.s32 $0x5F80  }
0xcf: {  	[tilespmem:s3], [sflag:$0x1] =	stream.linear.gather [spmem:s2], $0x80, $0x38;
	[tilespmem:$0xA280] =	vst v63  }
0xd0: {  	s2 =	sld [smem:$0x7F3];
	_ =	sdelay $0x1  }
0xd1: {  	s3 =	simm.s32 $0x6380  }
0xd2: {  	[tilespmem:s3], [sflag:$0x1] =	stream.linear.gather [spmem:s2], $0x80, $0x38;
	[tilespmem:$0xA280] =	vst v63  }
0xd3: {  	_ =	swait.ge [sflag:s28], $0x280  }
0xd4: {  	[sflag:s28] =	ssyncset.done $0x0  }
0xd5: {  	s3 =	simm.s32 $0x6400;
	s2 =	rddreg [dreg:$0xc];
	[sflag:s28] =	ssyncadd.s32 $0xFFFFFD80  }
0xd6: {  	[tilespmem:s3], [sflag:$0x1] =	stream.linear.gather [spmem:s2], $0x80, $0x38;
	[tilespmem:$0xA280] =	vst v63  }
0xd7: {  	s2 =	sld [smem:$0x7F4];
	_ =	sdelay $0x1  }
0xd8: {  	s3 =	simm.s32 $0x6800  }
0xd9: {  	[tilespmem:s3], [sflag:$0x1] =	stream.linear.gather [spmem:s2], $0x80, $0x38;
	[tilespmem:$0xA280] =	vst v63  }
0xda: {  	s2 =	sld [smem:$0x7F5];
	_ =	sdelay $0x1  }
0xdb: {  	s3 =	simm.s32 $0x6C00  }
0xdc: {  	[tilespmem:s3], [sflag:$0x1] =	stream.linear.gather [spmem:s2], $0x80, $0x38;
	[tilespmem:$0xA280] =	vst v63  }
0xdd: {  	s2 =	sld [smem:$0x7F6];
	_ =	sdelay $0x1  }
0xde: {  	s3 =	simm.s32 $0x7000  }
0xdf: {  	[tilespmem:s3], [sflag:$0x1] =	stream.linear.gather [spmem:s2], $0x80, $0x38;
	[tilespmem:$0xA280] =	vst v63  }
0xe0: {  	s2 =	sld [smem:$0x7F7];
	_ =	sdelay $0x1  }
0xe1: {  	s3 =	simm.s32 $0x7400  }
0xe2: {  	[tilespmem:s3], [sflag:$0x1] =	stream.linear.gather [spmem:s2], $0x80, $0x38;
	[tilespmem:$0xA280] =	vst v63  }
0xe3: {  	_ =	swait.ge [sflag:s28], $0x280  }
0xe4: {  	[sflag:s28] =	ssyncset.done $0x0  }
0xe5: {  	s3 =	simm.s32 $0x6480;
	s2 =	rddreg [dreg:$0xd];
	[sflag:s28] =	ssyncadd.s32 $0xFFFFFD80  }
0xe6: {  	[tilespmem:s3], [sflag:$0x1] =	stream.linear.gather [spmem:s2], $0x80, $0x38;
	[tilespmem:$0xA280] =	vst v63  }
0xe7: {  	s2 =	sld [smem:$0x7F8];
	_ =	sdelay $0x1  }
0xe8: {  	s3 =	simm.s32 $0x6880  }
0xe9: {  	[tilespmem:s3], [sflag:$0x1] =	stream.linear.gather [spmem:s2], $0x80, $0x38;
	[tilespmem:$0xA280] =	vst v63  }
0xea: {  	s2 =	sld [smem:$0x7F9];
	_ =	sdelay $0x1  }
0xeb: {  	s3 =	simm.s32 $0x6C80  }
0xec: {  	[tilespmem:s3], [sflag:$0x1] =	stream.linear.gather [spmem:s2], $0x80, $0x38;
	[tilespmem:$0xA280] =	vst v63  }
0xed: {  	s2 =	sld [smem:$0x7FA];
	_ =	sdelay $0x1  }
0xee: {  	s3 =	simm.s32 $0x7080  }
0xef: {  	[tilespmem:s3], [sflag:$0x1] =	stream.linear.gather [spmem:s2], $0x80, $0x38;
	[tilespmem:$0xA280] =	vst v63  }
0xf0: {  	s2 =	sld [smem:$0x7FB];
	_ =	sdelay $0x1  }
0xf1: {  	s3 =	simm.s32 $0x7480  }
0xf2: {  	[tilespmem:s3], [sflag:$0x1] =	stream.linear.gather [spmem:s2], $0x80, $0x38;
	[tilespmem:$0xA280] =	vst v63  }
0xf3: {  	_ =	swait.ge [sflag:s28], $0x280  }
0xf4: {  	[sflag:s28] =	ssyncset.done $0x0  }
0xf5: {  	s3 =	simm.s32 $0x6500;
	s2 =	rddreg [dreg:$0xe];
	[sflag:s28] =	ssyncadd.s32 $0xFFFFFD80  }
0xf6: {  	[tilespmem:s3], [sflag:$0x1] =	stream.linear.gather [spmem:s2], $0x80, $0x38;
	[tilespmem:$0xA280] =	vst v63  }
0xf7: {  	s2 =	sld [smem:$0x7FC];
	_ =	sdelay $0x1  }
0xf8: {  	s3 =	simm.s32 $0x6900  }
0xf9: {  	[tilespmem:s3], [sflag:$0x1] =	stream.linear.gather [spmem:s2], $0x80, $0x38;
	[tilespmem:$0xA280] =	vst v63  }
0xfa: {  	s2 =	sld [smem:$0x7FD];
	_ =	sdelay $0x1  }
0xfb: {  	s3 =	simm.s32 $0x6D00  }
0xfc: {  	[tilespmem:s3], [sflag:$0x1] =	stream.linear.gather [spmem:s2], $0x80, $0x38;
	[tilespmem:$0xA280] =	vst v63  }
0xfd: {  	s2 =	simm.s32 $0x7100  }
0xfe: {  	[tilespmem:s2], [sflag:$0x1] =	stream.linear.gather [spmem:s4], $0x80, $0x38;
	[tilespmem:$0xA280] =	vst v63  }
0xff: {  	s3 =	simm.s32 $0x7500  }
0x100: {  	[tilespmem:s3], [sflag:$0x1] =	stream.linear.gather [spmem:s6], $0x80, $0x38;
	[tilespmem:$0xA280] =	vst v63  }
0x101: {  	_ =	swait.ge [sflag:s28], $0x280  }
0x102: {  	[sflag:s28] =	ssyncset.done $0x0  }
0x103: {  	s2 =	simm.s32 $0x6580;
	s1 =	rddreg [dreg:$0xf];
	[sflag:s28] =	ssyncadd.s32 $0xFFFFFD80  }
0x104: {  	[tilespmem:s2], [sflag:$0x1] =	stream.linear.gather [spmem:s1], $0x80, $0x38;
	[tilespmem:$0xA280] =	vst v63  }
0x105: {  	s3 =	simm.s32 $0x6980  }
0x106: {  	[tilespmem:s3], [sflag:$0x1] =	stream.linear.gather [spmem:s7], $0x80, $0x38;
	[tilespmem:$0xA280] =	vst v63  }
0x107: {  	s1 =	simm.s32 $0x6D80  }
0x108: {  	[tilespmem:s1], [sflag:$0x1] =	stream.linear.gather [spmem:s8], $0x80, $0x38;
	[tilespmem:$0xA280] =	vst v63  }
0x109: {  	s2 =	simm.s32 $0x7180  }
0x10a: {  	[tilespmem:s2], [sflag:$0x1] =	stream.linear.gather [spmem:s9], $0x80, $0x38;
	[tilespmem:$0xA280] =	vst v63  }
0x10b: {  	s3 =	simm.s32 $0x7580  }
0x10c: {  	[tilespmem:s3], [sflag:$0x1] =	stream.linear.gather [spmem:s10], $0x80, $0x38;
	[tilespmem:$0xA280] =	vst v63  }
0x10d: {  	_ =	swait.ge [sflag:s28], $0x280  }
0x10e: {  	[sflag:s28] =	ssyncset.done $0x0  }
0x10f: {  	s2 =	simm.s32 $0x6600;
	s1 =	rddreg [dreg:$0x10];
	[sflag:s28] =	ssyncadd.s32 $0xFFFFFD80  }
0x110: {  	[tilespmem:s2], [sflag:$0x1] =	stream.linear.gather [spmem:s1], $0x80, $0x38;
	[tilespmem:$0xA280] =	vst v63  }
0x111: {  	s3 =	simm.s32 $0x6A00  }
0x112: {  	[tilespmem:s3], [sflag:$0x1] =	stream.linear.gather [spmem:s11], $0x80, $0x38;
	[tilespmem:$0xA280] =	vst v63  }
0x113: {  	s1 =	simm.s32 $0x6E00  }
0x114: {  	[tilespmem:s1], [sflag:$0x1] =	stream.linear.gather [spmem:s12], $0x80, $0x38;
	[tilespmem:$0xA280] =	vst v63  }
0x115: {  	s2 =	simm.s32 $0x7200  }
0x116: {  	[tilespmem:s2], [sflag:$0x1] =	stream.linear.gather [spmem:s13], $0x80, $0x38;
	[tilespmem:$0xA280] =	vst v63  }
0x117: {  	s3 =	simm.s32 $0x7600  }
0x118: {  	[tilespmem:s3], [sflag:$0x1] =	stream.linear.gather [spmem:s14], $0x80, $0x38;
	[tilespmem:$0xA280] =	vst v63  }
0x119: {  	_ =	swait.ge [sflag:s28], $0x280  }
0x11a: {  	[sflag:s28] =	ssyncset.done $0x0  }
0x11b: {  	s2 =	simm.s32 $0x6680;
	s1 =	rddreg [dreg:$0x11];
	[sflag:s28] =	ssyncadd.s32 $0xFFFFFD80  }
0x11c: {  	[tilespmem:s2], [sflag:$0x1] =	stream.linear.gather [spmem:s1], $0x80, $0x38;
	[tilespmem:$0xA280] =	vst v63  }
0x11d: {  	s3 =	simm.s32 $0x6A80  }
0x11e: {  	[tilespmem:s3], [sflag:$0x1] =	stream.linear.gather [spmem:s15], $0x80, $0x38;
	[tilespmem:$0xA280] =	vst v63  }
0x11f: {  	s1 =	simm.s32 $0x6E80  }
0x120: {  	[tilespmem:s1], [sflag:$0x1] =	stream.linear.gather [spmem:s16], $0x80, $0x38;
	[tilespmem:$0xA280] =	vst v63  }
0x121: {  	s2 =	simm.s32 $0x7280  }
0x122: {  	[tilespmem:s2], [sflag:$0x1] =	stream.linear.gather [spmem:s17], $0x80, $0x38;
	[tilespmem:$0xA280] =	vst v63  }
0x123: {  	s3 =	simm.s32 $0x7680  }
0x124: {  	[tilespmem:s3], [sflag:$0x1] =	stream.linear.gather [spmem:s18], $0x80, $0x38;
	[tilespmem:$0xA280] =	vst v63  }
0x125: {  	_ =	swait.ge [sflag:s28], $0x280  }
0x126: {  	[sflag:s28] =	ssyncset.done $0x0  }
0x127: {  	s2 =	simm.s32 $0x6700;
	s1 =	rddreg [dreg:$0x12];
	[sflag:s28] =	ssyncadd.s32 $0xFFFFFD80  }
0x128: {  	[tilespmem:s2], [sflag:$0x1] =	stream.linear.gather [spmem:s1], $0x80, $0x38;
	[tilespmem:$0xA280] =	vst v63  }
0x129: {  	s3 =	simm.s32 $0x6B00  }
0x12a: {  	[tilespmem:s3], [sflag:$0x1] =	stream.linear.gather [spmem:s19], $0x80, $0x38;
	[tilespmem:$0xA280] =	vst v63  }
0x12b: {  	s1 =	simm.s32 $0x6F00  }
0x12c: {  	[tilespmem:s1], [sflag:$0x1] =	stream.linear.gather [spmem:s20], $0x80, $0x38;
	[tilespmem:$0xA280] =	vst v63  }
0x12d: {  	s2 =	simm.s32 $0x7300  }
0x12e: {  	[tilespmem:s2], [sflag:$0x1] =	stream.linear.gather [spmem:s21], $0x80, $0x38;
	[tilespmem:$0xA280] =	vst v63  }
0x12f: {  	s3 =	simm.s32 $0x7700  }
0x130: {  	[tilespmem:s3], [sflag:$0x1] =	stream.linear.gather [spmem:s22], $0x80, $0x38;
	[tilespmem:$0xA280] =	vst v63  }
0x131: {  	_ =	swait.ge [sflag:s28], $0x280  }
0x132: {  	[sflag:s28] =	ssyncset.done $0x0  }
0x133: {  	s2 =	simm.s32 $0x6780;
	s1 =	rddreg [dreg:$0x13];
	[sflag:s28] =	ssyncadd.s32 $0xFFFFFD80  }
0x134: {  	[tilespmem:s2], [sflag:$0x1] =	stream.linear.gather [spmem:s1], $0x80, $0x38;
	[tilespmem:$0xA280] =	vst v63  }
0x135: {  	s3 =	simm.s32 $0x6B80  }
0x136: {  	[tilespmem:s3], [sflag:$0x1] =	stream.linear.gather [spmem:s23], $0x80, $0x38;
	[tilespmem:$0xA280] =	vst v63  }
0x137: {  	s1 =	simm.s32 $0x6F80  }
0x138: {  	[tilespmem:s1], [sflag:$0x1] =	stream.linear.gather [spmem:s24], $0x80, $0x38;
	[tilespmem:$0xA280] =	vst v63  }
0x139: {  	s2 =	simm.s32 $0x7380  }
0x13a: {  	[tilespmem:s2], [sflag:$0x1] =	stream.linear.gather [spmem:s25], $0x80, $0x38;
	[tilespmem:$0xA280] =	vst v63  }
0x13b: {  	s3 =	simm.s32 $0x7780  }
0x13c: {  	[tilespmem:s3], [sflag:$0x1] =	stream.linear.gather [spmem:s26], $0x80, $0x38;
	[tilespmem:$0xA280] =	vst v63  }
0x13d: {  	s1 =	simm.s32 $0x0;
	_ =	swait.ge [sflag:s28], $0x280  }
0x13e: {  	s0 =	sand.u32 $0x1C00, s1;
	s2 =	sand.u32 $0x70, s1;
	[sflag:s28] =	ssyncset.done $0x0  }
0x13f: {  	s0 =	sor.u32 s2, s0;
	[sflag:s28] =	ssyncadd.s32 $0xFFFFFD80  }
0x140: {  	v2 =	vld [tilespmem:s0+$0x5080]  }
0x141: {  	v3 =	vld [tilespmem:s0+$0x5000];
	_ =	sdelay $0x1  }
0x142: {  	v4 =	vld [tilespmem:s0+$0x5100];
	_ =	sdelay $0x1  }
0x143: {  	v5 =	vld [tilespmem:s0+$0x5180]  }
0x144: {  	v2 =	vadd.f32 v2, v3  }
0x145: {  	v3 =	vld [tilespmem:s0+$0x5200]  }
0x146: {  	v2 =	vadd.f32 v4, v2  }
0x147: {  	v56 =	vld [tilespmem:s0+$0x5280]  }
0x148: {  	v2 =	vadd.f32 v5, v2  }
0x149: {  	v57 =	vld [tilespmem:s0+$0x5300]  }
0x14a: {  	v2 =	vadd.f32 v3, v2  }
0x14b: {  	v3 =	vld [tilespmem:s0+$0x5380]  }
0x14c: {  	v2 =	vadd.f32 v56, v2  }
0x14d: {  	v58 =	vld [tilespmem:s0+$0x6400]  }
0x14e: {  	v2 =	vadd.f32 v57, v2  }
0x14f: {  	v59 =	vld [tilespmem:s0+$0x6480]  }
0x150: {  	v2 =	vadd.f32 v3, v2  }
0x151: {  	v3 =	vld [tilespmem:s0+$0x6500]  }
0x152: {  	v2 =	vadd.f32 v58, v2  }
0x153: {  	v60 =	vld [tilespmem:s0+$0x6580]  }
0x154: {  	v2 =	vadd.f32 v59, v2  }
0x155: {  	v61 =	vld [tilespmem:s0+$0x6600]  }
0x156: {  	v2 =	vadd.f32 v3, v2  }
0x157: {  	v3 =	vld [tilespmem:s0+$0x6680]  }
0x158: {  	v2 =	vadd.f32 v60, v2  }
0x159: {  	v62 =	vld [tilespmem:s0+$0x6700]  }
0x15a: {  	v2 =	vadd.f32 v61, v2  }
0x15b: {  	v63 =	vld [tilespmem:s0+$0x6780]  }
0x15c: {  	v2 =	vadd.f32 v3, v2;
	_ =	sdelay $0x1  }
0x15d: {  	v2 =	vadd.f32 v62, v2;
	_ =	sdelay $0x1  }
0x15e: {  	s1 =	simm.s32 $0x80;
	s3 =	simm.s32 $0x10;
	v2 =	vadd.f32 v63, v2  }
0x15f: {  	s31 =	simm.s32 $0x7800;
	s2 =	sand.u32 $0x1C00, s1;
	s0 =	sand.u32 $0x70, s3  }
0x160: {  	s0 =	sor.u32 s0, s2;
	s2 =	simm.s32 $0x20;
	[tilespmem:s31+$0x0] =	vst v2  }
.LBB2_6:
0x161: {  	p0 =	sne.s32 s2, $0x270;
	v2 =	vld [tilespmem:s0+$0x5080]  }
0x162: {  	v3 =	vld [tilespmem:s0+$0x5000];
	_ =	sdelay $0x1  }
0x163: {  	v4 =	vld [tilespmem:s0+$0x5100];
	_ =	sdelay $0x1  }
0x164: {  	v5 =	vld [tilespmem:s0+$0x5180]  }
0x165: {  	v2 =	vadd.f32 v2, v3  }
0x166: {  	v3 =	vld [tilespmem:s0+$0x5200]  }
0x167: {  	v2 =	vadd.f32 v4, v2  }
0x168: {  	v4 =	vld [tilespmem:s0+$0x5280]  }
0x169: {  	v2 =	vadd.f32 v5, v2  }
0x16a: {  	v5 =	vld [tilespmem:s0+$0x5300]  }
0x16b: {  	v2 =	vadd.f32 v3, v2  }
0x16c: {  	v3 =	vld [tilespmem:s0+$0x5380]  }
0x16d: {  	v2 =	vadd.f32 v4, v2  }
0x16e: {  	v4 =	vld [tilespmem:s0+$0x6400]  }
0x16f: {  	v2 =	vadd.f32 v5, v2  }
0x170: {  	v5 =	vld [tilespmem:s0+$0x6480]  }
0x171: {  	v2 =	vadd.f32 v3, v2  }
0x172: {  	v3 =	vld [tilespmem:s0+$0x6500]  }
0x173: {  	v2 =	vadd.f32 v4, v2  }
0x174: {  	v4 =	vld [tilespmem:s0+$0x6580]  }
0x175: {  	v2 =	vadd.f32 v5, v2  }
0x176: {  	v5 =	vld [tilespmem:s0+$0x6600]  }
0x177: {  	v2 =	vadd.f32 v3, v2  }
0x178: {  	v3 =	vld [tilespmem:s0+$0x6680]  }
0x179: {  	v2 =	vadd.f32 v4, v2  }
0x17a: {  	v4 =	vld [tilespmem:s0+$0x6700]  }
0x17b: {  	v2 =	vadd.f32 v5, v2  }
0x17c: {  	v5 =	vld [tilespmem:s0+$0x6780]  }
0x17d: {  	v2 =	vadd.f32 v3, v2;
	_ =	sdelay $0x1  }
.Ltmp2:
0x17e: {  	v2 =	vadd.f32 v4, v2;
	(pc) =	sbr.rel @p0 .LBB2_6-.Ltmp2, $4  }
0x17f: {  	_ = 	snop  }
0x180: {  	s1 =	sadd.s32 $0x80, s1;
	v2 =	vadd.f32 v5, v2  }
0x181: {  	s31 =	sadd.s32 $0x10, s31;
	s3 =	sand.u32 $0x1C00, s1;
	s0 =	sand.u32 $0x70, s2  }
0x182: {  	s2 =	sadd.s32 $0x10, s2;
	s0 =	sor.u32 s0, s3;
	[tilespmem:s31+$0x0] =	vst v2  }
0x183: {  	v2 =	vld [tilespmem:s0+$0x5080]  }
0x184: {  	v3 =	vld [tilespmem:s0+$0x5000];
	_ =	sdelay $0x1  }
0x185: {  	v4 =	vld [tilespmem:s0+$0x5100];
	_ =	sdelay $0x1  }
0x186: {  	v5 =	vld [tilespmem:s0+$0x5180]  }
0x187: {  	v2 =	vadd.f32 v2, v3  }
0x188: {  	v3 =	vld [tilespmem:s0+$0x5200]  }
0x189: {  	v2 =	vadd.f32 v4, v2  }
0x18a: {  	v56 =	vld [tilespmem:s0+$0x5280]  }
0x18b: {  	v2 =	vadd.f32 v5, v2  }
0x18c: {  	v57 =	vld [tilespmem:s0+$0x5300]  }
0x18d: {  	v2 =	vadd.f32 v3, v2  }
0x18e: {  	v3 =	vld [tilespmem:s0+$0x5380]  }
0x18f: {  	v2 =	vadd.f32 v56, v2  }
0x190: {  	v58 =	vld [tilespmem:s0+$0x6400]  }
0x191: {  	v2 =	vadd.f32 v57, v2  }
0x192: {  	v59 =	vld [tilespmem:s0+$0x6480]  }
0x193: {  	v2 =	vadd.f32 v3, v2  }
0x194: {  	v3 =	vld [tilespmem:s0+$0x6500]  }
0x195: {  	v2 =	vadd.f32 v58, v2  }
0x196: {  	v60 =	vld [tilespmem:s0+$0x6580]  }
0x197: {  	v2 =	vadd.f32 v59, v2  }
0x198: {  	v61 =	vld [tilespmem:s0+$0x6600]  }
0x199: {  	v2 =	vadd.f32 v3, v2  }
0x19a: {  	v3 =	vld [tilespmem:s0+$0x6680]  }
0x19b: {  	v2 =	vadd.f32 v60, v2  }
0x19c: {  	v62 =	vld [tilespmem:s0+$0x6700]  }
0x19d: {  	v2 =	vadd.f32 v61, v2  }
0x19e: {  	v63 =	vld [tilespmem:s0+$0x6780]  }
0x19f: {  	v2 =	vadd.f32 v3, v2;
	_ =	sdelay $0x1  }
0x1a0: {  	v2 =	vadd.f32 v62, v2;
	_ =	sdelay $0x1  }
0x1a1: {  	v2 =	vadd.f32 v63, v2  }
0x1a2: {  	s2 =	sadd.s32 $0x10, s31  }
0x1a3: {  	s3 =	simm.s32 $0x0;
	s1 =	rddreg [dreg:$0x14];
	[tilespmem:s2+$0x0] =	vst v2;
	s2 =	simm.s32 $0x7800  }
0x1a4: {  	[hbm4b:s1+s3] =	stream.linear.scatter [tilespmem:s2], [sflag:$0x1], $0x280, $0x38;
	[tilespmem:$0xA280] =	vst v63  }
0x1a5: {  	_ =	swait.ge [sflag:s28], $0x280  }
0x1a6: {  	s30 =	sadd.s32 $0x1, s30;
	s31 =	rddreg [dreg:$0x15]  }
0x1a7: {  	p0 =	sne.s32 s30, s31  }
.Ltmp3:
0x1a8: {  	_ = 	snop;
	(pc) =	sbr.rel @p0 .LBB2_1-.Ltmp3, $3  }
0x1a9: {  	_ =	sdelay $0x1  }
0x1aa: {  	[sflag:s28] =	ssyncset.done $0x0  }
0x1ab: {  	[sflag:s28] =	ssyncadd.s32 $0xFFFFFD80  }
0x1ac: {  	_ =	sfence.sel $0x180000  }
0x1ad: {  	[bflag:$0x0] =	sbarrier.arrive $0xFFFF  }
0x1ae: {  	_ =	strace $0x90000047  }
0x1af: {  	s0 =	stileid.u32;
	[bflag:$0x2] =	sbarrier.arrive $0xFFFF  }
0x1b0: {  	p0 =	sne.s32 s0, $0x0;
	s0 =	rddreg [dreg:$0x2]  }
0x1b1: {  	s0 =	sadd.s32 @!p0 $0x100000, s0  }
0x1b2: {  	[sflag:s0] =	ssyncadd.tile.s32 @!p0 $0x1;
	_ =	shalt  }
.Lfunc_end2:
_tile_overlayer_lowered:
.L_overlay_start_2:
0x1b3: {  	(tag) =	ssettag $0x2  }
0x1b4: {  	s0 =	rddreg [dreg:$0x0];
	s2 =	stileid.u32  }
0x1b5: {  	s1 =	rddreg [dreg:$0x1];
	p0 =	sne.s32 s2, $0x0  }
0x1b6: {  	s3 =	rddreg [dreg:$0x2];
	[bflag:$0x3] =	sbarrier.arrive $0xFFFF;
	s2 =	simm.s32 @!p0 $0x1C01  }
0x1b7: {  	[timem:s3], [sflag:s2] =	dma.local @!p0 [hbm:s0], s1  }
0x1b8: {  	s0 =	simm.s32 @!p0 $0x1  }
0x1b9: {  	_ =	swait.ge @!p0 [sflag:s0], s1  }
0x1ba: {  	s1 =	ssub.s32 @!p0 $0x0, s1;
	[sflag:s0] =	ssyncset.done @!p0 $0x0  }
0x1bb: {  	[sflag:s0] =	ssyncadd.s32 @!p0 s1  }
0x1bc: {  	[bflag:$0x3] =	sbarrier.arrive $0xFFFF  }
0x1bd: {  	_ =	shalt  }

// kernel: kernel.13.cloned.1.call-start
scs
__scs_entry_jumppad:
0x0: {  	(pc) =	sbr.rel $0x88, $3  }
0x1: {  	(tag) =	ssettag $0x0;
	lr =	simm.s32 $0x1  }
0x2: {  	[smem:$0x3F8A] =	sst lr;
	_ =	strace $0xD0000000  }
0x3: {  	_ = 	snop  }
0x4: {  	_ = 	snop  }
0x5: {  	_ = 	snop  }
0x6: {  	_ = 	snop  }
0x7: {  	_ = 	snop  }
__scs_overlays_trampoline_lowered:
0x8: {  	[smem:$0x3F99] =	sst s0  }
0x9: {  	[smem:$0x3F9A] =	sst s1  }
0xa: {  	[smem:$0x3F9B] =	sst s2  }
0xb: {  	[smem:$0x3F9C] =	sst s3  }
0xc: {  	[smem:$0x3F9D] =	sst s4  }
0xd: {  	[smem:$0x3F9E] =	sst s5  }
0xe: {  	[smem:$0x3F9F] =	sst s6  }
0xf: {  	[smem:$0x3FA0] =	sst s7  }
0x10: {  	[smem:$0x3FA1] =	sst s8  }
0x11: {  	[smem:$0x3FA2] =	sst s9;
	s0 =	simm.s32 @!p0 $0x0  }
0x12: {  	s1 =	sld [smem:$0x3F88];
	s0 =	simm.s32 @p0 $0x1  }
0x13: {  	[smem:$0x3FA3] =	sst s0;
	s0 =	simm.s32 @!p1 $0x0  }
0x14: {  	s2 =	sld [smem:$0x3F87];
	s0 =	simm.s32 @p1 $0x1  }
0x15: {  	[smem:$0x3FA4] =	sst s0;
	s0 =	simm.s32 @!p2 $0x0  }
0x16: {  	s3 =	sld [smem:$0x3FDB];
	s0 =	simm.s32 @p2 $0x1  }
0x17: {  	s4 =	simm.s32 $0x1BF5;
	[smem:$0x3FA6] =	sst s0  }
0x18: {  	s0 =	sld [smem:$0x3F89];
	_ =	swait.ge [sflag:s4], $0x0  }
0x19: {  	s7 =	sld [smem:$0x3F8A]  }
0x1a: {  	s8 =	sadd.s32 $0xFFFFE003, lr  }
0x1b: {  	s9 =	sadd.s32 $0xFFFFFEF7, lr;
	s5 =	simm.s32 $0xFFFFFFFF;
	p2 =	slt.u32 s8, $0xFFFFF086  }
0x1c: {  	p1 =	slt.u32 s9, $0xF7A;
	s5 =	simm.s32 @!p2 $0x0  }
0x1d: {  	s5 =	simm.s32 @p1 $0x1;
	p0 =	seq.s32 s7, s2  }
0x1e: {  	s7 =	smul.u32 @!p0 $0xF7A, s2;
	p2 =	seq.s32 @!p0 s5, $0x0  }
0x1f: {  	s9 =	smul.u32 $0xF7A, s1;
	s8 =	simm.s32 @!p0 $0x1BF5;
	p2 =	por !p2, p0  }
0x20: {  	[sflag:s8] =	ssyncset.s32 @!p0 $0xFFFFF086;
	s6 =	sadd.s32 @!p0 s3, s7;
	s7 =	simm.s32 @!p0 $0x108  }
0x21: {  	s3 =	sadd.s32 s3, s9;
	s6 =	sadd.s32 @!p0 $0x88, s6;
	s7 =	simm.s32 @p2 $0x1082  }
0x22: {  	[simem:s7], [sflag:s8] =	dma.local @!p0 [hbm:s6], $0xF7A  }
0x23: {  	s9 =	sor.u32 $0xD0000000, s2;
	s6 =	simm.s32 $0x108;
	_ =	swait.ge @!p0 [sflag:s8], $0x0  }
0x24: {  	s3 =	sadd.s32 $0x88, s3;
	s6 =	simm.s32 @!p1 $0x1082;
	[sflag:s4] =	ssyncset.s32 $0xFFFFF086  }
0x25: {  	[simem:s6], [sflag:s4] =	dma.local [hbm:s3], $0xF7A  }
0x26: {  	[smem:$0x3F8A] =	sst s1;
	(tag) =	ssettag s2;
	_ =	strace s9  }
0x27: {  	s1 =	sld [smem:$0x3F9A]  }
0x28: {  	s2 =	sld [smem:$0x3F9B]  }
0x29: {  	s4 =	sld [smem:$0x3F9D]  }
0x2a: {  	p0 =	seq.s32 s5, $0x0;
	s5 =	sld [smem:$0x3F9E]  }
0x2b: {  	s6 =	sld [smem:$0x3F9F]  }
0x2c: {  	s7 =	sld [smem:$0x3FA0]  }
0x2d: {  	s3 =	simm.s32 $0x108;
	s8 =	sld [smem:$0x3FA1]  }
0x2e: {  	s3 =	simm.s32 @!p0 $0x1082;
	s9 =	sld [smem:$0x3FA2]  }
0x2f: {  	lr =	sadd.s32 s0, s3;
	s0 =	sld [smem:$0x3F99]  }
0x30: {  	s3 =	sld [smem:$0x3F9C]  }
0x31: {  	[smem:$0x3FA5] =	sst s10  }
0x32: {  	s10 =	sld [smem:$0x3FA3];
	_ =	sdelay $0x3  }
0x33: {  	p0 =	seq.s32 s10, $0x1;
	s10 =	sld [smem:$0x3FA5];
	_ =	sdelay $0x3  }
0x34: {  	[smem:$0x3FA5] =	sst s10  }
0x35: {  	s10 =	sld [smem:$0x3FA4];
	_ =	sdelay $0x3  }
0x36: {  	p1 =	seq.s32 s10, $0x1;
	s10 =	sld [smem:$0x3FA5];
	_ =	sdelay $0x3  }
0x37: {  	[smem:$0x3FA5] =	sst s10  }
0x38: {  	s10 =	sld [smem:$0x3FA6]  }
0x39: {  	_ = 	snop;
	(pc) =	sbr.ind lr, $3  }
0x3a: {  	_ = 	snop  }
0x3b: {  	_ = 	snop  }
0x3c: {  	p2 =	seq.s32 s10, $0x1;
	s10 =	sld [smem:$0x3FA5]  }
0x3d: {  	_ =	shalt  }
0x3e: {  	_ =	shalt  }
0x3f: {  	_ =	shalt  }
0x40: {  	_ =	shalt  }
0x41: {  	_ =	shalt  }
0x42: {  	_ =	shalt  }
0x43: {  	_ =	shalt  }
0x44: {  	_ =	shalt  }
0x45: {  	_ =	shalt  }
0x46: {  	_ =	shalt  }
0x47: {  	_ =	shalt  }
0x48: {  	_ =	shalt  }
0x49: {  	_ =	shalt  }
0x4a: {  	_ =	shalt  }
0x4b: {  	_ =	shalt  }
0x4c: {  	_ =	shalt  }
0x4d: {  	_ =	shalt  }
0x4e: {  	_ =	shalt  }
0x4f: {  	_ =	shalt  }
0x50: {  	_ =	shalt  }
0x51: {  	_ =	shalt  }
0x52: {  	_ =	shalt  }
0x53: {  	_ =	shalt  }
0x54: {  	_ =	shalt  }
0x55: {  	_ =	shalt  }
0x56: {  	_ =	shalt  }
0x57: {  	_ =	shalt  }
0x58: {  	_ =	shalt  }
0x59: {  	_ =	shalt  }
0x5a: {  	_ =	shalt  }
0x5b: {  	_ =	shalt  }
0x5c: {  	_ =	shalt  }
0x5d: {  	_ =	shalt  }
0x5e: {  	_ =	shalt  }
0x5f: {  	_ =	shalt  }
0x60: {  	_ =	shalt  }
0x61: {  	_ =	shalt  }
0x62: {  	_ =	shalt  }
0x63: {  	_ =	shalt  }
0x64: {  	_ =	shalt  }
0x65: {  	_ =	shalt  }
0x66: {  	_ =	shalt  }
0x67: {  	_ =	shalt  }
0x68: {  	_ =	shalt  }
0x69: {  	_ =	shalt  }
0x6a: {  	_ =	shalt  }
0x6b: {  	_ =	shalt  }
0x6c: {  	_ =	shalt  }
0x6d: {  	_ =	shalt  }
0x6e: {  	_ =	shalt  }
0x6f: {  	_ =	shalt  }
0x70: {  	_ =	shalt  }
0x71: {  	_ =	shalt  }
0x72: {  	_ =	shalt  }
0x73: {  	_ =	shalt  }
0x74: {  	_ =	shalt  }
0x75: {  	_ =	shalt  }
0x76: {  	_ =	shalt  }
0x77: {  	_ =	shalt  }
0x78: {  	_ =	shalt  }
0x79: {  	_ =	shalt  }
0x7a: {  	_ =	shalt  }
0x7b: {  	_ =	shalt  }
0x7c: {  	_ =	shalt  }
0x7d: {  	_ =	shalt  }
0x7e: {  	_ =	shalt  }
0x7f: {  	_ =	shalt  }
0x80: {  	_ =	shalt  }
0x81: {  	_ =	shalt  }
0x82: {  	_ =	shalt  }
0x83: {  	_ =	shalt  }
0x84: {  	_ =	shalt  }
0x85: {  	_ =	shalt  }
0x86: {  	_ =	shalt  }
0x87: {  	_ =	shalt  }
.Lfunc_end0:
.L_simem_size_0:
called_computation.1_lowered:
.L_overlay_start_0:
0x88: {  	s2 =	sld [smem:$0x3FD9]  }
0x89: {  	s3 =	sld [smem:$0x3FFE];
	_ =	sdelay $0x1  }
0x8a: {  	s1 =	srdreg.scid  }
0x8b: {  	s0 =	sand.u32 $0x1, s1  }
0x8c: {  	s16 =	sshll.u32 s0, $0xA;
	s2 =	sadd.s32 s3, s2  }
0x8d: {  	s2 =	sadd.s32 s2, s16  }
0x8e: {  	[smem:$0x3FB1] =	sst s2  }
0x8f: {  	_ = 	snop  }
0x90: {  	(tm) =	ssettm $0x1  }
0x91: {  	s17 =	sld [smem:$0x3FFB];
	_ =	sdelay $0x3  }
0x92: {  	_ =	strace s17  }
0x93: {  	s2 =	sld [smem:$0x3FFC];
	_ =	sdelay $0x3  }
0x94: {  	_ =	strace s2  }
0x95: {  	s2 =	sld [smem:$0x3FFD];
	_ =	sdelay $0x3  }
0x96: {  	_ =	strace s2  }
0x97: {  	_ =	strace $0x8FFFFFFF  }
0x98: {  	s18 =	sld [smem:$0x3FDB];
	_ =	sdelay $0x1  }
0x99: {  	s19 =	simm.s32 $_scs_section_size  }
0x9a: {  	s4 =	simm.s32 $_size__tile_overlayer_lowered;
	s5 =	simm.s32 $_tile_overlayer_lowered  }
0x9b: {  	s22 =	simm.s32 $0x1BFF;
	s21 =	sshll.u32 s5, $0x1;
	s2 =	sadd.s32 s19, s18  }
0x9c: {  	s6 =	simm.s32 $0x0;
	s20 =	sshll.u32 s4, $0x1;
	s4 =	sadd.s32 s21, s2  }
0x9d: {  	[timem:s6], [sflag:s22] =	dma.local [hbm:s4], s20  }
0x9e: {  	_ =	swait.ge [sflag:s22], s20  }
0x9f: {  	s3 =	ssub.s32 $0x0, s20;
	[sflag:s22] =	ssyncset.done $0x0  }
0xa0: {  	[sflag:s22] =	ssyncadd.s32 s3;
	_ =	sdelay $0x1  }
0xa1: {  	s23 =	simm.s32 $0x1B8B  }
0xa2: {  	_ =	swait.ge [sflag:s23], $0x1  }
0xa3: {  	[sflag:s23] =	ssyncset.done $0x0  }
0xa4: {  	s25 =	simm.s32 $0x1B8E;
	s24 =	sld [smem:$0x3FFE];
	[sflag:s23] =	ssyncadd.s32 $0xFFFFFFFF  }
0xa5: {  	s26 =	simm.s32 $execute0_lowered;
	[smem:$0x3FD2] =	sst s25  }
0xa6: {  	s4 =	sshll.u32 s26, $0x1;
	_ =	strace $0x80000049;
	[dreg:$0x1] =	wrdreg $0xFFFFFFFF  }
0xa7: {  	s28 =	simm.s32 $_size_execute0_lowered;
	s2 =	sadd.s32 s2, s4;
	[dreg:$0x0] =	wrdreg $0x0  }
0xa8: {  	s4 =	sshll.u32 s28, $0x1;
	[dreg:$0x2] =	wrdreg s2  }
0xa9: {  	[dreg:$0x3] =	wrdreg s4  }
0xaa: {  	[dreg:$0x4] =	wrdreg $0xC0  }
0xab: {  	_ =	task [dreg:s6], $0x5FFFF  }
0xac: {  	[dreg:$0x1] =	wrdreg $0xFFFFFFFF  }
0xad: {  	[dreg:$0x0] =	wrdreg $0x60  }
0xae: {  	[dreg:$0x2] =	wrdreg s24  }
0xaf: {  	[dreg:$0x3] =	wrdreg $0x82000  }
0xb0: {  	[dreg:$0x4] =	wrdreg $0x9  }
0xb1: {  	_ =	task.clear_ibuf [dreg:s6], $0x5FFFF;
	_ =	strace $0x90000049  }
0xb2: {  	s29 =	simm.s32 $0x9;
	_ =	strace $0x8000004B  }
0xb3: {  	_ =	swait.ge [sflag:s29], $0x1  }
0xb4: {  	[sflag:s29] =	ssyncadd.s32 $0xFFFFFFFF  }
0xb5: {  	_ =	strace $0x9000004B  }
0xb6: {  	_ =	sfence  }
0xb7: {  	s30 =	sld [smem:$0x0];
	_ =	sdelay $0x2  }
0xb8: {  	s31 =	sshll.u32 s1, $0xD;
	s1 =	sshrl.u32 s1, $0x2  }
0xb9: {  	s3 =	sand.u32 $0x4000, s31;
	s1 =	sadd.s32 s1, s30  }
0xba: {  	s0 =	sor.u32 s3, s0;
	s1 =	sshll.u32 s1, $0x11  }
0xbb: {  	s0 =	sor.u32 s1, s0  }
0xbc: {  	s0 =	sadd.s32 $0x8F2B, s0  }
0xbd: {  	[sflag:s0] =	ssyncadd.remote.s32 $0x1  }
0xbe: {  	_ =	sfence.sel $0xFFFF  }
0xbf: {  	[dreg:$0x0] =	wrdreg $0xFFFFFFFF;
	(pc) =	sbr.abs _section_cstart, $3  }
0xc0: {  	[dreg:$0x1] =	wrdreg $0xFFFFFFFF  }
0xc1: {  	_ =	task.clear_ibuf [dreg:s6], $0x2FFFF;
	_ =	strace $0x9FFFFFFF  }
0xc2: {  	(tm) =	ssettm $0x7FFFFFFF  }
0xc3: {  	_ =	shalt  }
tec
execute0_lowered:
.L_overlay_start_1:
0x0: {  	(tag) =	ssettag $0x1  }
0x1: {  	s0 =	rddreg [dreg:$0x0]  }
0x2: {  	s2 =	rddreg [dreg:$0x1];
	s8 =	stileid.u32  }
0x3: {  	s3 =	simm.s32 $0x0;
	s1 =	srdreg.scid;
	s21 =	simm.s32 $0x200  }
0x4: {  	s22 =	simm.s32 $0x3;
	s28 =	simm.s32 $0x1;
	s4 =	smul.u32 $0x78, s8  }
0x5: {  	s29 =	simm.s32 $0x2;
	s30 =	simm.s32 $0x0;
	s5 =	smul.u32 $0x28, s8  }
0x6: {  	[smem:$0x7FF] =	sst s3;
	s1 =	sand.u32 $0x1, s1;
	s7 =	smul.u32 $0x280, s8  }
0x7: {  	s8 =	smul.u32 $0x50000, s8;
	s24 =	sadd.s32 $0xDE00, s0;
	p0 =	seq.s32 s1, $0x0  }
0x8: {  	_ =	strace $0x8000004A;
	s23 =	smul.u32 $0x2800, s1;
	[dreg:$0x3] =	wrdreg s24  }
0x9: {  	s1 =	ssub.s32 $0x2, s1;
	s24 =	simm.s32 $0x80;
	s6 =	sadd.s32 $0x280, s4  }
0xa: {  	s4 =	sadd.s32 $0x18800, s0;
	s25 =	sshrl.u32 s8, $0x2;
	s26 =	sshrl.u32 s1, $0x1  }
0xb: {  	s6 =	smov.u32 @p0 s5;
	s5 =	sadd.s32 s7, s23;
	s1 =	ssub.s32 s1, s26  }
0xc: {  	s23 =	simm.s32 $0x100;
	s26 =	simm.s32 $0x4200;
	s6 =	sshll.u32 s6, $0x4  }
0xd: {  	s5 =	sshll.u32 s5, $0x4;
	s19 =	smax.u32 s1, $0x1;
	s12 =	sadd.s32 s6, s0  }
0xe: {  	s0 =	sadd.s32 s5, s0;
	s6 =	sadd.s32 s25, s2;
	s5 =	simm.s32 $0x14  }
0xf: {  	s25 =	simm.s32 $0x180;
	s7 =	sadd.s32 $0x4000, s6;
	s8 =	sadd.s32 $0x8000, s6  }
0x10: {  	s9 =	sadd.s32 $0xC000, s6;
	s10 =	sadd.s32 $0x10000, s6;
	s11 =	sadd.s32 $0xE800, s12  }
0x11: {  	s12 =	sadd.s32 $0x3E00, s12;
	s5 =	simm.s32 @!p0 $0x3C;
	s31 =	sadd.s32 $0x40800, s0  }
0x12: {  	s15 =	sadd.s32 $0x41000, s0;
	s16 =	sadd.s32 $0x41800, s0;
	s17 =	sadd.s32 $0x42000, s0  }
0x13: {  	s13 =	sadd.s32 $0xFFFFFFFF, s5;
	[dreg:$0x5] =	wrdreg s31;
	s5 =	sshll.u32 s5, $0x5  }
0x14: {  	s18 =	sadd.s32 $0x42800, s0;
	[dreg:$0x4] =	wrdreg s13;
	s20 =	sadd.s32 $0xFFFFFFE0, s5  }
.LBB2_1:
0x15: {  	s0 =	rddreg [dreg:$0x3]  }
0x16: {  	[tilespmem:s21], [sflag:$0x3] =	stream.linear.gather [hbm4b:s0+s3], $0x4000, $0x38;
	[tilespmem:$0x1C200] =	vst v63  }
0x17: {  	_ =	swait.ge [sflag:s22], $0x4000  }
0x18: {  	[sflag:s22] =	ssyncset.done $0x0  }
0x19: {  	[sflag:s22] =	ssyncadd.s32 $0xFFFFC000  }
0x1a: {  	[spmem:s6] =	stream.linear.scatter [tilespmem:s21], [sflag:$0x3], $0x4000, $0x38;
	[tilespmem:$0x1C200] =	vst v63  }
0x1b: {  	_ =	swait.ge [sflag:s22], $0x4000  }
0x1c: {  	[sflag:s22] =	ssyncset.done $0x0  }
0x1d: {  	[sflag:s22] =	ssyncadd.s32 $0xFFFFC000  }
0x1e: {  	[spmem:s7] =	stream.linear.scatter [tilespmem:s21], [sflag:$0x3], $0x4000, $0x38;
	[tilespmem:$0x1C200] =	vst v63  }
0x1f: {  	_ =	swait.ge [sflag:s22], $0x4000  }
0x20: {  	[sflag:s22] =	ssyncset.done $0x0  }
0x21: {  	[sflag:s22] =	ssyncadd.s32 $0xFFFFC000  }
0x22: {  	[spmem:s8] =	stream.linear.scatter [tilespmem:s21], [sflag:$0x3], $0x4000, $0x38;
	[tilespmem:$0x1C200] =	vst v63  }
0x23: {  	_ =	swait.ge [sflag:s22], $0x4000  }
0x24: {  	[sflag:s22] =	ssyncset.done $0x0  }
0x25: {  	[sflag:s22] =	ssyncadd.s32 $0xFFFFC000  }
0x26: {  	[spmem:s9] =	stream.linear.scatter [tilespmem:s21], [sflag:$0x3], $0x4000, $0x38;
	[tilespmem:$0x1C200] =	vst v63  }
0x27: {  	_ =	swait.ge [sflag:s22], $0x4000  }
0x28: {  	[sflag:s22] =	ssyncset.done $0x0  }
0x29: {  	[sflag:s22] =	ssyncadd.s32 $0xFFFFC000  }
0x2a: {  	[spmem:s10] =	stream.linear.scatter [tilespmem:s21], [sflag:$0x3], $0x4000, $0x38;
	[tilespmem:$0x1C200] =	vst v63  }
0x2b: {  	_ =	swait.ge [sflag:s22], $0x4000  }
0x2c: {  	[sflag:s22] =	ssyncset.done $0x0  }
0x2d: {  	[sflag:s22] =	ssyncadd.s32 $0xFFFFC000  }
0x2e: {  	[bflag:$0x0] =	sbarrier.arrive $0xFFFF  }
0x2f: {  	[tilespmem:s3], [sflag:$0x3] =	stream.linear.gather [hbm4b:s11+s3], $0x80, $0x38;
	[tilespmem:$0x1C200] =	vst v63  }
0x30: {  	_ =	swait.ge [sflag:s22], $0x80  }
0x31: {  	[sflag:s22] =	ssyncset.done $0x0  }
0x32: {  	p1 =	sne.s32 s20, $0x20;
	[sflag:s22] =	ssyncadd.s32 $0xFFFFFF80  }
0x33: {  	[tilespmem:s23], [sflag:$0x3] =	stream.linear.gather [hbm4b:s12+s3], $0x80, $0x38;
	[tilespmem:$0x1C200] =	vst v63  }
.Ltmp0:
0x34: {  	_ = 	snop;
	(pc) =	sbr.rel @!p1 .LBB2_2-.Ltmp0, $4  }
0x35: {  	_ =	swait.ge [sflag:s22], $0x80  }
0x36: {  	s1 =	simm.s32 $0x20;
	[sflag:s22] =	ssyncset.done $0x0  }
0x37: {  	s5 =	sadd.s32 $0x0, s11;
	p0 =	por $0x0, $0x0;
	[sflag:s22] =	ssyncadd.s32 $0xFFFFFF80  }
0x38: {  	[tilespmem:s21], [sflag:$0x1] =	stream.indirect.gather [hbm4b:s4+s24], $0x80, s3, s24, $0xb8;
	[tilespmem:$0x1C200] =	vst v63  }
0x39: {  	s0 =	sadd.s32 $0x10, s5  }
0x3a: {  	[tilespmem:s24], [sflag:$0x3] =	stream.linear.gather [hbm4b:s0+s3], $0x80, $0x38;
	[tilespmem:$0x1C200] =	vst v63  }
0x3b: {  	_ =	swait.ge [sflag:s22], $0x80  }
0x3c: {  	s13 =	sadd.s32 $0x0, s12;
	[sflag:s22] =	ssyncset.done $0x0  }
0x3d: {  	s31 =	sadd.s32 $0x10, s13;
	[sflag:s22] =	ssyncadd.s32 $0xFFFFFF80  }
0x3e: {  	[tilespmem:s25], [sflag:$0x3] =	stream.linear.gather [hbm4b:s31+s3], $0x80, $0x38;
	[tilespmem:$0x1C200] =	vst v63  }
0x3f: {  	_ =	swait.ge [sflag:s22], $0x80  }
0x40: {  	[sflag:s22] =	ssyncset.done $0x0  }
0x41: {  	[sflag:s22] =	ssyncadd.s32 $0xFFFFFF80  }
0x42: {  	[tilespmem:s26], [sflag:$0x2] =	stream.indirect.gather [hbm4b:s4+s24], $0x80, s24, s24, $0xb8;
	[tilespmem:$0x1C200] =	vst v63  }
0x43: {  	_ =	swait.ge [sflag:s28], $0x4000  }
0x44: {  	[sflag:s28] =	ssyncset.done $0x0  }
0x45: {  	[sflag:s28] =	ssyncadd.s32 $0xFFFFC000  }
0x46: {  	[spmem:s2] =	stream.indirect.scatter.add.f32 [tilespmem:s21], [sflag:$0x3], $0x80, s23, s24, $0xb8;
	[tilespmem:$0x1C200] =	vst v63  }
0x47: {  	_ =	swait.ge [sflag:s22], $0x4000  }
0x48: {  	[sflag:s22] =	ssyncset.done $0x0  }
0x49: {  	s14 =	sadd.s32 $0x20, s5;
	[sflag:s22] =	ssyncadd.s32 $0xFFFFC000  }
0x4a: {  	[tilespmem:s3], [sflag:$0x3] =	stream.linear.gather [hbm4b:s14+s3], $0x80, $0x38;
	[tilespmem:$0x1C200] =	vst v63  }
0x4b: {  	_ =	swait.ge [sflag:s22], $0x80  }
0x4c: {  	[sflag:s22] =	ssyncset.done $0x0  }
0x4d: {  	s0 =	sadd.s32 $0x20, s13;
	[sflag:s22] =	ssyncadd.s32 $0xFFFFFF80  }
0x4e: {  	[tilespmem:s23], [sflag:$0x3] =	stream.linear.gather [hbm4b:s0+s3], $0x80, $0x38;
	[tilespmem:$0x1C200] =	vst v63  }
0x4f: {  	_ =	swait.ge [sflag:s22], $0x80  }
0x50: {  	[sflag:s22] =	ssyncset.done $0x0  }
0x51: {  	[sflag:s22] =	ssyncadd.s32 $0xFFFFFF80  }
0x52: {  	[tilespmem:s21], [sflag:$0x1] =	stream.indirect.gather [hbm4b:s4+s24], $0x80, s3, s24, $0xb8;
	[tilespmem:$0x1C200] =	vst v63  }
0x53: {  	p1 =	sne.s32 s20, $0x40;
	_ =	swait.ge [sflag:s29], $0x4000  }
.Ltmp1:
0x54: {  	[sflag:s29] =	ssyncset.done $0x0;
	(pc) =	sbr.rel @!p1 .LBB2_5-.Ltmp1, $4  }
0x55: {  	[sflag:s29] =	ssyncadd.s32 $0xFFFFC000  }
0x56: {  	[spmem:s2] =	stream.indirect.scatter.add.f32 [tilespmem:s26], [sflag:$0x3], $0x80, s25, s24, $0xb8;
	[tilespmem:$0x1C200] =	vst v63  }
0x57: {  	s5 =	sadd.s32 $0x20, s11;
	p0 =	por $0x1, $0x1;
	_ =	swait.ge [sflag:s22], $0x4000  }
0x58: {  	s31 =	simm.s32 $0x40;
	s0 =	simm.s32 $0x1;
	[sflag:s22] =	ssyncset.done $0x0  }
.LBB2_4:
0x59: {  	s13 =	sadd.s32 $0x10, s5  }
0x5a: {  	[sflag:s22] =	ssyncadd.s32 $0xFFFFC000;
	s14 =	smov.u32 s31;
	s31 =	sadd.s32 $0x20, s31  }
0x5b: {  	[tilespmem:s24], [sflag:$0x3] =	stream.linear.gather [hbm4b:s13+s3], $0x80, $0x38;
	[tilespmem:$0x1C200] =	vst v63  }
0x5c: {  	p1 =	sne.s32 s20, s31;
	_ =	swait.ge [sflag:s22], $0x80  }
0x5d: {  	s13 =	sadd.s32 s1, s12;
	s1 =	smov.u32 s14;
	[sflag:s22] =	ssyncset.done $0x0  }
0x5e: {  	s14 =	sadd.s32 $0x10, s13;
	[sflag:s22] =	ssyncadd.s32 $0xFFFFFF80  }
0x5f: {  	[tilespmem:s25], [sflag:$0x3] =	stream.linear.gather [hbm4b:s14+s3], $0x80, $0x38;
	[tilespmem:$0x1C200] =	vst v63  }
0x60: {  	_ =	swait.ge [sflag:s22], $0x80  }
0x61: {  	[sflag:s22] =	ssyncset.done $0x0  }
0x62: {  	[sflag:s22] =	ssyncadd.s32 $0xFFFFFF80  }
0x63: {  	[tilespmem:s26], [sflag:$0x2] =	stream.indirect.gather [hbm4b:s4+s24], $0x80, s24, s24, $0xb8;
	[tilespmem:$0x1C200] =	vst v63  }
0x64: {  	_ =	swait.ge [sflag:s28], $0x4000  }
0x65: {  	[sflag:s28] =	ssyncset.done $0x0  }
0x66: {  	[sflag:s28] =	ssyncadd.s32 $0xFFFFC000  }
0x67: {  	[spmem:s2] =	stream.indirect.scatter.add.f32 [tilespmem:s21], [sflag:$0x3], $0x80, s23, s24, $0xb8;
	[tilespmem:$0x1C200] =	vst v63  }
0x68: {  	_ =	swait.ge [sflag:s22], $0x4000  }
0x69: {  	[sflag:s22] =	ssyncset.done $0x0  }
0x6a: {  	s5 =	sadd.s32 $0x20, s5;
	[sflag:s22] =	ssyncadd.s32 $0xFFFFC000  }
0x6b: {  	[tilespmem:s3], [sflag:$0x3] =	stream.linear.gather [hbm4b:s5+s3], $0x80, $0x38;
	[tilespmem:$0x1C200] =	vst v63  }
0x6c: {  	_ =	swait.ge [sflag:s22], $0x80  }
0x6d: {  	[sflag:s22] =	ssyncset.done $0x0  }
0x6e: {  	s5 =	sadd.s32 $0x20, s13;
	[sflag:s22] =	ssyncadd.s32 $0xFFFFFF80  }
0x6f: {  	[tilespmem:s23], [sflag:$0x3] =	stream.linear.gather [hbm4b:s5+s3], $0x80, $0x38;
	[tilespmem:$0x1C200] =	vst v63  }
0x70: {  	_ =	swait.ge [sflag:s22], $0x80  }
0x71: {  	[sflag:s22] =	ssyncset.done $0x0  }
0x72: {  	[sflag:s22] =	ssyncadd.s32 $0xFFFFFF80  }
0x73: {  	[tilespmem:s21], [sflag:$0x1] =	stream.indirect.gather [hbm4b:s4+s24], $0x80, s3, s24, $0xb8;
	[tilespmem:$0x1C200] =	vst v63  }
0x74: {  	_ =	swait.ge [sflag:s29], $0x4000  }
.Ltmp2:
0x75: {  	[sflag:s29] =	ssyncset.done $0x0;
	(pc) =	sbr.rel @p1 .LBB2_4-.Ltmp2, $4  }
0x76: {  	[sflag:s29] =	ssyncadd.s32 $0xFFFFC000  }
0x77: {  	[spmem:s2] =	stream.indirect.scatter.add.f32 [tilespmem:s26], [sflag:$0x3], $0x80, s25, s24, $0xb8;
	[tilespmem:$0x1C200] =	vst v63  }
0x78: {  	_ =	swait.ge [sflag:s22], $0x4000  }
0x79: {  	s0 =	sadd.s32 $0x1, s0;
	s5 =	sadd.s32 s1, s11;
	[sflag:s22] =	ssyncset.done $0x0  }
.LBB2_5:
0x7a: {  	s13 =	sadd.s32 $0x10, s5;
	[sflag:s22] =	ssyncadd.s32 @p0 $0xFFFFC000  }
0x7b: {  	[tilespmem:s24], [sflag:$0x3] =	stream.linear.gather [hbm4b:s13+s3], $0x80, $0x38;
	[tilespmem:$0x1C200] =	vst v63  }
0x7c: {  	_ =	swait.ge [sflag:s22], $0x80  }
0x7d: {  	s1 =	sadd.s32 s1, s12;
	[sflag:s22] =	ssyncset.done $0x0  }
0x7e: {  	s14 =	sadd.s32 $0x10, s1;
	[sflag:s22] =	ssyncadd.s32 $0xFFFFFF80  }
0x7f: {  	[tilespmem:s25], [sflag:$0x3] =	stream.linear.gather [hbm4b:s14+s3], $0x80, $0x38;
	[tilespmem:$0x1C200] =	vst v63  }
0x80: {  	_ =	swait.ge [sflag:s22], $0x80  }
0x81: {  	[sflag:s22] =	ssyncset.done $0x0  }
0x82: {  	[sflag:s22] =	ssyncadd.s32 $0xFFFFFF80  }
0x83: {  	[tilespmem:s26], [sflag:$0x2] =	stream.indirect.gather [hbm4b:s4+s24], $0x80, s24, s24, $0xb8;
	[tilespmem:$0x1C200] =	vst v63  }
0x84: {  	_ =	swait.ge [sflag:s28], $0x4000  }
0x85: {  	[sflag:s28] =	ssyncset.done $0x0  }
0x86: {  	[sflag:s28] =	ssyncadd.s32 $0xFFFFC000  }
0x87: {  	[spmem:s2] =	stream.indirect.scatter.add.f32 [tilespmem:s21], [sflag:$0x3], $0x80, s23, s24, $0xb8;
	[tilespmem:$0x1C200] =	vst v63  }
0x88: {  	_ =	swait.ge [sflag:s22], $0x4000  }
0x89: {  	[sflag:s22] =	ssyncset.done $0x0  }
0x8a: {  	s14 =	sadd.s32 $0x20, s5;
	[sflag:s22] =	ssyncadd.s32 $0xFFFFC000  }
0x8b: {  	[tilespmem:s3], [sflag:$0x3] =	stream.linear.gather [hbm4b:s14+s3], $0x80, $0x38;
	[tilespmem:$0x1C200] =	vst v63  }
0x8c: {  	_ =	swait.ge [sflag:s22], $0x80  }
0x8d: {  	[sflag:s22] =	ssyncset.done $0x0  }
0x8e: {  	s1 =	sadd.s32 $0x20, s1;
	[sflag:s22] =	ssyncadd.s32 $0xFFFFFF80  }
0x8f: {  	[tilespmem:s23], [sflag:$0x3] =	stream.linear.gather [hbm4b:s1+s3], $0x80, $0x38;
	[tilespmem:$0x1C200] =	vst v63  }
0x90: {  	_ =	swait.ge [sflag:s22], $0x80  }
0x91: {  	[sflag:s22] =	ssyncset.done $0x0  }
0x92: {  	[sflag:s22] =	ssyncadd.s32 $0xFFFFFF80  }
0x93: {  	[tilespmem:s21], [sflag:$0x1] =	stream.indirect.gather [hbm4b:s4+s24], $0x80, s3, s24, $0xb8;
	[tilespmem:$0x1C200] =	vst v63  }
0x94: {  	_ =	swait.ge [sflag:s29], $0x4000  }
0x95: {  	[sflag:s29] =	ssyncset.done $0x0  }
0x96: {  	[sflag:s29] =	ssyncadd.s32 $0xFFFFC000  }
0x97: {  	[spmem:s2] =	stream.indirect.scatter.add.f32 [tilespmem:s26], [sflag:$0x3], $0x80, s25, s24, $0xb8;
	[tilespmem:$0x1C200] =	vst v63  }
0x98: {  	_ =	swait.ge [sflag:s22], $0x4000  }
0x99: {  	s5 =	sadd.s32 s31, s11;
	[sflag:s22] =	ssyncset.done $0x0  }
0x9a: {  	s1 =	sadd.s32 $0x10, s5;
	[sflag:s22] =	ssyncadd.s32 $0xFFFFC000  }
0x9b: {  	[tilespmem:s24], [sflag:$0x3] =	stream.linear.gather [hbm4b:s1+s3], $0x80, $0x38;
	[tilespmem:$0x1C200] =	vst v63  }
0x9c: {  	_ =	swait.ge [sflag:s22], $0x80  }
0x9d: {  	s13 =	sadd.s32 s31, s12;
	[sflag:s22] =	ssyncset.done $0x0  }
0x9e: {  	s1 =	sadd.s32 $0x10, s13;
	[sflag:s22] =	ssyncadd.s32 $0xFFFFFF80  }
0x9f: {  	[tilespmem:s25], [sflag:$0x3] =	stream.linear.gather [hbm4b:s1+s3], $0x80, $0x38;
	[tilespmem:$0x1C200] =	vst v63  }
0xa0: {  	_ =	swait.ge [sflag:s22], $0x80  }
0xa1: {  	[sflag:s22] =	ssyncset.done $0x0  }
0xa2: {  	[sflag:s22] =	ssyncadd.s32 $0xFFFFFF80  }
0xa3: {  	[tilespmem:s26], [sflag:$0x2] =	stream.indirect.gather [hbm4b:s4+s24], $0x80, s24, s24, $0xb8;
	[tilespmem:$0x1C200] =	vst v63  }
0xa4: {  	_ =	swait.ge [sflag:s28], $0x4000  }
0xa5: {  	[sflag:s28] =	ssyncset.done $0x0  }
0xa6: {  	[sflag:s28] =	ssyncadd.s32 $0xFFFFC000  }
0xa7: {  	[spmem:s2] =	stream.indirect.scatter.add.f32 [tilespmem:s21], [sflag:$0x3], $0x80, s23, s24, $0xb8;
	[tilespmem:$0x1C200] =	vst v63  }
0xa8: {  	_ =	swait.ge [sflag:s22], $0x4000  }
0xa9: {  	s0 =	sadd.s32 $0x1, s0;
	s14 =	rddreg [dreg:$0x4]  }
0xaa: {  	p0 =	sge.u32 s0, s14  }
0xab: {  	[sflag:s22] =	ssyncset.done $0x0;
	s0 =	sadd.s32 @!p0 s31, s11  }
0xac: {  	[sflag:s22] =	ssyncadd.s32 $0xFFFFC000;
	s1 =	simm.s32 @!p0 $0x0;
	s0 =	sadd.s32 @!p0 $0x20, s0  }
0xad: {  	[tilespmem:s1], [sflag:$0x3] =	stream.linear.gather @!p0 [hbm4b:s0+s1], $0x80, $0x38;
	[tilespmem:$0x1C200] =	vst v63  }
0xae: {  	s0 =	simm.s32 @!p0 $0x3  }
0xaf: {  	_ =	swait.ge @!p0 [sflag:s0], $0x80  }
0xb0: {  	s5 =	sadd.s32 @!p0 s31, s12;
	[sflag:s0] =	ssyncset.done @!p0 $0x0  }
0xb1: {  	s13 =	simm.s32 @!p0 $0x100;
	s5 =	sadd.s32 @!p0 $0x20, s5;
	[sflag:s0] =	ssyncadd.s32 @!p0 $0xFFFFFF80  }
0xb2: {  	[tilespmem:s13], [sflag:$0x3] =	stream.linear.gather @!p0 [hbm4b:s5+s1], $0x80, $0x38;
	[tilespmem:$0x1C200] =	vst v63  }
0xb3: {  	_ =	swait.ge @!p0 [sflag:s0], $0x80  }
0xb4: {  	[sflag:s0] =	ssyncset.done @!p0 $0x0  }
0xb5: {  	s5 =	simm.s32 @!p0 $0x200;
	[sflag:s0] =	ssyncadd.s32 @!p0 $0xFFFFFF80;
	s0 =	simm.s32 @!p0 $0x80  }
0xb6: {  	[tilespmem:s5], [sflag:$0x1] =	stream.indirect.gather @!p0 [hbm4b:s4+s0], $0x80, s1, s0, $0xb8;
	[tilespmem:$0x1C200] =	vst v63  }
0xb7: {  	_ =	swait.ge [sflag:s29], $0x4000  }
0xb8: {  	[sflag:s29] =	ssyncset.done $0x0  }
0xb9: {  	[sflag:s29] =	ssyncadd.s32 $0xFFFFC000  }
0xba: {  	[spmem:s2] =	stream.indirect.scatter.add.f32 [tilespmem:s26], [sflag:$0x3], $0x80, s25, s24, $0xb8;
	[tilespmem:$0x1C200] =	vst v63  }
0xbb: {  	_ =	swait.ge [sflag:s22], $0x4000  }
0xbc: {  	[sflag:s22] =	ssyncset.done $0x0  }
0xbd: {  	[sflag:s22] =	ssyncadd.s32 $0xFFFFC000  }
0xbe: {  	[bflag:$0x0] =	sbarrier.arrive $0xFFFF  }
0xbf: {  	[tilespmem:s21], [sflag:$0x3] =	stream.linear.gather [spmem:s6], $0x4000, $0x38;
	[tilespmem:$0x1C200] =	vst v63  }
0xc0: {  	_ =	swait.ge [sflag:s22], $0x4000  }
0xc1: {  	[sflag:s22] =	ssyncset.done $0x0  }
0xc2: {  	s31 =	rddreg [dreg:$0x5];
	[sflag:s22] =	ssyncadd.s32 $0xFFFFC000  }
0xc3: {  	[hbm4b:s31+s3] =	stream.linear.scatter [tilespmem:s21], [sflag:$0x3], $0x4000, $0x38;
	[tilespmem:$0x1C200] =	vst v63  }
0xc4: {  	_ =	swait.ge [sflag:s22], $0x4000  }
0xc5: {  	[sflag:s22] =	ssyncset.done $0x0  }
0xc6: {  	[sflag:s22] =	ssyncadd.s32 $0xFFFFC000  }
0xc7: {  	[tilespmem:s21], [sflag:$0x3] =	stream.linear.gather [spmem:s7], $0x4000, $0x38;
	[tilespmem:$0x1C200] =	vst v63  }
0xc8: {  	_ =	swait.ge [sflag:s22], $0x4000  }
0xc9: {  	[sflag:s22] =	ssyncset.done $0x0  }
0xca: {  	[sflag:s22] =	ssyncadd.s32 $0xFFFFC000  }
0xcb: {  	[hbm4b:s15+s3] =	stream.linear.scatter [tilespmem:s21], [sflag:$0x3], $0x4000, $0x38;
	[tilespmem:$0x1C200] =	vst v63  }
0xcc: {  	_ =	swait.ge [sflag:s22], $0x4000  }
0xcd: {  	[sflag:s22] =	ssyncset.done $0x0  }
0xce: {  	[sflag:s22] =	ssyncadd.s32 $0xFFFFC000  }
0xcf: {  	[tilespmem:s21], [sflag:$0x3] =	stream.linear.gather [spmem:s8], $0x4000, $0x38;
	[tilespmem:$0x1C200] =	vst v63  }
0xd0: {  	_ =	swait.ge [sflag:s22], $0x4000  }
0xd1: {  	[sflag:s22] =	ssyncset.done $0x0  }
0xd2: {  	[sflag:s22] =	ssyncadd.s32 $0xFFFFC000  }
0xd3: {  	[hbm4b:s16+s3] =	stream.linear.scatter [tilespmem:s21], [sflag:$0x3], $0x4000, $0x38;
	[tilespmem:$0x1C200] =	vst v63  }
0xd4: {  	_ =	swait.ge [sflag:s22], $0x4000  }
0xd5: {  	[sflag:s22] =	ssyncset.done $0x0  }
0xd6: {  	[sflag:s22] =	ssyncadd.s32 $0xFFFFC000  }
0xd7: {  	[tilespmem:s21], [sflag:$0x3] =	stream.linear.gather [spmem:s9], $0x4000, $0x38;
	[tilespmem:$0x1C200] =	vst v63  }
0xd8: {  	_ =	swait.ge [sflag:s22], $0x4000  }
0xd9: {  	[sflag:s22] =	ssyncset.done $0x0  }
0xda: {  	[sflag:s22] =	ssyncadd.s32 $0xFFFFC000  }
0xdb: {  	[hbm4b:s17+s3] =	stream.linear.scatter [tilespmem:s21], [sflag:$0x3], $0x4000, $0x38;
	[tilespmem:$0x1C200] =	vst v63  }
0xdc: {  	_ =	swait.ge [sflag:s22], $0x4000  }
0xdd: {  	[sflag:s22] =	ssyncset.done $0x0  }
0xde: {  	[sflag:s22] =	ssyncadd.s32 $0xFFFFC000  }
0xdf: {  	[tilespmem:s21], [sflag:$0x3] =	stream.linear.gather [spmem:s10], $0x4000, $0x38;
	[tilespmem:$0x1C200] =	vst v63  }
0xe0: {  	_ =	swait.ge [sflag:s22], $0x4000  }
0xe1: {  	s30 =	sadd.s32 $0x1, s30;
	[sflag:s22] =	ssyncset.done $0x0  }
0xe2: {  	p0 =	sne.s32 s30, s19;
	[sflag:s22] =	ssyncadd.s32 $0xFFFFC000  }
0xe3: {  	[hbm4b:s18+s3] =	stream.linear.scatter [tilespmem:s21], [sflag:$0x3], $0x4000, $0x38;
	[tilespmem:$0x1C200] =	vst v63  }
.Ltmp3:
0xe4: {  	_ = 	snop;
	(pc) =	sbr.rel @p0 .LBB2_1-.Ltmp3, $4  }
.Ltmp4:
0xe5: {  	_ = 	snop;
	(pc) =	sbr.rel @!p0 .LBB2_6-.Ltmp4, $4  }
0xe6: {  	_ =	swait.ge [sflag:s22], $0x4000  }
0xe7: {  	[sflag:s22] =	ssyncset.done $0x0  }
0xe8: {  	[sflag:s22] =	ssyncadd.s32 $0xFFFFC000  }
0xe9: {  	_ = 	snop  }
.LBB2_2:
.Ltmp5:
0xea: {  	(pc) =	sbr.rel .LBB2_5-.Ltmp5, $2  }
0xeb: {  	_ =	sdelay $0x2  }
0xec: {  	s31 =	simm.s32 $0x20;
	s1 =	simm.s32 $0x0;
	s0 =	simm.s32 $0x0  }
.LBB2_6:
0xed: {  	_ =	sfence.sel $0x180000  }
0xee: {  	[bflag:$0x0] =	sbarrier.arrive $0xFFFF  }
0xef: {  	_ =	strace $0x9000004A  }
0xf0: {  	s0 =	stileid.u32;
	[bflag:$0x2] =	sbarrier.arrive $0xFFFF  }
0xf1: {  	p0 =	sne.s32 s0, $0x0;
	s0 =	rddreg [dreg:$0x2]  }
0xf2: {  	s0 =	sadd.s32 @!p0 $0x100000, s0  }
0xf3: {  	[sflag:s0] =	ssyncadd.tile.s32 @!p0 $0x1;
	_ =	shalt  }
.Lfunc_end2:
_tile_overlayer_lowered:
.L_overlay_start_2:
0xf4: {  	(tag) =	ssettag $0x2  }
0xf5: {  	s0 =	rddreg [dreg:$0x0];
	s2 =	stileid.u32  }
0xf6: {  	s1 =	rddreg [dreg:$0x1];
	p0 =	sne.s32 s2, $0x0  }
0xf7: {  	s3 =	rddreg [dreg:$0x2];
	[bflag:$0x3] =	sbarrier.arrive $0xFFFF;
	s2 =	simm.s32 @!p0 $0x1C03  }
0xf8: {  	[timem:s3], [sflag:s2] =	dma.local @!p0 [hbm:s0], s1  }
0xf9: {  	s0 =	simm.s32 @!p0 $0x3  }
0xfa: {  	_ =	swait.ge @!p0 [sflag:s0], s1  }
0xfb: {  	s1 =	ssub.s32 @!p0 $0x0, s1;
	[sflag:s0] =	ssyncset.done @!p0 $0x0  }
0xfc: {  	[sflag:s0] =	ssyncadd.s32 @!p0 s1  }
0xfd: {  	[bflag:$0x3] =	sbarrier.arrive $0xFFFF  }
0xfe: {  	_ =	shalt  }

// kernel: kernel.16.cloned.1.call-start
scs
__scs_entry_jumppad:
0x0: {  	(pc) =	sbr.rel $0x88, $3  }
0x1: {  	(tag) =	ssettag $0x0;
	lr =	simm.s32 $0x1  }
0x2: {  	[smem:$0x3F8A] =	sst lr;
	_ =	strace $0xD0000000  }
0x3: {  	_ = 	snop  }
0x4: {  	_ = 	snop  }
0x5: {  	_ = 	snop  }
0x6: {  	_ = 	snop  }
0x7: {  	_ = 	snop  }
__scs_overlays_trampoline_lowered:
0x8: {  	[smem:$0x3F99] =	sst s0  }
0x9: {  	[smem:$0x3F9A] =	sst s1  }
0xa: {  	[smem:$0x3F9B] =	sst s2  }
0xb: {  	[smem:$0x3F9C] =	sst s3  }
0xc: {  	[smem:$0x3F9D] =	sst s4  }
0xd: {  	[smem:$0x3F9E] =	sst s5  }
0xe: {  	[smem:$0x3F9F] =	sst s6  }
0xf: {  	[smem:$0x3FA0] =	sst s7  }
0x10: {  	[smem:$0x3FA1] =	sst s8  }
0x11: {  	[smem:$0x3FA2] =	sst s9;
	s0 =	simm.s32 @!p0 $0x0  }
0x12: {  	s1 =	sld [smem:$0x3F88];
	s0 =	simm.s32 @p0 $0x1  }
0x13: {  	[smem:$0x3FA3] =	sst s0;
	s0 =	simm.s32 @!p1 $0x0  }
0x14: {  	s2 =	sld [smem:$0x3F87];
	s0 =	simm.s32 @p1 $0x1  }
0x15: {  	[smem:$0x3FA4] =	sst s0;
	s0 =	simm.s32 @!p2 $0x0  }
0x16: {  	s3 =	sld [smem:$0x3FDB];
	s0 =	simm.s32 @p2 $0x1  }
0x17: {  	s4 =	simm.s32 $0x1BF5;
	[smem:$0x3FA6] =	sst s0  }
0x18: {  	s0 =	sld [smem:$0x3F89];
	_ =	swait.ge [sflag:s4], $0x0  }
0x19: {  	s7 =	sld [smem:$0x3F8A]  }
0x1a: {  	s8 =	sadd.s32 $0xFFFFE003, lr  }
0x1b: {  	s9 =	sadd.s32 $0xFFFFFEF7, lr;
	s5 =	simm.s32 $0xFFFFFFFF;
	p2 =	slt.u32 s8, $0xFFFFF086  }
0x1c: {  	p1 =	slt.u32 s9, $0xF7A;
	s5 =	simm.s32 @!p2 $0x0  }
0x1d: {  	s5 =	simm.s32 @p1 $0x1;
	p0 =	seq.s32 s7, s2  }
0x1e: {  	s7 =	smul.u32 @!p0 $0xF7A, s2;
	p2 =	seq.s32 @!p0 s5, $0x0  }
0x1f: {  	s9 =	smul.u32 $0xF7A, s1;
	s8 =	simm.s32 @!p0 $0x1BF5;
	p2 =	por !p2, p0  }
0x20: {  	[sflag:s8] =	ssyncset.s32 @!p0 $0xFFFFF086;
	s6 =	sadd.s32 @!p0 s3, s7;
	s7 =	simm.s32 @!p0 $0x108  }
0x21: {  	s3 =	sadd.s32 s3, s9;
	s6 =	sadd.s32 @!p0 $0x88, s6;
	s7 =	simm.s32 @p2 $0x1082  }
0x22: {  	[simem:s7], [sflag:s8] =	dma.local @!p0 [hbm:s6], $0xF7A  }
0x23: {  	s9 =	sor.u32 $0xD0000000, s2;
	s6 =	simm.s32 $0x108;
	_ =	swait.ge @!p0 [sflag:s8], $0x0  }
0x24: {  	s3 =	sadd.s32 $0x88, s3;
	s6 =	simm.s32 @!p1 $0x1082;
	[sflag:s4] =	ssyncset.s32 $0xFFFFF086  }
0x25: {  	[simem:s6], [sflag:s4] =	dma.local [hbm:s3], $0xF7A  }
0x26: {  	[smem:$0x3F8A] =	sst s1;
	(tag) =	ssettag s2;
	_ =	strace s9  }
0x27: {  	s1 =	sld [smem:$0x3F9A]  }
0x28: {  	s2 =	sld [smem:$0x3F9B]  }
0x29: {  	s4 =	sld [smem:$0x3F9D]  }
0x2a: {  	p0 =	seq.s32 s5, $0x0;
	s5 =	sld [smem:$0x3F9E]  }
0x2b: {  	s6 =	sld [smem:$0x3F9F]  }
0x2c: {  	s7 =	sld [smem:$0x3FA0]  }
0x2d: {  	s3 =	simm.s32 $0x108;
	s8 =	sld [smem:$0x3FA1]  }
0x2e: {  	s3 =	simm.s32 @!p0 $0x1082;
	s9 =	sld [smem:$0x3FA2]  }
0x2f: {  	lr =	sadd.s32 s0, s3;
	s0 =	sld [smem:$0x3F99]  }
0x30: {  	s3 =	sld [smem:$0x3F9C]  }
0x31: {  	[smem:$0x3FA5] =	sst s10  }
0x32: {  	s10 =	sld [smem:$0x3FA3];
	_ =	sdelay $0x3  }
0x33: {  	p0 =	seq.s32 s10, $0x1;
	s10 =	sld [smem:$0x3FA5];
	_ =	sdelay $0x3  }
0x34: {  	[smem:$0x3FA5] =	sst s10  }
0x35: {  	s10 =	sld [smem:$0x3FA4];
	_ =	sdelay $0x3  }
0x36: {  	p1 =	seq.s32 s10, $0x1;
	s10 =	sld [smem:$0x3FA5];
	_ =	sdelay $0x3  }
0x37: {  	[smem:$0x3FA5] =	sst s10  }
0x38: {  	s10 =	sld [smem:$0x3FA6]  }
0x39: {  	_ = 	snop;
	(pc) =	sbr.ind lr, $3  }
0x3a: {  	_ = 	snop  }
0x3b: {  	_ = 	snop  }
0x3c: {  	p2 =	seq.s32 s10, $0x1;
	s10 =	sld [smem:$0x3FA5]  }
0x3d: {  	_ =	shalt  }
0x3e: {  	_ =	shalt  }
0x3f: {  	_ =	shalt  }
0x40: {  	_ =	shalt  }
0x41: {  	_ =	shalt  }
0x42: {  	_ =	shalt  }
0x43: {  	_ =	shalt  }
0x44: {  	_ =	shalt  }
0x45: {  	_ =	shalt  }
0x46: {  	_ =	shalt  }
0x47: {  	_ =	shalt  }
0x48: {  	_ =	shalt  }
0x49: {  	_ =	shalt  }
0x4a: {  	_ =	shalt  }
0x4b: {  	_ =	shalt  }
0x4c: {  	_ =	shalt  }
0x4d: {  	_ =	shalt  }
0x4e: {  	_ =	shalt  }
0x4f: {  	_ =	shalt  }
0x50: {  	_ =	shalt  }
0x51: {  	_ =	shalt  }
0x52: {  	_ =	shalt  }
0x53: {  	_ =	shalt  }
0x54: {  	_ =	shalt  }
0x55: {  	_ =	shalt  }
0x56: {  	_ =	shalt  }
0x57: {  	_ =	shalt  }
0x58: {  	_ =	shalt  }
0x59: {  	_ =	shalt  }
0x5a: {  	_ =	shalt  }
0x5b: {  	_ =	shalt  }
0x5c: {  	_ =	shalt  }
0x5d: {  	_ =	shalt  }
0x5e: {  	_ =	shalt  }
0x5f: {  	_ =	shalt  }
0x60: {  	_ =	shalt  }
0x61: {  	_ =	shalt  }
0x62: {  	_ =	shalt  }
0x63: {  	_ =	shalt  }
0x64: {  	_ =	shalt  }
0x65: {  	_ =	shalt  }
0x66: {  	_ =	shalt  }
0x67: {  	_ =	shalt  }
0x68: {  	_ =	shalt  }
0x69: {  	_ =	shalt  }
0x6a: {  	_ =	shalt  }
0x6b: {  	_ =	shalt  }
0x6c: {  	_ =	shalt  }
0x6d: {  	_ =	shalt  }
0x6e: {  	_ =	shalt  }
0x6f: {  	_ =	shalt  }
0x70: {  	_ =	shalt  }
0x71: {  	_ =	shalt  }
0x72: {  	_ =	shalt  }
0x73: {  	_ =	shalt  }
0x74: {  	_ =	shalt  }
0x75: {  	_ =	shalt  }
0x76: {  	_ =	shalt  }
0x77: {  	_ =	shalt  }
0x78: {  	_ =	shalt  }
0x79: {  	_ =	shalt  }
0x7a: {  	_ =	shalt  }
0x7b: {  	_ =	shalt  }
0x7c: {  	_ =	shalt  }
0x7d: {  	_ =	shalt  }
0x7e: {  	_ =	shalt  }
0x7f: {  	_ =	shalt  }
0x80: {  	_ =	shalt  }
0x81: {  	_ =	shalt  }
0x82: {  	_ =	shalt  }
0x83: {  	_ =	shalt  }
0x84: {  	_ =	shalt  }
0x85: {  	_ =	shalt  }
0x86: {  	_ =	shalt  }
0x87: {  	_ =	shalt  }
.Lfunc_end0:
.L_simem_size_0:
called_computation.2_lowered:
.L_overlay_start_0:
0x88: {  	s2 =	sld [smem:$0x3FD9]  }
0x89: {  	s3 =	sld [smem:$0x3FFE];
	_ =	sdelay $0x1  }
0x8a: {  	s1 =	srdreg.scid  }
0x8b: {  	s0 =	sand.u32 $0x1, s1  }
0x8c: {  	s16 =	sshll.u32 s0, $0xA;
	s2 =	sadd.s32 s3, s2  }
0x8d: {  	s2 =	sadd.s32 s2, s16  }
0x8e: {  	[smem:$0x3FB1] =	sst s2  }
0x8f: {  	_ = 	snop  }
0x90: {  	(tm) =	ssettm $0x1  }
0x91: {  	s17 =	sld [smem:$0x3FFB];
	_ =	sdelay $0x3  }
0x92: {  	_ =	strace s17  }
0x93: {  	s2 =	sld [smem:$0x3FFC];
	_ =	sdelay $0x3  }
0x94: {  	_ =	strace s2  }
0x95: {  	s2 =	sld [smem:$0x3FFD];
	_ =	sdelay $0x3  }
0x96: {  	_ =	strace s2  }
0x97: {  	_ =	strace $0x8FFFFFFF  }
0x98: {  	s18 =	sld [smem:$0x3FDB];
	_ =	sdelay $0x1  }
0x99: {  	s19 =	simm.s32 $_scs_section_size  }
0x9a: {  	s4 =	simm.s32 $_size__tile_overlayer_lowered;
	s5 =	simm.s32 $_tile_overlayer_lowered  }
0x9b: {  	s22 =	simm.s32 $0x1BFF;
	s21 =	sshll.u32 s5, $0x1;
	s2 =	sadd.s32 s19, s18  }
0x9c: {  	s6 =	simm.s32 $0x0;
	s20 =	sshll.u32 s4, $0x1;
	s4 =	sadd.s32 s21, s2  }
0x9d: {  	[timem:s6], [sflag:s22] =	dma.local [hbm:s4], s20  }
0x9e: {  	_ =	swait.ge [sflag:s22], s20  }
0x9f: {  	s3 =	ssub.s32 $0x0, s20;
	[sflag:s22] =	ssyncset.done $0x0  }
0xa0: {  	[sflag:s22] =	ssyncadd.s32 s3;
	_ =	sdelay $0x1  }
0xa1: {  	s23 =	simm.s32 $0x1B8B  }
0xa2: {  	_ =	swait.ge [sflag:s23], $0x1  }
0xa3: {  	[sflag:s23] =	ssyncset.done $0x0  }
0xa4: {  	s25 =	simm.s32 $0x1B8E;
	s24 =	sld [smem:$0x3FFE];
	[sflag:s23] =	ssyncadd.s32 $0xFFFFFFFF  }
0xa5: {  	s26 =	simm.s32 $execute0_lowered;
	[smem:$0x3FD2] =	sst s25  }
0xa6: {  	s4 =	sshll.u32 s26, $0x1;
	_ =	strace $0x8000004C;
	[dreg:$0x1] =	wrdreg $0xFFFFFFFF  }
0xa7: {  	s28 =	simm.s32 $_size_execute0_lowered;
	s2 =	sadd.s32 s2, s4;
	[dreg:$0x0] =	wrdreg $0x0  }
0xa8: {  	s4 =	sshll.u32 s28, $0x1;
	[dreg:$0x2] =	wrdreg s2  }
0xa9: {  	[dreg:$0x3] =	wrdreg s4  }
0xaa: {  	[dreg:$0x4] =	wrdreg $0xC0  }
0xab: {  	_ =	task [dreg:s6], $0x5FFFF  }
0xac: {  	[dreg:$0x1] =	wrdreg $0xFFFFFFFF  }
0xad: {  	[dreg:$0x0] =	wrdreg $0x60  }
0xae: {  	[dreg:$0x2] =	wrdreg s24  }
0xaf: {  	[dreg:$0x3] =	wrdreg $0x82000  }
0xb0: {  	[dreg:$0x4] =	wrdreg $0x9  }
0xb1: {  	_ =	task.clear_ibuf [dreg:s6], $0x5FFFF;
	_ =	strace $0x9000004C  }
0xb2: {  	s29 =	simm.s32 $0x9;
	_ =	strace $0x8000004E  }
0xb3: {  	_ =	swait.ge [sflag:s29], $0x1  }
0xb4: {  	[sflag:s29] =	ssyncadd.s32 $0xFFFFFFFF  }
0xb5: {  	_ =	strace $0x9000004E  }
0xb6: {  	_ =	sfence  }
0xb7: {  	s30 =	sld [smem:$0x0];
	_ =	sdelay $0x2  }
0xb8: {  	s31 =	sshll.u32 s1, $0xD;
	s1 =	sshrl.u32 s1, $0x2  }
0xb9: {  	s3 =	sand.u32 $0x4000, s31;
	s1 =	sadd.s32 s1, s30  }
0xba: {  	s0 =	sor.u32 s3, s0;
	s1 =	sshll.u32 s1, $0x11  }
0xbb: {  	s0 =	sor.u32 s1, s0  }
0xbc: {  	s0 =	sadd.s32 $0x8F2B, s0  }
0xbd: {  	[sflag:s0] =	ssyncadd.remote.s32 $0x1  }
0xbe: {  	_ =	sfence.sel $0xFFFF  }
0xbf: {  	[dreg:$0x0] =	wrdreg $0xFFFFFFFF;
	(pc) =	sbr.abs _section_cstart, $3  }
0xc0: {  	[dreg:$0x1] =	wrdreg $0xFFFFFFFF  }
0xc1: {  	_ =	task.clear_ibuf [dreg:s6], $0x2FFFF;
	_ =	strace $0x9FFFFFFF  }
0xc2: {  	(tm) =	ssettm $0x7FFFFFFF  }
0xc3: {  	_ =	shalt  }
tec
execute0_lowered:
.L_overlay_start_1:
0x0: {  	(tag) =	ssettag $0x1  }
0x1: {  	s0 =	rddreg [dreg:$0x0]  }
0x2: {  	s2 =	rddreg [dreg:$0x1];
	s8 =	stileid.u32  }
0x3: {  	s3 =	simm.s32 $0x0;
	s1 =	srdreg.scid;
	s21 =	simm.s32 $0x200  }
0x4: {  	s22 =	simm.s32 $0x3;
	s28 =	simm.s32 $0x1;
	s4 =	smul.u32 $0x78, s8  }
0x5: {  	s29 =	simm.s32 $0x2;
	s30 =	simm.s32 $0x0;
	s5 =	smul.u32 $0x28, s8  }
0x6: {  	[smem:$0x7FF] =	sst s3;
	s1 =	sand.u32 $0x1, s1;
	s7 =	smul.u32 $0x280, s8  }
0x7: {  	s8 =	smul.u32 $0x50000, s8;
	s24 =	sadd.s32 $0xDE00, s0;
	p0 =	seq.s32 s1, $0x0  }
0x8: {  	_ =	strace $0x8000004D;
	s23 =	smul.u32 $0x2800, s1;
	[dreg:$0x3] =	wrdreg s24  }
0x9: {  	s1 =	ssub.s32 $0x2, s1;
	s24 =	simm.s32 $0x80;
	s6 =	sadd.s32 $0x280, s4  }
0xa: {  	s4 =	sadd.s32 $0x18800, s0;
	s25 =	sshrl.u32 s8, $0x2;
	s26 =	sshrl.u32 s1, $0x1  }
0xb: {  	s6 =	smov.u32 @p0 s5;
	s5 =	sadd.s32 s7, s23;
	s1 =	ssub.s32 s1, s26  }
0xc: {  	s23 =	simm.s32 $0x100;
	s26 =	simm.s32 $0x4200;
	s6 =	sshll.u32 s6, $0x4  }
0xd: {  	s5 =	sshll.u32 s5, $0x4;
	s19 =	smax.u32 s1, $0x1;
	s12 =	sadd.s32 s6, s0  }
0xe: {  	s0 =	sadd.s32 s5, s0;
	s6 =	sadd.s32 s25, s2;
	s5 =	simm.s32 $0x14  }
0xf: {  	s25 =	simm.s32 $0x180;
	s7 =	sadd.s32 $0x4000, s6;
	s8 =	sadd.s32 $0x8000, s6  }
0x10: {  	s9 =	sadd.s32 $0xC000, s6;
	s10 =	sadd.s32 $0x10000, s6;
	s11 =	sadd.s32 $0xE800, s12  }
0x11: {  	s12 =	sadd.s32 $0x3E00, s12;
	s5 =	simm.s32 @!p0 $0x3C;
	s31 =	sadd.s32 $0x40800, s0  }
0x12: {  	s15 =	sadd.s32 $0x41000, s0;
	s16 =	sadd.s32 $0x41800, s0;
	s17 =	sadd.s32 $0x42000, s0  }
0x13: {  	s13 =	sadd.s32 $0xFFFFFFFF, s5;
	[dreg:$0x5] =	wrdreg s31;
	s5 =	sshll.u32 s5, $0x5  }
0x14: {  	s18 =	sadd.s32 $0x42800, s0;
	[dreg:$0x4] =	wrdreg s13;
	s20 =	sadd.s32 $0xFFFFFFE0, s5  }
.LBB2_1:
0x15: {  	s0 =	rddreg [dreg:$0x3]  }
0x16: {  	[tilespmem:s21], [sflag:$0x3] =	stream.linear.gather [hbm4b:s0+s3], $0x4000, $0x38;
	[tilespmem:$0x1C200] =	vst v63  }
0x17: {  	_ =	swait.ge [sflag:s22], $0x4000  }
0x18: {  	[sflag:s22] =	ssyncset.done $0x0  }
0x19: {  	[sflag:s22] =	ssyncadd.s32 $0xFFFFC000  }
0x1a: {  	[spmem:s6] =	stream.linear.scatter [tilespmem:s21], [sflag:$0x3], $0x4000, $0x38;
	[tilespmem:$0x1C200] =	vst v63  }
0x1b: {  	_ =	swait.ge [sflag:s22], $0x4000  }
0x1c: {  	[sflag:s22] =	ssyncset.done $0x0  }
0x1d: {  	[sflag:s22] =	ssyncadd.s32 $0xFFFFC000  }
0x1e: {  	[spmem:s7] =	stream.linear.scatter [tilespmem:s21], [sflag:$0x3], $0x4000, $0x38;
	[tilespmem:$0x1C200] =	vst v63  }
0x1f: {  	_ =	swait.ge [sflag:s22], $0x4000  }
0x20: {  	[sflag:s22] =	ssyncset.done $0x0  }
0x21: {  	[sflag:s22] =	ssyncadd.s32 $0xFFFFC000  }
0x22: {  	[spmem:s8] =	stream.linear.scatter [tilespmem:s21], [sflag:$0x3], $0x4000, $0x38;
	[tilespmem:$0x1C200] =	vst v63  }
0x23: {  	_ =	swait.ge [sflag:s22], $0x4000  }
0x24: {  	[sflag:s22] =	ssyncset.done $0x0  }
0x25: {  	[sflag:s22] =	ssyncadd.s32 $0xFFFFC000  }
0x26: {  	[spmem:s9] =	stream.linear.scatter [tilespmem:s21], [sflag:$0x3], $0x4000, $0x38;
	[tilespmem:$0x1C200] =	vst v63  }
0x27: {  	_ =	swait.ge [sflag:s22], $0x4000  }
0x28: {  	[sflag:s22] =	ssyncset.done $0x0  }
0x29: {  	[sflag:s22] =	ssyncadd.s32 $0xFFFFC000  }
0x2a: {  	[spmem:s10] =	stream.linear.scatter [tilespmem:s21], [sflag:$0x3], $0x4000, $0x38;
	[tilespmem:$0x1C200] =	vst v63  }
0x2b: {  	_ =	swait.ge [sflag:s22], $0x4000  }
0x2c: {  	[sflag:s22] =	ssyncset.done $0x0  }
0x2d: {  	[sflag:s22] =	ssyncadd.s32 $0xFFFFC000  }
0x2e: {  	[bflag:$0x0] =	sbarrier.arrive $0xFFFF  }
0x2f: {  	[tilespmem:s3], [sflag:$0x3] =	stream.linear.gather [hbm4b:s11+s3], $0x80, $0x38;
	[tilespmem:$0x1C200] =	vst v63  }
0x30: {  	_ =	swait.ge [sflag:s22], $0x80  }
0x31: {  	[sflag:s22] =	ssyncset.done $0x0  }
0x32: {  	p1 =	sne.s32 s20, $0x20;
	[sflag:s22] =	ssyncadd.s32 $0xFFFFFF80  }
0x33: {  	[tilespmem:s23], [sflag:$0x3] =	stream.linear.gather [hbm4b:s12+s3], $0x80, $0x38;
	[tilespmem:$0x1C200] =	vst v63  }
.Ltmp0:
0x34: {  	_ = 	snop;
	(pc) =	sbr.rel @!p1 .LBB2_2-.Ltmp0, $4  }
0x35: {  	_ =	swait.ge [sflag:s22], $0x80  }
0x36: {  	s1 =	simm.s32 $0x20;
	[sflag:s22] =	ssyncset.done $0x0  }
0x37: {  	s5 =	sadd.s32 $0x0, s11;
	p0 =	por $0x0, $0x0;
	[sflag:s22] =	ssyncadd.s32 $0xFFFFFF80  }
0x38: {  	[tilespmem:s21], [sflag:$0x1] =	stream.indirect.gather [hbm4b:s4+s24], $0x80, s3, s24, $0xb8;
	[tilespmem:$0x1C200] =	vst v63  }
0x39: {  	s0 =	sadd.s32 $0x10, s5  }
0x3a: {  	[tilespmem:s24], [sflag:$0x3] =	stream.linear.gather [hbm4b:s0+s3], $0x80, $0x38;
	[tilespmem:$0x1C200] =	vst v63  }
0x3b: {  	_ =	swait.ge [sflag:s22], $0x80  }
0x3c: {  	s13 =	sadd.s32 $0x0, s12;
	[sflag:s22] =	ssyncset.done $0x0  }
0x3d: {  	s31 =	sadd.s32 $0x10, s13;
	[sflag:s22] =	ssyncadd.s32 $0xFFFFFF80  }
0x3e: {  	[tilespmem:s25], [sflag:$0x3] =	stream.linear.gather [hbm4b:s31+s3], $0x80, $0x38;
	[tilespmem:$0x1C200] =	vst v63  }
0x3f: {  	_ =	swait.ge [sflag:s22], $0x80  }
0x40: {  	[sflag:s22] =	ssyncset.done $0x0  }
0x41: {  	[sflag:s22] =	ssyncadd.s32 $0xFFFFFF80  }
0x42: {  	[tilespmem:s26], [sflag:$0x2] =	stream.indirect.gather [hbm4b:s4+s24], $0x80, s24, s24, $0xb8;
	[tilespmem:$0x1C200] =	vst v63  }
0x43: {  	_ =	swait.ge [sflag:s28], $0x4000  }
0x44: {  	[sflag:s28] =	ssyncset.done $0x0  }
0x45: {  	[sflag:s28] =	ssyncadd.s32 $0xFFFFC000  }
0x46: {  	[spmem:s2] =	stream.indirect.scatter.add.f32 [tilespmem:s21], [sflag:$0x3], $0x80, s23, s24, $0xb8;
	[tilespmem:$0x1C200] =	vst v63  }
0x47: {  	_ =	swait.ge [sflag:s22], $0x4000  }
0x48: {  	[sflag:s22] =	ssyncset.done $0x0  }
0x49: {  	s14 =	sadd.s32 $0x20, s5;
	[sflag:s22] =	ssyncadd.s32 $0xFFFFC000  }
0x4a: {  	[tilespmem:s3], [sflag:$0x3] =	stream.linear.gather [hbm4b:s14+s3], $0x80, $0x38;
	[tilespmem:$0x1C200] =	vst v63  }
0x4b: {  	_ =	swait.ge [sflag:s22], $0x80  }
0x4c: {  	[sflag:s22] =	ssyncset.done $0x0  }
0x4d: {  	s0 =	sadd.s32 $0x20, s13;
	[sflag:s22] =	ssyncadd.s32 $0xFFFFFF80  }
0x4e: {  	[tilespmem:s23], [sflag:$0x3] =	stream.linear.gather [hbm4b:s0+s3], $0x80, $0x38;
	[tilespmem:$0x1C200] =	vst v63  }
0x4f: {  	_ =	swait.ge [sflag:s22], $0x80  }
0x50: {  	[sflag:s22] =	ssyncset.done $0x0  }
0x51: {  	[sflag:s22] =	ssyncadd.s32 $0xFFFFFF80  }
0x52: {  	[tilespmem:s21], [sflag:$0x1] =	stream.indirect.gather [hbm4b:s4+s24], $0x80, s3, s24, $0xb8;
	[tilespmem:$0x1C200] =	vst v63  }
0x53: {  	p1 =	sne.s32 s20, $0x40;
	_ =	swait.ge [sflag:s29], $0x4000  }
.Ltmp1:
0x54: {  	[sflag:s29] =	ssyncset.done $0x0;
	(pc) =	sbr.rel @!p1 .LBB2_5-.Ltmp1, $4  }
0x55: {  	[sflag:s29] =	ssyncadd.s32 $0xFFFFC000  }
0x56: {  	[spmem:s2] =	stream.indirect.scatter.add.f32 [tilespmem:s26], [sflag:$0x3], $0x80, s25, s24, $0xb8;
	[tilespmem:$0x1C200] =	vst v63  }
0x57: {  	s5 =	sadd.s32 $0x20, s11;
	p0 =	por $0x1, $0x1;
	_ =	swait.ge [sflag:s22], $0x4000  }
0x58: {  	s31 =	simm.s32 $0x40;
	s0 =	simm.s32 $0x1;
	[sflag:s22] =	ssyncset.done $0x0  }
.LBB2_4:
0x59: {  	s13 =	sadd.s32 $0x10, s5  }
0x5a: {  	[sflag:s22] =	ssyncadd.s32 $0xFFFFC000;
	s14 =	smov.u32 s31;
	s31 =	sadd.s32 $0x20, s31  }
0x5b: {  	[tilespmem:s24], [sflag:$0x3] =	stream.linear.gather [hbm4b:s13+s3], $0x80, $0x38;
	[tilespmem:$0x1C200] =	vst v63  }
0x5c: {  	p1 =	sne.s32 s20, s31;
	_ =	swait.ge [sflag:s22], $0x80  }
0x5d: {  	s13 =	sadd.s32 s1, s12;
	s1 =	smov.u32 s14;
	[sflag:s22] =	ssyncset.done $0x0  }
0x5e: {  	s14 =	sadd.s32 $0x10, s13;
	[sflag:s22] =	ssyncadd.s32 $0xFFFFFF80  }
0x5f: {  	[tilespmem:s25], [sflag:$0x3] =	stream.linear.gather [hbm4b:s14+s3], $0x80, $0x38;
	[tilespmem:$0x1C200] =	vst v63  }
0x60: {  	_ =	swait.ge [sflag:s22], $0x80  }
0x61: {  	[sflag:s22] =	ssyncset.done $0x0  }
0x62: {  	[sflag:s22] =	ssyncadd.s32 $0xFFFFFF80  }
0x63: {  	[tilespmem:s26], [sflag:$0x2] =	stream.indirect.gather [hbm4b:s4+s24], $0x80, s24, s24, $0xb8;
	[tilespmem:$0x1C200] =	vst v63  }
0x64: {  	_ =	swait.ge [sflag:s28], $0x4000  }
0x65: {  	[sflag:s28] =	ssyncset.done $0x0  }
0x66: {  	[sflag:s28] =	ssyncadd.s32 $0xFFFFC000  }
0x67: {  	[spmem:s2] =	stream.indirect.scatter.add.f32 [tilespmem:s21], [sflag:$0x3], $0x80, s23, s24, $0xb8;
	[tilespmem:$0x1C200] =	vst v63  }
0x68: {  	_ =	swait.ge [sflag:s22], $0x4000  }
0x69: {  	[sflag:s22] =	ssyncset.done $0x0  }
0x6a: {  	s5 =	sadd.s32 $0x20, s5;
	[sflag:s22] =	ssyncadd.s32 $0xFFFFC000  }
0x6b: {  	[tilespmem:s3], [sflag:$0x3] =	stream.linear.gather [hbm4b:s5+s3], $0x80, $0x38;
	[tilespmem:$0x1C200] =	vst v63  }
0x6c: {  	_ =	swait.ge [sflag:s22], $0x80  }
0x6d: {  	[sflag:s22] =	ssyncset.done $0x0  }
0x6e: {  	s5 =	sadd.s32 $0x20, s13;
	[sflag:s22] =	ssyncadd.s32 $0xFFFFFF80  }
0x6f: {  	[tilespmem:s23], [sflag:$0x3] =	stream.linear.gather [hbm4b:s5+s3], $0x80, $0x38;
	[tilespmem:$0x1C200] =	vst v63  }
0x70: {  	_ =	swait.ge [sflag:s22], $0x80  }
0x71: {  	[sflag:s22] =	ssyncset.done $0x0  }
0x72: {  	[sflag:s22] =	ssyncadd.s32 $0xFFFFFF80  }
0x73: {  	[tilespmem:s21], [sflag:$0x1] =	stream.indirect.gather [hbm4b:s4+s24], $0x80, s3, s24, $0xb8;
	[tilespmem:$0x1C200] =	vst v63  }
0x74: {  	_ =	swait.ge [sflag:s29], $0x4000  }
.Ltmp2:
0x75: {  	[sflag:s29] =	ssyncset.done $0x0;
	(pc) =	sbr.rel @p1 .LBB2_4-.Ltmp2, $4  }
0x76: {  	[sflag:s29] =	ssyncadd.s32 $0xFFFFC000  }
0x77: {  	[spmem:s2] =	stream.indirect.scatter.add.f32 [tilespmem:s26], [sflag:$0x3], $0x80, s25, s24, $0xb8;
	[tilespmem:$0x1C200] =	vst v63  }
0x78: {  	_ =	swait.ge [sflag:s22], $0x4000  }
0x79: {  	s0 =	sadd.s32 $0x1, s0;
	s5 =	sadd.s32 s1, s11;
	[sflag:s22] =	ssyncset.done $0x0  }
.LBB2_5:
0x7a: {  	s13 =	sadd.s32 $0x10, s5;
	[sflag:s22] =	ssyncadd.s32 @p0 $0xFFFFC000  }
0x7b: {  	[tilespmem:s24], [sflag:$0x3] =	stream.linear.gather [hbm4b:s13+s3], $0x80, $0x38;
	[tilespmem:$0x1C200] =	vst v63  }
0x7c: {  	_ =	swait.ge [sflag:s22], $0x80  }
0x7d: {  	s1 =	sadd.s32 s1, s12;
	[sflag:s22] =	ssyncset.done $0x0  }
0x7e: {  	s14 =	sadd.s32 $0x10, s1;
	[sflag:s22] =	ssyncadd.s32 $0xFFFFFF80  }
0x7f: {  	[tilespmem:s25], [sflag:$0x3] =	stream.linear.gather [hbm4b:s14+s3], $0x80, $0x38;
	[tilespmem:$0x1C200] =	vst v63  }
0x80: {  	_ =	swait.ge [sflag:s22], $0x80  }
0x81: {  	[sflag:s22] =	ssyncset.done $0x0  }
0x82: {  	[sflag:s22] =	ssyncadd.s32 $0xFFFFFF80  }
0x83: {  	[tilespmem:s26], [sflag:$0x2] =	stream.indirect.gather [hbm4b:s4+s24], $0x80, s24, s24, $0xb8;
	[tilespmem:$0x1C200] =	vst v63  }
0x84: {  	_ =	swait.ge [sflag:s28], $0x4000  }
0x85: {  	[sflag:s28] =	ssyncset.done $0x0  }
0x86: {  	[sflag:s28] =	ssyncadd.s32 $0xFFFFC000  }
0x87: {  	[spmem:s2] =	stream.indirect.scatter.add.f32 [tilespmem:s21], [sflag:$0x3], $0x80, s23, s24, $0xb8;
	[tilespmem:$0x1C200] =	vst v63  }
0x88: {  	_ =	swait.ge [sflag:s22], $0x4000  }
0x89: {  	[sflag:s22] =	ssyncset.done $0x0  }
0x8a: {  	s14 =	sadd.s32 $0x20, s5;
	[sflag:s22] =	ssyncadd.s32 $0xFFFFC000  }
0x8b: {  	[tilespmem:s3], [sflag:$0x3] =	stream.linear.gather [hbm4b:s14+s3], $0x80, $0x38;
	[tilespmem:$0x1C200] =	vst v63  }
0x8c: {  	_ =	swait.ge [sflag:s22], $0x80  }
0x8d: {  	[sflag:s22] =	ssyncset.done $0x0  }
0x8e: {  	s1 =	sadd.s32 $0x20, s1;
	[sflag:s22] =	ssyncadd.s32 $0xFFFFFF80  }
0x8f: {  	[tilespmem:s23], [sflag:$0x3] =	stream.linear.gather [hbm4b:s1+s3], $0x80, $0x38;
	[tilespmem:$0x1C200] =	vst v63  }
0x90: {  	_ =	swait.ge [sflag:s22], $0x80  }
0x91: {  	[sflag:s22] =	ssyncset.done $0x0  }
0x92: {  	[sflag:s22] =	ssyncadd.s32 $0xFFFFFF80  }
0x93: {  	[tilespmem:s21], [sflag:$0x1] =	stream.indirect.gather [hbm4b:s4+s24], $0x80, s3, s24, $0xb8;
	[tilespmem:$0x1C200] =	vst v63  }
0x94: {  	_ =	swait.ge [sflag:s29], $0x4000  }
0x95: {  	[sflag:s29] =	ssyncset.done $0x0  }
0x96: {  	[sflag:s29] =	ssyncadd.s32 $0xFFFFC000  }
0x97: {  	[spmem:s2] =	stream.indirect.scatter.add.f32 [tilespmem:s26], [sflag:$0x3], $0x80, s25, s24, $0xb8;
	[tilespmem:$0x1C200] =	vst v63  }
0x98: {  	_ =	swait.ge [sflag:s22], $0x4000  }
0x99: {  	s5 =	sadd.s32 s31, s11;
	[sflag:s22] =	ssyncset.done $0x0  }
0x9a: {  	s1 =	sadd.s32 $0x10, s5;
	[sflag:s22] =	ssyncadd.s32 $0xFFFFC000  }
0x9b: {  	[tilespmem:s24], [sflag:$0x3] =	stream.linear.gather [hbm4b:s1+s3], $0x80, $0x38;
	[tilespmem:$0x1C200] =	vst v63  }
0x9c: {  	_ =	swait.ge [sflag:s22], $0x80  }
0x9d: {  	s13 =	sadd.s32 s31, s12;
	[sflag:s22] =	ssyncset.done $0x0  }
0x9e: {  	s1 =	sadd.s32 $0x10, s13;
	[sflag:s22] =	ssyncadd.s32 $0xFFFFFF80  }
0x9f: {  	[tilespmem:s25], [sflag:$0x3] =	stream.linear.gather [hbm4b:s1+s3], $0x80, $0x38;
	[tilespmem:$0x1C200] =	vst v63  }
0xa0: {  	_ =	swait.ge [sflag:s22], $0x80  }
0xa1: {  	[sflag:s22] =	ssyncset.done $0x0  }
0xa2: {  	[sflag:s22] =	ssyncadd.s32 $0xFFFFFF80  }
0xa3: {  	[tilespmem:s26], [sflag:$0x2] =	stream.indirect.gather [hbm4b:s4+s24], $0x80, s24, s24, $0xb8;
	[tilespmem:$0x1C200] =	vst v63  }
0xa4: {  	_ =	swait.ge [sflag:s28], $0x4000  }
0xa5: {  	[sflag:s28] =	ssyncset.done $0x0  }
0xa6: {  	[sflag:s28] =	ssyncadd.s32 $0xFFFFC000  }
0xa7: {  	[spmem:s2] =	stream.indirect.scatter.add.f32 [tilespmem:s21], [sflag:$0x3], $0x80, s23, s24, $0xb8;
	[tilespmem:$0x1C200] =	vst v63  }
0xa8: {  	_ =	swait.ge [sflag:s22], $0x4000  }
0xa9: {  	s0 =	sadd.s32 $0x1, s0;
	s14 =	rddreg [dreg:$0x4]  }
0xaa: {  	p0 =	sge.u32 s0, s14  }
0xab: {  	[sflag:s22] =	ssyncset.done $0x0;
	s0 =	sadd.s32 @!p0 s31, s11  }
0xac: {  	[sflag:s22] =	ssyncadd.s32 $0xFFFFC000;
	s1 =	simm.s32 @!p0 $0x0;
	s0 =	sadd.s32 @!p0 $0x20, s0  }
0xad: {  	[tilespmem:s1], [sflag:$0x3] =	stream.linear.gather @!p0 [hbm4b:s0+s1], $0x80, $0x38;
	[tilespmem:$0x1C200] =	vst v63  }
0xae: {  	s0 =	simm.s32 @!p0 $0x3  }
0xaf: {  	_ =	swait.ge @!p0 [sflag:s0], $0x80  }
0xb0: {  	s5 =	sadd.s32 @!p0 s31, s12;
	[sflag:s0] =	ssyncset.done @!p0 $0x0  }
0xb1: {  	s13 =	simm.s32 @!p0 $0x100;
	s5 =	sadd.s32 @!p0 $0x20, s5;
	[sflag:s0] =	ssyncadd.s32 @!p0 $0xFFFFFF80  }
0xb2: {  	[tilespmem:s13], [sflag:$0x3] =	stream.linear.gather @!p0 [hbm4b:s5+s1], $0x80, $0x38;
	[tilespmem:$0x1C200] =	vst v63  }
0xb3: {  	_ =	swait.ge @!p0 [sflag:s0], $0x80  }
0xb4: {  	[sflag:s0] =	ssyncset.done @!p0 $0x0  }
0xb5: {  	s5 =	simm.s32 @!p0 $0x200;
	[sflag:s0] =	ssyncadd.s32 @!p0 $0xFFFFFF80;
	s0 =	simm.s32 @!p0 $0x80  }
0xb6: {  	[tilespmem:s5], [sflag:$0x1] =	stream.indirect.gather @!p0 [hbm4b:s4+s0], $0x80, s1, s0, $0xb8;
	[tilespmem:$0x1C200] =	vst v63  }
0xb7: {  	_ =	swait.ge [sflag:s29], $0x4000  }
0xb8: {  	[sflag:s29] =	ssyncset.done $0x0  }
0xb9: {  	[sflag:s29] =	ssyncadd.s32 $0xFFFFC000  }
0xba: {  	[spmem:s2] =	stream.indirect.scatter.add.f32 [tilespmem:s26], [sflag:$0x3], $0x80, s25, s24, $0xb8;
	[tilespmem:$0x1C200] =	vst v63  }
0xbb: {  	_ =	swait.ge [sflag:s22], $0x4000  }
0xbc: {  	[sflag:s22] =	ssyncset.done $0x0  }
0xbd: {  	[sflag:s22] =	ssyncadd.s32 $0xFFFFC000  }
0xbe: {  	[bflag:$0x0] =	sbarrier.arrive $0xFFFF  }
0xbf: {  	[tilespmem:s21], [sflag:$0x3] =	stream.linear.gather [spmem:s6], $0x4000, $0x38;
	[tilespmem:$0x1C200] =	vst v63  }
0xc0: {  	_ =	swait.ge [sflag:s22], $0x4000  }
0xc1: {  	[sflag:s22] =	ssyncset.done $0x0  }
0xc2: {  	s31 =	rddreg [dreg:$0x5];
	[sflag:s22] =	ssyncadd.s32 $0xFFFFC000  }
0xc3: {  	[hbm4b:s31+s3] =	stream.linear.scatter [tilespmem:s21], [sflag:$0x3], $0x4000, $0x38;
	[tilespmem:$0x1C200] =	vst v63  }
0xc4: {  	_ =	swait.ge [sflag:s22], $0x4000  }
0xc5: {  	[sflag:s22] =	ssyncset.done $0x0  }
0xc6: {  	[sflag:s22] =	ssyncadd.s32 $0xFFFFC000  }
0xc7: {  	[tilespmem:s21], [sflag:$0x3] =	stream.linear.gather [spmem:s7], $0x4000, $0x38;
	[tilespmem:$0x1C200] =	vst v63  }
0xc8: {  	_ =	swait.ge [sflag:s22], $0x4000  }
0xc9: {  	[sflag:s22] =	ssyncset.done $0x0  }
0xca: {  	[sflag:s22] =	ssyncadd.s32 $0xFFFFC000  }
0xcb: {  	[hbm4b:s15+s3] =	stream.linear.scatter [tilespmem:s21], [sflag:$0x3], $0x4000, $0x38;
	[tilespmem:$0x1C200] =	vst v63  }
0xcc: {  	_ =	swait.ge [sflag:s22], $0x4000  }
0xcd: {  	[sflag:s22] =	ssyncset.done $0x0  }
0xce: {  	[sflag:s22] =	ssyncadd.s32 $0xFFFFC000  }
0xcf: {  	[tilespmem:s21], [sflag:$0x3] =	stream.linear.gather [spmem:s8], $0x4000, $0x38;
	[tilespmem:$0x1C200] =	vst v63  }
0xd0: {  	_ =	swait.ge [sflag:s22], $0x4000  }
0xd1: {  	[sflag:s22] =	ssyncset.done $0x0  }
0xd2: {  	[sflag:s22] =	ssyncadd.s32 $0xFFFFC000  }
0xd3: {  	[hbm4b:s16+s3] =	stream.linear.scatter [tilespmem:s21], [sflag:$0x3], $0x4000, $0x38;
	[tilespmem:$0x1C200] =	vst v63  }
0xd4: {  	_ =	swait.ge [sflag:s22], $0x4000  }
0xd5: {  	[sflag:s22] =	ssyncset.done $0x0  }
0xd6: {  	[sflag:s22] =	ssyncadd.s32 $0xFFFFC000  }
0xd7: {  	[tilespmem:s21], [sflag:$0x3] =	stream.linear.gather [spmem:s9], $0x4000, $0x38;
	[tilespmem:$0x1C200] =	vst v63  }
0xd8: {  	_ =	swait.ge [sflag:s22], $0x4000  }
0xd9: {  	[sflag:s22] =	ssyncset.done $0x0  }
0xda: {  	[sflag:s22] =	ssyncadd.s32 $0xFFFFC000  }
0xdb: {  	[hbm4b:s17+s3] =	stream.linear.scatter [tilespmem:s21], [sflag:$0x3], $0x4000, $0x38;
	[tilespmem:$0x1C200] =	vst v63  }
0xdc: {  	_ =	swait.ge [sflag:s22], $0x4000  }
0xdd: {  	[sflag:s22] =	ssyncset.done $0x0  }
0xde: {  	[sflag:s22] =	ssyncadd.s32 $0xFFFFC000  }
0xdf: {  	[tilespmem:s21], [sflag:$0x3] =	stream.linear.gather [spmem:s10], $0x4000, $0x38;
	[tilespmem:$0x1C200] =	vst v63  }
0xe0: {  	_ =	swait.ge [sflag:s22], $0x4000  }
0xe1: {  	s30 =	sadd.s32 $0x1, s30;
	[sflag:s22] =	ssyncset.done $0x0  }
0xe2: {  	p0 =	sne.s32 s30, s19;
	[sflag:s22] =	ssyncadd.s32 $0xFFFFC000  }
0xe3: {  	[hbm4b:s18+s3] =	stream.linear.scatter [tilespmem:s21], [sflag:$0x3], $0x4000, $0x38;
	[tilespmem:$0x1C200] =	vst v63  }
.Ltmp3:
0xe4: {  	_ = 	snop;
	(pc) =	sbr.rel @p0 .LBB2_1-.Ltmp3, $4  }
.Ltmp4:
0xe5: {  	_ = 	snop;
	(pc) =	sbr.rel @!p0 .LBB2_6-.Ltmp4, $4  }
0xe6: {  	_ =	swait.ge [sflag:s22], $0x4000  }
0xe7: {  	[sflag:s22] =	ssyncset.done $0x0  }
0xe8: {  	[sflag:s22] =	ssyncadd.s32 $0xFFFFC000  }
0xe9: {  	_ = 	snop  }
.LBB2_2:
.Ltmp5:
0xea: {  	(pc) =	sbr.rel .LBB2_5-.Ltmp5, $2  }
0xeb: {  	_ =	sdelay $0x2  }
0xec: {  	s31 =	simm.s32 $0x20;
	s1 =	simm.s32 $0x0;
	s0 =	simm.s32 $0x0  }
.LBB2_6:
0xed: {  	_ =	sfence.sel $0x180000  }
0xee: {  	[bflag:$0x0] =	sbarrier.arrive $0xFFFF  }
0xef: {  	_ =	strace $0x9000004D  }
0xf0: {  	s0 =	stileid.u32;
	[bflag:$0x2] =	sbarrier.arrive $0xFFFF  }
0xf1: {  	p0 =	sne.s32 s0, $0x0;
	s0 =	rddreg [dreg:$0x2]  }
0xf2: {  	s0 =	sadd.s32 @!p0 $0x100000, s0  }
0xf3: {  	[sflag:s0] =	ssyncadd.tile.s32 @!p0 $0x1;
	_ =	shalt  }
.Lfunc_end2:
_tile_overlayer_lowered:
.L_overlay_start_2:
0xf4: {  	(tag) =	ssettag $0x2  }
0xf5: {  	s0 =	rddreg [dreg:$0x0];
	s2 =	stileid.u32  }
0xf6: {  	s1 =	rddreg [dreg:$0x1];
	p0 =	sne.s32 s2, $0x0  }
0xf7: {  	s3 =	rddreg [dreg:$0x2];
	[bflag:$0x3] =	sbarrier.arrive $0xFFFF;
	s2 =	simm.s32 @!p0 $0x1C03  }
0xf8: {  	[timem:s3], [sflag:s2] =	dma.local @!p0 [hbm:s0], s1  }
0xf9: {  	s0 =	simm.s32 @!p0 $0x3  }
0xfa: {  	_ =	swait.ge @!p0 [sflag:s0], s1  }
0xfb: {  	s1 =	ssub.s32 @!p0 $0x0, s1;
	[sflag:s0] =	ssyncset.done @!p0 $0x0  }
0xfc: {  	[sflag:s0] =	ssyncadd.s32 @!p0 s1  }
0xfd: {  	[bflag:$0x3] =	sbarrier.arrive $0xFFFF  }
0xfe: {  	_ =	shalt  }

</sc_bundles>
